<compile_context>
chip_gen: v7x
topology: tpu7x:2x2x1
jax: 0.10.2.dev20260603
libtpu: 0.0.44.dev20260713+nightly
codegen_flags: <defaults>
</compile_context>

<pallas_src>
import jax
import jax.numpy as jnp
from jax import lax
from jax.experimental import pallas as pl
from jax.experimental.pallas import tpu as pltpu
from jax.experimental.pallas import tpu_sc as plsc

B = 4096
NS = 26
VOCAB = 100000
D = 16
L = 50
ND = 13

NC = 2
NSUB = 16
NW = NC * NSUB
BW = B // NW
CH = 128
NPLANES = NS * D
PPW = NPLANES // NW
BCH = B // CH
SQ_ROWS = BW * L
SQ_CHUNKS = SQ_ROWS // CH
LPAD = 64


def _seq_body(stab_hbm, sqi_hbm, sqp_hbm, out_pool_hbm,
              sqi_v, sqp_v, seq_v, pool_v, t0_v, sem):
    c = lax.axis_index("c")
    s = lax.axis_index("s")
    wid = s * NC + c

    pltpu.sync_copy(sqi_hbm.at[pl.ds(wid * SQ_CHUNKS, SQ_CHUNKS)], sqi_v)
    pltpu.sync_copy(sqp_hbm.at[pl.ds(wid * (BW // 2), BW // 2)], sqp_v)
    pltpu.sync_copy(stab_hbm.at[pl.ds(0, 1)], t0_v)
    t0 = t0_v[0, :]

    descs = []
    for j in range(SQ_CHUNKS):
        descs.append(pltpu.async_copy(
            stab_hbm.at[sqi_v.at[j]],
            seq_v.at[pl.ds(j * CH, CH)], sem))
    for d_ in descs:
        d_.wait()

    def pool_one(b, _):
        acc = seq_v[b * L, :]
        for l in range(1, L):
            acc = acc + seq_v[b * L + l, :]
        nvec = jnp.zeros((D,), jnp.int32)
        for ch in range(LPAD // D):
            ids = sqp_v[b // 2, pl.ds((b % 2) * LPAD + ch * D, D)]
            nvec = nvec + jnp.where(ids > 0, 1, 0).astype(jnp.int32)
        n = nvec[0]
        for i in range(1, D):
            n = n + nvec[i]
        nb = lax.broadcast_in_dim(n.astype(jnp.float32), (D,), ())
        pooled = (acc - (50.0 - nb) * t0) / jnp.maximum(nb, 1.0)
        pool_v[b >> 3, pl.ds((b & 7) << 4, D)] = pooled
        return 0

    lax.fori_loop(0, BW, pool_one, 0)
    pltpu.sync_copy(pool_v, out_pool_hbm.at[pl.ds(wid * (BW * D // 128),
                                                  BW * D // 128)])


def _sp_body(ppw, tab_hbm, sidx_hbm, out_t_hbm,
             idx_a, idx_b, pbuf_a, pbuf_b, sem):
    c = lax.axis_index("c")
    s = lax.axis_index("s")
    wid = s * NC + c

    bufs = [(idx_a, pbuf_a), (idx_b, pbuf_b)]
    pend = {}
    for i in range(ppw):
        sl = i % 2
        ib, pb = bufs[sl]
        if sl in pend:
            descs, pprev = pend.pop(sl)
            for d_ in descs:
                d_.wait()
            pltpu.sync_copy(pb, out_t_hbm.at[pl.ds(pprev * B, B)])
        p = wid * ppw + i
        pltpu.sync_copy(sidx_hbm.at[pl.ds(p * B, B)], ib)
        pend[sl] = ([pltpu.async_copy(tab_hbm.at[ib], pb, sem)], p)
    for sl in (ppw % 2, (ppw + 1) % 2):
        if sl in pend:
            descs, pprev = pend.pop(sl)
            for d_ in descs:
                d_.wait()
            pltpu.sync_copy(bufs[sl][1],
                            out_t_hbm.at[pl.ds(pprev * B, B)])


def _seq_kernel(seq_table, sqi, sqp):
    mesh = plsc.VectorSubcoreMesh(core_axis_name="c", subcore_axis_name="s")
    f = pl.kernel(
        _seq_body,
        out_type=[jax.ShapeDtypeStruct((B * D // 128, 128), jnp.float32)],
        mesh=mesh,
        compiler_params=pltpu.CompilerParams(use_tc_tiling_on_sc=False),
        scratch_types=[
            pltpu.VMEM((SQ_CHUNKS, CH), jnp.int32),
            pltpu.VMEM((BW // 2, 2 * LPAD), jnp.int32),
            pltpu.VMEM((SQ_ROWS, D), jnp.float32),
            pltpu.VMEM((BW * D // 128, 128), jnp.float32),
            pltpu.VMEM((1, D), jnp.float32),
            pltpu.SemaphoreType.DMA,
        ],
    )
    return f(seq_table, sqi, sqp)


def _sp_kernel(tab1d, sidx):
    import functools
    mesh = plsc.VectorSubcoreMesh(core_axis_name="c", subcore_axis_name="s")
    f = pl.kernel(
        functools.partial(_sp_body, PPW),
        out_type=[jax.ShapeDtypeStruct((NPLANES * B,), jnp.float32)],
        mesh=mesh,
        compiler_params=pltpu.CompilerParams(use_tc_tiling_on_sc=False),
        scratch_types=[
            pltpu.VMEM((B,), jnp.int32),
            pltpu.VMEM((B,), jnp.int32),
            pltpu.VMEM((B,), jnp.float32),
            pltpu.VMEM((B,), jnp.float32),
            pltpu.SemaphoreType.DMA,
        ],
    )
    return f(tab1d, sidx)


def kernel(sparse_idx, seq_idx, dense_x, sparse_tables, seq_table):
    qi = seq_idx.astype(jnp.int32)
    sqi = qi.reshape(NW * SQ_CHUNKS, CH)
    sqp = jnp.pad(qi, ((0, 0), (0, LPAD - L))).reshape(B // 2, 2 * LPAD)
    (out_pool,) = _seq_kernel(seq_table, sqi, sqp)

    tab1d = jnp.transpose(sparse_tables, (0, 2, 1)).reshape(-1)
    sidx_t = sparse_idx.astype(jnp.int32).T
    offs = (jnp.arange(NS, dtype=jnp.int32)[:, None] * D
            + jnp.arange(D, dtype=jnp.int32)[None, :]) * VOCAB
    sidx_all = (sidx_t[:, None, :] + offs[:, :, None]).reshape(-1)
    (out_t,) = _sp_kernel(tab1d, sidx_all)

    sp = out_t.reshape(NS, D, B).transpose(2, 0, 1).reshape(B, NS * D)
    return jnp.concatenate(
        [sp, out_pool.reshape(B, D), dense_x.astype(jnp.float32)], axis=1)

# --- scband reference (transcript-rebuilt; emitter-appended) ---
"""Pipeline reference for scband-embedding-layer-32134945308768 (READ-ONLY COPY).

The authoritative reference and input builder live on the scoring server;
editing this copy changes nothing except your own understanding.
"""

import jax, jax.numpy as jnp
import numpy as np

BATCH = 4096
NUM_SPARSE = 26
VOCAB = 100000
EMBED_DIM = 16
HIST_LEN = 50
NUM_DENSE = 13


def setup_inputs(seed: int = 0) -> dict:
    key = jax.random.key(seed)
    k0, k1, k2, k3, k4 = jax.random.split(key, 5)
    sparse_idx = jax.random.randint(k0, (BATCH, NUM_SPARSE), 0, VOCAB, dtype=jnp.int64 if jax.config.jax_enable_x64 else jnp.int32)
    seq_idx = jax.random.randint(k1, (BATCH, HIST_LEN), 0, VOCAB, dtype=jnp.int64 if jax.config.jax_enable_x64 else jnp.int32)
    dense_x = jax.random.normal(k2, (BATCH, NUM_DENSE), dtype=jnp.float32)
    # learned parameters: one embedding table per sparse field, one table for the sequence feature
    sparse_tables = jax.random.normal(k3, (NUM_SPARSE, VOCAB, EMBED_DIM), dtype=jnp.float32) * 0.01
    seq_table = jax.random.normal(k4, (VOCAB, EMBED_DIM), dtype=jnp.float32) * 0.01
    return {"sparse_idx": sparse_idx, "seq_idx": seq_idx, "dense_x": dense_x,
            "sparse_tables": sparse_tables, "seq_table": seq_table}


def reference(sparse_idx, seq_idx, dense_x, sparse_tables, seq_table):
    # Sparse features: per-field embedding lookup, each emb unsqueezed to [B,1,D] then concat -> [B,NUM_SPARSE,D]
    sp = jax.vmap(lambda tab, idx: jnp.take(tab, idx, axis=0), in_axes=(0, 1), out_axes=1)(sparse_tables, sparse_idx)
    # Sequence feature: lookup [B,L,D], mask padding (id==0 treated as pad per InputMask), mean pooling
    seq_emb = jnp.take(seq_table, seq_idx, axis=0)
    mask = (seq_idx > 0).astype(jnp.float32)[..., None]
    pooled = (seq_emb * mask).sum(axis=1) / jnp.clip(mask.sum(axis=1), 1e-9, None)
    # concat sparse embeddings along field dim -> [B, NUM_SPARSE+1, D]
    sparse_value = jnp.concatenate([sp, pooled[:, None, :]], axis=1)
    # dense features: each [B] -> unsqueeze(1) then concat == the [B, NUM_DENSE] matrix itself
    dense_value = dense_x.astype(jnp.float32)
    # final: cat(sparse_value.flatten(start_dim=1), dense_value)
    out = jnp.concatenate([sparse_value.reshape(sparse_value.shape[0], -1), dense_value], axis=1)
    return out

if __name__ == "__main__":
    import jax
    _d = setup_inputs()
    print(jax.jit(kernel)(*tuple(_d.values())))

</pallas_src>

<mosaic_0001>
#map = affine_map<(d0, d1) -> (0)>
module attributes {stable_mosaic.version = 14 : i64} {
  func.func @_sp_body(%arg0: i32, %arg1: i32, %arg2: memref<41600000xf32, #tpu.memory_space<hbm>>, %arg3: memref<1703936xi32, #tpu.memory_space<hbm>>, %arg4: memref<1703936xf32, #tpu.memory_space<hbm>>, %arg5: memref<4096xi32, #tpu.memory_space<vmem>>, %arg6: memref<4096xi32, #tpu.memory_space<vmem>>, %arg7: memref<4096xf32, #tpu.memory_space<vmem>>, %arg8: memref<4096xf32, #tpu.memory_space<vmem>>, %arg9: memref<!tpu.dma_semaphore, #tpu.memory_space<semaphore_mem>>) attributes {dimension_semantics = [#tpu.dimension_semantics<core_parallel>, #tpu.dimension_semantics<subcore_parallel>], iteration_bounds = array<i64: 2, 16>, scalar_prefetch = 0 : i64, scratch_operands = 5 : i64, tpu.core_type = #tpu.core_type<sc_vector_subcore>, window_params = [{transform_indices = #map}, {transform_indices = #map}, {transform_indices = #map}]} {
    %mul3A = arith.constant 2 : i32
    %mul3A_0 = arith.muli %arg1, %mul3A : i32
    %add3A = arith.addi %mul3A_0, %arg0 : i32
    %mul3A_1 = arith.constant 13 : i32
    %mul3A_2 = arith.muli %add3A, %mul3A_1 : i32
    %add3A_3 = arith.constant 0 : i32
    %add3A_4 = arith.addi %mul3A_2, %add3A_3 : i32
    %mul3A_5 = arith.constant 4096 : i32
    %mul3A_6 = arith.muli %add3A_4, %mul3A_5 : i32
    "tpu.region"() ({
      %run_scoped3A = tpu.sem_alloc : memref<!tpu.dma_semaphore, #tpu.memory_space<semaphore_mem>>
      %dma_start3A_155 = tpu.memref_slice %arg3[%mul3A_6] : memref<1703936xi32, #tpu.memory_space<hbm>> -> memref<4096xi32, #tpu.memory_space<hbm>>
      %dma_start3A_156 = tpu.memref_slice %arg3[%mul3A_6] : memref<1703936xi32, #tpu.memory_space<hbm>> -> memref<4096xi32, #tpu.memory_space<hbm>>
      tpu.enqueue_dma source(%dma_start3A_156 : memref<4096xi32, #tpu.memory_space<hbm>>) target(%arg5 : memref<4096xi32, #tpu.memory_space<vmem>>) target_semaphore(%run_scoped3A : memref<!tpu.dma_semaphore, #tpu.memory_space<semaphore_mem>>)
      %dma_wait3A_157 = tpu.memref_slice %arg3[%mul3A_6] : memref<1703936xi32, #tpu.memory_space<hbm>> -> memref<4096xi32, #tpu.memory_space<hbm>>
      %dma_wait3A_158 = tpu.memref_slice %arg3[%mul3A_6] : memref<1703936xi32, #tpu.memory_space<hbm>> -> memref<4096xi32, #tpu.memory_space<hbm>>
      tpu.wait_dma2 semaphore(%run_scoped3A : memref<!tpu.dma_semaphore, #tpu.memory_space<semaphore_mem>>) src(%dma_wait3A_158 : memref<4096xi32, #tpu.memory_space<hbm>>) dst(%arg5 : memref<4096xi32, #tpu.memory_space<vmem>>)
      tpu.yield
    }) : () -> ()
    %dma_start3A = arith.constant 0 : i32
    %dma_start3A_7 = tpu.memref_slice %arg2[%dma_start3A] : memref<41600000xf32, #tpu.memory_space<hbm>> -> memref<41600000xf32, #tpu.memory_space<hbm>>
    tpu.enqueue_indirect_dma source(%dma_start3A_7 : memref<41600000xf32, #tpu.memory_space<hbm>>) target(%arg7 : memref<4096xf32, #tpu.memory_space<vmem>>) offsets(%arg5 : memref<4096xi32, #tpu.memory_space<vmem>>) semaphore(%arg9 : memref<!tpu.dma_semaphore, #tpu.memory_space<semaphore_mem>>)
    %mul3A_8 = arith.constant 13 : i32
    %mul3A_9 = arith.muli %add3A, %mul3A_8 : i32
    %add3A_10 = arith.constant 1 : i32
    %add3A_11 = arith.addi %mul3A_9, %add3A_10 : i32
    %mul3A_12 = arith.constant 4096 : i32
    %mul3A_13 = arith.muli %add3A_11, %mul3A_12 : i32
    "tpu.region"() ({
      %run_scoped3A = tpu.sem_alloc : memref<!tpu.dma_semaphore, #tpu.memory_space<semaphore_mem>>
      %dma_start3A_155 = tpu.memref_slice %arg3[%mul3A_13] : memref<1703936xi32, #tpu.memory_space<hbm>> -> memref<4096xi32, #tpu.memory_space<hbm>>
      %dma_start3A_156 = tpu.memref_slice %arg3[%mul3A_13] : memref<1703936xi32, #tpu.memory_space<hbm>> -> memref<4096xi32, #tpu.memory_space<hbm>>
      tpu.enqueue_dma source(%dma_start3A_156 : memref<4096xi32, #tpu.memory_space<hbm>>) target(%arg6 : memref<4096xi32, #tpu.memory_space<vmem>>) target_semaphore(%run_scoped3A : memref<!tpu.dma_semaphore, #tpu.memory_space<semaphore_mem>>)
      %dma_wait3A_157 = tpu.memref_slice %arg3[%mul3A_13] : memref<1703936xi32, #tpu.memory_space<hbm>> -> memref<4096xi32, #tpu.memory_space<hbm>>
      %dma_wait3A_158 = tpu.memref_slice %arg3[%mul3A_13] : memref<1703936xi32, #tpu.memory_space<hbm>> -> memref<4096xi32, #tpu.memory_space<hbm>>
      tpu.wait_dma2 semaphore(%run_scoped3A : memref<!tpu.dma_semaphore, #tpu.memory_space<semaphore_mem>>) src(%dma_wait3A_158 : memref<4096xi32, #tpu.memory_space<hbm>>) dst(%arg6 : memref<4096xi32, #tpu.memory_space<vmem>>)
      tpu.yield
    }) : () -> ()
    %dma_start3A_14 = arith.constant 0 : i32
    %dma_start3A_15 = tpu.memref_slice %arg2[%dma_start3A_14] : memref<41600000xf32, #tpu.memory_space<hbm>> -> memref<41600000xf32, #tpu.memory_space<hbm>>
    tpu.enqueue_indirect_dma source(%dma_start3A_15 : memref<41600000xf32, #tpu.memory_space<hbm>>) target(%arg8 : memref<4096xf32, #tpu.memory_space<vmem>>) offsets(%arg6 : memref<4096xi32, #tpu.memory_space<vmem>>) semaphore(%arg9 : memref<!tpu.dma_semaphore, #tpu.memory_space<semaphore_mem>>)
    %dma_wait3A = arith.constant 0 : i32
    %dma_wait3A_16 = tpu.memref_slice %arg2[%dma_wait3A] : memref<41600000xf32, #tpu.memory_space<hbm>> -> memref<41600000xf32, #tpu.memory_space<hbm>>
    tpu.wait_indirect_dma semaphore(%arg9 : memref<!tpu.dma_semaphore, #tpu.memory_space<semaphore_mem>>) src(%dma_wait3A_16 : memref<41600000xf32, #tpu.memory_space<hbm>>) dst(%arg7 : memref<4096xf32, #tpu.memory_space<vmem>>)
    %mul3A_17 = arith.constant 4096 : i32
    %mul3A_18 = arith.muli %add3A_4, %mul3A_17 : i32
    "tpu.region"() ({
      %run_scoped3A = tpu.sem_alloc : memref<!tpu.dma_semaphore, #tpu.memory_space<semaphore_mem>>
      %dma_start3A_155 = tpu.memref_slice %arg4[%mul3A_18] : memref<1703936xf32, #tpu.memory_space<hbm>> -> memref<4096xf32, #tpu.memory_space<hbm>>
      %dma_start3A_156 = tpu.memref_slice %arg4[%mul3A_18] : memref<1703936xf32, #tpu.memory_space<hbm>> -> memref<4096xf32, #tpu.memory_space<hbm>>
      tpu.enqueue_dma source(%arg7 : memref<4096xf32, #tpu.memory_space<vmem>>) target(%dma_start3A_156 : memref<4096xf32, #tpu.memory_space<hbm>>) target_semaphore(%run_scoped3A : memref<!tpu.dma_semaphore, #tpu.memory_space<semaphore_mem>>)
      %dma_wait3A_157 = tpu.memref_slice %arg4[%mul3A_18] : memref<1703936xf32, #tpu.memory_space<hbm>> -> memref<4096xf32, #tpu.memory_space<hbm>>
      %dma_wait3A_158 = tpu.memref_slice %arg4[%mul3A_18] : memref<1703936xf32, #tpu.memory_space<hbm>> -> memref<4096xf32, #tpu.memory_space<hbm>>
      tpu.wait_dma2 semaphore(%run_scoped3A : memref<!tpu.dma_semaphore, #tpu.memory_space<semaphore_mem>>) src(%arg7 : memref<4096xf32, #tpu.memory_space<vmem>>) dst(%dma_wait3A_158 : memref<4096xf32, #tpu.memory_space<hbm>>)
      tpu.yield
    }) : () -> ()
    %mul3A_19 = arith.constant 13 : i32
    %mul3A_20 = arith.muli %add3A, %mul3A_19 : i32
    %add3A_21 = arith.constant 2 : i32
    %add3A_22 = arith.addi %mul3A_20, %add3A_21 : i32
    %mul3A_23 = arith.constant 4096 : i32
    %mul3A_24 = arith.muli %add3A_22, %mul3A_23 : i32
    "tpu.region"() ({
      %run_scoped3A = tpu.sem_alloc : memref<!tpu.dma_semaphore, #tpu.memory_space<semaphore_mem>>
      %dma_start3A_155 = tpu.memref_slice %arg3[%mul3A_24] : memref<1703936xi32, #tpu.memory_space<hbm>> -> memref<4096xi32, #tpu.memory_space<hbm>>
      %dma_start3A_156 = tpu.memref_slice %arg3[%mul3A_24] : memref<1703936xi32, #tpu.memory_space<hbm>> -> memref<4096xi32, #tpu.memory_space<hbm>>
      tpu.enqueue_dma source(%dma_start3A_156 : memref<4096xi32, #tpu.memory_space<hbm>>) target(%arg5 : memref<4096xi32, #tpu.memory_space<vmem>>) target_semaphore(%run_scoped3A : memref<!tpu.dma_semaphore, #tpu.memory_space<semaphore_mem>>)
      %dma_wait3A_157 = tpu.memref_slice %arg3[%mul3A_24] : memref<1703936xi32, #tpu.memory_space<hbm>> -> memref<4096xi32, #tpu.memory_space<hbm>>
      %dma_wait3A_158 = tpu.memref_slice %arg3[%mul3A_24] : memref<1703936xi32, #tpu.memory_space<hbm>> -> memref<4096xi32, #tpu.memory_space<hbm>>
      tpu.wait_dma2 semaphore(%run_scoped3A : memref<!tpu.dma_semaphore, #tpu.memory_space<semaphore_mem>>) src(%dma_wait3A_158 : memref<4096xi32, #tpu.memory_space<hbm>>) dst(%arg5 : memref<4096xi32, #tpu.memory_space<vmem>>)
      tpu.yield
    }) : () -> ()
    %dma_start3A_25 = arith.constant 0 : i32
    %dma_start3A_26 = tpu.memref_slice %arg2[%dma_start3A_25] : memref<41600000xf32, #tpu.memory_space<hbm>> -> memref<41600000xf32, #tpu.memory_space<hbm>>
    tpu.enqueue_indirect_dma source(%dma_start3A_26 : memref<41600000xf32, #tpu.memory_space<hbm>>) target(%arg7 : memref<4096xf32, #tpu.memory_space<vmem>>) offsets(%arg5 : memref<4096xi32, #tpu.memory_space<vmem>>) semaphore(%arg9 : memref<!tpu.dma_semaphore, #tpu.memory_space<semaphore_mem>>)
    %dma_wait3A_27 = arith.constant 0 : i32
    %dma_wait3A_28 = tpu.memref_slice %arg2[%dma_wait3A_27] : memref<41600000xf32, #tpu.memory_space<hbm>> -> memref<41600000xf32, #tpu.memory_space<hbm>>
    tpu.wait_indirect_dma semaphore(%arg9 : memref<!tpu.dma_semaphore, #tpu.memory_space<semaphore_mem>>) src(%dma_wait3A_28 : memref<41600000xf32, #tpu.memory_space<hbm>>) dst(%arg8 : memref<4096xf32, #tpu.memory_space<vmem>>)
    %mul3A_29 = arith.constant 4096 : i32
    %mul3A_30 = arith.muli %add3A_11, %mul3A_29 : i32
    "tpu.region"() ({
      %run_scoped3A = tpu.sem_alloc : memref<!tpu.dma_semaphore, #tpu.memory_space<semaphore_mem>>
      %dma_start3A_155 = tpu.memref_slice %arg4[%mul3A_30] : memref<1703936xf32, #tpu.memory_space<hbm>> -> memref<4096xf32, #tpu.memory_space<hbm>>
      %dma_start3A_156 = tpu.memref_slice %arg4[%mul3A_30] : memref<1703936xf32, #tpu.memory_space<hbm>> -> memref<4096xf32, #tpu.memory_space<hbm>>
      tpu.enqueue_dma source(%arg8 : memref<4096xf32, #tpu.memory_space<vmem>>) target(%dma_start3A_156 : memref<4096xf32, #tpu.memory_space<hbm>>) target_semaphore(%run_scoped3A : memref<!tpu.dma_semaphore, #tpu.memory_space<semaphore_mem>>)
      %dma_wait3A_157 = tpu.memref_slice %arg4[%mul3A_30] : memref<1703936xf32, #tpu.memory_space<hbm>> -> memref<4096xf32, #tpu.memory_space<hbm>>
      %dma_wait3A_158 = tpu.memref_slice %arg4[%mul3A_30] : memref<1703936xf32, #tpu.memory_space<hbm>> -> memref<4096xf32, #tpu.memory_space<hbm>>
      tpu.wait_dma2 semaphore(%run_scoped3A : memref<!tpu.dma_semaphore, #tpu.memory_space<semaphore_mem>>) src(%arg8 : memref<4096xf32, #tpu.memory_space<vmem>>) dst(%dma_wait3A_158 : memref<4096xf32, #tpu.memory_space<hbm>>)
      tpu.yield
    }) : () -> ()
    %mul3A_31 = arith.constant 13 : i32
    %mul3A_32 = arith.muli %add3A, %mul3A_31 : i32
    %add3A_33 = arith.constant 3 : i32
    %add3A_34 = arith.addi %mul3A_32, %add3A_33 : i32
    %mul3A_35 = arith.constant 4096 : i32
    %mul3A_36 = arith.muli %add3A_34, %mul3A_35 : i32
    "tpu.region"() ({
      %run_scoped3A = tpu.sem_alloc : memref<!tpu.dma_semaphore, #tpu.memory_space<semaphore_mem>>
      %dma_start3A_155 = tpu.memref_slice %arg3[%mul3A_36] : memref<1703936xi32, #tpu.memory_space<hbm>> -> memref<4096xi32, #tpu.memory_space<hbm>>
      %dma_start3A_156 = tpu.memref_slice %arg3[%mul3A_36] : memref<1703936xi32, #tpu.memory_space<hbm>> -> memref<4096xi32, #tpu.memory_space<hbm>>
      tpu.enqueue_dma source(%dma_start3A_156 : memref<4096xi32, #tpu.memory_space<hbm>>) target(%arg6 : memref<4096xi32, #tpu.memory_space<vmem>>) target_semaphore(%run_scoped3A : memref<!tpu.dma_semaphore, #tpu.memory_space<semaphore_mem>>)
      %dma_wait3A_157 = tpu.memref_slice %arg3[%mul3A_36] : memref<1703936xi32, #tpu.memory_space<hbm>> -> memref<4096xi32, #tpu.memory_space<hbm>>
      %dma_wait3A_158 = tpu.memref_slice %arg3[%mul3A_36] : memref<1703936xi32, #tpu.memory_space<hbm>> -> memref<4096xi32, #tpu.memory_space<hbm>>
      tpu.wait_dma2 semaphore(%run_scoped3A : memref<!tpu.dma_semaphore, #tpu.memory_space<semaphore_mem>>) src(%dma_wait3A_158 : memref<4096xi32, #tpu.memory_space<hbm>>) dst(%arg6 : memref<4096xi32, #tpu.memory_space<vmem>>)
      tpu.yield
    }) : () -> ()
    %dma_start3A_37 = arith.constant 0 : i32
    %dma_start3A_38 = tpu.memref_slice %arg2[%dma_start3A_37] : memref<41600000xf32, #tpu.memory_space<hbm>> -> memref<41600000xf32, #tpu.memory_space<hbm>>
    tpu.enqueue_indirect_dma source(%dma_start3A_38 : memref<41600000xf32, #tpu.memory_space<hbm>>) target(%arg8 : memref<4096xf32, #tpu.memory_space<vmem>>) offsets(%arg6 : memref<4096xi32, #tpu.memory_space<vmem>>) semaphore(%arg9 : memref<!tpu.dma_semaphore, #tpu.memory_space<semaphore_mem>>)
    %dma_wait3A_39 = arith.constant 0 : i32
    %dma_wait3A_40 = tpu.memref_slice %arg2[%dma_wait3A_39] : memref<41600000xf32, #tpu.memory_space<hbm>> -> memref<41600000xf32, #tpu.memory_space<hbm>>
    tpu.wait_indirect_dma semaphore(%arg9 : memref<!tpu.dma_semaphore, #tpu.memory_space<semaphore_mem>>) src(%dma_wait3A_40 : memref<41600000xf32, #tpu.memory_space<hbm>>) dst(%arg7 : memref<4096xf32, #tpu.memory_space<vmem>>)
    %mul3A_41 = arith.constant 4096 : i32
    %mul3A_42 = arith.muli %add3A_22, %mul3A_41 : i32
    "tpu.region"() ({
      %run_scoped3A = tpu.sem_alloc : memref<!tpu.dma_semaphore, #tpu.memory_space<semaphore_mem>>
      %dma_start3A_155 = tpu.memref_slice %arg4[%mul3A_42] : memref<1703936xf32, #tpu.memory_space<hbm>> -> memref<4096xf32, #tpu.memory_space<hbm>>
      %dma_start3A_156 = tpu.memref_slice %arg4[%mul3A_42] : memref<1703936xf32, #tpu.memory_space<hbm>> -> memref<4096xf32, #tpu.memory_space<hbm>>
      tpu.enqueue_dma source(%arg7 : memref<4096xf32, #tpu.memory_space<vmem>>) target(%dma_start3A_156 : memref<4096xf32, #tpu.memory_space<hbm>>) target_semaphore(%run_scoped3A : memref<!tpu.dma_semaphore, #tpu.memory_space<semaphore_mem>>)
      %dma_wait3A_157 = tpu.memref_slice %arg4[%mul3A_42] : memref<1703936xf32, #tpu.memory_space<hbm>> -> memref<4096xf32, #tpu.memory_space<hbm>>
      %dma_wait3A_158 = tpu.memref_slice %arg4[%mul3A_42] : memref<1703936xf32, #tpu.memory_space<hbm>> -> memref<4096xf32, #tpu.memory_space<hbm>>
      tpu.wait_dma2 semaphore(%run_scoped3A : memref<!tpu.dma_semaphore, #tpu.memory_space<semaphore_mem>>) src(%arg7 : memref<4096xf32, #tpu.memory_space<vmem>>) dst(%dma_wait3A_158 : memref<4096xf32, #tpu.memory_space<hbm>>)
      tpu.yield
    }) : () -> ()
    %mul3A_43 = arith.constant 13 : i32
    %mul3A_44 = arith.muli %add3A, %mul3A_43 : i32
    %add3A_45 = arith.constant 4 : i32
    %add3A_46 = arith.addi %mul3A_44, %add3A_45 : i32
    %mul3A_47 = arith.constant 4096 : i32
    %mul3A_48 = arith.muli %add3A_46, %mul3A_47 : i32
    "tpu.region"() ({
      %run_scoped3A = tpu.sem_alloc : memref<!tpu.dma_semaphore, #tpu.memory_space<semaphore_mem>>
      %dma_start3A_155 = tpu.memref_slice %arg3[%mul3A_48] : memref<1703936xi32, #tpu.memory_space<hbm>> -> memref<4096xi32, #tpu.memory_space<hbm>>
      %dma_start3A_156 = tpu.memref_slice %arg3[%mul3A_48] : memref<1703936xi32, #tpu.memory_space<hbm>> -> memref<4096xi32, #tpu.memory_space<hbm>>
      tpu.enqueue_dma source(%dma_start3A_156 : memref<4096xi32, #tpu.memory_space<hbm>>) target(%arg5 : memref<4096xi32, #tpu.memory_space<vmem>>) target_semaphore(%run_scoped3A : memref<!tpu.dma_semaphore, #tpu.memory_space<semaphore_mem>>)
      %dma_wait3A_157 = tpu.memref_slice %arg3[%mul3A_48] : memref<1703936xi32, #tpu.memory_space<hbm>> -> memref<4096xi32, #tpu.memory_space<hbm>>
      %dma_wait3A_158 = tpu.memref_slice %arg3[%mul3A_48] : memref<1703936xi32, #tpu.memory_space<hbm>> -> memref<4096xi32, #tpu.memory_space<hbm>>
      tpu.wait_dma2 semaphore(%run_scoped3A : memref<!tpu.dma_semaphore, #tpu.memory_space<semaphore_mem>>) src(%dma_wait3A_158 : memref<4096xi32, #tpu.memory_space<hbm>>) dst(%arg5 : memref<4096xi32, #tpu.memory_space<vmem>>)
      tpu.yield
    }) : () -> ()
    %dma_start3A_49 = arith.constant 0 : i32
    %dma_start3A_50 = tpu.memref_slice %arg2[%dma_start3A_49] : memref<41600000xf32, #tpu.memory_space<hbm>> -> memref<41600000xf32, #tpu.memory_space<hbm>>
    tpu.enqueue_indirect_dma source(%dma_start3A_50 : memref<41600000xf32, #tpu.memory_space<hbm>>) target(%arg7 : memref<4096xf32, #tpu.memory_space<vmem>>) offsets(%arg5 : memref<4096xi32, #tpu.memory_space<vmem>>) semaphore(%arg9 : memref<!tpu.dma_semaphore, #tpu.memory_space<semaphore_mem>>)
    %dma_wait3A_51 = arith.constant 0 : i32
    %dma_wait3A_52 = tpu.memref_slice %arg2[%dma_wait3A_51] : memref<41600000xf32, #tpu.memory_space<hbm>> -> memref<41600000xf32, #tpu.memory_space<hbm>>
    tpu.wait_indirect_dma semaphore(%arg9 : memref<!tpu.dma_semaphore, #tpu.memory_space<semaphore_mem>>) src(%dma_wait3A_52 : memref<41600000xf32, #tpu.memory_space<hbm>>) dst(%arg8 : memref<4096xf32, #tpu.memory_space<vmem>>)
    %mul3A_53 = arith.constant 4096 : i32
    %mul3A_54 = arith.muli %add3A_34, %mul3A_53 : i32
    "tpu.region"() ({
      %run_scoped3A = tpu.sem_alloc : memref<!tpu.dma_semaphore, #tpu.memory_space<semaphore_mem>>
      %dma_start3A_155 = tpu.memref_slice %arg4[%mul3A_54] : memref<1703936xf32, #tpu.memory_space<hbm>> -> memref<4096xf32, #tpu.memory_space<hbm>>
      %dma_start3A_156 = tpu.memref_slice %arg4[%mul3A_54] : memref<1703936xf32, #tpu.memory_space<hbm>> -> memref<4096xf32, #tpu.memory_space<hbm>>
      tpu.enqueue_dma source(%arg8 : memref<4096xf32, #tpu.memory_space<vmem>>) target(%dma_start3A_156 : memref<4096xf32, #tpu.memory_space<hbm>>) target_semaphore(%run_scoped3A : memref<!tpu.dma_semaphore, #tpu.memory_space<semaphore_mem>>)
      %dma_wait3A_157 = tpu.memref_slice %arg4[%mul3A_54] : memref<1703936xf32, #tpu.memory_space<hbm>> -> memref<4096xf32, #tpu.memory_space<hbm>>
      %dma_wait3A_158 = tpu.memref_slice %arg4[%mul3A_54] : memref<1703936xf32, #tpu.memory_space<hbm>> -> memref<4096xf32, #tpu.memory_space<hbm>>
      tpu.wait_dma2 semaphore(%run_scoped3A : memref<!tpu.dma_semaphore, #tpu.memory_space<semaphore_mem>>) src(%arg8 : memref<4096xf32, #tpu.memory_space<vmem>>) dst(%dma_wait3A_158 : memref<4096xf32, #tpu.memory_space<hbm>>)
      tpu.yield
    }) : () -> ()
    %mul3A_55 = arith.constant 13 : i32
    %mul3A_56 = arith.muli %add3A, %mul3A_55 : i32
    %add3A_57 = arith.constant 5 : i32
    %add3A_58 = arith.addi %mul3A_56, %add3A_57 : i32
    %mul3A_59 = arith.constant 4096 : i32
    %mul3A_60 = arith.muli %add3A_58, %mul3A_59 : i32
    "tpu.region"() ({
      %run_scoped3A = tpu.sem_alloc : memref<!tpu.dma_semaphore, #tpu.memory_space<semaphore_mem>>
      %dma_start3A_155 = tpu.memref_slice %arg3[%mul3A_60] : memref<1703936xi32, #tpu.memory_space<hbm>> -> memref<4096xi32, #tpu.memory_space<hbm>>
      %dma_start3A_156 = tpu.memref_slice %arg3[%mul3A_60] : memref<1703936xi32, #tpu.memory_space<hbm>> -> memref<4096xi32, #tpu.memory_space<hbm>>
      tpu.enqueue_dma source(%dma_start3A_156 : memref<4096xi32, #tpu.memory_space<hbm>>) target(%arg6 : memref<4096xi32, #tpu.memory_space<vmem>>) target_semaphore(%run_scoped3A : memref<!tpu.dma_semaphore, #tpu.memory_space<semaphore_mem>>)
      %dma_wait3A_157 = tpu.memref_slice %arg3[%mul3A_60] : memref<1703936xi32, #tpu.memory_space<hbm>> -> memref<4096xi32, #tpu.memory_space<hbm>>
      %dma_wait3A_158 = tpu.memref_slice %arg3[%mul3A_60] : memref<1703936xi32, #tpu.memory_space<hbm>> -> memref<4096xi32, #tpu.memory_space<hbm>>
      tpu.wait_dma2 semaphore(%run_scoped3A : memref<!tpu.dma_semaphore, #tpu.memory_space<semaphore_mem>>) src(%dma_wait3A_158 : memref<4096xi32, #tpu.memory_space<hbm>>) dst(%arg6 : memref<4096xi32, #tpu.memory_space<vmem>>)
      tpu.yield
    }) : () -> ()
    %dma_start3A_61 = arith.constant 0 : i32
    %dma_start3A_62 = tpu.memref_slice %arg2[%dma_start3A_61] : memref<41600000xf32, #tpu.memory_space<hbm>> -> memref<41600000xf32, #tpu.memory_space<hbm>>
    tpu.enqueue_indirect_dma source(%dma_start3A_62 : memref<41600000xf32, #tpu.memory_space<hbm>>) target(%arg8 : memref<4096xf32, #tpu.memory_space<vmem>>) offsets(%arg6 : memref<4096xi32, #tpu.memory_space<vmem>>) semaphore(%arg9 : memref<!tpu.dma_semaphore, #tpu.memory_space<semaphore_mem>>)
    %dma_wait3A_63 = arith.constant 0 : i32
    %dma_wait3A_64 = tpu.memref_slice %arg2[%dma_wait3A_63] : memref<41600000xf32, #tpu.memory_space<hbm>> -> memref<41600000xf32, #tpu.memory_space<hbm>>
    tpu.wait_indirect_dma semaphore(%arg9 : memref<!tpu.dma_semaphore, #tpu.memory_space<semaphore_mem>>) src(%dma_wait3A_64 : memref<41600000xf32, #tpu.memory_space<hbm>>) dst(%arg7 : memref<4096xf32, #tpu.memory_space<vmem>>)
    %mul3A_65 = arith.constant 4096 : i32
    %mul3A_66 = arith.muli %add3A_46, %mul3A_65 : i32
    "tpu.region"() ({
      %run_scoped3A = tpu.sem_alloc : memref<!tpu.dma_semaphore, #tpu.memory_space<semaphore_mem>>
      %dma_start3A_155 = tpu.memref_slice %arg4[%mul3A_66] : memref<1703936xf32, #tpu.memory_space<hbm>> -> memref<4096xf32, #tpu.memory_space<hbm>>
      %dma_start3A_156 = tpu.memref_slice %arg4[%mul3A_66] : memref<1703936xf32, #tpu.memory_space<hbm>> -> memref<4096xf32, #tpu.memory_space<hbm>>
      tpu.enqueue_dma source(%arg7 : memref<4096xf32, #tpu.memory_space<vmem>>) target(%dma_start3A_156 : memref<4096xf32, #tpu.memory_space<hbm>>) target_semaphore(%run_scoped3A : memref<!tpu.dma_semaphore, #tpu.memory_space<semaphore_mem>>)
      %dma_wait3A_157 = tpu.memref_slice %arg4[%mul3A_66] : memref<1703936xf32, #tpu.memory_space<hbm>> -> memref<4096xf32, #tpu.memory_space<hbm>>
      %dma_wait3A_158 = tpu.memref_slice %arg4[%mul3A_66] : memref<1703936xf32, #tpu.memory_space<hbm>> -> memref<4096xf32, #tpu.memory_space<hbm>>
      tpu.wait_dma2 semaphore(%run_scoped3A : memref<!tpu.dma_semaphore, #tpu.memory_space<semaphore_mem>>) src(%arg7 : memref<4096xf32, #tpu.memory_space<vmem>>) dst(%dma_wait3A_158 : memref<4096xf32, #tpu.memory_space<hbm>>)
      tpu.yield
    }) : () -> ()
    %mul3A_67 = arith.constant 13 : i32
    %mul3A_68 = arith.muli %add3A, %mul3A_67 : i32
    %add3A_69 = arith.constant 6 : i32
    %add3A_70 = arith.addi %mul3A_68, %add3A_69 : i32
    %mul3A_71 = arith.constant 4096 : i32
    %mul3A_72 = arith.muli %add3A_70, %mul3A_71 : i32
    "tpu.region"() ({
      %run_scoped3A = tpu.sem_alloc : memref<!tpu.dma_semaphore, #tpu.memory_space<semaphore_mem>>
      %dma_start3A_155 = tpu.memref_slice %arg3[%mul3A_72] : memref<1703936xi32, #tpu.memory_space<hbm>> -> memref<4096xi32, #tpu.memory_space<hbm>>
      %dma_start3A_156 = tpu.memref_slice %arg3[%mul3A_72] : memref<1703936xi32, #tpu.memory_space<hbm>> -> memref<4096xi32, #tpu.memory_space<hbm>>
      tpu.enqueue_dma source(%dma_start3A_156 : memref<4096xi32, #tpu.memory_space<hbm>>) target(%arg5 : memref<4096xi32, #tpu.memory_space<vmem>>) target_semaphore(%run_scoped3A : memref<!tpu.dma_semaphore, #tpu.memory_space<semaphore_mem>>)
      %dma_wait3A_157 = tpu.memref_slice %arg3[%mul3A_72] : memref<1703936xi32, #tpu.memory_space<hbm>> -> memref<4096xi32, #tpu.memory_space<hbm>>
      %dma_wait3A_158 = tpu.memref_slice %arg3[%mul3A_72] : memref<1703936xi32, #tpu.memory_space<hbm>> -> memref<4096xi32, #tpu.memory_space<hbm>>
      tpu.wait_dma2 semaphore(%run_scoped3A : memref<!tpu.dma_semaphore, #tpu.memory_space<semaphore_mem>>) src(%dma_wait3A_158 : memref<4096xi32, #tpu.memory_space<hbm>>) dst(%arg5 : memref<4096xi32, #tpu.memory_space<vmem>>)
      tpu.yield
    }) : () -> ()
    %dma_start3A_73 = arith.constant 0 : i32
    %dma_start3A_74 = tpu.memref_slice %arg2[%dma_start3A_73] : memref<41600000xf32, #tpu.memory_space<hbm>> -> memref<41600000xf32, #tpu.memory_space<hbm>>
    tpu.enqueue_indirect_dma source(%dma_start3A_74 : memref<41600000xf32, #tpu.memory_space<hbm>>) target(%arg7 : memref<4096xf32, #tpu.memory_space<vmem>>) offsets(%arg5 : memref<4096xi32, #tpu.memory_space<vmem>>) semaphore(%arg9 : memref<!tpu.dma_semaphore, #tpu.memory_space<semaphore_mem>>)
    %dma_wait3A_75 = arith.constant 0 : i32
    %dma_wait3A_76 = tpu.memref_slice %arg2[%dma_wait3A_75] : memref<41600000xf32, #tpu.memory_space<hbm>> -> memref<41600000xf32, #tpu.memory_space<hbm>>
    tpu.wait_indirect_dma semaphore(%arg9 : memref<!tpu.dma_semaphore, #tpu.memory_space<semaphore_mem>>) src(%dma_wait3A_76 : memref<41600000xf32, #tpu.memory_space<hbm>>) dst(%arg8 : memref<4096xf32, #tpu.memory_space<vmem>>)
    %mul3A_77 = arith.constant 4096 : i32
    %mul3A_78 = arith.muli %add3A_58, %mul3A_77 : i32
    "tpu.region"() ({
      %run_scoped3A = tpu.sem_alloc : memref<!tpu.dma_semaphore, #tpu.memory_space<semaphore_mem>>
      %dma_start3A_155 = tpu.memref_slice %arg4[%mul3A_78] : memref<1703936xf32, #tpu.memory_space<hbm>> -> memref<4096xf32, #tpu.memory_space<hbm>>
      %dma_start3A_156 = tpu.memref_slice %arg4[%mul3A_78] : memref<1703936xf32, #tpu.memory_space<hbm>> -> memref<4096xf32, #tpu.memory_space<hbm>>
      tpu.enqueue_dma source(%arg8 : memref<4096xf32, #tpu.memory_space<vmem>>) target(%dma_start3A_156 : memref<4096xf32, #tpu.memory_space<hbm>>) target_semaphore(%run_scoped3A : memref<!tpu.dma_semaphore, #tpu.memory_space<semaphore_mem>>)
      %dma_wait3A_157 = tpu.memref_slice %arg4[%mul3A_78] : memref<1703936xf32, #tpu.memory_space<hbm>> -> memref<4096xf32, #tpu.memory_space<hbm>>
      %dma_wait3A_158 = tpu.memref_slice %arg4[%mul3A_78] : memref<1703936xf32, #tpu.memory_space<hbm>> -> memref<4096xf32, #tpu.memory_space<hbm>>
      tpu.wait_dma2 semaphore(%run_scoped3A : memref<!tpu.dma_semaphore, #tpu.memory_space<semaphore_mem>>) src(%arg8 : memref<4096xf32, #tpu.memory_space<vmem>>) dst(%dma_wait3A_158 : memref<4096xf32, #tpu.memory_space<hbm>>)
      tpu.yield
    }) : () -> ()
    %mul3A_79 = arith.constant 13 : i32
    %mul3A_80 = arith.muli %add3A, %mul3A_79 : i32
    %add3A_81 = arith.constant 7 : i32
    %add3A_82 = arith.addi %mul3A_80, %add3A_81 : i32
    %mul3A_83 = arith.constant 4096 : i32
    %mul3A_84 = arith.muli %add3A_82, %mul3A_83 : i32
    "tpu.region"() ({
      %run_scoped3A = tpu.sem_alloc : memref<!tpu.dma_semaphore, #tpu.memory_space<semaphore_mem>>
      %dma_start3A_155 = tpu.memref_slice %arg3[%mul3A_84] : memref<1703936xi32, #tpu.memory_space<hbm>> -> memref<4096xi32, #tpu.memory_space<hbm>>
      %dma_start3A_156 = tpu.memref_slice %arg3[%mul3A_84] : memref<1703936xi32, #tpu.memory_space<hbm>> -> memref<4096xi32, #tpu.memory_space<hbm>>
      tpu.enqueue_dma source(%dma_start3A_156 : memref<4096xi32, #tpu.memory_space<hbm>>) target(%arg6 : memref<4096xi32, #tpu.memory_space<vmem>>) target_semaphore(%run_scoped3A : memref<!tpu.dma_semaphore, #tpu.memory_space<semaphore_mem>>)
      %dma_wait3A_157 = tpu.memref_slice %arg3[%mul3A_84] : memref<1703936xi32, #tpu.memory_space<hbm>> -> memref<4096xi32, #tpu.memory_space<hbm>>
      %dma_wait3A_158 = tpu.memref_slice %arg3[%mul3A_84] : memref<1703936xi32, #tpu.memory_space<hbm>> -> memref<4096xi32, #tpu.memory_space<hbm>>
      tpu.wait_dma2 semaphore(%run_scoped3A : memref<!tpu.dma_semaphore, #tpu.memory_space<semaphore_mem>>) src(%dma_wait3A_158 : memref<4096xi32, #tpu.memory_space<hbm>>) dst(%arg6 : memref<4096xi32, #tpu.memory_space<vmem>>)
      tpu.yield
    }) : () -> ()
    %dma_start3A_85 = arith.constant 0 : i32
    %dma_start3A_86 = tpu.memref_slice %arg2[%dma_start3A_85] : memref<41600000xf32, #tpu.memory_space<hbm>> -> memref<41600000xf32, #tpu.memory_space<hbm>>
    tpu.enqueue_indirect_dma source(%dma_start3A_86 : memref<41600000xf32, #tpu.memory_space<hbm>>) target(%arg8 : memref<4096xf32, #tpu.memory_space<vmem>>) offsets(%arg6 : memref<4096xi32, #tpu.memory_space<vmem>>) semaphore(%arg9 : memref<!tpu.dma_semaphore, #tpu.memory_space<semaphore_mem>>)
    %dma_wait3A_87 = arith.constant 0 : i32
    %dma_wait3A_88 = tpu.memref_slice %arg2[%dma_wait3A_87] : memref<41600000xf32, #tpu.memory_space<hbm>> -> memref<41600000xf32, #tpu.memory_space<hbm>>
    tpu.wait_indirect_dma semaphore(%arg9 : memref<!tpu.dma_semaphore, #tpu.memory_space<semaphore_mem>>) src(%dma_wait3A_88 : memref<41600000xf32, #tpu.memory_space<hbm>>) dst(%arg7 : memref<4096xf32, #tpu.memory_space<vmem>>)
    %mul3A_89 = arith.constant 4096 : i32
    %mul3A_90 = arith.muli %add3A_70, %mul3A_89 : i32
    "tpu.region"() ({
      %run_scoped3A = tpu.sem_alloc : memref<!tpu.dma_semaphore, #tpu.memory_space<semaphore_mem>>
      %dma_start3A_155 = tpu.memref_slice %arg4[%mul3A_90] : memref<1703936xf32, #tpu.memory_space<hbm>> -> memref<4096xf32, #tpu.memory_space<hbm>>
      %dma_start3A_156 = tpu.memref_slice %arg4[%mul3A_90] : memref<1703936xf32, #tpu.memory_space<hbm>> -> memref<4096xf32, #tpu.memory_space<hbm>>
      tpu.enqueue_dma source(%arg7 : memref<4096xf32, #tpu.memory_space<vmem>>) target(%dma_start3A_156 : memref<4096xf32, #tpu.memory_space<hbm>>) target_semaphore(%run_scoped3A : memref<!tpu.dma_semaphore, #tpu.memory_space<semaphore_mem>>)
      %dma_wait3A_157 = tpu.memref_slice %arg4[%mul3A_90] : memref<1703936xf32, #tpu.memory_space<hbm>> -> memref<4096xf32, #tpu.memory_space<hbm>>
      %dma_wait3A_158 = tpu.memref_slice %arg4[%mul3A_90] : memref<1703936xf32, #tpu.memory_space<hbm>> -> memref<4096xf32, #tpu.memory_space<hbm>>
      tpu.wait_dma2 semaphore(%run_scoped3A : memref<!tpu.dma_semaphore, #tpu.memory_space<semaphore_mem>>) src(%arg7 : memref<4096xf32, #tpu.memory_space<vmem>>) dst(%dma_wait3A_158 : memref<4096xf32, #tpu.memory_space<hbm>>)
      tpu.yield
    }) : () -> ()
    %mul3A_91 = arith.constant 13 : i32
    %mul3A_92 = arith.muli %add3A, %mul3A_91 : i32
    %add3A_93 = arith.constant 8 : i32
    %add3A_94 = arith.addi %mul3A_92, %add3A_93 : i32
    %mul3A_95 = arith.constant 4096 : i32
    %mul3A_96 = arith.muli %add3A_94, %mul3A_95 : i32
    "tpu.region"() ({
      %run_scoped3A = tpu.sem_alloc : memref<!tpu.dma_semaphore, #tpu.memory_space<semaphore_mem>>
      %dma_start3A_155 = tpu.memref_slice %arg3[%mul3A_96] : memref<1703936xi32, #tpu.memory_space<hbm>> -> memref<4096xi32, #tpu.memory_space<hbm>>
      %dma_start3A_156 = tpu.memref_slice %arg3[%mul3A_96] : memref<1703936xi32, #tpu.memory_space<hbm>> -> memref<4096xi32, #tpu.memory_space<hbm>>
      tpu.enqueue_dma source(%dma_start3A_156 : memref<4096xi32, #tpu.memory_space<hbm>>) target(%arg5 : memref<4096xi32, #tpu.memory_space<vmem>>) target_semaphore(%run_scoped3A : memref<!tpu.dma_semaphore, #tpu.memory_space<semaphore_mem>>)
      %dma_wait3A_157 = tpu.memref_slice %arg3[%mul3A_96] : memref<1703936xi32, #tpu.memory_space<hbm>> -> memref<4096xi32, #tpu.memory_space<hbm>>
      %dma_wait3A_158 = tpu.memref_slice %arg3[%mul3A_96] : memref<1703936xi32, #tpu.memory_space<hbm>> -> memref<4096xi32, #tpu.memory_space<hbm>>
      tpu.wait_dma2 semaphore(%run_scoped3A : memref<!tpu.dma_semaphore, #tpu.memory_space<semaphore_mem>>) src(%dma_wait3A_158 : memref<4096xi32, #tpu.memory_space<hbm>>) dst(%arg5 : memref<4096xi32, #tpu.memory_space<vmem>>)
      tpu.yield
    }) : () -> ()
    %dma_start3A_97 = arith.constant 0 : i32
    %dma_start3A_98 = tpu.memref_slice %arg2[%dma_start3A_97] : memref<41600000xf32, #tpu.memory_space<hbm>> -> memref<41600000xf32, #tpu.memory_space<hbm>>
    tpu.enqueue_indirect_dma source(%dma_start3A_98 : memref<41600000xf32, #tpu.memory_space<hbm>>) target(%arg7 : memref<4096xf32, #tpu.memory_space<vmem>>) offsets(%arg5 : memref<4096xi32, #tpu.memory_space<vmem>>) semaphore(%arg9 : memref<!tpu.dma_semaphore, #tpu.memory_space<semaphore_mem>>)
    %dma_wait3A_99 = arith.constant 0 : i32
    %dma_wait3A_100 = tpu.memref_slice %arg2[%dma_wait3A_99] : memref<41600000xf32, #tpu.memory_space<hbm>> -> memref<41600000xf32, #tpu.memory_space<hbm>>
    tpu.wait_indirect_dma semaphore(%arg9 : memref<!tpu.dma_semaphore, #tpu.memory_space<semaphore_mem>>) src(%dma_wait3A_100 : memref<41600000xf32, #tpu.memory_space<hbm>>) dst(%arg8 : memref<4096xf32, #tpu.memory_space<vmem>>)
    %mul3A_101 = arith.constant 4096 : i32
    %mul3A_102 = arith.muli %add3A_82, %mul3A_101 : i32
    "tpu.region"() ({
      %run_scoped3A = tpu.sem_alloc : memref<!tpu.dma_semaphore, #tpu.memory_space<semaphore_mem>>
      %dma_start3A_155 = tpu.memref_slice %arg4[%mul3A_102] : memref<1703936xf32, #tpu.memory_space<hbm>> -> memref<4096xf32, #tpu.memory_space<hbm>>
      %dma_start3A_156 = tpu.memref_slice %arg4[%mul3A_102] : memref<1703936xf32, #tpu.memory_space<hbm>> -> memref<4096xf32, #tpu.memory_space<hbm>>
      tpu.enqueue_dma source(%arg8 : memref<4096xf32, #tpu.memory_space<vmem>>) target(%dma_start3A_156 : memref<4096xf32, #tpu.memory_space<hbm>>) target_semaphore(%run_scoped3A : memref<!tpu.dma_semaphore, #tpu.memory_space<semaphore_mem>>)
      %dma_wait3A_157 = tpu.memref_slice %arg4[%mul3A_102] : memref<1703936xf32, #tpu.memory_space<hbm>> -> memref<4096xf32, #tpu.memory_space<hbm>>
      %dma_wait3A_158 = tpu.memref_slice %arg4[%mul3A_102] : memref<1703936xf32, #tpu.memory_space<hbm>> -> memref<4096xf32, #tpu.memory_space<hbm>>
      tpu.wait_dma2 semaphore(%run_scoped3A : memref<!tpu.dma_semaphore, #tpu.memory_space<semaphore_mem>>) src(%arg8 : memref<4096xf32, #tpu.memory_space<vmem>>) dst(%dma_wait3A_158 : memref<4096xf32, #tpu.memory_space<hbm>>)
      tpu.yield
    }) : () -> ()
    %mul3A_103 = arith.constant 13 : i32
    %mul3A_104 = arith.muli %add3A, %mul3A_103 : i32
    %add3A_105 = arith.constant 9 : i32
    %add3A_106 = arith.addi %mul3A_104, %add3A_105 : i32
    %mul3A_107 = arith.constant 4096 : i32
    %mul3A_108 = arith.muli %add3A_106, %mul3A_107 : i32
    "tpu.region"() ({
      %run_scoped3A = tpu.sem_alloc : memref<!tpu.dma_semaphore, #tpu.memory_space<semaphore_mem>>
      %dma_start3A_155 = tpu.memref_slice %arg3[%mul3A_108] : memref<1703936xi32, #tpu.memory_space<hbm>> -> memref<4096xi32, #tpu.memory_space<hbm>>
      %dma_start3A_156 = tpu.memref_slice %arg3[%mul3A_108] : memref<1703936xi32, #tpu.memory_space<hbm>> -> memref<4096xi32, #tpu.memory_space<hbm>>
      tpu.enqueue_dma source(%dma_start3A_156 : memref<4096xi32, #tpu.memory_space<hbm>>) target(%arg6 : memref<4096xi32, #tpu.memory_space<vmem>>) target_semaphore(%run_scoped3A : memref<!tpu.dma_semaphore, #tpu.memory_space<semaphore_mem>>)
      %dma_wait3A_157 = tpu.memref_slice %arg3[%mul3A_108] : memref<1703936xi32, #tpu.memory_space<hbm>> -> memref<4096xi32, #tpu.memory_space<hbm>>
      %dma_wait3A_158 = tpu.memref_slice %arg3[%mul3A_108] : memref<1703936xi32, #tpu.memory_space<hbm>> -> memref<4096xi32, #tpu.memory_space<hbm>>
      tpu.wait_dma2 semaphore(%run_scoped3A : memref<!tpu.dma_semaphore, #tpu.memory_space<semaphore_mem>>) src(%dma_wait3A_158 : memref<4096xi32, #tpu.memory_space<hbm>>) dst(%arg6 : memref<4096xi32, #tpu.memory_space<vmem>>)
      tpu.yield
    }) : () -> ()
    %dma_start3A_109 = arith.constant 0 : i32
    %dma_start3A_110 = tpu.memref_slice %arg2[%dma_start3A_109] : memref<41600000xf32, #tpu.memory_space<hbm>> -> memref<41600000xf32, #tpu.memory_space<hbm>>
    tpu.enqueue_indirect_dma source(%dma_start3A_110 : memref<41600000xf32, #tpu.memory_space<hbm>>) target(%arg8 : memref<4096xf32, #tpu.memory_space<vmem>>) offsets(%arg6 : memref<4096xi32, #tpu.memory_space<vmem>>) semaphore(%arg9 : memref<!tpu.dma_semaphore, #tpu.memory_space<semaphore_mem>>)
    %dma_wait3A_111 = arith.constant 0 : i32
    %dma_wait3A_112 = tpu.memref_slice %arg2[%dma_wait3A_111] : memref<41600000xf32, #tpu.memory_space<hbm>> -> memref<41600000xf32, #tpu.memory_space<hbm>>
    tpu.wait_indirect_dma semaphore(%arg9 : memref<!tpu.dma_semaphore, #tpu.memory_space<semaphore_mem>>) src(%dma_wait3A_112 : memref<41600000xf32, #tpu.memory_space<hbm>>) dst(%arg7 : memref<4096xf32, #tpu.memory_space<vmem>>)
    %mul3A_113 = arith.constant 4096 : i32
    %mul3A_114 = arith.muli %add3A_94, %mul3A_113 : i32
    "tpu.region"() ({
      %run_scoped3A = tpu.sem_alloc : memref<!tpu.dma_semaphore, #tpu.memory_space<semaphore_mem>>
      %dma_start3A_155 = tpu.memref_slice %arg4[%mul3A_114] : memref<1703936xf32, #tpu.memory_space<hbm>> -> memref<4096xf32, #tpu.memory_space<hbm>>
      %dma_start3A_156 = tpu.memref_slice %arg4[%mul3A_114] : memref<1703936xf32, #tpu.memory_space<hbm>> -> memref<4096xf32, #tpu.memory_space<hbm>>
      tpu.enqueue_dma source(%arg7 : memref<4096xf32, #tpu.memory_space<vmem>>) target(%dma_start3A_156 : memref<4096xf32, #tpu.memory_space<hbm>>) target_semaphore(%run_scoped3A : memref<!tpu.dma_semaphore, #tpu.memory_space<semaphore_mem>>)
      %dma_wait3A_157 = tpu.memref_slice %arg4[%mul3A_114] : memref<1703936xf32, #tpu.memory_space<hbm>> -> memref<4096xf32, #tpu.memory_space<hbm>>
      %dma_wait3A_158 = tpu.memref_slice %arg4[%mul3A_114] : memref<1703936xf32, #tpu.memory_space<hbm>> -> memref<4096xf32, #tpu.memory_space<hbm>>
      tpu.wait_dma2 semaphore(%run_scoped3A : memref<!tpu.dma_semaphore, #tpu.memory_space<semaphore_mem>>) src(%arg7 : memref<4096xf32, #tpu.memory_space<vmem>>) dst(%dma_wait3A_158 : memref<4096xf32, #tpu.memory_space<hbm>>)
      tpu.yield
    }) : () -> ()
    %mul3A_115 = arith.constant 13 : i32
    %mul3A_116 = arith.muli %add3A, %mul3A_115 : i32
    %add3A_117 = arith.constant 10 : i32
    %add3A_118 = arith.addi %mul3A_116, %add3A_117 : i32
    %mul3A_119 = arith.constant 4096 : i32
    %mul3A_120 = arith.muli %add3A_118, %mul3A_119 : i32
    "tpu.region"() ({
      %run_scoped3A = tpu.sem_alloc : memref<!tpu.dma_semaphore, #tpu.memory_space<semaphore_mem>>
      %dma_start3A_155 = tpu.memref_slice %arg3[%mul3A_120] : memref<1703936xi32, #tpu.memory_space<hbm>> -> memref<4096xi32, #tpu.memory_space<hbm>>
      %dma_start3A_156 = tpu.memref_slice %arg3[%mul3A_120] : memref<1703936xi32, #tpu.memory_space<hbm>> -> memref<4096xi32, #tpu.memory_space<hbm>>
      tpu.enqueue_dma source(%dma_start3A_156 : memref<4096xi32, #tpu.memory_space<hbm>>) target(%arg5 : memref<4096xi32, #tpu.memory_space<vmem>>) target_semaphore(%run_scoped3A : memref<!tpu.dma_semaphore, #tpu.memory_space<semaphore_mem>>)
      %dma_wait3A_157 = tpu.memref_slice %arg3[%mul3A_120] : memref<1703936xi32, #tpu.memory_space<hbm>> -> memref<4096xi32, #tpu.memory_space<hbm>>
      %dma_wait3A_158 = tpu.memref_slice %arg3[%mul3A_120] : memref<1703936xi32, #tpu.memory_space<hbm>> -> memref<4096xi32, #tpu.memory_space<hbm>>
      tpu.wait_dma2 semaphore(%run_scoped3A : memref<!tpu.dma_semaphore, #tpu.memory_space<semaphore_mem>>) src(%dma_wait3A_158 : memref<4096xi32, #tpu.memory_space<hbm>>) dst(%arg5 : memref<4096xi32, #tpu.memory_space<vmem>>)
      tpu.yield
    }) : () -> ()
    %dma_start3A_121 = arith.constant 0 : i32
    %dma_start3A_122 = tpu.memref_slice %arg2[%dma_start3A_121] : memref<41600000xf32, #tpu.memory_space<hbm>> -> memref<41600000xf32, #tpu.memory_space<hbm>>
    tpu.enqueue_indirect_dma source(%dma_start3A_122 : memref<41600000xf32, #tpu.memory_space<hbm>>) target(%arg7 : memref<4096xf32, #tpu.memory_space<vmem>>) offsets(%arg5 : memref<4096xi32, #tpu.memory_space<vmem>>) semaphore(%arg9 : memref<!tpu.dma_semaphore, #tpu.memory_space<semaphore_mem>>)
    %dma_wait3A_123 = arith.constant 0 : i32
    %dma_wait3A_124 = tpu.memref_slice %arg2[%dma_wait3A_123] : memref<41600000xf32, #tpu.memory_space<hbm>> -> memref<41600000xf32, #tpu.memory_space<hbm>>
    tpu.wait_indirect_dma semaphore(%arg9 : memref<!tpu.dma_semaphore, #tpu.memory_space<semaphore_mem>>) src(%dma_wait3A_124 : memref<41600000xf32, #tpu.memory_space<hbm>>) dst(%arg8 : memref<4096xf32, #tpu.memory_space<vmem>>)
    %mul3A_125 = arith.constant 4096 : i32
    %mul3A_126 = arith.muli %add3A_106, %mul3A_125 : i32
    "tpu.region"() ({
      %run_scoped3A = tpu.sem_alloc : memref<!tpu.dma_semaphore, #tpu.memory_space<semaphore_mem>>
      %dma_start3A_155 = tpu.memref_slice %arg4[%mul3A_126] : memref<1703936xf32, #tpu.memory_space<hbm>> -> memref<4096xf32, #tpu.memory_space<hbm>>
      %dma_start3A_156 = tpu.memref_slice %arg4[%mul3A_126] : memref<1703936xf32, #tpu.memory_space<hbm>> -> memref<4096xf32, #tpu.memory_space<hbm>>
      tpu.enqueue_dma source(%arg8 : memref<4096xf32, #tpu.memory_space<vmem>>) target(%dma_start3A_156 : memref<4096xf32, #tpu.memory_space<hbm>>) target_semaphore(%run_scoped3A : memref<!tpu.dma_semaphore, #tpu.memory_space<semaphore_mem>>)
      %dma_wait3A_157 = tpu.memref_slice %arg4[%mul3A_126] : memref<1703936xf32, #tpu.memory_space<hbm>> -> memref<4096xf32, #tpu.memory_space<hbm>>
      %dma_wait3A_158 = tpu.memref_slice %arg4[%mul3A_126] : memref<1703936xf32, #tpu.memory_space<hbm>> -> memref<4096xf32, #tpu.memory_space<hbm>>
      tpu.wait_dma2 semaphore(%run_scoped3A : memref<!tpu.dma_semaphore, #tpu.memory_space<semaphore_mem>>) src(%arg8 : memref<4096xf32, #tpu.memory_space<vmem>>) dst(%dma_wait3A_158 : memref<4096xf32, #tpu.memory_space<hbm>>)
      tpu.yield
    }) : () -> ()
    %mul3A_127 = arith.constant 13 : i32
    %mul3A_128 = arith.muli %add3A, %mul3A_127 : i32
    %add3A_129 = arith.constant 11 : i32
    %add3A_130 = arith.addi %mul3A_128, %add3A_129 : i32
    %mul3A_131 = arith.constant 4096 : i32
    %mul3A_132 = arith.muli %add3A_130, %mul3A_131 : i32
    "tpu.region"() ({
      %run_scoped3A = tpu.sem_alloc : memref<!tpu.dma_semaphore, #tpu.memory_space<semaphore_mem>>
      %dma_start3A_155 = tpu.memref_slice %arg3[%mul3A_132] : memref<1703936xi32, #tpu.memory_space<hbm>> -> memref<4096xi32, #tpu.memory_space<hbm>>
      %dma_start3A_156 = tpu.memref_slice %arg3[%mul3A_132] : memref<1703936xi32, #tpu.memory_space<hbm>> -> memref<4096xi32, #tpu.memory_space<hbm>>
      tpu.enqueue_dma source(%dma_start3A_156 : memref<4096xi32, #tpu.memory_space<hbm>>) target(%arg6 : memref<4096xi32, #tpu.memory_space<vmem>>) target_semaphore(%run_scoped3A : memref<!tpu.dma_semaphore, #tpu.memory_space<semaphore_mem>>)
      %dma_wait3A_157 = tpu.memref_slice %arg3[%mul3A_132] : memref<1703936xi32, #tpu.memory_space<hbm>> -> memref<4096xi32, #tpu.memory_space<hbm>>
      %dma_wait3A_158 = tpu.memref_slice %arg3[%mul3A_132] : memref<1703936xi32, #tpu.memory_space<hbm>> -> memref<4096xi32, #tpu.memory_space<hbm>>
      tpu.wait_dma2 semaphore(%run_scoped3A : memref<!tpu.dma_semaphore, #tpu.memory_space<semaphore_mem>>) src(%dma_wait3A_158 : memref<4096xi32, #tpu.memory_space<hbm>>) dst(%arg6 : memref<4096xi32, #tpu.memory_space<vmem>>)
      tpu.yield
    }) : () -> ()
    %dma_start3A_133 = arith.constant 0 : i32
    %dma_start3A_134 = tpu.memref_slice %arg2[%dma_start3A_133] : memref<41600000xf32, #tpu.memory_space<hbm>> -> memref<41600000xf32, #tpu.memory_space<hbm>>
    tpu.enqueue_indirect_dma source(%dma_start3A_134 : memref<41600000xf32, #tpu.memory_space<hbm>>) target(%arg8 : memref<4096xf32, #tpu.memory_space<vmem>>) offsets(%arg6 : memref<4096xi32, #tpu.memory_space<vmem>>) semaphore(%arg9 : memref<!tpu.dma_semaphore, #tpu.memory_space<semaphore_mem>>)
    %dma_wait3A_135 = arith.constant 0 : i32
    %dma_wait3A_136 = tpu.memref_slice %arg2[%dma_wait3A_135] : memref<41600000xf32, #tpu.memory_space<hbm>> -> memref<41600000xf32, #tpu.memory_space<hbm>>
    tpu.wait_indirect_dma semaphore(%arg9 : memref<!tpu.dma_semaphore, #tpu.memory_space<semaphore_mem>>) src(%dma_wait3A_136 : memref<41600000xf32, #tpu.memory_space<hbm>>) dst(%arg7 : memref<4096xf32, #tpu.memory_space<vmem>>)
    %mul3A_137 = arith.constant 4096 : i32
    %mul3A_138 = arith.muli %add3A_118, %mul3A_137 : i32
    "tpu.region"() ({
      %run_scoped3A = tpu.sem_alloc : memref<!tpu.dma_semaphore, #tpu.memory_space<semaphore_mem>>
      %dma_start3A_155 = tpu.memref_slice %arg4[%mul3A_138] : memref<1703936xf32, #tpu.memory_space<hbm>> -> memref<4096xf32, #tpu.memory_space<hbm>>
      %dma_start3A_156 = tpu.memref_slice %arg4[%mul3A_138] : memref<1703936xf32, #tpu.memory_space<hbm>> -> memref<4096xf32, #tpu.memory_space<hbm>>
      tpu.enqueue_dma source(%arg7 : memref<4096xf32, #tpu.memory_space<vmem>>) target(%dma_start3A_156 : memref<4096xf32, #tpu.memory_space<hbm>>) target_semaphore(%run_scoped3A : memref<!tpu.dma_semaphore, #tpu.memory_space<semaphore_mem>>)
      %dma_wait3A_157 = tpu.memref_slice %arg4[%mul3A_138] : memref<1703936xf32, #tpu.memory_space<hbm>> -> memref<4096xf32, #tpu.memory_space<hbm>>
      %dma_wait3A_158 = tpu.memref_slice %arg4[%mul3A_138] : memref<1703936xf32, #tpu.memory_space<hbm>> -> memref<4096xf32, #tpu.memory_space<hbm>>
      tpu.wait_dma2 semaphore(%run_scoped3A : memref<!tpu.dma_semaphore, #tpu.memory_space<semaphore_mem>>) src(%arg7 : memref<4096xf32, #tpu.memory_space<vmem>>) dst(%dma_wait3A_158 : memref<4096xf32, #tpu.memory_space<hbm>>)
      tpu.yield
    }) : () -> ()
    %mul3A_139 = arith.constant 13 : i32
    %mul3A_140 = arith.muli %add3A, %mul3A_139 : i32
    %add3A_141 = arith.constant 12 : i32
    %add3A_142 = arith.addi %mul3A_140, %add3A_141 : i32
    %mul3A_143 = arith.constant 4096 : i32
    %mul3A_144 = arith.muli %add3A_142, %mul3A_143 : i32
    "tpu.region"() ({
      %run_scoped3A = tpu.sem_alloc : memref<!tpu.dma_semaphore, #tpu.memory_space<semaphore_mem>>
      %dma_start3A_155 = tpu.memref_slice %arg3[%mul3A_144] : memref<1703936xi32, #tpu.memory_space<hbm>> -> memref<4096xi32, #tpu.memory_space<hbm>>
      %dma_start3A_156 = tpu.memref_slice %arg3[%mul3A_144] : memref<1703936xi32, #tpu.memory_space<hbm>> -> memref<4096xi32, #tpu.memory_space<hbm>>
      tpu.enqueue_dma source(%dma_start3A_156 : memref<4096xi32, #tpu.memory_space<hbm>>) target(%arg5 : memref<4096xi32, #tpu.memory_space<vmem>>) target_semaphore(%run_scoped3A : memref<!tpu.dma_semaphore, #tpu.memory_space<semaphore_mem>>)
      %dma_wait3A_157 = tpu.memref_slice %arg3[%mul3A_144] : memref<1703936xi32, #tpu.memory_space<hbm>> -> memref<4096xi32, #tpu.memory_space<hbm>>
      %dma_wait3A_158 = tpu.memref_slice %arg3[%mul3A_144] : memref<1703936xi32, #tpu.memory_space<hbm>> -> memref<4096xi32, #tpu.memory_space<hbm>>
      tpu.wait_dma2 semaphore(%run_scoped3A : memref<!tpu.dma_semaphore, #tpu.memory_space<semaphore_mem>>) src(%dma_wait3A_158 : memref<4096xi32, #tpu.memory_space<hbm>>) dst(%arg5 : memref<4096xi32, #tpu.memory_space<vmem>>)
      tpu.yield
    }) : () -> ()
    %dma_start3A_145 = arith.constant 0 : i32
    %dma_start3A_146 = tpu.memref_slice %arg2[%dma_start3A_145] : memref<41600000xf32, #tpu.memory_space<hbm>> -> memref<41600000xf32, #tpu.memory_space<hbm>>
    tpu.enqueue_indirect_dma source(%dma_start3A_146 : memref<41600000xf32, #tpu.memory_space<hbm>>) target(%arg7 : memref<4096xf32, #tpu.memory_space<vmem>>) offsets(%arg5 : memref<4096xi32, #tpu.memory_space<vmem>>) semaphore(%arg9 : memref<!tpu.dma_semaphore, #tpu.memory_space<semaphore_mem>>)
    %dma_wait3A_147 = arith.constant 0 : i32
    %dma_wait3A_148 = tpu.memref_slice %arg2[%dma_wait3A_147] : memref<41600000xf32, #tpu.memory_space<hbm>> -> memref<41600000xf32, #tpu.memory_space<hbm>>
    tpu.wait_indirect_dma semaphore(%arg9 : memref<!tpu.dma_semaphore, #tpu.memory_space<semaphore_mem>>) src(%dma_wait3A_148 : memref<41600000xf32, #tpu.memory_space<hbm>>) dst(%arg8 : memref<4096xf32, #tpu.memory_space<vmem>>)
    %mul3A_149 = arith.constant 4096 : i32
    %mul3A_150 = arith.muli %add3A_130, %mul3A_149 : i32
    "tpu.region"() ({
      %run_scoped3A = tpu.sem_alloc : memref<!tpu.dma_semaphore, #tpu.memory_space<semaphore_mem>>
      %dma_start3A_155 = tpu.memref_slice %arg4[%mul3A_150] : memref<1703936xf32, #tpu.memory_space<hbm>> -> memref<4096xf32, #tpu.memory_space<hbm>>
      %dma_start3A_156 = tpu.memref_slice %arg4[%mul3A_150] : memref<1703936xf32, #tpu.memory_space<hbm>> -> memref<4096xf32, #tpu.memory_space<hbm>>
      tpu.enqueue_dma source(%arg8 : memref<4096xf32, #tpu.memory_space<vmem>>) target(%dma_start3A_156 : memref<4096xf32, #tpu.memory_space<hbm>>) target_semaphore(%run_scoped3A : memref<!tpu.dma_semaphore, #tpu.memory_space<semaphore_mem>>)
      %dma_wait3A_157 = tpu.memref_slice %arg4[%mul3A_150] : memref<1703936xf32, #tpu.memory_space<hbm>> -> memref<4096xf32, #tpu.memory_space<hbm>>
      %dma_wait3A_158 = tpu.memref_slice %arg4[%mul3A_150] : memref<1703936xf32, #tpu.memory_space<hbm>> -> memref<4096xf32, #tpu.memory_space<hbm>>
      tpu.wait_dma2 semaphore(%run_scoped3A : memref<!tpu.dma_semaphore, #tpu.memory_space<semaphore_mem>>) src(%arg8 : memref<4096xf32, #tpu.memory_space<vmem>>) dst(%dma_wait3A_158 : memref<4096xf32, #tpu.memory_space<hbm>>)
      tpu.yield
    }) : () -> ()
    %dma_wait3A_151 = arith.constant 0 : i32
    %dma_wait3A_152 = tpu.memref_slice %arg2[%dma_wait3A_151] : memref<41600000xf32, #tpu.memory_space<hbm>> -> memref<41600000xf32, #tpu.memory_space<hbm>>
    tpu.wait_indirect_dma semaphore(%arg9 : memref<!tpu.dma_semaphore, #tpu.memory_space<semaphore_mem>>) src(%dma_wait3A_152 : memref<41600000xf32, #tpu.memory_space<hbm>>) dst(%arg7 : memref<4096xf32, #tpu.memory_space<vmem>>)
    %mul3A_153 = arith.constant 4096 : i32
    %mul3A_154 = arith.muli %add3A_142, %mul3A_153 : i32
    "tpu.region"() ({
      %run_scoped3A = tpu.sem_alloc : memref<!tpu.dma_semaphore, #tpu.memory_space<semaphore_mem>>
      %dma_start3A_155 = tpu.memref_slice %arg4[%mul3A_154] : memref<1703936xf32, #tpu.memory_space<hbm>> -> memref<4096xf32, #tpu.memory_space<hbm>>
      %dma_start3A_156 = tpu.memref_slice %arg4[%mul3A_154] : memref<1703936xf32, #tpu.memory_space<hbm>> -> memref<4096xf32, #tpu.memory_space<hbm>>
      tpu.enqueue_dma source(%arg7 : memref<4096xf32, #tpu.memory_space<vmem>>) target(%dma_start3A_156 : memref<4096xf32, #tpu.memory_space<hbm>>) target_semaphore(%run_scoped3A : memref<!tpu.dma_semaphore, #tpu.memory_space<semaphore_mem>>)
      %dma_wait3A_157 = tpu.memref_slice %arg4[%mul3A_154] : memref<1703936xf32, #tpu.memory_space<hbm>> -> memref<4096xf32, #tpu.memory_space<hbm>>
      %dma_wait3A_158 = tpu.memref_slice %arg4[%mul3A_154] : memref<1703936xf32, #tpu.memory_space<hbm>> -> memref<4096xf32, #tpu.memory_space<hbm>>
      tpu.wait_dma2 semaphore(%run_scoped3A : memref<!tpu.dma_semaphore, #tpu.memory_space<semaphore_mem>>) src(%arg7 : memref<4096xf32, #tpu.memory_space<vmem>>) dst(%dma_wait3A_158 : memref<4096xf32, #tpu.memory_space<hbm>>)
      tpu.yield
    }) : () -> ()
    return
  }
}

#map = affine_map<(d0, d1) -> (0, 0)>
module attributes {stable_mosaic.version = 14 : i64} {
  func.func @_seq_body(%arg0: i32, %arg1: i32, %arg2: memref<100000x16xf32, #tpu.memory_space<hbm>>, %arg3: memref<1600x128xi32, #tpu.memory_space<hbm>>, %arg4: memref<2048x128xi32, #tpu.memory_space<hbm>>, %arg5: memref<512x128xf32, #tpu.memory_space<hbm>>, %arg6: memref<50x128xi32, #tpu.memory_space<vmem>>, %arg7: memref<64x128xi32, #tpu.memory_space<vmem>>, %arg8: memref<6400x16xf32, #tpu.memory_space<vmem>>, %arg9: memref<16x128xf32, #tpu.memory_space<vmem>>, %arg10: memref<1x16xf32, #tpu.memory_space<vmem>>, %arg11: memref<!tpu.dma_semaphore, #tpu.memory_space<semaphore_mem>>) attributes {dimension_semantics = [#tpu.dimension_semantics<core_parallel>, #tpu.dimension_semantics<subcore_parallel>], iteration_bounds = array<i64: 2, 16>, scalar_prefetch = 0 : i64, scratch_operands = 6 : i64, tpu.core_type = #tpu.core_type<sc_vector_subcore>, window_params = [{transform_indices = #map}, {transform_indices = #map}, {transform_indices = #map}, {transform_indices = #map}]} {
    %mul3A = arith.constant 2 : i32
    %mul3A_0 = arith.muli %arg1, %mul3A : i32
    %add3A = arith.addi %mul3A_0, %arg0 : i32
    %mul3A_1 = arith.constant 50 : i32
    %mul3A_2 = arith.muli %add3A, %mul3A_1 : i32
    "tpu.region"() ({
      %run_scoped3A = tpu.sem_alloc : memref<!tpu.dma_semaphore, #tpu.memory_space<semaphore_mem>>
      %dma_start3A_1015 = arith.constant 0 : i32
      %dma_start3A_1016 = tpu.memref_slice %arg3[%mul3A_2, %dma_start3A_1015] : memref<1600x128xi32, #tpu.memory_space<hbm>> -> memref<50x128xi32, #tpu.memory_space<hbm>>
      %dma_start3A_1017 = arith.constant 0 : i32
      %dma_start3A_1018 = tpu.memref_slice %arg3[%mul3A_2, %dma_start3A_1017] : memref<1600x128xi32, #tpu.memory_space<hbm>> -> memref<50x128xi32, #tpu.memory_space<hbm>>
      tpu.enqueue_dma source(%dma_start3A_1018 : memref<50x128xi32, #tpu.memory_space<hbm>>) target(%arg6 : memref<50x128xi32, #tpu.memory_space<vmem>>) target_semaphore(%run_scoped3A : memref<!tpu.dma_semaphore, #tpu.memory_space<semaphore_mem>>)
      %dma_wait3A_1019 = arith.constant 0 : i32
      %dma_wait3A_1020 = tpu.memref_slice %arg3[%mul3A_2, %dma_wait3A_1019] : memref<1600x128xi32, #tpu.memory_space<hbm>> -> memref<50x128xi32, #tpu.memory_space<hbm>>
      %dma_wait3A_1021 = arith.constant 0 : i32
      %dma_wait3A_1022 = tpu.memref_slice %arg3[%mul3A_2, %dma_wait3A_1021] : memref<1600x128xi32, #tpu.memory_space<hbm>> -> memref<50x128xi32, #tpu.memory_space<hbm>>
      tpu.wait_dma2 semaphore(%run_scoped3A : memref<!tpu.dma_semaphore, #tpu.memory_space<semaphore_mem>>) src(%dma_wait3A_1022 : memref<50x128xi32, #tpu.memory_space<hbm>>) dst(%arg6 : memref<50x128xi32, #tpu.memory_space<vmem>>)
      tpu.yield
    }) : () -> ()
    %mul3A_3 = arith.constant 64 : i32
    %mul3A_4 = arith.muli %add3A, %mul3A_3 : i32
    "tpu.region"() ({
      %run_scoped3A = tpu.sem_alloc : memref<!tpu.dma_semaphore, #tpu.memory_space<semaphore_mem>>
      %dma_start3A_1015 = arith.constant 0 : i32
      %dma_start3A_1016 = tpu.memref_slice %arg4[%mul3A_4, %dma_start3A_1015] : memref<2048x128xi32, #tpu.memory_space<hbm>> -> memref<64x128xi32, #tpu.memory_space<hbm>>
      %dma_start3A_1017 = arith.constant 0 : i32
      %dma_start3A_1018 = tpu.memref_slice %arg4[%mul3A_4, %dma_start3A_1017] : memref<2048x128xi32, #tpu.memory_space<hbm>> -> memref<64x128xi32, #tpu.memory_space<hbm>>
      tpu.enqueue_dma source(%dma_start3A_1018 : memref<64x128xi32, #tpu.memory_space<hbm>>) target(%arg7 : memref<64x128xi32, #tpu.memory_space<vmem>>) target_semaphore(%run_scoped3A : memref<!tpu.dma_semaphore, #tpu.memory_space<semaphore_mem>>)
      %dma_wait3A_1019 = arith.constant 0 : i32
      %dma_wait3A_1020 = tpu.memref_slice %arg4[%mul3A_4, %dma_wait3A_1019] : memref<2048x128xi32, #tpu.memory_space<hbm>> -> memref<64x128xi32, #tpu.memory_space<hbm>>
      %dma_wait3A_1021 = arith.constant 0 : i32
      %dma_wait3A_1022 = tpu.memref_slice %arg4[%mul3A_4, %dma_wait3A_1021] : memref<2048x128xi32, #tpu.memory_space<hbm>> -> memref<64x128xi32, #tpu.memory_space<hbm>>
      tpu.wait_dma2 semaphore(%run_scoped3A : memref<!tpu.dma_semaphore, #tpu.memory_space<semaphore_mem>>) src(%dma_wait3A_1022 : memref<64x128xi32, #tpu.memory_space<hbm>>) dst(%arg7 : memref<64x128xi32, #tpu.memory_space<vmem>>)
      tpu.yield
    }) : () -> ()
    "tpu.region"() ({
      %run_scoped3A = tpu.sem_alloc : memref<!tpu.dma_semaphore, #tpu.memory_space<semaphore_mem>>
      %dma_start3A_1015 = arith.constant 0 : i32
      %dma_start3A_1016 = arith.constant 0 : i32
      %dma_start3A_1017 = tpu.memref_slice %arg2[%dma_start3A_1015, %dma_start3A_1016] : memref<100000x16xf32, #tpu.memory_space<hbm>> -> memref<1x16xf32, #tpu.memory_space<hbm>>
      %dma_start3A_1018 = arith.constant 0 : i32
      %dma_start3A_1019 = arith.constant 0 : i32
      %dma_start3A_1020 = tpu.memref_slice %arg2[%dma_start3A_1018, %dma_start3A_1019] : memref<100000x16xf32, #tpu.memory_space<hbm>> -> memref<1x16xf32, #tpu.memory_space<hbm>>
      tpu.enqueue_dma source(%dma_start3A_1020 : memref<1x16xf32, #tpu.memory_space<hbm>>) target(%arg10 : memref<1x16xf32, #tpu.memory_space<vmem>>) target_semaphore(%run_scoped3A : memref<!tpu.dma_semaphore, #tpu.memory_space<semaphore_mem>>)
      %dma_wait3A_1021 = arith.constant 0 : i32
      %dma_wait3A_1022 = arith.constant 0 : i32
      %dma_wait3A_1023 = tpu.memref_slice %arg2[%dma_wait3A_1021, %dma_wait3A_1022] : memref<100000x16xf32, #tpu.memory_space<hbm>> -> memref<1x16xf32, #tpu.memory_space<hbm>>
      %dma_wait3A_1024 = arith.constant 0 : i32
      %dma_wait3A_1025 = arith.constant 0 : i32
      %dma_wait3A_1026 = tpu.memref_slice %arg2[%dma_wait3A_1024, %dma_wait3A_1025] : memref<100000x16xf32, #tpu.memory_space<hbm>> -> memref<1x16xf32, #tpu.memory_space<hbm>>
      tpu.wait_dma2 semaphore(%run_scoped3A : memref<!tpu.dma_semaphore, #tpu.memory_space<semaphore_mem>>) src(%dma_wait3A_1026 : memref<1x16xf32, #tpu.memory_space<hbm>>) dst(%arg10 : memref<1x16xf32, #tpu.memory_space<vmem>>)
      tpu.yield
    }) : () -> ()
    %get3A = arith.constant 0 : i32
    %get3A_5 = arith.index_cast %get3A : i32 to index
    %get3A_6 = arith.constant 0 : index
    %get3A_7 = tpu.vector_load %arg10[%get3A_5, %get3A_6] {strides = array<i32>} : memref<1x16xf32, #tpu.memory_space<vmem>>, vector<1x16xf32>,
    %get3A_8 = vector.shape_cast %get3A_7 : vector<1x16xf32> to vector<16xf32>
    %dma_start3A = arith.constant 0 : i32
    %dma_start3A_9 = arith.constant 0 : i32
    %dma_start3A_10 = arith.constant 0 : i32
    %dma_start3A_11 = tpu.memref_slice %arg8[%dma_start3A_9, %dma_start3A_10] : memref<6400x16xf32, #tpu.memory_space<vmem>> -> memref<128x16xf32, #tpu.memory_space<vmem>>
    %dma_start3A_12 = arith.constant 0 : i32
    %dma_start3A_13 = tpu.memref_slice %arg6[%dma_start3A, %dma_start3A_12] : memref<50x128xi32, #tpu.memory_space<vmem>> -> memref<1x128xi32, #tpu.memory_space<vmem>>
    %dma_start3A_14 = tpu.memref_squeeze %dma_start3A_13 : memref<1x128xi32, #tpu.memory_space<vmem>> -> memref<128xi32, #tpu.memory_space<vmem>>
    %dma_start3A_15 = arith.constant 0 : i32
    %dma_start3A_16 = arith.constant 0 : i32
    %dma_start3A_17 = tpu.memref_slice %arg2[%dma_start3A_15, %dma_start3A_16] : memref<100000x16xf32, #tpu.memory_space<hbm>> -> memref<100000x16xf32, #tpu.memory_space<hbm>>
    tpu.enqueue_indirect_dma source(%dma_start3A_17 : memref<100000x16xf32, #tpu.memory_space<hbm>>) target(%dma_start3A_11 : memref<128x16xf32, #tpu.memory_space<vmem>>) offsets(%dma_start3A_14 : memref<128xi32, #tpu.memory_space<vmem>>) semaphore(%arg11 : memref<!tpu.dma_semaphore, #tpu.memory_space<semaphore_mem>>)
    %dma_start3A_18 = arith.constant 1 : i32
    %dma_start3A_19 = arith.constant 128 : i32
    %dma_start3A_20 = arith.constant 0 : i32
    %dma_start3A_21 = tpu.memref_slice %arg8[%dma_start3A_19, %dma_start3A_20] : memref<6400x16xf32, #tpu.memory_space<vmem>> -> memref<128x16xf32, #tpu.memory_space<vmem>>
    %dma_start3A_22 = arith.constant 0 : i32
    %dma_start3A_23 = tpu.memref_slice %arg6[%dma_start3A_18, %dma_start3A_22] : memref<50x128xi32, #tpu.memory_space<vmem>> -> memref<1x128xi32, #tpu.memory_space<vmem>>
    %dma_start3A_24 = tpu.memref_squeeze %dma_start3A_23 : memref<1x128xi32, #tpu.memory_space<vmem>> -> memref<128xi32, #tpu.memory_space<vmem>>
    %dma_start3A_25 = arith.constant 0 : i32
    %dma_start3A_26 = arith.constant 0 : i32
    %dma_start3A_27 = tpu.memref_slice %arg2[%dma_start3A_25, %dma_start3A_26] : memref<100000x16xf32, #tpu.memory_space<hbm>> -> memref<100000x16xf32, #tpu.memory_space<hbm>>
    tpu.enqueue_indirect_dma source(%dma_start3A_27 : memref<100000x16xf32, #tpu.memory_space<hbm>>) target(%dma_start3A_21 : memref<128x16xf32, #tpu.memory_space<vmem>>) offsets(%dma_start3A_24 : memref<128xi32, #tpu.memory_space<vmem>>) semaphore(%arg11 : memref<!tpu.dma_semaphore, #tpu.memory_space<semaphore_mem>>)
    %dma_start3A_28 = arith.constant 2 : i32
    %dma_start3A_29 = arith.constant 256 : i32
    %dma_start3A_30 = arith.constant 0 : i32
    %dma_start3A_31 = tpu.memref_slice %arg8[%dma_start3A_29, %dma_start3A_30] : memref<6400x16xf32, #tpu.memory_space<vmem>> -> memref<128x16xf32, #tpu.memory_space<vmem>>
    %dma_start3A_32 = arith.constant 0 : i32
    %dma_start3A_33 = tpu.memref_slice %arg6[%dma_start3A_28, %dma_start3A_32] : memref<50x128xi32, #tpu.memory_space<vmem>> -> memref<1x128xi32, #tpu.memory_space<vmem>>
    %dma_start3A_34 = tpu.memref_squeeze %dma_start3A_33 : memref<1x128xi32, #tpu.memory_space<vmem>> -> memref<128xi32, #tpu.memory_space<vmem>>
    %dma_start3A_35 = arith.constant 0 : i32
    %dma_start3A_36 = arith.constant 0 : i32
    %dma_start3A_37 = tpu.memref_slice %arg2[%dma_start3A_35, %dma_start3A_36] : memref<100000x16xf32, #tpu.memory_space<hbm>> -> memref<100000x16xf32, #tpu.memory_space<hbm>>
    tpu.enqueue_indirect_dma source(%dma_start3A_37 : memref<100000x16xf32, #tpu.memory_space<hbm>>) target(%dma_start3A_31 : memref<128x16xf32, #tpu.memory_space<vmem>>) offsets(%dma_start3A_34 : memref<128xi32, #tpu.memory_space<vmem>>) semaphore(%arg11 : memref<!tpu.dma_semaphore, #tpu.memory_space<semaphore_mem>>)
    %dma_start3A_38 = arith.constant 3 : i32
    %dma_start3A_39 = arith.constant 384 : i32
    %dma_start3A_40 = arith.constant 0 : i32
    %dma_start3A_41 = tpu.memref_slice %arg8[%dma_start3A_39, %dma_start3A_40] : memref<6400x16xf32, #tpu.memory_space<vmem>> -> memref<128x16xf32, #tpu.memory_space<vmem>>
    %dma_start3A_42 = arith.constant 0 : i32
    %dma_start3A_43 = tpu.memref_slice %arg6[%dma_start3A_38, %dma_start3A_42] : memref<50x128xi32, #tpu.memory_space<vmem>> -> memref<1x128xi32, #tpu.memory_space<vmem>>
    %dma_start3A_44 = tpu.memref_squeeze %dma_start3A_43 : memref<1x128xi32, #tpu.memory_space<vmem>> -> memref<128xi32, #tpu.memory_space<vmem>>
    %dma_start3A_45 = arith.constant 0 : i32
    %dma_start3A_46 = arith.constant 0 : i32
    %dma_start3A_47 = tpu.memref_slice %arg2[%dma_start3A_45, %dma_start3A_46] : memref<100000x16xf32, #tpu.memory_space<hbm>> -> memref<100000x16xf32, #tpu.memory_space<hbm>>
    tpu.enqueue_indirect_dma source(%dma_start3A_47 : memref<100000x16xf32, #tpu.memory_space<hbm>>) target(%dma_start3A_41 : memref<128x16xf32, #tpu.memory_space<vmem>>) offsets(%dma_start3A_44 : memref<128xi32, #tpu.memory_space<vmem>>) semaphore(%arg11 : memref<!tpu.dma_semaphore, #tpu.memory_space<semaphore_mem>>)
    %dma_start3A_48 = arith.constant 4 : i32
    %dma_start3A_49 = arith.constant 512 : i32
    %dma_start3A_50 = arith.constant 0 : i32
    %dma_start3A_51 = tpu.memref_slice %arg8[%dma_start3A_49, %dma_start3A_50] : memref<6400x16xf32, #tpu.memory_space<vmem>> -> memref<128x16xf32, #tpu.memory_space<vmem>>
    %dma_start3A_52 = arith.constant 0 : i32
    %dma_start3A_53 = tpu.memref_slice %arg6[%dma_start3A_48, %dma_start3A_52] : memref<50x128xi32, #tpu.memory_space<vmem>> -> memref<1x128xi32, #tpu.memory_space<vmem>>
    %dma_start3A_54 = tpu.memref_squeeze %dma_start3A_53 : memref<1x128xi32, #tpu.memory_space<vmem>> -> memref<128xi32, #tpu.memory_space<vmem>>
    %dma_start3A_55 = arith.constant 0 : i32
    %dma_start3A_56 = arith.constant 0 : i32
    %dma_start3A_57 = tpu.memref_slice %arg2[%dma_start3A_55, %dma_start3A_56] : memref<100000x16xf32, #tpu.memory_space<hbm>> -> memref<100000x16xf32, #tpu.memory_space<hbm>>
    tpu.enqueue_indirect_dma source(%dma_start3A_57 : memref<100000x16xf32, #tpu.memory_space<hbm>>) target(%dma_start3A_51 : memref<128x16xf32, #tpu.memory_space<vmem>>) offsets(%dma_start3A_54 : memref<128xi32, #tpu.memory_space<vmem>>) semaphore(%arg11 : memref<!tpu.dma_semaphore, #tpu.memory_space<semaphore_mem>>)
    %dma_start3A_58 = arith.constant 5 : i32
    %dma_start3A_59 = arith.constant 640 : i32
    %dma_start3A_60 = arith.constant 0 : i32
    %dma_start3A_61 = tpu.memref_slice %arg8[%dma_start3A_59, %dma_start3A_60] : memref<6400x16xf32, #tpu.memory_space<vmem>> -> memref<128x16xf32, #tpu.memory_space<vmem>>
    %dma_start3A_62 = arith.constant 0 : i32
    %dma_start3A_63 = tpu.memref_slice %arg6[%dma_start3A_58, %dma_start3A_62] : memref<50x128xi32, #tpu.memory_space<vmem>> -> memref<1x128xi32, #tpu.memory_space<vmem>>
    %dma_start3A_64 = tpu.memref_squeeze %dma_start3A_63 : memref<1x128xi32, #tpu.memory_space<vmem>> -> memref<128xi32, #tpu.memory_space<vmem>>
    %dma_start3A_65 = arith.constant 0 : i32
    %dma_start3A_66 = arith.constant 0 : i32
    %dma_start3A_67 = tpu.memref_slice %arg2[%dma_start3A_65, %dma_start3A_66] : memref<100000x16xf32, #tpu.memory_space<hbm>> -> memref<100000x16xf32, #tpu.memory_space<hbm>>
    tpu.enqueue_indirect_dma source(%dma_start3A_67 : memref<100000x16xf32, #tpu.memory_space<hbm>>) target(%dma_start3A_61 : memref<128x16xf32, #tpu.memory_space<vmem>>) offsets(%dma_start3A_64 : memref<128xi32, #tpu.memory_space<vmem>>) semaphore(%arg11 : memref<!tpu.dma_semaphore, #tpu.memory_space<semaphore_mem>>)
    %dma_start3A_68 = arith.constant 6 : i32
    %dma_start3A_69 = arith.constant 768 : i32
    %dma_start3A_70 = arith.constant 0 : i32
    %dma_start3A_71 = tpu.memref_slice %arg8[%dma_start3A_69, %dma_start3A_70] : memref<6400x16xf32, #tpu.memory_space<vmem>> -> memref<128x16xf32, #tpu.memory_space<vmem>>
    %dma_start3A_72 = arith.constant 0 : i32
    %dma_start3A_73 = tpu.memref_slice %arg6[%dma_start3A_68, %dma_start3A_72] : memref<50x128xi32, #tpu.memory_space<vmem>> -> memref<1x128xi32, #tpu.memory_space<vmem>>
    %dma_start3A_74 = tpu.memref_squeeze %dma_start3A_73 : memref<1x128xi32, #tpu.memory_space<vmem>> -> memref<128xi32, #tpu.memory_space<vmem>>
    %dma_start3A_75 = arith.constant 0 : i32
    %dma_start3A_76 = arith.constant 0 : i32
    %dma_start3A_77 = tpu.memref_slice %arg2[%dma_start3A_75, %dma_start3A_76] : memref<100000x16xf32, #tpu.memory_space<hbm>> -> memref<100000x16xf32, #tpu.memory_space<hbm>>
    tpu.enqueue_indirect_dma source(%dma_start3A_77 : memref<100000x16xf32, #tpu.memory_space<hbm>>) target(%dma_start3A_71 : memref<128x16xf32, #tpu.memory_space<vmem>>) offsets(%dma_start3A_74 : memref<128xi32, #tpu.memory_space<vmem>>) semaphore(%arg11 : memref<!tpu.dma_semaphore, #tpu.memory_space<semaphore_mem>>)
    %dma_start3A_78 = arith.constant 7 : i32
    %dma_start3A_79 = arith.constant 896 : i32
    %dma_start3A_80 = arith.constant 0 : i32
    %dma_start3A_81 = tpu.memref_slice %arg8[%dma_start3A_79, %dma_start3A_80] : memref<6400x16xf32, #tpu.memory_space<vmem>> -> memref<128x16xf32, #tpu.memory_space<vmem>>
    %dma_start3A_82 = arith.constant 0 : i32
    %dma_start3A_83 = tpu.memref_slice %arg6[%dma_start3A_78, %dma_start3A_82] : memref<50x128xi32, #tpu.memory_space<vmem>> -> memref<1x128xi32, #tpu.memory_space<vmem>>
    %dma_start3A_84 = tpu.memref_squeeze %dma_start3A_83 : memref<1x128xi32, #tpu.memory_space<vmem>> -> memref<128xi32, #tpu.memory_space<vmem>>
    %dma_start3A_85 = arith.constant 0 : i32
    %dma_start3A_86 = arith.constant 0 : i32
    %dma_start3A_87 = tpu.memref_slice %arg2[%dma_start3A_85, %dma_start3A_86] : memref<100000x16xf32, #tpu.memory_space<hbm>> -> memref<100000x16xf32, #tpu.memory_space<hbm>>
    tpu.enqueue_indirect_dma source(%dma_start3A_87 : memref<100000x16xf32, #tpu.memory_space<hbm>>) target(%dma_start3A_81 : memref<128x16xf32, #tpu.memory_space<vmem>>) offsets(%dma_start3A_84 : memref<128xi32, #tpu.memory_space<vmem>>) semaphore(%arg11 : memref<!tpu.dma_semaphore, #tpu.memory_space<semaphore_mem>>)
    %dma_start3A_88 = arith.constant 8 : i32
    %dma_start3A_89 = arith.constant 1024 : i32
    %dma_start3A_90 = arith.constant 0 : i32
    %dma_start3A_91 = tpu.memref_slice %arg8[%dma_start3A_89, %dma_start3A_90] : memref<6400x16xf32, #tpu.memory_space<vmem>> -> memref<128x16xf32, #tpu.memory_space<vmem>>
    %dma_start3A_92 = arith.constant 0 : i32
    %dma_start3A_93 = tpu.memref_slice %arg6[%dma_start3A_88, %dma_start3A_92] : memref<50x128xi32, #tpu.memory_space<vmem>> -> memref<1x128xi32, #tpu.memory_space<vmem>>
    %dma_start3A_94 = tpu.memref_squeeze %dma_start3A_93 : memref<1x128xi32, #tpu.memory_space<vmem>> -> memref<128xi32, #tpu.memory_space<vmem>>
    %dma_start3A_95 = arith.constant 0 : i32
    %dma_start3A_96 = arith.constant 0 : i32
    %dma_start3A_97 = tpu.memref_slice %arg2[%dma_start3A_95, %dma_start3A_96] : memref<100000x16xf32, #tpu.memory_space<hbm>> -> memref<100000x16xf32, #tpu.memory_space<hbm>>
    tpu.enqueue_indirect_dma source(%dma_start3A_97 : memref<100000x16xf32, #tpu.memory_space<hbm>>) target(%dma_start3A_91 : memref<128x16xf32, #tpu.memory_space<vmem>>) offsets(%dma_start3A_94 : memref<128xi32, #tpu.memory_space<vmem>>) semaphore(%arg11 : memref<!tpu.dma_semaphore, #tpu.memory_space<semaphore_mem>>)
    %dma_start3A_98 = arith.constant 9 : i32
    %dma_start3A_99 = arith.constant 1152 : i32
    %dma_start3A_100 = arith.constant 0 : i32
    %dma_start3A_101 = tpu.memref_slice %arg8[%dma_start3A_99, %dma_start3A_100] : memref<6400x16xf32, #tpu.memory_space<vmem>> -> memref<128x16xf32, #tpu.memory_space<vmem>>
    %dma_start3A_102 = arith.constant 0 : i32
    %dma_start3A_103 = tpu.memref_slice %arg6[%dma_start3A_98, %dma_start3A_102] : memref<50x128xi32, #tpu.memory_space<vmem>> -> memref<1x128xi32, #tpu.memory_space<vmem>>
    %dma_start3A_104 = tpu.memref_squeeze %dma_start3A_103 : memref<1x128xi32, #tpu.memory_space<vmem>> -> memref<128xi32, #tpu.memory_space<vmem>>
    %dma_start3A_105 = arith.constant 0 : i32
    %dma_start3A_106 = arith.constant 0 : i32
    %dma_start3A_107 = tpu.memref_slice %arg2[%dma_start3A_105, %dma_start3A_106] : memref<100000x16xf32, #tpu.memory_space<hbm>> -> memref<100000x16xf32, #tpu.memory_space<hbm>>
    tpu.enqueue_indirect_dma source(%dma_start3A_107 : memref<100000x16xf32, #tpu.memory_space<hbm>>) target(%dma_start3A_101 : memref<128x16xf32, #tpu.memory_space<vmem>>) offsets(%dma_start3A_104 : memref<128xi32, #tpu.memory_space<vmem>>) semaphore(%arg11 : memref<!tpu.dma_semaphore, #tpu.memory_space<semaphore_mem>>)
    %dma_start3A_108 = arith.constant 10 : i32
    %dma_start3A_109 = arith.constant 1280 : i32
    %dma_start3A_110 = arith.constant 0 : i32
    %dma_start3A_111 = tpu.memref_slice %arg8[%dma_start3A_109, %dma_start3A_110] : memref<6400x16xf32, #tpu.memory_space<vmem>> -> memref<128x16xf32, #tpu.memory_space<vmem>>
    %dma_start3A_112 = arith.constant 0 : i32
    %dma_start3A_113 = tpu.memref_slice %arg6[%dma_start3A_108, %dma_start3A_112] : memref<50x128xi32, #tpu.memory_space<vmem>> -> memref<1x128xi32, #tpu.memory_space<vmem>>
    %dma_start3A_114 = tpu.memref_squeeze %dma_start3A_113 : memref<1x128xi32, #tpu.memory_space<vmem>> -> memref<128xi32, #tpu.memory_space<vmem>>
    %dma_start3A_115 = arith.constant 0 : i32
    %dma_start3A_116 = arith.constant 0 : i32
    %dma_start3A_117 = tpu.memref_slice %arg2[%dma_start3A_115, %dma_start3A_116] : memref<100000x16xf32, #tpu.memory_space<hbm>> -> memref<100000x16xf32, #tpu.memory_space<hbm>>
    tpu.enqueue_indirect_dma source(%dma_start3A_117 : memref<100000x16xf32, #tpu.memory_space<hbm>>) target(%dma_start3A_111 : memref<128x16xf32, #tpu.memory_space<vmem>>) offsets(%dma_start3A_114 : memref<128xi32, #tpu.memory_space<vmem>>) semaphore(%arg11 : memref<!tpu.dma_semaphore, #tpu.memory_space<semaphore_mem>>)
    %dma_start3A_118 = arith.constant 11 : i32
    %dma_start3A_119 = arith.constant 1408 : i32
    %dma_start3A_120 = arith.constant 0 : i32
    %dma_start3A_121 = tpu.memref_slice %arg8[%dma_start3A_119, %dma_start3A_120] : memref<6400x16xf32, #tpu.memory_space<vmem>> -> memref<128x16xf32, #tpu.memory_space<vmem>>
    %dma_start3A_122 = arith.constant 0 : i32
    %dma_start3A_123 = tpu.memref_slice %arg6[%dma_start3A_118, %dma_start3A_122] : memref<50x128xi32, #tpu.memory_space<vmem>> -> memref<1x128xi32, #tpu.memory_space<vmem>>
    %dma_start3A_124 = tpu.memref_squeeze %dma_start3A_123 : memref<1x128xi32, #tpu.memory_space<vmem>> -> memref<128xi32, #tpu.memory_space<vmem>>
    %dma_start3A_125 = arith.constant 0 : i32
    %dma_start3A_126 = arith.constant 0 : i32
    %dma_start3A_127 = tpu.memref_slice %arg2[%dma_start3A_125, %dma_start3A_126] : memref<100000x16xf32, #tpu.memory_space<hbm>> -> memref<100000x16xf32, #tpu.memory_space<hbm>>
    tpu.enqueue_indirect_dma source(%dma_start3A_127 : memref<100000x16xf32, #tpu.memory_space<hbm>>) target(%dma_start3A_121 : memref<128x16xf32, #tpu.memory_space<vmem>>) offsets(%dma_start3A_124 : memref<128xi32, #tpu.memory_space<vmem>>) semaphore(%arg11 : memref<!tpu.dma_semaphore, #tpu.memory_space<semaphore_mem>>)
    %dma_start3A_128 = arith.constant 12 : i32
    %dma_start3A_129 = arith.constant 1536 : i32
    %dma_start3A_130 = arith.constant 0 : i32
    %dma_start3A_131 = tpu.memref_slice %arg8[%dma_start3A_129, %dma_start3A_130] : memref<6400x16xf32, #tpu.memory_space<vmem>> -> memref<128x16xf32, #tpu.memory_space<vmem>>
    %dma_start3A_132 = arith.constant 0 : i32
    %dma_start3A_133 = tpu.memref_slice %arg6[%dma_start3A_128, %dma_start3A_132] : memref<50x128xi32, #tpu.memory_space<vmem>> -> memref<1x128xi32, #tpu.memory_space<vmem>>
    %dma_start3A_134 = tpu.memref_squeeze %dma_start3A_133 : memref<1x128xi32, #tpu.memory_space<vmem>> -> memref<128xi32, #tpu.memory_space<vmem>>
    %dma_start3A_135 = arith.constant 0 : i32
    %dma_start3A_136 = arith.constant 0 : i32
    %dma_start3A_137 = tpu.memref_slice %arg2[%dma_start3A_135, %dma_start3A_136] : memref<100000x16xf32, #tpu.memory_space<hbm>> -> memref<100000x16xf32, #tpu.memory_space<hbm>>
    tpu.enqueue_indirect_dma source(%dma_start3A_137 : memref<100000x16xf32, #tpu.memory_space<hbm>>) target(%dma_start3A_131 : memref<128x16xf32, #tpu.memory_space<vmem>>) offsets(%dma_start3A_134 : memref<128xi32, #tpu.memory_space<vmem>>) semaphore(%arg11 : memref<!tpu.dma_semaphore, #tpu.memory_space<semaphore_mem>>)
    %dma_start3A_138 = arith.constant 13 : i32
    %dma_start3A_139 = arith.constant 1664 : i32
    %dma_start3A_140 = arith.constant 0 : i32
    %dma_start3A_141 = tpu.memref_slice %arg8[%dma_start3A_139, %dma_start3A_140] : memref<6400x16xf32, #tpu.memory_space<vmem>> -> memref<128x16xf32, #tpu.memory_space<vmem>>
    %dma_start3A_142 = arith.constant 0 : i32
    %dma_start3A_143 = tpu.memref_slice %arg6[%dma_start3A_138, %dma_start3A_142] : memref<50x128xi32, #tpu.memory_space<vmem>> -> memref<1x128xi32, #tpu.memory_space<vmem>>
    %dma_start3A_144 = tpu.memref_squeeze %dma_start3A_143 : memref<1x128xi32, #tpu.memory_space<vmem>> -> memref<128xi32, #tpu.memory_space<vmem>>
    %dma_start3A_145 = arith.constant 0 : i32
    %dma_start3A_146 = arith.constant 0 : i32
    %dma_start3A_147 = tpu.memref_slice %arg2[%dma_start3A_145, %dma_start3A_146] : memref<100000x16xf32, #tpu.memory_space<hbm>> -> memref<100000x16xf32, #tpu.memory_space<hbm>>
    tpu.enqueue_indirect_dma source(%dma_start3A_147 : memref<100000x16xf32, #tpu.memory_space<hbm>>) target(%dma_start3A_141 : memref<128x16xf32, #tpu.memory_space<vmem>>) offsets(%dma_start3A_144 : memref<128xi32, #tpu.memory_space<vmem>>) semaphore(%arg11 : memref<!tpu.dma_semaphore, #tpu.memory_space<semaphore_mem>>)
    %dma_start3A_148 = arith.constant 14 : i32
    %dma_start3A_149 = arith.constant 1792 : i32
    %dma_start3A_150 = arith.constant 0 : i32
    %dma_start3A_151 = tpu.memref_slice %arg8[%dma_start3A_149, %dma_start3A_150] : memref<6400x16xf32, #tpu.memory_space<vmem>> -> memref<128x16xf32, #tpu.memory_space<vmem>>
    %dma_start3A_152 = arith.constant 0 : i32
    %dma_start3A_153 = tpu.memref_slice %arg6[%dma_start3A_148, %dma_start3A_152] : memref<50x128xi32, #tpu.memory_space<vmem>> -> memref<1x128xi32, #tpu.memory_space<vmem>>
    %dma_start3A_154 = tpu.memref_squeeze %dma_start3A_153 : memref<1x128xi32, #tpu.memory_space<vmem>> -> memref<128xi32, #tpu.memory_space<vmem>>
    %dma_start3A_155 = arith.constant 0 : i32
    %dma_start3A_156 = arith.constant 0 : i32
    %dma_start3A_157 = tpu.memref_slice %arg2[%dma_start3A_155, %dma_start3A_156] : memref<100000x16xf32, #tpu.memory_space<hbm>> -> memref<100000x16xf32, #tpu.memory_space<hbm>>
    tpu.enqueue_indirect_dma source(%dma_start3A_157 : memref<100000x16xf32, #tpu.memory_space<hbm>>) target(%dma_start3A_151 : memref<128x16xf32, #tpu.memory_space<vmem>>) offsets(%dma_start3A_154 : memref<128xi32, #tpu.memory_space<vmem>>) semaphore(%arg11 : memref<!tpu.dma_semaphore, #tpu.memory_space<semaphore_mem>>)
    %dma_start3A_158 = arith.constant 15 : i32
    %dma_start3A_159 = arith.constant 1920 : i32
    %dma_start3A_160 = arith.constant 0 : i32
    %dma_start3A_161 = tpu.memref_slice %arg8[%dma_start3A_159, %dma_start3A_160] : memref<6400x16xf32, #tpu.memory_space<vmem>> -> memref<128x16xf32, #tpu.memory_space<vmem>>
    %dma_start3A_162 = arith.constant 0 : i32
    %dma_start3A_163 = tpu.memref_slice %arg6[%dma_start3A_158, %dma_start3A_162] : memref<50x128xi32, #tpu.memory_space<vmem>> -> memref<1x128xi32, #tpu.memory_space<vmem>>
    %dma_start3A_164 = tpu.memref_squeeze %dma_start3A_163 : memref<1x128xi32, #tpu.memory_space<vmem>> -> memref<128xi32, #tpu.memory_space<vmem>>
    %dma_start3A_165 = arith.constant 0 : i32
    %dma_start3A_166 = arith.constant 0 : i32
    %dma_start3A_167 = tpu.memref_slice %arg2[%dma_start3A_165, %dma_start3A_166] : memref<100000x16xf32, #tpu.memory_space<hbm>> -> memref<100000x16xf32, #tpu.memory_space<hbm>>
    tpu.enqueue_indirect_dma source(%dma_start3A_167 : memref<100000x16xf32, #tpu.memory_space<hbm>>) target(%dma_start3A_161 : memref<128x16xf32, #tpu.memory_space<vmem>>) offsets(%dma_start3A_164 : memref<128xi32, #tpu.memory_space<vmem>>) semaphore(%arg11 : memref<!tpu.dma_semaphore, #tpu.memory_space<semaphore_mem>>)
    %dma_start3A_168 = arith.constant 16 : i32
    %dma_start3A_169 = arith.constant 2048 : i32
    %dma_start3A_170 = arith.constant 0 : i32
    %dma_start3A_171 = tpu.memref_slice %arg8[%dma_start3A_169, %dma_start3A_170] : memref<6400x16xf32, #tpu.memory_space<vmem>> -> memref<128x16xf32, #tpu.memory_space<vmem>>
    %dma_start3A_172 = arith.constant 0 : i32
    %dma_start3A_173 = tpu.memref_slice %arg6[%dma_start3A_168, %dma_start3A_172] : memref<50x128xi32, #tpu.memory_space<vmem>> -> memref<1x128xi32, #tpu.memory_space<vmem>>
    %dma_start3A_174 = tpu.memref_squeeze %dma_start3A_173 : memref<1x128xi32, #tpu.memory_space<vmem>> -> memref<128xi32, #tpu.memory_space<vmem>>
    %dma_start3A_175 = arith.constant 0 : i32
    %dma_start3A_176 = arith.constant 0 : i32
    %dma_start3A_177 = tpu.memref_slice %arg2[%dma_start3A_175, %dma_start3A_176] : memref<100000x16xf32, #tpu.memory_space<hbm>> -> memref<100000x16xf32, #tpu.memory_space<hbm>>
    tpu.enqueue_indirect_dma source(%dma_start3A_177 : memref<100000x16xf32, #tpu.memory_space<hbm>>) target(%dma_start3A_171 : memref<128x16xf32, #tpu.memory_space<vmem>>) offsets(%dma_start3A_174 : memref<128xi32, #tpu.memory_space<vmem>>) semaphore(%arg11 : memref<!tpu.dma_semaphore, #tpu.memory_space<semaphore_mem>>)
    %dma_start3A_178 = arith.constant 17 : i32
    %dma_start3A_179 = arith.constant 2176 : i32
    %dma_start3A_180 = arith.constant 0 : i32
    %dma_start3A_181 = tpu.memref_slice %arg8[%dma_start3A_179, %dma_start3A_180] : memref<6400x16xf32, #tpu.memory_space<vmem>> -> memref<128x16xf32, #tpu.memory_space<vmem>>
    %dma_start3A_182 = arith.constant 0 : i32
    %dma_start3A_183 = tpu.memref_slice %arg6[%dma_start3A_178, %dma_start3A_182] : memref<50x128xi32, #tpu.memory_space<vmem>> -> memref<1x128xi32, #tpu.memory_space<vmem>>
    %dma_start3A_184 = tpu.memref_squeeze %dma_start3A_183 : memref<1x128xi32, #tpu.memory_space<vmem>> -> memref<128xi32, #tpu.memory_space<vmem>>
    %dma_start3A_185 = arith.constant 0 : i32
    %dma_start3A_186 = arith.constant 0 : i32
    %dma_start3A_187 = tpu.memref_slice %arg2[%dma_start3A_185, %dma_start3A_186] : memref<100000x16xf32, #tpu.memory_space<hbm>> -> memref<100000x16xf32, #tpu.memory_space<hbm>>
    tpu.enqueue_indirect_dma source(%dma_start3A_187 : memref<100000x16xf32, #tpu.memory_space<hbm>>) target(%dma_start3A_181 : memref<128x16xf32, #tpu.memory_space<vmem>>) offsets(%dma_start3A_184 : memref<128xi32, #tpu.memory_space<vmem>>) semaphore(%arg11 : memref<!tpu.dma_semaphore, #tpu.memory_space<semaphore_mem>>)
    %dma_start3A_188 = arith.constant 18 : i32
    %dma_start3A_189 = arith.constant 2304 : i32
    %dma_start3A_190 = arith.constant 0 : i32
    %dma_start3A_191 = tpu.memref_slice %arg8[%dma_start3A_189, %dma_start3A_190] : memref<6400x16xf32, #tpu.memory_space<vmem>> -> memref<128x16xf32, #tpu.memory_space<vmem>>
    %dma_start3A_192 = arith.constant 0 : i32
    %dma_start3A_193 = tpu.memref_slice %arg6[%dma_start3A_188, %dma_start3A_192] : memref<50x128xi32, #tpu.memory_space<vmem>> -> memref<1x128xi32, #tpu.memory_space<vmem>>
    %dma_start3A_194 = tpu.memref_squeeze %dma_start3A_193 : memref<1x128xi32, #tpu.memory_space<vmem>> -> memref<128xi32, #tpu.memory_space<vmem>>
    %dma_start3A_195 = arith.constant 0 : i32
    %dma_start3A_196 = arith.constant 0 : i32
    %dma_start3A_197 = tpu.memref_slice %arg2[%dma_start3A_195, %dma_start3A_196] : memref<100000x16xf32, #tpu.memory_space<hbm>> -> memref<100000x16xf32, #tpu.memory_space<hbm>>
    tpu.enqueue_indirect_dma source(%dma_start3A_197 : memref<100000x16xf32, #tpu.memory_space<hbm>>) target(%dma_start3A_191 : memref<128x16xf32, #tpu.memory_space<vmem>>) offsets(%dma_start3A_194 : memref<128xi32, #tpu.memory_space<vmem>>) semaphore(%arg11 : memref<!tpu.dma_semaphore, #tpu.memory_space<semaphore_mem>>)
    %dma_start3A_198 = arith.constant 19 : i32
    %dma_start3A_199 = arith.constant 2432 : i32
    %dma_start3A_200 = arith.constant 0 : i32
    %dma_start3A_201 = tpu.memref_slice %arg8[%dma_start3A_199, %dma_start3A_200] : memref<6400x16xf32, #tpu.memory_space<vmem>> -> memref<128x16xf32, #tpu.memory_space<vmem>>
    %dma_start3A_202 = arith.constant 0 : i32
    %dma_start3A_203 = tpu.memref_slice %arg6[%dma_start3A_198, %dma_start3A_202] : memref<50x128xi32, #tpu.memory_space<vmem>> -> memref<1x128xi32, #tpu.memory_space<vmem>>
    %dma_start3A_204 = tpu.memref_squeeze %dma_start3A_203 : memref<1x128xi32, #tpu.memory_space<vmem>> -> memref<128xi32, #tpu.memory_space<vmem>>
    %dma_start3A_205 = arith.constant 0 : i32
    %dma_start3A_206 = arith.constant 0 : i32
    %dma_start3A_207 = tpu.memref_slice %arg2[%dma_start3A_205, %dma_start3A_206] : memref<100000x16xf32, #tpu.memory_space<hbm>> -> memref<100000x16xf32, #tpu.memory_space<hbm>>
    tpu.enqueue_indirect_dma source(%dma_start3A_207 : memref<100000x16xf32, #tpu.memory_space<hbm>>) target(%dma_start3A_201 : memref<128x16xf32, #tpu.memory_space<vmem>>) offsets(%dma_start3A_204 : memref<128xi32, #tpu.memory_space<vmem>>) semaphore(%arg11 : memref<!tpu.dma_semaphore, #tpu.memory_space<semaphore_mem>>)
    %dma_start3A_208 = arith.constant 20 : i32
    %dma_start3A_209 = arith.constant 2560 : i32
    %dma_start3A_210 = arith.constant 0 : i32
    %dma_start3A_211 = tpu.memref_slice %arg8[%dma_start3A_209, %dma_start3A_210] : memref<6400x16xf32, #tpu.memory_space<vmem>> -> memref<128x16xf32, #tpu.memory_space<vmem>>
    %dma_start3A_212 = arith.constant 0 : i32
    %dma_start3A_213 = tpu.memref_slice %arg6[%dma_start3A_208, %dma_start3A_212] : memref<50x128xi32, #tpu.memory_space<vmem>> -> memref<1x128xi32, #tpu.memory_space<vmem>>
    %dma_start3A_214 = tpu.memref_squeeze %dma_start3A_213 : memref<1x128xi32, #tpu.memory_space<vmem>> -> memref<128xi32, #tpu.memory_space<vmem>>
    %dma_start3A_215 = arith.constant 0 : i32
    %dma_start3A_216 = arith.constant 0 : i32
    %dma_start3A_217 = tpu.memref_slice %arg2[%dma_start3A_215, %dma_start3A_216] : memref<100000x16xf32, #tpu.memory_space<hbm>> -> memref<100000x16xf32, #tpu.memory_space<hbm>>
    tpu.enqueue_indirect_dma source(%dma_start3A_217 : memref<100000x16xf32, #tpu.memory_space<hbm>>) target(%dma_start3A_211 : memref<128x16xf32, #tpu.memory_space<vmem>>) offsets(%dma_start3A_214 : memref<128xi32, #tpu.memory_space<vmem>>) semaphore(%arg11 : memref<!tpu.dma_semaphore, #tpu.memory_space<semaphore_mem>>)
    %dma_start3A_218 = arith.constant 21 : i32
    %dma_start3A_219 = arith.constant 2688 : i32
    %dma_start3A_220 = arith.constant 0 : i32
    %dma_start3A_221 = tpu.memref_slice %arg8[%dma_start3A_219, %dma_start3A_220] : memref<6400x16xf32, #tpu.memory_space<vmem>> -> memref<128x16xf32, #tpu.memory_space<vmem>>
    %dma_start3A_222 = arith.constant 0 : i32
    %dma_start3A_223 = tpu.memref_slice %arg6[%dma_start3A_218, %dma_start3A_222] : memref<50x128xi32, #tpu.memory_space<vmem>> -> memref<1x128xi32, #tpu.memory_space<vmem>>
    %dma_start3A_224 = tpu.memref_squeeze %dma_start3A_223 : memref<1x128xi32, #tpu.memory_space<vmem>> -> memref<128xi32, #tpu.memory_space<vmem>>
    %dma_start3A_225 = arith.constant 0 : i32
    %dma_start3A_226 = arith.constant 0 : i32
    %dma_start3A_227 = tpu.memref_slice %arg2[%dma_start3A_225, %dma_start3A_226] : memref<100000x16xf32, #tpu.memory_space<hbm>> -> memref<100000x16xf32, #tpu.memory_space<hbm>>
    tpu.enqueue_indirect_dma source(%dma_start3A_227 : memref<100000x16xf32, #tpu.memory_space<hbm>>) target(%dma_start3A_221 : memref<128x16xf32, #tpu.memory_space<vmem>>) offsets(%dma_start3A_224 : memref<128xi32, #tpu.memory_space<vmem>>) semaphore(%arg11 : memref<!tpu.dma_semaphore, #tpu.memory_space<semaphore_mem>>)
    %dma_start3A_228 = arith.constant 22 : i32
    %dma_start3A_229 = arith.constant 2816 : i32
    %dma_start3A_230 = arith.constant 0 : i32
    %dma_start3A_231 = tpu.memref_slice %arg8[%dma_start3A_229, %dma_start3A_230] : memref<6400x16xf32, #tpu.memory_space<vmem>> -> memref<128x16xf32, #tpu.memory_space<vmem>>
    %dma_start3A_232 = arith.constant 0 : i32
    %dma_start3A_233 = tpu.memref_slice %arg6[%dma_start3A_228, %dma_start3A_232] : memref<50x128xi32, #tpu.memory_space<vmem>> -> memref<1x128xi32, #tpu.memory_space<vmem>>
    %dma_start3A_234 = tpu.memref_squeeze %dma_start3A_233 : memref<1x128xi32, #tpu.memory_space<vmem>> -> memref<128xi32, #tpu.memory_space<vmem>>
    %dma_start3A_235 = arith.constant 0 : i32
    %dma_start3A_236 = arith.constant 0 : i32
    %dma_start3A_237 = tpu.memref_slice %arg2[%dma_start3A_235, %dma_start3A_236] : memref<100000x16xf32, #tpu.memory_space<hbm>> -> memref<100000x16xf32, #tpu.memory_space<hbm>>
    tpu.enqueue_indirect_dma source(%dma_start3A_237 : memref<100000x16xf32, #tpu.memory_space<hbm>>) target(%dma_start3A_231 : memref<128x16xf32, #tpu.memory_space<vmem>>) offsets(%dma_start3A_234 : memref<128xi32, #tpu.memory_space<vmem>>) semaphore(%arg11 : memref<!tpu.dma_semaphore, #tpu.memory_space<semaphore_mem>>)
    %dma_start3A_238 = arith.constant 23 : i32
    %dma_start3A_239 = arith.constant 2944 : i32
    %dma_start3A_240 = arith.constant 0 : i32
    %dma_start3A_241 = tpu.memref_slice %arg8[%dma_start3A_239, %dma_start3A_240] : memref<6400x16xf32, #tpu.memory_space<vmem>> -> memref<128x16xf32, #tpu.memory_space<vmem>>
    %dma_start3A_242 = arith.constant 0 : i32
    %dma_start3A_243 = tpu.memref_slice %arg6[%dma_start3A_238, %dma_start3A_242] : memref<50x128xi32, #tpu.memory_space<vmem>> -> memref<1x128xi32, #tpu.memory_space<vmem>>
    %dma_start3A_244 = tpu.memref_squeeze %dma_start3A_243 : memref<1x128xi32, #tpu.memory_space<vmem>> -> memref<128xi32, #tpu.memory_space<vmem>>
    %dma_start3A_245 = arith.constant 0 : i32
    %dma_start3A_246 = arith.constant 0 : i32
    %dma_start3A_247 = tpu.memref_slice %arg2[%dma_start3A_245, %dma_start3A_246] : memref<100000x16xf32, #tpu.memory_space<hbm>> -> memref<100000x16xf32, #tpu.memory_space<hbm>>
    tpu.enqueue_indirect_dma source(%dma_start3A_247 : memref<100000x16xf32, #tpu.memory_space<hbm>>) target(%dma_start3A_241 : memref<128x16xf32, #tpu.memory_space<vmem>>) offsets(%dma_start3A_244 : memref<128xi32, #tpu.memory_space<vmem>>) semaphore(%arg11 : memref<!tpu.dma_semaphore, #tpu.memory_space<semaphore_mem>>)
    %dma_start3A_248 = arith.constant 24 : i32
    %dma_start3A_249 = arith.constant 3072 : i32
    %dma_start3A_250 = arith.constant 0 : i32
    %dma_start3A_251 = tpu.memref_slice %arg8[%dma_start3A_249, %dma_start3A_250] : memref<6400x16xf32, #tpu.memory_space<vmem>> -> memref<128x16xf32, #tpu.memory_space<vmem>>
    %dma_start3A_252 = arith.constant 0 : i32
    %dma_start3A_253 = tpu.memref_slice %arg6[%dma_start3A_248, %dma_start3A_252] : memref<50x128xi32, #tpu.memory_space<vmem>> -> memref<1x128xi32, #tpu.memory_space<vmem>>
    %dma_start3A_254 = tpu.memref_squeeze %dma_start3A_253 : memref<1x128xi32, #tpu.memory_space<vmem>> -> memref<128xi32, #tpu.memory_space<vmem>>
    %dma_start3A_255 = arith.constant 0 : i32
    %dma_start3A_256 = arith.constant 0 : i32
    %dma_start3A_257 = tpu.memref_slice %arg2[%dma_start3A_255, %dma_start3A_256] : memref<100000x16xf32, #tpu.memory_space<hbm>> -> memref<100000x16xf32, #tpu.memory_space<hbm>>
    tpu.enqueue_indirect_dma source(%dma_start3A_257 : memref<100000x16xf32, #tpu.memory_space<hbm>>) target(%dma_start3A_251 : memref<128x16xf32, #tpu.memory_space<vmem>>) offsets(%dma_start3A_254 : memref<128xi32, #tpu.memory_space<vmem>>) semaphore(%arg11 : memref<!tpu.dma_semaphore, #tpu.memory_space<semaphore_mem>>)
    %dma_start3A_258 = arith.constant 25 : i32
    %dma_start3A_259 = arith.constant 3200 : i32
    %dma_start3A_260 = arith.constant 0 : i32
    %dma_start3A_261 = tpu.memref_slice %arg8[%dma_start3A_259, %dma_start3A_260] : memref<6400x16xf32, #tpu.memory_space<vmem>> -> memref<128x16xf32, #tpu.memory_space<vmem>>
    %dma_start3A_262 = arith.constant 0 : i32
    %dma_start3A_263 = tpu.memref_slice %arg6[%dma_start3A_258, %dma_start3A_262] : memref<50x128xi32, #tpu.memory_space<vmem>> -> memref<1x128xi32, #tpu.memory_space<vmem>>
    %dma_start3A_264 = tpu.memref_squeeze %dma_start3A_263 : memref<1x128xi32, #tpu.memory_space<vmem>> -> memref<128xi32, #tpu.memory_space<vmem>>
    %dma_start3A_265 = arith.constant 0 : i32
    %dma_start3A_266 = arith.constant 0 : i32
    %dma_start3A_267 = tpu.memref_slice %arg2[%dma_start3A_265, %dma_start3A_266] : memref<100000x16xf32, #tpu.memory_space<hbm>> -> memref<100000x16xf32, #tpu.memory_space<hbm>>
    tpu.enqueue_indirect_dma source(%dma_start3A_267 : memref<100000x16xf32, #tpu.memory_space<hbm>>) target(%dma_start3A_261 : memref<128x16xf32, #tpu.memory_space<vmem>>) offsets(%dma_start3A_264 : memref<128xi32, #tpu.memory_space<vmem>>) semaphore(%arg11 : memref<!tpu.dma_semaphore, #tpu.memory_space<semaphore_mem>>)
    %dma_start3A_268 = arith.constant 26 : i32
    %dma_start3A_269 = arith.constant 3328 : i32
    %dma_start3A_270 = arith.constant 0 : i32
    %dma_start3A_271 = tpu.memref_slice %arg8[%dma_start3A_269, %dma_start3A_270] : memref<6400x16xf32, #tpu.memory_space<vmem>> -> memref<128x16xf32, #tpu.memory_space<vmem>>
    %dma_start3A_272 = arith.constant 0 : i32
    %dma_start3A_273 = tpu.memref_slice %arg6[%dma_start3A_268, %dma_start3A_272] : memref<50x128xi32, #tpu.memory_space<vmem>> -> memref<1x128xi32, #tpu.memory_space<vmem>>
    %dma_start3A_274 = tpu.memref_squeeze %dma_start3A_273 : memref<1x128xi32, #tpu.memory_space<vmem>> -> memref<128xi32, #tpu.memory_space<vmem>>
    %dma_start3A_275 = arith.constant 0 : i32
    %dma_start3A_276 = arith.constant 0 : i32
    %dma_start3A_277 = tpu.memref_slice %arg2[%dma_start3A_275, %dma_start3A_276] : memref<100000x16xf32, #tpu.memory_space<hbm>> -> memref<100000x16xf32, #tpu.memory_space<hbm>>
    tpu.enqueue_indirect_dma source(%dma_start3A_277 : memref<100000x16xf32, #tpu.memory_space<hbm>>) target(%dma_start3A_271 : memref<128x16xf32, #tpu.memory_space<vmem>>) offsets(%dma_start3A_274 : memref<128xi32, #tpu.memory_space<vmem>>) semaphore(%arg11 : memref<!tpu.dma_semaphore, #tpu.memory_space<semaphore_mem>>)
    %dma_start3A_278 = arith.constant 27 : i32
    %dma_start3A_279 = arith.constant 3456 : i32
    %dma_start3A_280 = arith.constant 0 : i32
    %dma_start3A_281 = tpu.memref_slice %arg8[%dma_start3A_279, %dma_start3A_280] : memref<6400x16xf32, #tpu.memory_space<vmem>> -> memref<128x16xf32, #tpu.memory_space<vmem>>
    %dma_start3A_282 = arith.constant 0 : i32
    %dma_start3A_283 = tpu.memref_slice %arg6[%dma_start3A_278, %dma_start3A_282] : memref<50x128xi32, #tpu.memory_space<vmem>> -> memref<1x128xi32, #tpu.memory_space<vmem>>
    %dma_start3A_284 = tpu.memref_squeeze %dma_start3A_283 : memref<1x128xi32, #tpu.memory_space<vmem>> -> memref<128xi32, #tpu.memory_space<vmem>>
    %dma_start3A_285 = arith.constant 0 : i32
    %dma_start3A_286 = arith.constant 0 : i32
    %dma_start3A_287 = tpu.memref_slice %arg2[%dma_start3A_285, %dma_start3A_286] : memref<100000x16xf32, #tpu.memory_space<hbm>> -> memref<100000x16xf32, #tpu.memory_space<hbm>>
    tpu.enqueue_indirect_dma source(%dma_start3A_287 : memref<100000x16xf32, #tpu.memory_space<hbm>>) target(%dma_start3A_281 : memref<128x16xf32, #tpu.memory_space<vmem>>) offsets(%dma_start3A_284 : memref<128xi32, #tpu.memory_space<vmem>>) semaphore(%arg11 : memref<!tpu.dma_semaphore, #tpu.memory_space<semaphore_mem>>)
    %dma_start3A_288 = arith.constant 28 : i32
    %dma_start3A_289 = arith.constant 3584 : i32
    %dma_start3A_290 = arith.constant 0 : i32
    %dma_start3A_291 = tpu.memref_slice %arg8[%dma_start3A_289, %dma_start3A_290] : memref<6400x16xf32, #tpu.memory_space<vmem>> -> memref<128x16xf32, #tpu.memory_space<vmem>>
    %dma_start3A_292 = arith.constant 0 : i32
    %dma_start3A_293 = tpu.memref_slice %arg6[%dma_start3A_288, %dma_start3A_292] : memref<50x128xi32, #tpu.memory_space<vmem>> -> memref<1x128xi32, #tpu.memory_space<vmem>>
    %dma_start3A_294 = tpu.memref_squeeze %dma_start3A_293 : memref<1x128xi32, #tpu.memory_space<vmem>> -> memref<128xi32, #tpu.memory_space<vmem>>
    %dma_start3A_295 = arith.constant 0 : i32
    %dma_start3A_296 = arith.constant 0 : i32
    %dma_start3A_297 = tpu.memref_slice %arg2[%dma_start3A_295, %dma_start3A_296] : memref<100000x16xf32, #tpu.memory_space<hbm>> -> memref<100000x16xf32, #tpu.memory_space<hbm>>
    tpu.enqueue_indirect_dma source(%dma_start3A_297 : memref<100000x16xf32, #tpu.memory_space<hbm>>) target(%dma_start3A_291 : memref<128x16xf32, #tpu.memory_space<vmem>>) offsets(%dma_start3A_294 : memref<128xi32, #tpu.memory_space<vmem>>) semaphore(%arg11 : memref<!tpu.dma_semaphore, #tpu.memory_space<semaphore_mem>>)
    %dma_start3A_298 = arith.constant 29 : i32
    %dma_start3A_299 = arith.constant 3712 : i32
    %dma_start3A_300 = arith.constant 0 : i32
    %dma_start3A_301 = tpu.memref_slice %arg8[%dma_start3A_299, %dma_start3A_300] : memref<6400x16xf32, #tpu.memory_space<vmem>> -> memref<128x16xf32, #tpu.memory_space<vmem>>
    %dma_start3A_302 = arith.constant 0 : i32
    %dma_start3A_303 = tpu.memref_slice %arg6[%dma_start3A_298, %dma_start3A_302] : memref<50x128xi32, #tpu.memory_space<vmem>> -> memref<1x128xi32, #tpu.memory_space<vmem>>
    %dma_start3A_304 = tpu.memref_squeeze %dma_start3A_303 : memref<1x128xi32, #tpu.memory_space<vmem>> -> memref<128xi32, #tpu.memory_space<vmem>>
    %dma_start3A_305 = arith.constant 0 : i32
    %dma_start3A_306 = arith.constant 0 : i32
    %dma_start3A_307 = tpu.memref_slice %arg2[%dma_start3A_305, %dma_start3A_306] : memref<100000x16xf32, #tpu.memory_space<hbm>> -> memref<100000x16xf32, #tpu.memory_space<hbm>>
    tpu.enqueue_indirect_dma source(%dma_start3A_307 : memref<100000x16xf32, #tpu.memory_space<hbm>>) target(%dma_start3A_301 : memref<128x16xf32, #tpu.memory_space<vmem>>) offsets(%dma_start3A_304 : memref<128xi32, #tpu.memory_space<vmem>>) semaphore(%arg11 : memref<!tpu.dma_semaphore, #tpu.memory_space<semaphore_mem>>)
    %dma_start3A_308 = arith.constant 30 : i32
    %dma_start3A_309 = arith.constant 3840 : i32
    %dma_start3A_310 = arith.constant 0 : i32
    %dma_start3A_311 = tpu.memref_slice %arg8[%dma_start3A_309, %dma_start3A_310] : memref<6400x16xf32, #tpu.memory_space<vmem>> -> memref<128x16xf32, #tpu.memory_space<vmem>>
    %dma_start3A_312 = arith.constant 0 : i32
    %dma_start3A_313 = tpu.memref_slice %arg6[%dma_start3A_308, %dma_start3A_312] : memref<50x128xi32, #tpu.memory_space<vmem>> -> memref<1x128xi32, #tpu.memory_space<vmem>>
    %dma_start3A_314 = tpu.memref_squeeze %dma_start3A_313 : memref<1x128xi32, #tpu.memory_space<vmem>> -> memref<128xi32, #tpu.memory_space<vmem>>
    %dma_start3A_315 = arith.constant 0 : i32
    %dma_start3A_316 = arith.constant 0 : i32
    %dma_start3A_317 = tpu.memref_slice %arg2[%dma_start3A_315, %dma_start3A_316] : memref<100000x16xf32, #tpu.memory_space<hbm>> -> memref<100000x16xf32, #tpu.memory_space<hbm>>
    tpu.enqueue_indirect_dma source(%dma_start3A_317 : memref<100000x16xf32, #tpu.memory_space<hbm>>) target(%dma_start3A_311 : memref<128x16xf32, #tpu.memory_space<vmem>>) offsets(%dma_start3A_314 : memref<128xi32, #tpu.memory_space<vmem>>) semaphore(%arg11 : memref<!tpu.dma_semaphore, #tpu.memory_space<semaphore_mem>>)
    %dma_start3A_318 = arith.constant 31 : i32
    %dma_start3A_319 = arith.constant 3968 : i32
    %dma_start3A_320 = arith.constant 0 : i32
    %dma_start3A_321 = tpu.memref_slice %arg8[%dma_start3A_319, %dma_start3A_320] : memref<6400x16xf32, #tpu.memory_space<vmem>> -> memref<128x16xf32, #tpu.memory_space<vmem>>
    %dma_start3A_322 = arith.constant 0 : i32
    %dma_start3A_323 = tpu.memref_slice %arg6[%dma_start3A_318, %dma_start3A_322] : memref<50x128xi32, #tpu.memory_space<vmem>> -> memref<1x128xi32, #tpu.memory_space<vmem>>
    %dma_start3A_324 = tpu.memref_squeeze %dma_start3A_323 : memref<1x128xi32, #tpu.memory_space<vmem>> -> memref<128xi32, #tpu.memory_space<vmem>>
    %dma_start3A_325 = arith.constant 0 : i32
    %dma_start3A_326 = arith.constant 0 : i32
    %dma_start3A_327 = tpu.memref_slice %arg2[%dma_start3A_325, %dma_start3A_326] : memref<100000x16xf32, #tpu.memory_space<hbm>> -> memref<100000x16xf32, #tpu.memory_space<hbm>>
    tpu.enqueue_indirect_dma source(%dma_start3A_327 : memref<100000x16xf32, #tpu.memory_space<hbm>>) target(%dma_start3A_321 : memref<128x16xf32, #tpu.memory_space<vmem>>) offsets(%dma_start3A_324 : memref<128xi32, #tpu.memory_space<vmem>>) semaphore(%arg11 : memref<!tpu.dma_semaphore, #tpu.memory_space<semaphore_mem>>)
    %dma_start3A_328 = arith.constant 32 : i32
    %dma_start3A_329 = arith.constant 4096 : i32
    %dma_start3A_330 = arith.constant 0 : i32
    %dma_start3A_331 = tpu.memref_slice %arg8[%dma_start3A_329, %dma_start3A_330] : memref<6400x16xf32, #tpu.memory_space<vmem>> -> memref<128x16xf32, #tpu.memory_space<vmem>>
    %dma_start3A_332 = arith.constant 0 : i32
    %dma_start3A_333 = tpu.memref_slice %arg6[%dma_start3A_328, %dma_start3A_332] : memref<50x128xi32, #tpu.memory_space<vmem>> -> memref<1x128xi32, #tpu.memory_space<vmem>>
    %dma_start3A_334 = tpu.memref_squeeze %dma_start3A_333 : memref<1x128xi32, #tpu.memory_space<vmem>> -> memref<128xi32, #tpu.memory_space<vmem>>
    %dma_start3A_335 = arith.constant 0 : i32
    %dma_start3A_336 = arith.constant 0 : i32
    %dma_start3A_337 = tpu.memref_slice %arg2[%dma_start3A_335, %dma_start3A_336] : memref<100000x16xf32, #tpu.memory_space<hbm>> -> memref<100000x16xf32, #tpu.memory_space<hbm>>
    tpu.enqueue_indirect_dma source(%dma_start3A_337 : memref<100000x16xf32, #tpu.memory_space<hbm>>) target(%dma_start3A_331 : memref<128x16xf32, #tpu.memory_space<vmem>>) offsets(%dma_start3A_334 : memref<128xi32, #tpu.memory_space<vmem>>) semaphore(%arg11 : memref<!tpu.dma_semaphore, #tpu.memory_space<semaphore_mem>>)
    %dma_start3A_338 = arith.constant 33 : i32
    %dma_start3A_339 = arith.constant 4224 : i32
    %dma_start3A_340 = arith.constant 0 : i32
    %dma_start3A_341 = tpu.memref_slice %arg8[%dma_start3A_339, %dma_start3A_340] : memref<6400x16xf32, #tpu.memory_space<vmem>> -> memref<128x16xf32, #tpu.memory_space<vmem>>
    %dma_start3A_342 = arith.constant 0 : i32
    %dma_start3A_343 = tpu.memref_slice %arg6[%dma_start3A_338, %dma_start3A_342] : memref<50x128xi32, #tpu.memory_space<vmem>> -> memref<1x128xi32, #tpu.memory_space<vmem>>
    %dma_start3A_344 = tpu.memref_squeeze %dma_start3A_343 : memref<1x128xi32, #tpu.memory_space<vmem>> -> memref<128xi32, #tpu.memory_space<vmem>>
    %dma_start3A_345 = arith.constant 0 : i32
    %dma_start3A_346 = arith.constant 0 : i32
    %dma_start3A_347 = tpu.memref_slice %arg2[%dma_start3A_345, %dma_start3A_346] : memref<100000x16xf32, #tpu.memory_space<hbm>> -> memref<100000x16xf32, #tpu.memory_space<hbm>>
    tpu.enqueue_indirect_dma source(%dma_start3A_347 : memref<100000x16xf32, #tpu.memory_space<hbm>>) target(%dma_start3A_341 : memref<128x16xf32, #tpu.memory_space<vmem>>) offsets(%dma_start3A_344 : memref<128xi32, #tpu.memory_space<vmem>>) semaphore(%arg11 : memref<!tpu.dma_semaphore, #tpu.memory_space<semaphore_mem>>)
    %dma_start3A_348 = arith.constant 34 : i32
    %dma_start3A_349 = arith.constant 4352 : i32
    %dma_start3A_350 = arith.constant 0 : i32
    %dma_start3A_351 = tpu.memref_slice %arg8[%dma_start3A_349, %dma_start3A_350] : memref<6400x16xf32, #tpu.memory_space<vmem>> -> memref<128x16xf32, #tpu.memory_space<vmem>>
    %dma_start3A_352 = arith.constant 0 : i32
    %dma_start3A_353 = tpu.memref_slice %arg6[%dma_start3A_348, %dma_start3A_352] : memref<50x128xi32, #tpu.memory_space<vmem>> -> memref<1x128xi32, #tpu.memory_space<vmem>>
    %dma_start3A_354 = tpu.memref_squeeze %dma_start3A_353 : memref<1x128xi32, #tpu.memory_space<vmem>> -> memref<128xi32, #tpu.memory_space<vmem>>
    %dma_start3A_355 = arith.constant 0 : i32
    %dma_start3A_356 = arith.constant 0 : i32
    %dma_start3A_357 = tpu.memref_slice %arg2[%dma_start3A_355, %dma_start3A_356] : memref<100000x16xf32, #tpu.memory_space<hbm>> -> memref<100000x16xf32, #tpu.memory_space<hbm>>
    tpu.enqueue_indirect_dma source(%dma_start3A_357 : memref<100000x16xf32, #tpu.memory_space<hbm>>) target(%dma_start3A_351 : memref<128x16xf32, #tpu.memory_space<vmem>>) offsets(%dma_start3A_354 : memref<128xi32, #tpu.memory_space<vmem>>) semaphore(%arg11 : memref<!tpu.dma_semaphore, #tpu.memory_space<semaphore_mem>>)
    %dma_start3A_358 = arith.constant 35 : i32
    %dma_start3A_359 = arith.constant 4480 : i32
    %dma_start3A_360 = arith.constant 0 : i32
    %dma_start3A_361 = tpu.memref_slice %arg8[%dma_start3A_359, %dma_start3A_360] : memref<6400x16xf32, #tpu.memory_space<vmem>> -> memref<128x16xf32, #tpu.memory_space<vmem>>
    %dma_start3A_362 = arith.constant 0 : i32
    %dma_start3A_363 = tpu.memref_slice %arg6[%dma_start3A_358, %dma_start3A_362] : memref<50x128xi32, #tpu.memory_space<vmem>> -> memref<1x128xi32, #tpu.memory_space<vmem>>
    %dma_start3A_364 = tpu.memref_squeeze %dma_start3A_363 : memref<1x128xi32, #tpu.memory_space<vmem>> -> memref<128xi32, #tpu.memory_space<vmem>>
    %dma_start3A_365 = arith.constant 0 : i32
    %dma_start3A_366 = arith.constant 0 : i32
    %dma_start3A_367 = tpu.memref_slice %arg2[%dma_start3A_365, %dma_start3A_366] : memref<100000x16xf32, #tpu.memory_space<hbm>> -> memref<100000x16xf32, #tpu.memory_space<hbm>>
    tpu.enqueue_indirect_dma source(%dma_start3A_367 : memref<100000x16xf32, #tpu.memory_space<hbm>>) target(%dma_start3A_361 : memref<128x16xf32, #tpu.memory_space<vmem>>) offsets(%dma_start3A_364 : memref<128xi32, #tpu.memory_space<vmem>>) semaphore(%arg11 : memref<!tpu.dma_semaphore, #tpu.memory_space<semaphore_mem>>)
    %dma_start3A_368 = arith.constant 36 : i32
    %dma_start3A_369 = arith.constant 4608 : i32
    %dma_start3A_370 = arith.constant 0 : i32
    %dma_start3A_371 = tpu.memref_slice %arg8[%dma_start3A_369, %dma_start3A_370] : memref<6400x16xf32, #tpu.memory_space<vmem>> -> memref<128x16xf32, #tpu.memory_space<vmem>>
    %dma_start3A_372 = arith.constant 0 : i32
    %dma_start3A_373 = tpu.memref_slice %arg6[%dma_start3A_368, %dma_start3A_372] : memref<50x128xi32, #tpu.memory_space<vmem>> -> memref<1x128xi32, #tpu.memory_space<vmem>>
    %dma_start3A_374 = tpu.memref_squeeze %dma_start3A_373 : memref<1x128xi32, #tpu.memory_space<vmem>> -> memref<128xi32, #tpu.memory_space<vmem>>
    %dma_start3A_375 = arith.constant 0 : i32
    %dma_start3A_376 = arith.constant 0 : i32
    %dma_start3A_377 = tpu.memref_slice %arg2[%dma_start3A_375, %dma_start3A_376] : memref<100000x16xf32, #tpu.memory_space<hbm>> -> memref<100000x16xf32, #tpu.memory_space<hbm>>
    tpu.enqueue_indirect_dma source(%dma_start3A_377 : memref<100000x16xf32, #tpu.memory_space<hbm>>) target(%dma_start3A_371 : memref<128x16xf32, #tpu.memory_space<vmem>>) offsets(%dma_start3A_374 : memref<128xi32, #tpu.memory_space<vmem>>) semaphore(%arg11 : memref<!tpu.dma_semaphore, #tpu.memory_space<semaphore_mem>>)
    %dma_start3A_378 = arith.constant 37 : i32
    %dma_start3A_379 = arith.constant 4736 : i32
    %dma_start3A_380 = arith.constant 0 : i32
    %dma_start3A_381 = tpu.memref_slice %arg8[%dma_start3A_379, %dma_start3A_380] : memref<6400x16xf32, #tpu.memory_space<vmem>> -> memref<128x16xf32, #tpu.memory_space<vmem>>
    %dma_start3A_382 = arith.constant 0 : i32
    %dma_start3A_383 = tpu.memref_slice %arg6[%dma_start3A_378, %dma_start3A_382] : memref<50x128xi32, #tpu.memory_space<vmem>> -> memref<1x128xi32, #tpu.memory_space<vmem>>
    %dma_start3A_384 = tpu.memref_squeeze %dma_start3A_383 : memref<1x128xi32, #tpu.memory_space<vmem>> -> memref<128xi32, #tpu.memory_space<vmem>>
    %dma_start3A_385 = arith.constant 0 : i32
    %dma_start3A_386 = arith.constant 0 : i32
    %dma_start3A_387 = tpu.memref_slice %arg2[%dma_start3A_385, %dma_start3A_386] : memref<100000x16xf32, #tpu.memory_space<hbm>> -> memref<100000x16xf32, #tpu.memory_space<hbm>>
    tpu.enqueue_indirect_dma source(%dma_start3A_387 : memref<100000x16xf32, #tpu.memory_space<hbm>>) target(%dma_start3A_381 : memref<128x16xf32, #tpu.memory_space<vmem>>) offsets(%dma_start3A_384 : memref<128xi32, #tpu.memory_space<vmem>>) semaphore(%arg11 : memref<!tpu.dma_semaphore, #tpu.memory_space<semaphore_mem>>)
    %dma_start3A_388 = arith.constant 38 : i32
    %dma_start3A_389 = arith.constant 4864 : i32
    %dma_start3A_390 = arith.constant 0 : i32
    %dma_start3A_391 = tpu.memref_slice %arg8[%dma_start3A_389, %dma_start3A_390] : memref<6400x16xf32, #tpu.memory_space<vmem>> -> memref<128x16xf32, #tpu.memory_space<vmem>>
    %dma_start3A_392 = arith.constant 0 : i32
    %dma_start3A_393 = tpu.memref_slice %arg6[%dma_start3A_388, %dma_start3A_392] : memref<50x128xi32, #tpu.memory_space<vmem>> -> memref<1x128xi32, #tpu.memory_space<vmem>>
    %dma_start3A_394 = tpu.memref_squeeze %dma_start3A_393 : memref<1x128xi32, #tpu.memory_space<vmem>> -> memref<128xi32, #tpu.memory_space<vmem>>
    %dma_start3A_395 = arith.constant 0 : i32
    %dma_start3A_396 = arith.constant 0 : i32
    %dma_start3A_397 = tpu.memref_slice %arg2[%dma_start3A_395, %dma_start3A_396] : memref<100000x16xf32, #tpu.memory_space<hbm>> -> memref<100000x16xf32, #tpu.memory_space<hbm>>
    tpu.enqueue_indirect_dma source(%dma_start3A_397 : memref<100000x16xf32, #tpu.memory_space<hbm>>) target(%dma_start3A_391 : memref<128x16xf32, #tpu.memory_space<vmem>>) offsets(%dma_start3A_394 : memref<128xi32, #tpu.memory_space<vmem>>) semaphore(%arg11 : memref<!tpu.dma_semaphore, #tpu.memory_space<semaphore_mem>>)
    %dma_start3A_398 = arith.constant 39 : i32
    %dma_start3A_399 = arith.constant 4992 : i32
    %dma_start3A_400 = arith.constant 0 : i32
    %dma_start3A_401 = tpu.memref_slice %arg8[%dma_start3A_399, %dma_start3A_400] : memref<6400x16xf32, #tpu.memory_space<vmem>> -> memref<128x16xf32, #tpu.memory_space<vmem>>
    %dma_start3A_402 = arith.constant 0 : i32
    %dma_start3A_403 = tpu.memref_slice %arg6[%dma_start3A_398, %dma_start3A_402] : memref<50x128xi32, #tpu.memory_space<vmem>> -> memref<1x128xi32, #tpu.memory_space<vmem>>
    %dma_start3A_404 = tpu.memref_squeeze %dma_start3A_403 : memref<1x128xi32, #tpu.memory_space<vmem>> -> memref<128xi32, #tpu.memory_space<vmem>>
    %dma_start3A_405 = arith.constant 0 : i32
    %dma_start3A_406 = arith.constant 0 : i32
    %dma_start3A_407 = tpu.memref_slice %arg2[%dma_start3A_405, %dma_start3A_406] : memref<100000x16xf32, #tpu.memory_space<hbm>> -> memref<100000x16xf32, #tpu.memory_space<hbm>>
    tpu.enqueue_indirect_dma source(%dma_start3A_407 : memref<100000x16xf32, #tpu.memory_space<hbm>>) target(%dma_start3A_401 : memref<128x16xf32, #tpu.memory_space<vmem>>) offsets(%dma_start3A_404 : memref<128xi32, #tpu.memory_space<vmem>>) semaphore(%arg11 : memref<!tpu.dma_semaphore, #tpu.memory_space<semaphore_mem>>)
    %dma_start3A_408 = arith.constant 40 : i32
    %dma_start3A_409 = arith.constant 5120 : i32
    %dma_start3A_410 = arith.constant 0 : i32
    %dma_start3A_411 = tpu.memref_slice %arg8[%dma_start3A_409, %dma_start3A_410] : memref<6400x16xf32, #tpu.memory_space<vmem>> -> memref<128x16xf32, #tpu.memory_space<vmem>>
    %dma_start3A_412 = arith.constant 0 : i32
    %dma_start3A_413 = tpu.memref_slice %arg6[%dma_start3A_408, %dma_start3A_412] : memref<50x128xi32, #tpu.memory_space<vmem>> -> memref<1x128xi32, #tpu.memory_space<vmem>>
    %dma_start3A_414 = tpu.memref_squeeze %dma_start3A_413 : memref<1x128xi32, #tpu.memory_space<vmem>> -> memref<128xi32, #tpu.memory_space<vmem>>
    %dma_start3A_415 = arith.constant 0 : i32
    %dma_start3A_416 = arith.constant 0 : i32
    %dma_start3A_417 = tpu.memref_slice %arg2[%dma_start3A_415, %dma_start3A_416] : memref<100000x16xf32, #tpu.memory_space<hbm>> -> memref<100000x16xf32, #tpu.memory_space<hbm>>
    tpu.enqueue_indirect_dma source(%dma_start3A_417 : memref<100000x16xf32, #tpu.memory_space<hbm>>) target(%dma_start3A_411 : memref<128x16xf32, #tpu.memory_space<vmem>>) offsets(%dma_start3A_414 : memref<128xi32, #tpu.memory_space<vmem>>) semaphore(%arg11 : memref<!tpu.dma_semaphore, #tpu.memory_space<semaphore_mem>>)
    %dma_start3A_418 = arith.constant 41 : i32
    %dma_start3A_419 = arith.constant 5248 : i32
    %dma_start3A_420 = arith.constant 0 : i32
    %dma_start3A_421 = tpu.memref_slice %arg8[%dma_start3A_419, %dma_start3A_420] : memref<6400x16xf32, #tpu.memory_space<vmem>> -> memref<128x16xf32, #tpu.memory_space<vmem>>
    %dma_start3A_422 = arith.constant 0 : i32
    %dma_start3A_423 = tpu.memref_slice %arg6[%dma_start3A_418, %dma_start3A_422] : memref<50x128xi32, #tpu.memory_space<vmem>> -> memref<1x128xi32, #tpu.memory_space<vmem>>
    %dma_start3A_424 = tpu.memref_squeeze %dma_start3A_423 : memref<1x128xi32, #tpu.memory_space<vmem>> -> memref<128xi32, #tpu.memory_space<vmem>>
    %dma_start3A_425 = arith.constant 0 : i32
    %dma_start3A_426 = arith.constant 0 : i32
    %dma_start3A_427 = tpu.memref_slice %arg2[%dma_start3A_425, %dma_start3A_426] : memref<100000x16xf32, #tpu.memory_space<hbm>> -> memref<100000x16xf32, #tpu.memory_space<hbm>>
    tpu.enqueue_indirect_dma source(%dma_start3A_427 : memref<100000x16xf32, #tpu.memory_space<hbm>>) target(%dma_start3A_421 : memref<128x16xf32, #tpu.memory_space<vmem>>) offsets(%dma_start3A_424 : memref<128xi32, #tpu.memory_space<vmem>>) semaphore(%arg11 : memref<!tpu.dma_semaphore, #tpu.memory_space<semaphore_mem>>)
    %dma_start3A_428 = arith.constant 42 : i32
    %dma_start3A_429 = arith.constant 5376 : i32
    %dma_start3A_430 = arith.constant 0 : i32
    %dma_start3A_431 = tpu.memref_slice %arg8[%dma_start3A_429, %dma_start3A_430] : memref<6400x16xf32, #tpu.memory_space<vmem>> -> memref<128x16xf32, #tpu.memory_space<vmem>>
    %dma_start3A_432 = arith.constant 0 : i32
    %dma_start3A_433 = tpu.memref_slice %arg6[%dma_start3A_428, %dma_start3A_432] : memref<50x128xi32, #tpu.memory_space<vmem>> -> memref<1x128xi32, #tpu.memory_space<vmem>>
    %dma_start3A_434 = tpu.memref_squeeze %dma_start3A_433 : memref<1x128xi32, #tpu.memory_space<vmem>> -> memref<128xi32, #tpu.memory_space<vmem>>
    %dma_start3A_435 = arith.constant 0 : i32
    %dma_start3A_436 = arith.constant 0 : i32
    %dma_start3A_437 = tpu.memref_slice %arg2[%dma_start3A_435, %dma_start3A_436] : memref<100000x16xf32, #tpu.memory_space<hbm>> -> memref<100000x16xf32, #tpu.memory_space<hbm>>
    tpu.enqueue_indirect_dma source(%dma_start3A_437 : memref<100000x16xf32, #tpu.memory_space<hbm>>) target(%dma_start3A_431 : memref<128x16xf32, #tpu.memory_space<vmem>>) offsets(%dma_start3A_434 : memref<128xi32, #tpu.memory_space<vmem>>) semaphore(%arg11 : memref<!tpu.dma_semaphore, #tpu.memory_space<semaphore_mem>>)
    %dma_start3A_438 = arith.constant 43 : i32
    %dma_start3A_439 = arith.constant 5504 : i32
    %dma_start3A_440 = arith.constant 0 : i32
    %dma_start3A_441 = tpu.memref_slice %arg8[%dma_start3A_439, %dma_start3A_440] : memref<6400x16xf32, #tpu.memory_space<vmem>> -> memref<128x16xf32, #tpu.memory_space<vmem>>
    %dma_start3A_442 = arith.constant 0 : i32
    %dma_start3A_443 = tpu.memref_slice %arg6[%dma_start3A_438, %dma_start3A_442] : memref<50x128xi32, #tpu.memory_space<vmem>> -> memref<1x128xi32, #tpu.memory_space<vmem>>
    %dma_start3A_444 = tpu.memref_squeeze %dma_start3A_443 : memref<1x128xi32, #tpu.memory_space<vmem>> -> memref<128xi32, #tpu.memory_space<vmem>>
    %dma_start3A_445 = arith.constant 0 : i32
    %dma_start3A_446 = arith.constant 0 : i32
    %dma_start3A_447 = tpu.memref_slice %arg2[%dma_start3A_445, %dma_start3A_446] : memref<100000x16xf32, #tpu.memory_space<hbm>> -> memref<100000x16xf32, #tpu.memory_space<hbm>>
    tpu.enqueue_indirect_dma source(%dma_start3A_447 : memref<100000x16xf32, #tpu.memory_space<hbm>>) target(%dma_start3A_441 : memref<128x16xf32, #tpu.memory_space<vmem>>) offsets(%dma_start3A_444 : memref<128xi32, #tpu.memory_space<vmem>>) semaphore(%arg11 : memref<!tpu.dma_semaphore, #tpu.memory_space<semaphore_mem>>)
    %dma_start3A_448 = arith.constant 44 : i32
    %dma_start3A_449 = arith.constant 5632 : i32
    %dma_start3A_450 = arith.constant 0 : i32
    %dma_start3A_451 = tpu.memref_slice %arg8[%dma_start3A_449, %dma_start3A_450] : memref<6400x16xf32, #tpu.memory_space<vmem>> -> memref<128x16xf32, #tpu.memory_space<vmem>>
    %dma_start3A_452 = arith.constant 0 : i32
    %dma_start3A_453 = tpu.memref_slice %arg6[%dma_start3A_448, %dma_start3A_452] : memref<50x128xi32, #tpu.memory_space<vmem>> -> memref<1x128xi32, #tpu.memory_space<vmem>>
    %dma_start3A_454 = tpu.memref_squeeze %dma_start3A_453 : memref<1x128xi32, #tpu.memory_space<vmem>> -> memref<128xi32, #tpu.memory_space<vmem>>
    %dma_start3A_455 = arith.constant 0 : i32
    %dma_start3A_456 = arith.constant 0 : i32
    %dma_start3A_457 = tpu.memref_slice %arg2[%dma_start3A_455, %dma_start3A_456] : memref<100000x16xf32, #tpu.memory_space<hbm>> -> memref<100000x16xf32, #tpu.memory_space<hbm>>
    tpu.enqueue_indirect_dma source(%dma_start3A_457 : memref<100000x16xf32, #tpu.memory_space<hbm>>) target(%dma_start3A_451 : memref<128x16xf32, #tpu.memory_space<vmem>>) offsets(%dma_start3A_454 : memref<128xi32, #tpu.memory_space<vmem>>) semaphore(%arg11 : memref<!tpu.dma_semaphore, #tpu.memory_space<semaphore_mem>>)
    %dma_start3A_458 = arith.constant 45 : i32
    %dma_start3A_459 = arith.constant 5760 : i32
    %dma_start3A_460 = arith.constant 0 : i32
    %dma_start3A_461 = tpu.memref_slice %arg8[%dma_start3A_459, %dma_start3A_460] : memref<6400x16xf32, #tpu.memory_space<vmem>> -> memref<128x16xf32, #tpu.memory_space<vmem>>
    %dma_start3A_462 = arith.constant 0 : i32
    %dma_start3A_463 = tpu.memref_slice %arg6[%dma_start3A_458, %dma_start3A_462] : memref<50x128xi32, #tpu.memory_space<vmem>> -> memref<1x128xi32, #tpu.memory_space<vmem>>
    %dma_start3A_464 = tpu.memref_squeeze %dma_start3A_463 : memref<1x128xi32, #tpu.memory_space<vmem>> -> memref<128xi32, #tpu.memory_space<vmem>>
    %dma_start3A_465 = arith.constant 0 : i32
    %dma_start3A_466 = arith.constant 0 : i32
    %dma_start3A_467 = tpu.memref_slice %arg2[%dma_start3A_465, %dma_start3A_466] : memref<100000x16xf32, #tpu.memory_space<hbm>> -> memref<100000x16xf32, #tpu.memory_space<hbm>>
    tpu.enqueue_indirect_dma source(%dma_start3A_467 : memref<100000x16xf32, #tpu.memory_space<hbm>>) target(%dma_start3A_461 : memref<128x16xf32, #tpu.memory_space<vmem>>) offsets(%dma_start3A_464 : memref<128xi32, #tpu.memory_space<vmem>>) semaphore(%arg11 : memref<!tpu.dma_semaphore, #tpu.memory_space<semaphore_mem>>)
    %dma_start3A_468 = arith.constant 46 : i32
    %dma_start3A_469 = arith.constant 5888 : i32
    %dma_start3A_470 = arith.constant 0 : i32
    %dma_start3A_471 = tpu.memref_slice %arg8[%dma_start3A_469, %dma_start3A_470] : memref<6400x16xf32, #tpu.memory_space<vmem>> -> memref<128x16xf32, #tpu.memory_space<vmem>>
    %dma_start3A_472 = arith.constant 0 : i32
    %dma_start3A_473 = tpu.memref_slice %arg6[%dma_start3A_468, %dma_start3A_472] : memref<50x128xi32, #tpu.memory_space<vmem>> -> memref<1x128xi32, #tpu.memory_space<vmem>>
    %dma_start3A_474 = tpu.memref_squeeze %dma_start3A_473 : memref<1x128xi32, #tpu.memory_space<vmem>> -> memref<128xi32, #tpu.memory_space<vmem>>
    %dma_start3A_475 = arith.constant 0 : i32
    %dma_start3A_476 = arith.constant 0 : i32
    %dma_start3A_477 = tpu.memref_slice %arg2[%dma_start3A_475, %dma_start3A_476] : memref<100000x16xf32, #tpu.memory_space<hbm>> -> memref<100000x16xf32, #tpu.memory_space<hbm>>
    tpu.enqueue_indirect_dma source(%dma_start3A_477 : memref<100000x16xf32, #tpu.memory_space<hbm>>) target(%dma_start3A_471 : memref<128x16xf32, #tpu.memory_space<vmem>>) offsets(%dma_start3A_474 : memref<128xi32, #tpu.memory_space<vmem>>) semaphore(%arg11 : memref<!tpu.dma_semaphore, #tpu.memory_space<semaphore_mem>>)
    %dma_start3A_478 = arith.constant 47 : i32
    %dma_start3A_479 = arith.constant 6016 : i32
    %dma_start3A_480 = arith.constant 0 : i32
    %dma_start3A_481 = tpu.memref_slice %arg8[%dma_start3A_479, %dma_start3A_480] : memref<6400x16xf32, #tpu.memory_space<vmem>> -> memref<128x16xf32, #tpu.memory_space<vmem>>
    %dma_start3A_482 = arith.constant 0 : i32
    %dma_start3A_483 = tpu.memref_slice %arg6[%dma_start3A_478, %dma_start3A_482] : memref<50x128xi32, #tpu.memory_space<vmem>> -> memref<1x128xi32, #tpu.memory_space<vmem>>
    %dma_start3A_484 = tpu.memref_squeeze %dma_start3A_483 : memref<1x128xi32, #tpu.memory_space<vmem>> -> memref<128xi32, #tpu.memory_space<vmem>>
    %dma_start3A_485 = arith.constant 0 : i32
    %dma_start3A_486 = arith.constant 0 : i32
    %dma_start3A_487 = tpu.memref_slice %arg2[%dma_start3A_485, %dma_start3A_486] : memref<100000x16xf32, #tpu.memory_space<hbm>> -> memref<100000x16xf32, #tpu.memory_space<hbm>>
    tpu.enqueue_indirect_dma source(%dma_start3A_487 : memref<100000x16xf32, #tpu.memory_space<hbm>>) target(%dma_start3A_481 : memref<128x16xf32, #tpu.memory_space<vmem>>) offsets(%dma_start3A_484 : memref<128xi32, #tpu.memory_space<vmem>>) semaphore(%arg11 : memref<!tpu.dma_semaphore, #tpu.memory_space<semaphore_mem>>)
    %dma_start3A_488 = arith.constant 48 : i32
    %dma_start3A_489 = arith.constant 6144 : i32
    %dma_start3A_490 = arith.constant 0 : i32
    %dma_start3A_491 = tpu.memref_slice %arg8[%dma_start3A_489, %dma_start3A_490] : memref<6400x16xf32, #tpu.memory_space<vmem>> -> memref<128x16xf32, #tpu.memory_space<vmem>>
    %dma_start3A_492 = arith.constant 0 : i32
    %dma_start3A_493 = tpu.memref_slice %arg6[%dma_start3A_488, %dma_start3A_492] : memref<50x128xi32, #tpu.memory_space<vmem>> -> memref<1x128xi32, #tpu.memory_space<vmem>>
    %dma_start3A_494 = tpu.memref_squeeze %dma_start3A_493 : memref<1x128xi32, #tpu.memory_space<vmem>> -> memref<128xi32, #tpu.memory_space<vmem>>
    %dma_start3A_495 = arith.constant 0 : i32
    %dma_start3A_496 = arith.constant 0 : i32
    %dma_start3A_497 = tpu.memref_slice %arg2[%dma_start3A_495, %dma_start3A_496] : memref<100000x16xf32, #tpu.memory_space<hbm>> -> memref<100000x16xf32, #tpu.memory_space<hbm>>
    tpu.enqueue_indirect_dma source(%dma_start3A_497 : memref<100000x16xf32, #tpu.memory_space<hbm>>) target(%dma_start3A_491 : memref<128x16xf32, #tpu.memory_space<vmem>>) offsets(%dma_start3A_494 : memref<128xi32, #tpu.memory_space<vmem>>) semaphore(%arg11 : memref<!tpu.dma_semaphore, #tpu.memory_space<semaphore_mem>>)
    %dma_start3A_498 = arith.constant 49 : i32
    %dma_start3A_499 = arith.constant 6272 : i32
    %dma_start3A_500 = arith.constant 0 : i32
    %dma_start3A_501 = tpu.memref_slice %arg8[%dma_start3A_499, %dma_start3A_500] : memref<6400x16xf32, #tpu.memory_space<vmem>> -> memref<128x16xf32, #tpu.memory_space<vmem>>
    %dma_start3A_502 = arith.constant 0 : i32
    %dma_start3A_503 = tpu.memref_slice %arg6[%dma_start3A_498, %dma_start3A_502] : memref<50x128xi32, #tpu.memory_space<vmem>> -> memref<1x128xi32, #tpu.memory_space<vmem>>
    %dma_start3A_504 = tpu.memref_squeeze %dma_start3A_503 : memref<1x128xi32, #tpu.memory_space<vmem>> -> memref<128xi32, #tpu.memory_space<vmem>>
    %dma_start3A_505 = arith.constant 0 : i32
    %dma_start3A_506 = arith.constant 0 : i32
    %dma_start3A_507 = tpu.memref_slice %arg2[%dma_start3A_505, %dma_start3A_506] : memref<100000x16xf32, #tpu.memory_space<hbm>> -> memref<100000x16xf32, #tpu.memory_space<hbm>>
    tpu.enqueue_indirect_dma source(%dma_start3A_507 : memref<100000x16xf32, #tpu.memory_space<hbm>>) target(%dma_start3A_501 : memref<128x16xf32, #tpu.memory_space<vmem>>) offsets(%dma_start3A_504 : memref<128xi32, #tpu.memory_space<vmem>>) semaphore(%arg11 : memref<!tpu.dma_semaphore, #tpu.memory_space<semaphore_mem>>)
    %dma_wait3A = arith.constant 0 : i32
    %dma_wait3A_508 = arith.constant 0 : i32
    %dma_wait3A_509 = arith.constant 0 : i32
    %dma_wait3A_510 = tpu.memref_slice %arg8[%dma_wait3A_508, %dma_wait3A_509] : memref<6400x16xf32, #tpu.memory_space<vmem>> -> memref<128x16xf32, #tpu.memory_space<vmem>>
    %dma_wait3A_511 = arith.constant 0 : i32
    %dma_wait3A_512 = tpu.memref_slice %arg6[%dma_wait3A, %dma_wait3A_511] : memref<50x128xi32, #tpu.memory_space<vmem>> -> memref<1x128xi32, #tpu.memory_space<vmem>>
    %dma_wait3A_513 = tpu.memref_squeeze %dma_wait3A_512 : memref<1x128xi32, #tpu.memory_space<vmem>> -> memref<128xi32, #tpu.memory_space<vmem>>
    %dma_wait3A_514 = arith.constant 0 : i32
    %dma_wait3A_515 = arith.constant 0 : i32
    %dma_wait3A_516 = tpu.memref_slice %arg2[%dma_wait3A_514, %dma_wait3A_515] : memref<100000x16xf32, #tpu.memory_space<hbm>> -> memref<100000x16xf32, #tpu.memory_space<hbm>>
    tpu.wait_indirect_dma semaphore(%arg11 : memref<!tpu.dma_semaphore, #tpu.memory_space<semaphore_mem>>) src(%dma_wait3A_516 : memref<100000x16xf32, #tpu.memory_space<hbm>>) dst(%dma_wait3A_510 : memref<128x16xf32, #tpu.memory_space<vmem>>)
    %dma_wait3A_517 = arith.constant 1 : i32
    %dma_wait3A_518 = arith.constant 128 : i32
    %dma_wait3A_519 = arith.constant 0 : i32
    %dma_wait3A_520 = tpu.memref_slice %arg8[%dma_wait3A_518, %dma_wait3A_519] : memref<6400x16xf32, #tpu.memory_space<vmem>> -> memref<128x16xf32, #tpu.memory_space<vmem>>
    %dma_wait3A_521 = arith.constant 0 : i32
    %dma_wait3A_522 = tpu.memref_slice %arg6[%dma_wait3A_517, %dma_wait3A_521] : memref<50x128xi32, #tpu.memory_space<vmem>> -> memref<1x128xi32, #tpu.memory_space<vmem>>
    %dma_wait3A_523 = tpu.memref_squeeze %dma_wait3A_522 : memref<1x128xi32, #tpu.memory_space<vmem>> -> memref<128xi32, #tpu.memory_space<vmem>>
    %dma_wait3A_524 = arith.constant 0 : i32
    %dma_wait3A_525 = arith.constant 0 : i32
    %dma_wait3A_526 = tpu.memref_slice %arg2[%dma_wait3A_524, %dma_wait3A_525] : memref<100000x16xf32, #tpu.memory_space<hbm>> -> memref<100000x16xf32, #tpu.memory_space<hbm>>
    tpu.wait_indirect_dma semaphore(%arg11 : memref<!tpu.dma_semaphore, #tpu.memory_space<semaphore_mem>>) src(%dma_wait3A_526 : memref<100000x16xf32, #tpu.memory_space<hbm>>) dst(%dma_wait3A_520 : memref<128x16xf32, #tpu.memory_space<vmem>>)
    %dma_wait3A_527 = arith.constant 2 : i32
    %dma_wait3A_528 = arith.constant 256 : i32
    %dma_wait3A_529 = arith.constant 0 : i32
    %dma_wait3A_530 = tpu.memref_slice %arg8[%dma_wait3A_528, %dma_wait3A_529] : memref<6400x16xf32, #tpu.memory_space<vmem>> -> memref<128x16xf32, #tpu.memory_space<vmem>>
    %dma_wait3A_531 = arith.constant 0 : i32
    %dma_wait3A_532 = tpu.memref_slice %arg6[%dma_wait3A_527, %dma_wait3A_531] : memref<50x128xi32, #tpu.memory_space<vmem>> -> memref<1x128xi32, #tpu.memory_space<vmem>>
    %dma_wait3A_533 = tpu.memref_squeeze %dma_wait3A_532 : memref<1x128xi32, #tpu.memory_space<vmem>> -> memref<128xi32, #tpu.memory_space<vmem>>
    %dma_wait3A_534 = arith.constant 0 : i32
    %dma_wait3A_535 = arith.constant 0 : i32
    %dma_wait3A_536 = tpu.memref_slice %arg2[%dma_wait3A_534, %dma_wait3A_535] : memref<100000x16xf32, #tpu.memory_space<hbm>> -> memref<100000x16xf32, #tpu.memory_space<hbm>>
    tpu.wait_indirect_dma semaphore(%arg11 : memref<!tpu.dma_semaphore, #tpu.memory_space<semaphore_mem>>) src(%dma_wait3A_536 : memref<100000x16xf32, #tpu.memory_space<hbm>>) dst(%dma_wait3A_530 : memref<128x16xf32, #tpu.memory_space<vmem>>)
    %dma_wait3A_537 = arith.constant 3 : i32
    %dma_wait3A_538 = arith.constant 384 : i32
    %dma_wait3A_539 = arith.constant 0 : i32
    %dma_wait3A_540 = tpu.memref_slice %arg8[%dma_wait3A_538, %dma_wait3A_539] : memref<6400x16xf32, #tpu.memory_space<vmem>> -> memref<128x16xf32, #tpu.memory_space<vmem>>
    %dma_wait3A_541 = arith.constant 0 : i32
    %dma_wait3A_542 = tpu.memref_slice %arg6[%dma_wait3A_537, %dma_wait3A_541] : memref<50x128xi32, #tpu.memory_space<vmem>> -> memref<1x128xi32, #tpu.memory_space<vmem>>
    %dma_wait3A_543 = tpu.memref_squeeze %dma_wait3A_542 : memref<1x128xi32, #tpu.memory_space<vmem>> -> memref<128xi32, #tpu.memory_space<vmem>>
    %dma_wait3A_544 = arith.constant 0 : i32
    %dma_wait3A_545 = arith.constant 0 : i32
    %dma_wait3A_546 = tpu.memref_slice %arg2[%dma_wait3A_544, %dma_wait3A_545] : memref<100000x16xf32, #tpu.memory_space<hbm>> -> memref<100000x16xf32, #tpu.memory_space<hbm>>
    tpu.wait_indirect_dma semaphore(%arg11 : memref<!tpu.dma_semaphore, #tpu.memory_space<semaphore_mem>>) src(%dma_wait3A_546 : memref<100000x16xf32, #tpu.memory_space<hbm>>) dst(%dma_wait3A_540 : memref<128x16xf32, #tpu.memory_space<vmem>>)
    %dma_wait3A_547 = arith.constant 4 : i32
    %dma_wait3A_548 = arith.constant 512 : i32
    %dma_wait3A_549 = arith.constant 0 : i32
    %dma_wait3A_550 = tpu.memref_slice %arg8[%dma_wait3A_548, %dma_wait3A_549] : memref<6400x16xf32, #tpu.memory_space<vmem>> -> memref<128x16xf32, #tpu.memory_space<vmem>>
    %dma_wait3A_551 = arith.constant 0 : i32
    %dma_wait3A_552 = tpu.memref_slice %arg6[%dma_wait3A_547, %dma_wait3A_551] : memref<50x128xi32, #tpu.memory_space<vmem>> -> memref<1x128xi32, #tpu.memory_space<vmem>>
    %dma_wait3A_553 = tpu.memref_squeeze %dma_wait3A_552 : memref<1x128xi32, #tpu.memory_space<vmem>> -> memref<128xi32, #tpu.memory_space<vmem>>
    %dma_wait3A_554 = arith.constant 0 : i32
    %dma_wait3A_555 = arith.constant 0 : i32
    %dma_wait3A_556 = tpu.memref_slice %arg2[%dma_wait3A_554, %dma_wait3A_555] : memref<100000x16xf32, #tpu.memory_space<hbm>> -> memref<100000x16xf32, #tpu.memory_space<hbm>>
    tpu.wait_indirect_dma semaphore(%arg11 : memref<!tpu.dma_semaphore, #tpu.memory_space<semaphore_mem>>) src(%dma_wait3A_556 : memref<100000x16xf32, #tpu.memory_space<hbm>>) dst(%dma_wait3A_550 : memref<128x16xf32, #tpu.memory_space<vmem>>)
    %dma_wait3A_557 = arith.constant 5 : i32
    %dma_wait3A_558 = arith.constant 640 : i32
    %dma_wait3A_559 = arith.constant 0 : i32
    %dma_wait3A_560 = tpu.memref_slice %arg8[%dma_wait3A_558, %dma_wait3A_559] : memref<6400x16xf32, #tpu.memory_space<vmem>> -> memref<128x16xf32, #tpu.memory_space<vmem>>
    %dma_wait3A_561 = arith.constant 0 : i32
    %dma_wait3A_562 = tpu.memref_slice %arg6[%dma_wait3A_557, %dma_wait3A_561] : memref<50x128xi32, #tpu.memory_space<vmem>> -> memref<1x128xi32, #tpu.memory_space<vmem>>
    %dma_wait3A_563 = tpu.memref_squeeze %dma_wait3A_562 : memref<1x128xi32, #tpu.memory_space<vmem>> -> memref<128xi32, #tpu.memory_space<vmem>>
    %dma_wait3A_564 = arith.constant 0 : i32
    %dma_wait3A_565 = arith.constant 0 : i32
    %dma_wait3A_566 = tpu.memref_slice %arg2[%dma_wait3A_564, %dma_wait3A_565] : memref<100000x16xf32, #tpu.memory_space<hbm>> -> memref<100000x16xf32, #tpu.memory_space<hbm>>
    tpu.wait_indirect_dma semaphore(%arg11 : memref<!tpu.dma_semaphore, #tpu.memory_space<semaphore_mem>>) src(%dma_wait3A_566 : memref<100000x16xf32, #tpu.memory_space<hbm>>) dst(%dma_wait3A_560 : memref<128x16xf32, #tpu.memory_space<vmem>>)
    %dma_wait3A_567 = arith.constant 6 : i32
    %dma_wait3A_568 = arith.constant 768 : i32
    %dma_wait3A_569 = arith.constant 0 : i32
    %dma_wait3A_570 = tpu.memref_slice %arg8[%dma_wait3A_568, %dma_wait3A_569] : memref<6400x16xf32, #tpu.memory_space<vmem>> -> memref<128x16xf32, #tpu.memory_space<vmem>>
    %dma_wait3A_571 = arith.constant 0 : i32
    %dma_wait3A_572 = tpu.memref_slice %arg6[%dma_wait3A_567, %dma_wait3A_571] : memref<50x128xi32, #tpu.memory_space<vmem>> -> memref<1x128xi32, #tpu.memory_space<vmem>>
    %dma_wait3A_573 = tpu.memref_squeeze %dma_wait3A_572 : memref<1x128xi32, #tpu.memory_space<vmem>> -> memref<128xi32, #tpu.memory_space<vmem>>
    %dma_wait3A_574 = arith.constant 0 : i32
    %dma_wait3A_575 = arith.constant 0 : i32
    %dma_wait3A_576 = tpu.memref_slice %arg2[%dma_wait3A_574, %dma_wait3A_575] : memref<100000x16xf32, #tpu.memory_space<hbm>> -> memref<100000x16xf32, #tpu.memory_space<hbm>>
    tpu.wait_indirect_dma semaphore(%arg11 : memref<!tpu.dma_semaphore, #tpu.memory_space<semaphore_mem>>) src(%dma_wait3A_576 : memref<100000x16xf32, #tpu.memory_space<hbm>>) dst(%dma_wait3A_570 : memref<128x16xf32, #tpu.memory_space<vmem>>)
    %dma_wait3A_577 = arith.constant 7 : i32
    %dma_wait3A_578 = arith.constant 896 : i32
    %dma_wait3A_579 = arith.constant 0 : i32
    %dma_wait3A_580 = tpu.memref_slice %arg8[%dma_wait3A_578, %dma_wait3A_579] : memref<6400x16xf32, #tpu.memory_space<vmem>> -> memref<128x16xf32, #tpu.memory_space<vmem>>
    %dma_wait3A_581 = arith.constant 0 : i32
    %dma_wait3A_582 = tpu.memref_slice %arg6[%dma_wait3A_577, %dma_wait3A_581] : memref<50x128xi32, #tpu.memory_space<vmem>> -> memref<1x128xi32, #tpu.memory_space<vmem>>
    %dma_wait3A_583 = tpu.memref_squeeze %dma_wait3A_582 : memref<1x128xi32, #tpu.memory_space<vmem>> -> memref<128xi32, #tpu.memory_space<vmem>>
    %dma_wait3A_584 = arith.constant 0 : i32
    %dma_wait3A_585 = arith.constant 0 : i32
    %dma_wait3A_586 = tpu.memref_slice %arg2[%dma_wait3A_584, %dma_wait3A_585] : memref<100000x16xf32, #tpu.memory_space<hbm>> -> memref<100000x16xf32, #tpu.memory_space<hbm>>
    tpu.wait_indirect_dma semaphore(%arg11 : memref<!tpu.dma_semaphore, #tpu.memory_space<semaphore_mem>>) src(%dma_wait3A_586 : memref<100000x16xf32, #tpu.memory_space<hbm>>) dst(%dma_wait3A_580 : memref<128x16xf32, #tpu.memory_space<vmem>>)
    %dma_wait3A_587 = arith.constant 8 : i32
    %dma_wait3A_588 = arith.constant 1024 : i32
    %dma_wait3A_589 = arith.constant 0 : i32
    %dma_wait3A_590 = tpu.memref_slice %arg8[%dma_wait3A_588, %dma_wait3A_589] : memref<6400x16xf32, #tpu.memory_space<vmem>> -> memref<128x16xf32, #tpu.memory_space<vmem>>
    %dma_wait3A_591 = arith.constant 0 : i32
    %dma_wait3A_592 = tpu.memref_slice %arg6[%dma_wait3A_587, %dma_wait3A_591] : memref<50x128xi32, #tpu.memory_space<vmem>> -> memref<1x128xi32, #tpu.memory_space<vmem>>
    %dma_wait3A_593 = tpu.memref_squeeze %dma_wait3A_592 : memref<1x128xi32, #tpu.memory_space<vmem>> -> memref<128xi32, #tpu.memory_space<vmem>>
    %dma_wait3A_594 = arith.constant 0 : i32
    %dma_wait3A_595 = arith.constant 0 : i32
    %dma_wait3A_596 = tpu.memref_slice %arg2[%dma_wait3A_594, %dma_wait3A_595] : memref<100000x16xf32, #tpu.memory_space<hbm>> -> memref<100000x16xf32, #tpu.memory_space<hbm>>
    tpu.wait_indirect_dma semaphore(%arg11 : memref<!tpu.dma_semaphore, #tpu.memory_space<semaphore_mem>>) src(%dma_wait3A_596 : memref<100000x16xf32, #tpu.memory_space<hbm>>) dst(%dma_wait3A_590 : memref<128x16xf32, #tpu.memory_space<vmem>>)
    %dma_wait3A_597 = arith.constant 9 : i32
    %dma_wait3A_598 = arith.constant 1152 : i32
    %dma_wait3A_599 = arith.constant 0 : i32
    %dma_wait3A_600 = tpu.memref_slice %arg8[%dma_wait3A_598, %dma_wait3A_599] : memref<6400x16xf32, #tpu.memory_space<vmem>> -> memref<128x16xf32, #tpu.memory_space<vmem>>
    %dma_wait3A_601 = arith.constant 0 : i32
    %dma_wait3A_602 = tpu.memref_slice %arg6[%dma_wait3A_597, %dma_wait3A_601] : memref<50x128xi32, #tpu.memory_space<vmem>> -> memref<1x128xi32, #tpu.memory_space<vmem>>
    %dma_wait3A_603 = tpu.memref_squeeze %dma_wait3A_602 : memref<1x128xi32, #tpu.memory_space<vmem>> -> memref<128xi32, #tpu.memory_space<vmem>>
    %dma_wait3A_604 = arith.constant 0 : i32
    %dma_wait3A_605 = arith.constant 0 : i32
    %dma_wait3A_606 = tpu.memref_slice %arg2[%dma_wait3A_604, %dma_wait3A_605] : memref<100000x16xf32, #tpu.memory_space<hbm>> -> memref<100000x16xf32, #tpu.memory_space<hbm>>
    tpu.wait_indirect_dma semaphore(%arg11 : memref<!tpu.dma_semaphore, #tpu.memory_space<semaphore_mem>>) src(%dma_wait3A_606 : memref<100000x16xf32, #tpu.memory_space<hbm>>) dst(%dma_wait3A_600 : memref<128x16xf32, #tpu.memory_space<vmem>>)
    %dma_wait3A_607 = arith.constant 10 : i32
    %dma_wait3A_608 = arith.constant 1280 : i32
    %dma_wait3A_609 = arith.constant 0 : i32
    %dma_wait3A_610 = tpu.memref_slice %arg8[%dma_wait3A_608, %dma_wait3A_609] : memref<6400x16xf32, #tpu.memory_space<vmem>> -> memref<128x16xf32, #tpu.memory_space<vmem>>
    %dma_wait3A_611 = arith.constant 0 : i32
    %dma_wait3A_612 = tpu.memref_slice %arg6[%dma_wait3A_607, %dma_wait3A_611] : memref<50x128xi32, #tpu.memory_space<vmem>> -> memref<1x128xi32, #tpu.memory_space<vmem>>
    %dma_wait3A_613 = tpu.memref_squeeze %dma_wait3A_612 : memref<1x128xi32, #tpu.memory_space<vmem>> -> memref<128xi32, #tpu.memory_space<vmem>>
    %dma_wait3A_614 = arith.constant 0 : i32
    %dma_wait3A_615 = arith.constant 0 : i32
    %dma_wait3A_616 = tpu.memref_slice %arg2[%dma_wait3A_614, %dma_wait3A_615] : memref<100000x16xf32, #tpu.memory_space<hbm>> -> memref<100000x16xf32, #tpu.memory_space<hbm>>
    tpu.wait_indirect_dma semaphore(%arg11 : memref<!tpu.dma_semaphore, #tpu.memory_space<semaphore_mem>>) src(%dma_wait3A_616 : memref<100000x16xf32, #tpu.memory_space<hbm>>) dst(%dma_wait3A_610 : memref<128x16xf32, #tpu.memory_space<vmem>>)
    %dma_wait3A_617 = arith.constant 11 : i32
    %dma_wait3A_618 = arith.constant 1408 : i32
    %dma_wait3A_619 = arith.constant 0 : i32
    %dma_wait3A_620 = tpu.memref_slice %arg8[%dma_wait3A_618, %dma_wait3A_619] : memref<6400x16xf32, #tpu.memory_space<vmem>> -> memref<128x16xf32, #tpu.memory_space<vmem>>
    %dma_wait3A_621 = arith.constant 0 : i32
    %dma_wait3A_622 = tpu.memref_slice %arg6[%dma_wait3A_617, %dma_wait3A_621] : memref<50x128xi32, #tpu.memory_space<vmem>> -> memref<1x128xi32, #tpu.memory_space<vmem>>
    %dma_wait3A_623 = tpu.memref_squeeze %dma_wait3A_622 : memref<1x128xi32, #tpu.memory_space<vmem>> -> memref<128xi32, #tpu.memory_space<vmem>>
    %dma_wait3A_624 = arith.constant 0 : i32
    %dma_wait3A_625 = arith.constant 0 : i32
    %dma_wait3A_626 = tpu.memref_slice %arg2[%dma_wait3A_624, %dma_wait3A_625] : memref<100000x16xf32, #tpu.memory_space<hbm>> -> memref<100000x16xf32, #tpu.memory_space<hbm>>
    tpu.wait_indirect_dma semaphore(%arg11 : memref<!tpu.dma_semaphore, #tpu.memory_space<semaphore_mem>>) src(%dma_wait3A_626 : memref<100000x16xf32, #tpu.memory_space<hbm>>) dst(%dma_wait3A_620 : memref<128x16xf32, #tpu.memory_space<vmem>>)
    %dma_wait3A_627 = arith.constant 12 : i32
    %dma_wait3A_628 = arith.constant 1536 : i32
    %dma_wait3A_629 = arith.constant 0 : i32
    %dma_wait3A_630 = tpu.memref_slice %arg8[%dma_wait3A_628, %dma_wait3A_629] : memref<6400x16xf32, #tpu.memory_space<vmem>> -> memref<128x16xf32, #tpu.memory_space<vmem>>
    %dma_wait3A_631 = arith.constant 0 : i32
    %dma_wait3A_632 = tpu.memref_slice %arg6[%dma_wait3A_627, %dma_wait3A_631] : memref<50x128xi32, #tpu.memory_space<vmem>> -> memref<1x128xi32, #tpu.memory_space<vmem>>
    %dma_wait3A_633 = tpu.memref_squeeze %dma_wait3A_632 : memref<1x128xi32, #tpu.memory_space<vmem>> -> memref<128xi32, #tpu.memory_space<vmem>>
    %dma_wait3A_634 = arith.constant 0 : i32
    %dma_wait3A_635 = arith.constant 0 : i32
    %dma_wait3A_636 = tpu.memref_slice %arg2[%dma_wait3A_634, %dma_wait3A_635] : memref<100000x16xf32, #tpu.memory_space<hbm>> -> memref<100000x16xf32, #tpu.memory_space<hbm>>
    tpu.wait_indirect_dma semaphore(%arg11 : memref<!tpu.dma_semaphore, #tpu.memory_space<semaphore_mem>>) src(%dma_wait3A_636 : memref<100000x16xf32, #tpu.memory_space<hbm>>) dst(%dma_wait3A_630 : memref<128x16xf32, #tpu.memory_space<vmem>>)
    %dma_wait3A_637 = arith.constant 13 : i32
    %dma_wait3A_638 = arith.constant 1664 : i32
    %dma_wait3A_639 = arith.constant 0 : i32
    %dma_wait3A_640 = tpu.memref_slice %arg8[%dma_wait3A_638, %dma_wait3A_639] : memref<6400x16xf32, #tpu.memory_space<vmem>> -> memref<128x16xf32, #tpu.memory_space<vmem>>
    %dma_wait3A_641 = arith.constant 0 : i32
    %dma_wait3A_642 = tpu.memref_slice %arg6[%dma_wait3A_637, %dma_wait3A_641] : memref<50x128xi32, #tpu.memory_space<vmem>> -> memref<1x128xi32, #tpu.memory_space<vmem>>
    %dma_wait3A_643 = tpu.memref_squeeze %dma_wait3A_642 : memref<1x128xi32, #tpu.memory_space<vmem>> -> memref<128xi32, #tpu.memory_space<vmem>>
    %dma_wait3A_644 = arith.constant 0 : i32
    %dma_wait3A_645 = arith.constant 0 : i32
    %dma_wait3A_646 = tpu.memref_slice %arg2[%dma_wait3A_644, %dma_wait3A_645] : memref<100000x16xf32, #tpu.memory_space<hbm>> -> memref<100000x16xf32, #tpu.memory_space<hbm>>
    tpu.wait_indirect_dma semaphore(%arg11 : memref<!tpu.dma_semaphore, #tpu.memory_space<semaphore_mem>>) src(%dma_wait3A_646 : memref<100000x16xf32, #tpu.memory_space<hbm>>) dst(%dma_wait3A_640 : memref<128x16xf32, #tpu.memory_space<vmem>>)
    %dma_wait3A_647 = arith.constant 14 : i32
    %dma_wait3A_648 = arith.constant 1792 : i32
    %dma_wait3A_649 = arith.constant 0 : i32
    %dma_wait3A_650 = tpu.memref_slice %arg8[%dma_wait3A_648, %dma_wait3A_649] : memref<6400x16xf32, #tpu.memory_space<vmem>> -> memref<128x16xf32, #tpu.memory_space<vmem>>
    %dma_wait3A_651 = arith.constant 0 : i32
    %dma_wait3A_652 = tpu.memref_slice %arg6[%dma_wait3A_647, %dma_wait3A_651] : memref<50x128xi32, #tpu.memory_space<vmem>> -> memref<1x128xi32, #tpu.memory_space<vmem>>
    %dma_wait3A_653 = tpu.memref_squeeze %dma_wait3A_652 : memref<1x128xi32, #tpu.memory_space<vmem>> -> memref<128xi32, #tpu.memory_space<vmem>>
    %dma_wait3A_654 = arith.constant 0 : i32
    %dma_wait3A_655 = arith.constant 0 : i32
    %dma_wait3A_656 = tpu.memref_slice %arg2[%dma_wait3A_654, %dma_wait3A_655] : memref<100000x16xf32, #tpu.memory_space<hbm>> -> memref<100000x16xf32, #tpu.memory_space<hbm>>
    tpu.wait_indirect_dma semaphore(%arg11 : memref<!tpu.dma_semaphore, #tpu.memory_space<semaphore_mem>>) src(%dma_wait3A_656 : memref<100000x16xf32, #tpu.memory_space<hbm>>) dst(%dma_wait3A_650 : memref<128x16xf32, #tpu.memory_space<vmem>>)
    %dma_wait3A_657 = arith.constant 15 : i32
    %dma_wait3A_658 = arith.constant 1920 : i32
    %dma_wait3A_659 = arith.constant 0 : i32
    %dma_wait3A_660 = tpu.memref_slice %arg8[%dma_wait3A_658, %dma_wait3A_659] : memref<6400x16xf32, #tpu.memory_space<vmem>> -> memref<128x16xf32, #tpu.memory_space<vmem>>
    %dma_wait3A_661 = arith.constant 0 : i32
    %dma_wait3A_662 = tpu.memref_slice %arg6[%dma_wait3A_657, %dma_wait3A_661] : memref<50x128xi32, #tpu.memory_space<vmem>> -> memref<1x128xi32, #tpu.memory_space<vmem>>
    %dma_wait3A_663 = tpu.memref_squeeze %dma_wait3A_662 : memref<1x128xi32, #tpu.memory_space<vmem>> -> memref<128xi32, #tpu.memory_space<vmem>>
    %dma_wait3A_664 = arith.constant 0 : i32
    %dma_wait3A_665 = arith.constant 0 : i32
    %dma_wait3A_666 = tpu.memref_slice %arg2[%dma_wait3A_664, %dma_wait3A_665] : memref<100000x16xf32, #tpu.memory_space<hbm>> -> memref<100000x16xf32, #tpu.memory_space<hbm>>
    tpu.wait_indirect_dma semaphore(%arg11 : memref<!tpu.dma_semaphore, #tpu.memory_space<semaphore_mem>>) src(%dma_wait3A_666 : memref<100000x16xf32, #tpu.memory_space<hbm>>) dst(%dma_wait3A_660 : memref<128x16xf32, #tpu.memory_space<vmem>>)
    %dma_wait3A_667 = arith.constant 16 : i32
    %dma_wait3A_668 = arith.constant 2048 : i32
    %dma_wait3A_669 = arith.constant 0 : i32
    %dma_wait3A_670 = tpu.memref_slice %arg8[%dma_wait3A_668, %dma_wait3A_669] : memref<6400x16xf32, #tpu.memory_space<vmem>> -> memref<128x16xf32, #tpu.memory_space<vmem>>
    %dma_wait3A_671 = arith.constant 0 : i32
    %dma_wait3A_672 = tpu.memref_slice %arg6[%dma_wait3A_667, %dma_wait3A_671] : memref<50x128xi32, #tpu.memory_space<vmem>> -> memref<1x128xi32, #tpu.memory_space<vmem>>
    %dma_wait3A_673 = tpu.memref_squeeze %dma_wait3A_672 : memref<1x128xi32, #tpu.memory_space<vmem>> -> memref<128xi32, #tpu.memory_space<vmem>>
    %dma_wait3A_674 = arith.constant 0 : i32
    %dma_wait3A_675 = arith.constant 0 : i32
    %dma_wait3A_676 = tpu.memref_slice %arg2[%dma_wait3A_674, %dma_wait3A_675] : memref<100000x16xf32, #tpu.memory_space<hbm>> -> memref<100000x16xf32, #tpu.memory_space<hbm>>
    tpu.wait_indirect_dma semaphore(%arg11 : memref<!tpu.dma_semaphore, #tpu.memory_space<semaphore_mem>>) src(%dma_wait3A_676 : memref<100000x16xf32, #tpu.memory_space<hbm>>) dst(%dma_wait3A_670 : memref<128x16xf32, #tpu.memory_space<vmem>>)
    %dma_wait3A_677 = arith.constant 17 : i32
    %dma_wait3A_678 = arith.constant 2176 : i32
    %dma_wait3A_679 = arith.constant 0 : i32
    %dma_wait3A_680 = tpu.memref_slice %arg8[%dma_wait3A_678, %dma_wait3A_679] : memref<6400x16xf32, #tpu.memory_space<vmem>> -> memref<128x16xf32, #tpu.memory_space<vmem>>
    %dma_wait3A_681 = arith.constant 0 : i32
    %dma_wait3A_682 = tpu.memref_slice %arg6[%dma_wait3A_677, %dma_wait3A_681] : memref<50x128xi32, #tpu.memory_space<vmem>> -> memref<1x128xi32, #tpu.memory_space<vmem>>
    %dma_wait3A_683 = tpu.memref_squeeze %dma_wait3A_682 : memref<1x128xi32, #tpu.memory_space<vmem>> -> memref<128xi32, #tpu.memory_space<vmem>>
    %dma_wait3A_684 = arith.constant 0 : i32
    %dma_wait3A_685 = arith.constant 0 : i32
    %dma_wait3A_686 = tpu.memref_slice %arg2[%dma_wait3A_684, %dma_wait3A_685] : memref<100000x16xf32, #tpu.memory_space<hbm>> -> memref<100000x16xf32, #tpu.memory_space<hbm>>
    tpu.wait_indirect_dma semaphore(%arg11 : memref<!tpu.dma_semaphore, #tpu.memory_space<semaphore_mem>>) src(%dma_wait3A_686 : memref<100000x16xf32, #tpu.memory_space<hbm>>) dst(%dma_wait3A_680 : memref<128x16xf32, #tpu.memory_space<vmem>>)
    %dma_wait3A_687 = arith.constant 18 : i32
    %dma_wait3A_688 = arith.constant 2304 : i32
    %dma_wait3A_689 = arith.constant 0 : i32
    %dma_wait3A_690 = tpu.memref_slice %arg8[%dma_wait3A_688, %dma_wait3A_689] : memref<6400x16xf32, #tpu.memory_space<vmem>> -> memref<128x16xf32, #tpu.memory_space<vmem>>
    %dma_wait3A_691 = arith.constant 0 : i32
    %dma_wait3A_692 = tpu.memref_slice %arg6[%dma_wait3A_687, %dma_wait3A_691] : memref<50x128xi32, #tpu.memory_space<vmem>> -> memref<1x128xi32, #tpu.memory_space<vmem>>
    %dma_wait3A_693 = tpu.memref_squeeze %dma_wait3A_692 : memref<1x128xi32, #tpu.memory_space<vmem>> -> memref<128xi32, #tpu.memory_space<vmem>>
    %dma_wait3A_694 = arith.constant 0 : i32
    %dma_wait3A_695 = arith.constant 0 : i32
    %dma_wait3A_696 = tpu.memref_slice %arg2[%dma_wait3A_694, %dma_wait3A_695] : memref<100000x16xf32, #tpu.memory_space<hbm>> -> memref<100000x16xf32, #tpu.memory_space<hbm>>
    tpu.wait_indirect_dma semaphore(%arg11 : memref<!tpu.dma_semaphore, #tpu.memory_space<semaphore_mem>>) src(%dma_wait3A_696 : memref<100000x16xf32, #tpu.memory_space<hbm>>) dst(%dma_wait3A_690 : memref<128x16xf32, #tpu.memory_space<vmem>>)
    %dma_wait3A_697 = arith.constant 19 : i32
    %dma_wait3A_698 = arith.constant 2432 : i32
    %dma_wait3A_699 = arith.constant 0 : i32
    %dma_wait3A_700 = tpu.memref_slice %arg8[%dma_wait3A_698, %dma_wait3A_699] : memref<6400x16xf32, #tpu.memory_space<vmem>> -> memref<128x16xf32, #tpu.memory_space<vmem>>
    %dma_wait3A_701 = arith.constant 0 : i32
    %dma_wait3A_702 = tpu.memref_slice %arg6[%dma_wait3A_697, %dma_wait3A_701] : memref<50x128xi32, #tpu.memory_space<vmem>> -> memref<1x128xi32, #tpu.memory_space<vmem>>
    %dma_wait3A_703 = tpu.memref_squeeze %dma_wait3A_702 : memref<1x128xi32, #tpu.memory_space<vmem>> -> memref<128xi32, #tpu.memory_space<vmem>>
    %dma_wait3A_704 = arith.constant 0 : i32
    %dma_wait3A_705 = arith.constant 0 : i32
    %dma_wait3A_706 = tpu.memref_slice %arg2[%dma_wait3A_704, %dma_wait3A_705] : memref<100000x16xf32, #tpu.memory_space<hbm>> -> memref<100000x16xf32, #tpu.memory_space<hbm>>
    tpu.wait_indirect_dma semaphore(%arg11 : memref<!tpu.dma_semaphore, #tpu.memory_space<semaphore_mem>>) src(%dma_wait3A_706 : memref<100000x16xf32, #tpu.memory_space<hbm>>) dst(%dma_wait3A_700 : memref<128x16xf32, #tpu.memory_space<vmem>>)
    %dma_wait3A_707 = arith.constant 20 : i32
    %dma_wait3A_708 = arith.constant 2560 : i32
    %dma_wait3A_709 = arith.constant 0 : i32
    %dma_wait3A_710 = tpu.memref_slice %arg8[%dma_wait3A_708, %dma_wait3A_709] : memref<6400x16xf32, #tpu.memory_space<vmem>> -> memref<128x16xf32, #tpu.memory_space<vmem>>
    %dma_wait3A_711 = arith.constant 0 : i32
    %dma_wait3A_712 = tpu.memref_slice %arg6[%dma_wait3A_707, %dma_wait3A_711] : memref<50x128xi32, #tpu.memory_space<vmem>> -> memref<1x128xi32, #tpu.memory_space<vmem>>
    %dma_wait3A_713 = tpu.memref_squeeze %dma_wait3A_712 : memref<1x128xi32, #tpu.memory_space<vmem>> -> memref<128xi32, #tpu.memory_space<vmem>>
    %dma_wait3A_714 = arith.constant 0 : i32
    %dma_wait3A_715 = arith.constant 0 : i32
    %dma_wait3A_716 = tpu.memref_slice %arg2[%dma_wait3A_714, %dma_wait3A_715] : memref<100000x16xf32, #tpu.memory_space<hbm>> -> memref<100000x16xf32, #tpu.memory_space<hbm>>
    tpu.wait_indirect_dma semaphore(%arg11 : memref<!tpu.dma_semaphore, #tpu.memory_space<semaphore_mem>>) src(%dma_wait3A_716 : memref<100000x16xf32, #tpu.memory_space<hbm>>) dst(%dma_wait3A_710 : memref<128x16xf32, #tpu.memory_space<vmem>>)
    %dma_wait3A_717 = arith.constant 21 : i32
    %dma_wait3A_718 = arith.constant 2688 : i32
    %dma_wait3A_719 = arith.constant 0 : i32
    %dma_wait3A_720 = tpu.memref_slice %arg8[%dma_wait3A_718, %dma_wait3A_719] : memref<6400x16xf32, #tpu.memory_space<vmem>> -> memref<128x16xf32, #tpu.memory_space<vmem>>
    %dma_wait3A_721 = arith.constant 0 : i32
    %dma_wait3A_722 = tpu.memref_slice %arg6[%dma_wait3A_717, %dma_wait3A_721] : memref<50x128xi32, #tpu.memory_space<vmem>> -> memref<1x128xi32, #tpu.memory_space<vmem>>
    %dma_wait3A_723 = tpu.memref_squeeze %dma_wait3A_722 : memref<1x128xi32, #tpu.memory_space<vmem>> -> memref<128xi32, #tpu.memory_space<vmem>>
    %dma_wait3A_724 = arith.constant 0 : i32
    %dma_wait3A_725 = arith.constant 0 : i32
    %dma_wait3A_726 = tpu.memref_slice %arg2[%dma_wait3A_724, %dma_wait3A_725] : memref<100000x16xf32, #tpu.memory_space<hbm>> -> memref<100000x16xf32, #tpu.memory_space<hbm>>
    tpu.wait_indirect_dma semaphore(%arg11 : memref<!tpu.dma_semaphore, #tpu.memory_space<semaphore_mem>>) src(%dma_wait3A_726 : memref<100000x16xf32, #tpu.memory_space<hbm>>) dst(%dma_wait3A_720 : memref<128x16xf32, #tpu.memory_space<vmem>>)
    %dma_wait3A_727 = arith.constant 22 : i32
    %dma_wait3A_728 = arith.constant 2816 : i32
    %dma_wait3A_729 = arith.constant 0 : i32
    %dma_wait3A_730 = tpu.memref_slice %arg8[%dma_wait3A_728, %dma_wait3A_729] : memref<6400x16xf32, #tpu.memory_space<vmem>> -> memref<128x16xf32, #tpu.memory_space<vmem>>
    %dma_wait3A_731 = arith.constant 0 : i32
    %dma_wait3A_732 = tpu.memref_slice %arg6[%dma_wait3A_727, %dma_wait3A_731] : memref<50x128xi32, #tpu.memory_space<vmem>> -> memref<1x128xi32, #tpu.memory_space<vmem>>
    %dma_wait3A_733 = tpu.memref_squeeze %dma_wait3A_732 : memref<1x128xi32, #tpu.memory_space<vmem>> -> memref<128xi32, #tpu.memory_space<vmem>>
    %dma_wait3A_734 = arith.constant 0 : i32
    %dma_wait3A_735 = arith.constant 0 : i32
    %dma_wait3A_736 = tpu.memref_slice %arg2[%dma_wait3A_734, %dma_wait3A_735] : memref<100000x16xf32, #tpu.memory_space<hbm>> -> memref<100000x16xf32, #tpu.memory_space<hbm>>
    tpu.wait_indirect_dma semaphore(%arg11 : memref<!tpu.dma_semaphore, #tpu.memory_space<semaphore_mem>>) src(%dma_wait3A_736 : memref<100000x16xf32, #tpu.memory_space<hbm>>) dst(%dma_wait3A_730 : memref<128x16xf32, #tpu.memory_space<vmem>>)
    %dma_wait3A_737 = arith.constant 23 : i32
    %dma_wait3A_738 = arith.constant 2944 : i32
    %dma_wait3A_739 = arith.constant 0 : i32
    %dma_wait3A_740 = tpu.memref_slice %arg8[%dma_wait3A_738, %dma_wait3A_739] : memref<6400x16xf32, #tpu.memory_space<vmem>> -> memref<128x16xf32, #tpu.memory_space<vmem>>
    %dma_wait3A_741 = arith.constant 0 : i32
    %dma_wait3A_742 = tpu.memref_slice %arg6[%dma_wait3A_737, %dma_wait3A_741] : memref<50x128xi32, #tpu.memory_space<vmem>> -> memref<1x128xi32, #tpu.memory_space<vmem>>
    %dma_wait3A_743 = tpu.memref_squeeze %dma_wait3A_742 : memref<1x128xi32, #tpu.memory_space<vmem>> -> memref<128xi32, #tpu.memory_space<vmem>>
    %dma_wait3A_744 = arith.constant 0 : i32
    %dma_wait3A_745 = arith.constant 0 : i32
    %dma_wait3A_746 = tpu.memref_slice %arg2[%dma_wait3A_744, %dma_wait3A_745] : memref<100000x16xf32, #tpu.memory_space<hbm>> -> memref<100000x16xf32, #tpu.memory_space<hbm>>
    tpu.wait_indirect_dma semaphore(%arg11 : memref<!tpu.dma_semaphore, #tpu.memory_space<semaphore_mem>>) src(%dma_wait3A_746 : memref<100000x16xf32, #tpu.memory_space<hbm>>) dst(%dma_wait3A_740 : memref<128x16xf32, #tpu.memory_space<vmem>>)
    %dma_wait3A_747 = arith.constant 24 : i32
    %dma_wait3A_748 = arith.constant 3072 : i32
    %dma_wait3A_749 = arith.constant 0 : i32
    %dma_wait3A_750 = tpu.memref_slice %arg8[%dma_wait3A_748, %dma_wait3A_749] : memref<6400x16xf32, #tpu.memory_space<vmem>> -> memref<128x16xf32, #tpu.memory_space<vmem>>
    %dma_wait3A_751 = arith.constant 0 : i32
    %dma_wait3A_752 = tpu.memref_slice %arg6[%dma_wait3A_747, %dma_wait3A_751] : memref<50x128xi32, #tpu.memory_space<vmem>> -> memref<1x128xi32, #tpu.memory_space<vmem>>
    %dma_wait3A_753 = tpu.memref_squeeze %dma_wait3A_752 : memref<1x128xi32, #tpu.memory_space<vmem>> -> memref<128xi32, #tpu.memory_space<vmem>>
    %dma_wait3A_754 = arith.constant 0 : i32
    %dma_wait3A_755 = arith.constant 0 : i32
    %dma_wait3A_756 = tpu.memref_slice %arg2[%dma_wait3A_754, %dma_wait3A_755] : memref<100000x16xf32, #tpu.memory_space<hbm>> -> memref<100000x16xf32, #tpu.memory_space<hbm>>
    tpu.wait_indirect_dma semaphore(%arg11 : memref<!tpu.dma_semaphore, #tpu.memory_space<semaphore_mem>>) src(%dma_wait3A_756 : memref<100000x16xf32, #tpu.memory_space<hbm>>) dst(%dma_wait3A_750 : memref<128x16xf32, #tpu.memory_space<vmem>>)
    %dma_wait3A_757 = arith.constant 25 : i32
    %dma_wait3A_758 = arith.constant 3200 : i32
    %dma_wait3A_759 = arith.constant 0 : i32
    %dma_wait3A_760 = tpu.memref_slice %arg8[%dma_wait3A_758, %dma_wait3A_759] : memref<6400x16xf32, #tpu.memory_space<vmem>> -> memref<128x16xf32, #tpu.memory_space<vmem>>
    %dma_wait3A_761 = arith.constant 0 : i32
    %dma_wait3A_762 = tpu.memref_slice %arg6[%dma_wait3A_757, %dma_wait3A_761] : memref<50x128xi32, #tpu.memory_space<vmem>> -> memref<1x128xi32, #tpu.memory_space<vmem>>
    %dma_wait3A_763 = tpu.memref_squeeze %dma_wait3A_762 : memref<1x128xi32, #tpu.memory_space<vmem>> -> memref<128xi32, #tpu.memory_space<vmem>>
    %dma_wait3A_764 = arith.constant 0 : i32
    %dma_wait3A_765 = arith.constant 0 : i32
    %dma_wait3A_766 = tpu.memref_slice %arg2[%dma_wait3A_764, %dma_wait3A_765] : memref<100000x16xf32, #tpu.memory_space<hbm>> -> memref<100000x16xf32, #tpu.memory_space<hbm>>
    tpu.wait_indirect_dma semaphore(%arg11 : memref<!tpu.dma_semaphore, #tpu.memory_space<semaphore_mem>>) src(%dma_wait3A_766 : memref<100000x16xf32, #tpu.memory_space<hbm>>) dst(%dma_wait3A_760 : memref<128x16xf32, #tpu.memory_space<vmem>>)
    %dma_wait3A_767 = arith.constant 26 : i32
    %dma_wait3A_768 = arith.constant 3328 : i32
    %dma_wait3A_769 = arith.constant 0 : i32
    %dma_wait3A_770 = tpu.memref_slice %arg8[%dma_wait3A_768, %dma_wait3A_769] : memref<6400x16xf32, #tpu.memory_space<vmem>> -> memref<128x16xf32, #tpu.memory_space<vmem>>
    %dma_wait3A_771 = arith.constant 0 : i32
    %dma_wait3A_772 = tpu.memref_slice %arg6[%dma_wait3A_767, %dma_wait3A_771] : memref<50x128xi32, #tpu.memory_space<vmem>> -> memref<1x128xi32, #tpu.memory_space<vmem>>
    %dma_wait3A_773 = tpu.memref_squeeze %dma_wait3A_772 : memref<1x128xi32, #tpu.memory_space<vmem>> -> memref<128xi32, #tpu.memory_space<vmem>>
    %dma_wait3A_774 = arith.constant 0 : i32
    %dma_wait3A_775 = arith.constant 0 : i32
    %dma_wait3A_776 = tpu.memref_slice %arg2[%dma_wait3A_774, %dma_wait3A_775] : memref<100000x16xf32, #tpu.memory_space<hbm>> -> memref<100000x16xf32, #tpu.memory_space<hbm>>
    tpu.wait_indirect_dma semaphore(%arg11 : memref<!tpu.dma_semaphore, #tpu.memory_space<semaphore_mem>>) src(%dma_wait3A_776 : memref<100000x16xf32, #tpu.memory_space<hbm>>) dst(%dma_wait3A_770 : memref<128x16xf32, #tpu.memory_space<vmem>>)
    %dma_wait3A_777 = arith.constant 27 : i32
    %dma_wait3A_778 = arith.constant 3456 : i32
    %dma_wait3A_779 = arith.constant 0 : i32
    %dma_wait3A_780 = tpu.memref_slice %arg8[%dma_wait3A_778, %dma_wait3A_779] : memref<6400x16xf32, #tpu.memory_space<vmem>> -> memref<128x16xf32, #tpu.memory_space<vmem>>
    %dma_wait3A_781 = arith.constant 0 : i32
    %dma_wait3A_782 = tpu.memref_slice %arg6[%dma_wait3A_777, %dma_wait3A_781] : memref<50x128xi32, #tpu.memory_space<vmem>> -> memref<1x128xi32, #tpu.memory_space<vmem>>
    %dma_wait3A_783 = tpu.memref_squeeze %dma_wait3A_782 : memref<1x128xi32, #tpu.memory_space<vmem>> -> memref<128xi32, #tpu.memory_space<vmem>>
    %dma_wait3A_784 = arith.constant 0 : i32
    %dma_wait3A_785 = arith.constant 0 : i32
    %dma_wait3A_786 = tpu.memref_slice %arg2[%dma_wait3A_784, %dma_wait3A_785] : memref<100000x16xf32, #tpu.memory_space<hbm>> -> memref<100000x16xf32, #tpu.memory_space<hbm>>
    tpu.wait_indirect_dma semaphore(%arg11 : memref<!tpu.dma_semaphore, #tpu.memory_space<semaphore_mem>>) src(%dma_wait3A_786 : memref<100000x16xf32, #tpu.memory_space<hbm>>) dst(%dma_wait3A_780 : memref<128x16xf32, #tpu.memory_space<vmem>>)
    %dma_wait3A_787 = arith.constant 28 : i32
    %dma_wait3A_788 = arith.constant 3584 : i32
    %dma_wait3A_789 = arith.constant 0 : i32
    %dma_wait3A_790 = tpu.memref_slice %arg8[%dma_wait3A_788, %dma_wait3A_789] : memref<6400x16xf32, #tpu.memory_space<vmem>> -> memref<128x16xf32, #tpu.memory_space<vmem>>
    %dma_wait3A_791 = arith.constant 0 : i32
    %dma_wait3A_792 = tpu.memref_slice %arg6[%dma_wait3A_787, %dma_wait3A_791] : memref<50x128xi32, #tpu.memory_space<vmem>> -> memref<1x128xi32, #tpu.memory_space<vmem>>
    %dma_wait3A_793 = tpu.memref_squeeze %dma_wait3A_792 : memref<1x128xi32, #tpu.memory_space<vmem>> -> memref<128xi32, #tpu.memory_space<vmem>>
    %dma_wait3A_794 = arith.constant 0 : i32
    %dma_wait3A_795 = arith.constant 0 : i32
    %dma_wait3A_796 = tpu.memref_slice %arg2[%dma_wait3A_794, %dma_wait3A_795] : memref<100000x16xf32, #tpu.memory_space<hbm>> -> memref<100000x16xf32, #tpu.memory_space<hbm>>
    tpu.wait_indirect_dma semaphore(%arg11 : memref<!tpu.dma_semaphore, #tpu.memory_space<semaphore_mem>>) src(%dma_wait3A_796 : memref<100000x16xf32, #tpu.memory_space<hbm>>) dst(%dma_wait3A_790 : memref<128x16xf32, #tpu.memory_space<vmem>>)
    %dma_wait3A_797 = arith.constant 29 : i32
    %dma_wait3A_798 = arith.constant 3712 : i32
    %dma_wait3A_799 = arith.constant 0 : i32
    %dma_wait3A_800 = tpu.memref_slice %arg8[%dma_wait3A_798, %dma_wait3A_799] : memref<6400x16xf32, #tpu.memory_space<vmem>> -> memref<128x16xf32, #tpu.memory_space<vmem>>
    %dma_wait3A_801 = arith.constant 0 : i32
    %dma_wait3A_802 = tpu.memref_slice %arg6[%dma_wait3A_797, %dma_wait3A_801] : memref<50x128xi32, #tpu.memory_space<vmem>> -> memref<1x128xi32, #tpu.memory_space<vmem>>
    %dma_wait3A_803 = tpu.memref_squeeze %dma_wait3A_802 : memref<1x128xi32, #tpu.memory_space<vmem>> -> memref<128xi32, #tpu.memory_space<vmem>>
    %dma_wait3A_804 = arith.constant 0 : i32
    %dma_wait3A_805 = arith.constant 0 : i32
    %dma_wait3A_806 = tpu.memref_slice %arg2[%dma_wait3A_804, %dma_wait3A_805] : memref<100000x16xf32, #tpu.memory_space<hbm>> -> memref<100000x16xf32, #tpu.memory_space<hbm>>
    tpu.wait_indirect_dma semaphore(%arg11 : memref<!tpu.dma_semaphore, #tpu.memory_space<semaphore_mem>>) src(%dma_wait3A_806 : memref<100000x16xf32, #tpu.memory_space<hbm>>) dst(%dma_wait3A_800 : memref<128x16xf32, #tpu.memory_space<vmem>>)
    %dma_wait3A_807 = arith.constant 30 : i32
    %dma_wait3A_808 = arith.constant 3840 : i32
    %dma_wait3A_809 = arith.constant 0 : i32
    %dma_wait3A_810 = tpu.memref_slice %arg8[%dma_wait3A_808, %dma_wait3A_809] : memref<6400x16xf32, #tpu.memory_space<vmem>> -> memref<128x16xf32, #tpu.memory_space<vmem>>
    %dma_wait3A_811 = arith.constant 0 : i32
    %dma_wait3A_812 = tpu.memref_slice %arg6[%dma_wait3A_807, %dma_wait3A_811] : memref<50x128xi32, #tpu.memory_space<vmem>> -> memref<1x128xi32, #tpu.memory_space<vmem>>
    %dma_wait3A_813 = tpu.memref_squeeze %dma_wait3A_812 : memref<1x128xi32, #tpu.memory_space<vmem>> -> memref<128xi32, #tpu.memory_space<vmem>>
    %dma_wait3A_814 = arith.constant 0 : i32
    %dma_wait3A_815 = arith.constant 0 : i32
    %dma_wait3A_816 = tpu.memref_slice %arg2[%dma_wait3A_814, %dma_wait3A_815] : memref<100000x16xf32, #tpu.memory_space<hbm>> -> memref<100000x16xf32, #tpu.memory_space<hbm>>
    tpu.wait_indirect_dma semaphore(%arg11 : memref<!tpu.dma_semaphore, #tpu.memory_space<semaphore_mem>>) src(%dma_wait3A_816 : memref<100000x16xf32, #tpu.memory_space<hbm>>) dst(%dma_wait3A_810 : memref<128x16xf32, #tpu.memory_space<vmem>>)
    %dma_wait3A_817 = arith.constant 31 : i32
    %dma_wait3A_818 = arith.constant 3968 : i32
    %dma_wait3A_819 = arith.constant 0 : i32
    %dma_wait3A_820 = tpu.memref_slice %arg8[%dma_wait3A_818, %dma_wait3A_819] : memref<6400x16xf32, #tpu.memory_space<vmem>> -> memref<128x16xf32, #tpu.memory_space<vmem>>
    %dma_wait3A_821 = arith.constant 0 : i32
    %dma_wait3A_822 = tpu.memref_slice %arg6[%dma_wait3A_817, %dma_wait3A_821] : memref<50x128xi32, #tpu.memory_space<vmem>> -> memref<1x128xi32, #tpu.memory_space<vmem>>
    %dma_wait3A_823 = tpu.memref_squeeze %dma_wait3A_822 : memref<1x128xi32, #tpu.memory_space<vmem>> -> memref<128xi32, #tpu.memory_space<vmem>>
    %dma_wait3A_824 = arith.constant 0 : i32
    %dma_wait3A_825 = arith.constant 0 : i32
    %dma_wait3A_826 = tpu.memref_slice %arg2[%dma_wait3A_824, %dma_wait3A_825] : memref<100000x16xf32, #tpu.memory_space<hbm>> -> memref<100000x16xf32, #tpu.memory_space<hbm>>
    tpu.wait_indirect_dma semaphore(%arg11 : memref<!tpu.dma_semaphore, #tpu.memory_space<semaphore_mem>>) src(%dma_wait3A_826 : memref<100000x16xf32, #tpu.memory_space<hbm>>) dst(%dma_wait3A_820 : memref<128x16xf32, #tpu.memory_space<vmem>>)
    %dma_wait3A_827 = arith.constant 32 : i32
    %dma_wait3A_828 = arith.constant 4096 : i32
    %dma_wait3A_829 = arith.constant 0 : i32
    %dma_wait3A_830 = tpu.memref_slice %arg8[%dma_wait3A_828, %dma_wait3A_829] : memref<6400x16xf32, #tpu.memory_space<vmem>> -> memref<128x16xf32, #tpu.memory_space<vmem>>
    %dma_wait3A_831 = arith.constant 0 : i32
    %dma_wait3A_832 = tpu.memref_slice %arg6[%dma_wait3A_827, %dma_wait3A_831] : memref<50x128xi32, #tpu.memory_space<vmem>> -> memref<1x128xi32, #tpu.memory_space<vmem>>
    %dma_wait3A_833 = tpu.memref_squeeze %dma_wait3A_832 : memref<1x128xi32, #tpu.memory_space<vmem>> -> memref<128xi32, #tpu.memory_space<vmem>>
    %dma_wait3A_834 = arith.constant 0 : i32
    %dma_wait3A_835 = arith.constant 0 : i32
    %dma_wait3A_836 = tpu.memref_slice %arg2[%dma_wait3A_834, %dma_wait3A_835] : memref<100000x16xf32, #tpu.memory_space<hbm>> -> memref<100000x16xf32, #tpu.memory_space<hbm>>
    tpu.wait_indirect_dma semaphore(%arg11 : memref<!tpu.dma_semaphore, #tpu.memory_space<semaphore_mem>>) src(%dma_wait3A_836 : memref<100000x16xf32, #tpu.memory_space<hbm>>) dst(%dma_wait3A_830 : memref<128x16xf32, #tpu.memory_space<vmem>>)
    %dma_wait3A_837 = arith.constant 33 : i32
    %dma_wait3A_838 = arith.constant 4224 : i32
    %dma_wait3A_839 = arith.constant 0 : i32
    %dma_wait3A_840 = tpu.memref_slice %arg8[%dma_wait3A_838, %dma_wait3A_839] : memref<6400x16xf32, #tpu.memory_space<vmem>> -> memref<128x16xf32, #tpu.memory_space<vmem>>
    %dma_wait3A_841 = arith.constant 0 : i32
    %dma_wait3A_842 = tpu.memref_slice %arg6[%dma_wait3A_837, %dma_wait3A_841] : memref<50x128xi32, #tpu.memory_space<vmem>> -> memref<1x128xi32, #tpu.memory_space<vmem>>
    %dma_wait3A_843 = tpu.memref_squeeze %dma_wait3A_842 : memref<1x128xi32, #tpu.memory_space<vmem>> -> memref<128xi32, #tpu.memory_space<vmem>>
    %dma_wait3A_844 = arith.constant 0 : i32
    %dma_wait3A_845 = arith.constant 0 : i32
    %dma_wait3A_846 = tpu.memref_slice %arg2[%dma_wait3A_844, %dma_wait3A_845] : memref<100000x16xf32, #tpu.memory_space<hbm>> -> memref<100000x16xf32, #tpu.memory_space<hbm>>
    tpu.wait_indirect_dma semaphore(%arg11 : memref<!tpu.dma_semaphore, #tpu.memory_space<semaphore_mem>>) src(%dma_wait3A_846 : memref<100000x16xf32, #tpu.memory_space<hbm>>) dst(%dma_wait3A_840 : memref<128x16xf32, #tpu.memory_space<vmem>>)
    %dma_wait3A_847 = arith.constant 34 : i32
    %dma_wait3A_848 = arith.constant 4352 : i32
    %dma_wait3A_849 = arith.constant 0 : i32
    %dma_wait3A_850 = tpu.memref_slice %arg8[%dma_wait3A_848, %dma_wait3A_849] : memref<6400x16xf32, #tpu.memory_space<vmem>> -> memref<128x16xf32, #tpu.memory_space<vmem>>
    %dma_wait3A_851 = arith.constant 0 : i32
    %dma_wait3A_852 = tpu.memref_slice %arg6[%dma_wait3A_847, %dma_wait3A_851] : memref<50x128xi32, #tpu.memory_space<vmem>> -> memref<1x128xi32, #tpu.memory_space<vmem>>
    %dma_wait3A_853 = tpu.memref_squeeze %dma_wait3A_852 : memref<1x128xi32, #tpu.memory_space<vmem>> -> memref<128xi32, #tpu.memory_space<vmem>>
    %dma_wait3A_854 = arith.constant 0 : i32
    %dma_wait3A_855 = arith.constant 0 : i32
    %dma_wait3A_856 = tpu.memref_slice %arg2[%dma_wait3A_854, %dma_wait3A_855] : memref<100000x16xf32, #tpu.memory_space<hbm>> -> memref<100000x16xf32, #tpu.memory_space<hbm>>
    tpu.wait_indirect_dma semaphore(%arg11 : memref<!tpu.dma_semaphore, #tpu.memory_space<semaphore_mem>>) src(%dma_wait3A_856 : memref<100000x16xf32, #tpu.memory_space<hbm>>) dst(%dma_wait3A_850 : memref<128x16xf32, #tpu.memory_space<vmem>>)
    %dma_wait3A_857 = arith.constant 35 : i32
    %dma_wait3A_858 = arith.constant 4480 : i32
    %dma_wait3A_859 = arith.constant 0 : i32
    %dma_wait3A_860 = tpu.memref_slice %arg8[%dma_wait3A_858, %dma_wait3A_859] : memref<6400x16xf32, #tpu.memory_space<vmem>> -> memref<128x16xf32, #tpu.memory_space<vmem>>
    %dma_wait3A_861 = arith.constant 0 : i32
    %dma_wait3A_862 = tpu.memref_slice %arg6[%dma_wait3A_857, %dma_wait3A_861] : memref<50x128xi32, #tpu.memory_space<vmem>> -> memref<1x128xi32, #tpu.memory_space<vmem>>
    %dma_wait3A_863 = tpu.memref_squeeze %dma_wait3A_862 : memref<1x128xi32, #tpu.memory_space<vmem>> -> memref<128xi32, #tpu.memory_space<vmem>>
    %dma_wait3A_864 = arith.constant 0 : i32
    %dma_wait3A_865 = arith.constant 0 : i32
    %dma_wait3A_866 = tpu.memref_slice %arg2[%dma_wait3A_864, %dma_wait3A_865] : memref<100000x16xf32, #tpu.memory_space<hbm>> -> memref<100000x16xf32, #tpu.memory_space<hbm>>
    tpu.wait_indirect_dma semaphore(%arg11 : memref<!tpu.dma_semaphore, #tpu.memory_space<semaphore_mem>>) src(%dma_wait3A_866 : memref<100000x16xf32, #tpu.memory_space<hbm>>) dst(%dma_wait3A_860 : memref<128x16xf32, #tpu.memory_space<vmem>>)
    %dma_wait3A_867 = arith.constant 36 : i32
    %dma_wait3A_868 = arith.constant 4608 : i32
    %dma_wait3A_869 = arith.constant 0 : i32
    %dma_wait3A_870 = tpu.memref_slice %arg8[%dma_wait3A_868, %dma_wait3A_869] : memref<6400x16xf32, #tpu.memory_space<vmem>> -> memref<128x16xf32, #tpu.memory_space<vmem>>
    %dma_wait3A_871 = arith.constant 0 : i32
    %dma_wait3A_872 = tpu.memref_slice %arg6[%dma_wait3A_867, %dma_wait3A_871] : memref<50x128xi32, #tpu.memory_space<vmem>> -> memref<1x128xi32, #tpu.memory_space<vmem>>
    %dma_wait3A_873 = tpu.memref_squeeze %dma_wait3A_872 : memref<1x128xi32, #tpu.memory_space<vmem>> -> memref<128xi32, #tpu.memory_space<vmem>>
    %dma_wait3A_874 = arith.constant 0 : i32
    %dma_wait3A_875 = arith.constant 0 : i32
    %dma_wait3A_876 = tpu.memref_slice %arg2[%dma_wait3A_874, %dma_wait3A_875] : memref<100000x16xf32, #tpu.memory_space<hbm>> -> memref<100000x16xf32, #tpu.memory_space<hbm>>
    tpu.wait_indirect_dma semaphore(%arg11 : memref<!tpu.dma_semaphore, #tpu.memory_space<semaphore_mem>>) src(%dma_wait3A_876 : memref<100000x16xf32, #tpu.memory_space<hbm>>) dst(%dma_wait3A_870 : memref<128x16xf32, #tpu.memory_space<vmem>>)
    %dma_wait3A_877 = arith.constant 37 : i32
    %dma_wait3A_878 = arith.constant 4736 : i32
    %dma_wait3A_879 = arith.constant 0 : i32
    %dma_wait3A_880 = tpu.memref_slice %arg8[%dma_wait3A_878, %dma_wait3A_879] : memref<6400x16xf32, #tpu.memory_space<vmem>> -> memref<128x16xf32, #tpu.memory_space<vmem>>
    %dma_wait3A_881 = arith.constant 0 : i32
    %dma_wait3A_882 = tpu.memref_slice %arg6[%dma_wait3A_877, %dma_wait3A_881] : memref<50x128xi32, #tpu.memory_space<vmem>> -> memref<1x128xi32, #tpu.memory_space<vmem>>
    %dma_wait3A_883 = tpu.memref_squeeze %dma_wait3A_882 : memref<1x128xi32, #tpu.memory_space<vmem>> -> memref<128xi32, #tpu.memory_space<vmem>>
    %dma_wait3A_884 = arith.constant 0 : i32
    %dma_wait3A_885 = arith.constant 0 : i32
    %dma_wait3A_886 = tpu.memref_slice %arg2[%dma_wait3A_884, %dma_wait3A_885] : memref<100000x16xf32, #tpu.memory_space<hbm>> -> memref<100000x16xf32, #tpu.memory_space<hbm>>
    tpu.wait_indirect_dma semaphore(%arg11 : memref<!tpu.dma_semaphore, #tpu.memory_space<semaphore_mem>>) src(%dma_wait3A_886 : memref<100000x16xf32, #tpu.memory_space<hbm>>) dst(%dma_wait3A_880 : memref<128x16xf32, #tpu.memory_space<vmem>>)
    %dma_wait3A_887 = arith.constant 38 : i32
    %dma_wait3A_888 = arith.constant 4864 : i32
    %dma_wait3A_889 = arith.constant 0 : i32
    %dma_wait3A_890 = tpu.memref_slice %arg8[%dma_wait3A_888, %dma_wait3A_889] : memref<6400x16xf32, #tpu.memory_space<vmem>> -> memref<128x16xf32, #tpu.memory_space<vmem>>
    %dma_wait3A_891 = arith.constant 0 : i32
    %dma_wait3A_892 = tpu.memref_slice %arg6[%dma_wait3A_887, %dma_wait3A_891] : memref<50x128xi32, #tpu.memory_space<vmem>> -> memref<1x128xi32, #tpu.memory_space<vmem>>
    %dma_wait3A_893 = tpu.memref_squeeze %dma_wait3A_892 : memref<1x128xi32, #tpu.memory_space<vmem>> -> memref<128xi32, #tpu.memory_space<vmem>>
    %dma_wait3A_894 = arith.constant 0 : i32
    %dma_wait3A_895 = arith.constant 0 : i32
    %dma_wait3A_896 = tpu.memref_slice %arg2[%dma_wait3A_894, %dma_wait3A_895] : memref<100000x16xf32, #tpu.memory_space<hbm>> -> memref<100000x16xf32, #tpu.memory_space<hbm>>
    tpu.wait_indirect_dma semaphore(%arg11 : memref<!tpu.dma_semaphore, #tpu.memory_space<semaphore_mem>>) src(%dma_wait3A_896 : memref<100000x16xf32, #tpu.memory_space<hbm>>) dst(%dma_wait3A_890 : memref<128x16xf32, #tpu.memory_space<vmem>>)
    %dma_wait3A_897 = arith.constant 39 : i32
    %dma_wait3A_898 = arith.constant 4992 : i32
    %dma_wait3A_899 = arith.constant 0 : i32
    %dma_wait3A_900 = tpu.memref_slice %arg8[%dma_wait3A_898, %dma_wait3A_899] : memref<6400x16xf32, #tpu.memory_space<vmem>> -> memref<128x16xf32, #tpu.memory_space<vmem>>
    %dma_wait3A_901 = arith.constant 0 : i32
    %dma_wait3A_902 = tpu.memref_slice %arg6[%dma_wait3A_897, %dma_wait3A_901] : memref<50x128xi32, #tpu.memory_space<vmem>> -> memref<1x128xi32, #tpu.memory_space<vmem>>
    %dma_wait3A_903 = tpu.memref_squeeze %dma_wait3A_902 : memref<1x128xi32, #tpu.memory_space<vmem>> -> memref<128xi32, #tpu.memory_space<vmem>>
    %dma_wait3A_904 = arith.constant 0 : i32
    %dma_wait3A_905 = arith.constant 0 : i32
    %dma_wait3A_906 = tpu.memref_slice %arg2[%dma_wait3A_904, %dma_wait3A_905] : memref<100000x16xf32, #tpu.memory_space<hbm>> -> memref<100000x16xf32, #tpu.memory_space<hbm>>
    tpu.wait_indirect_dma semaphore(%arg11 : memref<!tpu.dma_semaphore, #tpu.memory_space<semaphore_mem>>) src(%dma_wait3A_906 : memref<100000x16xf32, #tpu.memory_space<hbm>>) dst(%dma_wait3A_900 : memref<128x16xf32, #tpu.memory_space<vmem>>)
    %dma_wait3A_907 = arith.constant 40 : i32
    %dma_wait3A_908 = arith.constant 5120 : i32
    %dma_wait3A_909 = arith.constant 0 : i32
    %dma_wait3A_910 = tpu.memref_slice %arg8[%dma_wait3A_908, %dma_wait3A_909] : memref<6400x16xf32, #tpu.memory_space<vmem>> -> memref<128x16xf32, #tpu.memory_space<vmem>>
    %dma_wait3A_911 = arith.constant 0 : i32
    %dma_wait3A_912 = tpu.memref_slice %arg6[%dma_wait3A_907, %dma_wait3A_911] : memref<50x128xi32, #tpu.memory_space<vmem>> -> memref<1x128xi32, #tpu.memory_space<vmem>>
    %dma_wait3A_913 = tpu.memref_squeeze %dma_wait3A_912 : memref<1x128xi32, #tpu.memory_space<vmem>> -> memref<128xi32, #tpu.memory_space<vmem>>
    %dma_wait3A_914 = arith.constant 0 : i32
    %dma_wait3A_915 = arith.constant 0 : i32
    %dma_wait3A_916 = tpu.memref_slice %arg2[%dma_wait3A_914, %dma_wait3A_915] : memref<100000x16xf32, #tpu.memory_space<hbm>> -> memref<100000x16xf32, #tpu.memory_space<hbm>>
    tpu.wait_indirect_dma semaphore(%arg11 : memref<!tpu.dma_semaphore, #tpu.memory_space<semaphore_mem>>) src(%dma_wait3A_916 : memref<100000x16xf32, #tpu.memory_space<hbm>>) dst(%dma_wait3A_910 : memref<128x16xf32, #tpu.memory_space<vmem>>)
    %dma_wait3A_917 = arith.constant 41 : i32
    %dma_wait3A_918 = arith.constant 5248 : i32
    %dma_wait3A_919 = arith.constant 0 : i32
    %dma_wait3A_920 = tpu.memref_slice %arg8[%dma_wait3A_918, %dma_wait3A_919] : memref<6400x16xf32, #tpu.memory_space<vmem>> -> memref<128x16xf32, #tpu.memory_space<vmem>>
    %dma_wait3A_921 = arith.constant 0 : i32
    %dma_wait3A_922 = tpu.memref_slice %arg6[%dma_wait3A_917, %dma_wait3A_921] : memref<50x128xi32, #tpu.memory_space<vmem>> -> memref<1x128xi32, #tpu.memory_space<vmem>>
    %dma_wait3A_923 = tpu.memref_squeeze %dma_wait3A_922 : memref<1x128xi32, #tpu.memory_space<vmem>> -> memref<128xi32, #tpu.memory_space<vmem>>
    %dma_wait3A_924 = arith.constant 0 : i32
    %dma_wait3A_925 = arith.constant 0 : i32
    %dma_wait3A_926 = tpu.memref_slice %arg2[%dma_wait3A_924, %dma_wait3A_925] : memref<100000x16xf32, #tpu.memory_space<hbm>> -> memref<100000x16xf32, #tpu.memory_space<hbm>>
    tpu.wait_indirect_dma semaphore(%arg11 : memref<!tpu.dma_semaphore, #tpu.memory_space<semaphore_mem>>) src(%dma_wait3A_926 : memref<100000x16xf32, #tpu.memory_space<hbm>>) dst(%dma_wait3A_920 : memref<128x16xf32, #tpu.memory_space<vmem>>)
    %dma_wait3A_927 = arith.constant 42 : i32
    %dma_wait3A_928 = arith.constant 5376 : i32
    %dma_wait3A_929 = arith.constant 0 : i32
    %dma_wait3A_930 = tpu.memref_slice %arg8[%dma_wait3A_928, %dma_wait3A_929] : memref<6400x16xf32, #tpu.memory_space<vmem>> -> memref<128x16xf32, #tpu.memory_space<vmem>>
    %dma_wait3A_931 = arith.constant 0 : i32
    %dma_wait3A_932 = tpu.memref_slice %arg6[%dma_wait3A_927, %dma_wait3A_931] : memref<50x128xi32, #tpu.memory_space<vmem>> -> memref<1x128xi32, #tpu.memory_space<vmem>>
    %dma_wait3A_933 = tpu.memref_squeeze %dma_wait3A_932 : memref<1x128xi32, #tpu.memory_space<vmem>> -> memref<128xi32, #tpu.memory_space<vmem>>
    %dma_wait3A_934 = arith.constant 0 : i32
    %dma_wait3A_935 = arith.constant 0 : i32
    %dma_wait3A_936 = tpu.memref_slice %arg2[%dma_wait3A_934, %dma_wait3A_935] : memref<100000x16xf32, #tpu.memory_space<hbm>> -> memref<100000x16xf32, #tpu.memory_space<hbm>>
    tpu.wait_indirect_dma semaphore(%arg11 : memref<!tpu.dma_semaphore, #tpu.memory_space<semaphore_mem>>) src(%dma_wait3A_936 : memref<100000x16xf32, #tpu.memory_space<hbm>>) dst(%dma_wait3A_930 : memref<128x16xf32, #tpu.memory_space<vmem>>)
    %dma_wait3A_937 = arith.constant 43 : i32
    %dma_wait3A_938 = arith.constant 5504 : i32
    %dma_wait3A_939 = arith.constant 0 : i32
    %dma_wait3A_940 = tpu.memref_slice %arg8[%dma_wait3A_938, %dma_wait3A_939] : memref<6400x16xf32, #tpu.memory_space<vmem>> -> memref<128x16xf32, #tpu.memory_space<vmem>>
    %dma_wait3A_941 = arith.constant 0 : i32
    %dma_wait3A_942 = tpu.memref_slice %arg6[%dma_wait3A_937, %dma_wait3A_941] : memref<50x128xi32, #tpu.memory_space<vmem>> -> memref<1x128xi32, #tpu.memory_space<vmem>>
    %dma_wait3A_943 = tpu.memref_squeeze %dma_wait3A_942 : memref<1x128xi32, #tpu.memory_space<vmem>> -> memref<128xi32, #tpu.memory_space<vmem>>
    %dma_wait3A_944 = arith.constant 0 : i32
    %dma_wait3A_945 = arith.constant 0 : i32
    %dma_wait3A_946 = tpu.memref_slice %arg2[%dma_wait3A_944, %dma_wait3A_945] : memref<100000x16xf32, #tpu.memory_space<hbm>> -> memref<100000x16xf32, #tpu.memory_space<hbm>>
    tpu.wait_indirect_dma semaphore(%arg11 : memref<!tpu.dma_semaphore, #tpu.memory_space<semaphore_mem>>) src(%dma_wait3A_946 : memref<100000x16xf32, #tpu.memory_space<hbm>>) dst(%dma_wait3A_940 : memref<128x16xf32, #tpu.memory_space<vmem>>)
    %dma_wait3A_947 = arith.constant 44 : i32
    %dma_wait3A_948 = arith.constant 5632 : i32
    %dma_wait3A_949 = arith.constant 0 : i32
    %dma_wait3A_950 = tpu.memref_slice %arg8[%dma_wait3A_948, %dma_wait3A_949] : memref<6400x16xf32, #tpu.memory_space<vmem>> -> memref<128x16xf32, #tpu.memory_space<vmem>>
    %dma_wait3A_951 = arith.constant 0 : i32
    %dma_wait3A_952 = tpu.memref_slice %arg6[%dma_wait3A_947, %dma_wait3A_951] : memref<50x128xi32, #tpu.memory_space<vmem>> -> memref<1x128xi32, #tpu.memory_space<vmem>>
    %dma_wait3A_953 = tpu.memref_squeeze %dma_wait3A_952 : memref<1x128xi32, #tpu.memory_space<vmem>> -> memref<128xi32, #tpu.memory_space<vmem>>
    %dma_wait3A_954 = arith.constant 0 : i32
    %dma_wait3A_955 = arith.constant 0 : i32
    %dma_wait3A_956 = tpu.memref_slice %arg2[%dma_wait3A_954, %dma_wait3A_955] : memref<100000x16xf32, #tpu.memory_space<hbm>> -> memref<100000x16xf32, #tpu.memory_space<hbm>>
    tpu.wait_indirect_dma semaphore(%arg11 : memref<!tpu.dma_semaphore, #tpu.memory_space<semaphore_mem>>) src(%dma_wait3A_956 : memref<100000x16xf32, #tpu.memory_space<hbm>>) dst(%dma_wait3A_950 : memref<128x16xf32, #tpu.memory_space<vmem>>)
    %dma_wait3A_957 = arith.constant 45 : i32
    %dma_wait3A_958 = arith.constant 5760 : i32
    %dma_wait3A_959 = arith.constant 0 : i32
    %dma_wait3A_960 = tpu.memref_slice %arg8[%dma_wait3A_958, %dma_wait3A_959] : memref<6400x16xf32, #tpu.memory_space<vmem>> -> memref<128x16xf32, #tpu.memory_space<vmem>>
    %dma_wait3A_961 = arith.constant 0 : i32
    %dma_wait3A_962 = tpu.memref_slice %arg6[%dma_wait3A_957, %dma_wait3A_961] : memref<50x128xi32, #tpu.memory_space<vmem>> -> memref<1x128xi32, #tpu.memory_space<vmem>>
    %dma_wait3A_963 = tpu.memref_squeeze %dma_wait3A_962 : memref<1x128xi32, #tpu.memory_space<vmem>> -> memref<128xi32, #tpu.memory_space<vmem>>
    %dma_wait3A_964 = arith.constant 0 : i32
    %dma_wait3A_965 = arith.constant 0 : i32
    %dma_wait3A_966 = tpu.memref_slice %arg2[%dma_wait3A_964, %dma_wait3A_965] : memref<100000x16xf32, #tpu.memory_space<hbm>> -> memref<100000x16xf32, #tpu.memory_space<hbm>>
    tpu.wait_indirect_dma semaphore(%arg11 : memref<!tpu.dma_semaphore, #tpu.memory_space<semaphore_mem>>) src(%dma_wait3A_966 : memref<100000x16xf32, #tpu.memory_space<hbm>>) dst(%dma_wait3A_960 : memref<128x16xf32, #tpu.memory_space<vmem>>)
    %dma_wait3A_967 = arith.constant 46 : i32
    %dma_wait3A_968 = arith.constant 5888 : i32
    %dma_wait3A_969 = arith.constant 0 : i32
    %dma_wait3A_970 = tpu.memref_slice %arg8[%dma_wait3A_968, %dma_wait3A_969] : memref<6400x16xf32, #tpu.memory_space<vmem>> -> memref<128x16xf32, #tpu.memory_space<vmem>>
    %dma_wait3A_971 = arith.constant 0 : i32
    %dma_wait3A_972 = tpu.memref_slice %arg6[%dma_wait3A_967, %dma_wait3A_971] : memref<50x128xi32, #tpu.memory_space<vmem>> -> memref<1x128xi32, #tpu.memory_space<vmem>>
    %dma_wait3A_973 = tpu.memref_squeeze %dma_wait3A_972 : memref<1x128xi32, #tpu.memory_space<vmem>> -> memref<128xi32, #tpu.memory_space<vmem>>
    %dma_wait3A_974 = arith.constant 0 : i32
    %dma_wait3A_975 = arith.constant 0 : i32
    %dma_wait3A_976 = tpu.memref_slice %arg2[%dma_wait3A_974, %dma_wait3A_975] : memref<100000x16xf32, #tpu.memory_space<hbm>> -> memref<100000x16xf32, #tpu.memory_space<hbm>>
    tpu.wait_indirect_dma semaphore(%arg11 : memref<!tpu.dma_semaphore, #tpu.memory_space<semaphore_mem>>) src(%dma_wait3A_976 : memref<100000x16xf32, #tpu.memory_space<hbm>>) dst(%dma_wait3A_970 : memref<128x16xf32, #tpu.memory_space<vmem>>)
    %dma_wait3A_977 = arith.constant 47 : i32
    %dma_wait3A_978 = arith.constant 6016 : i32
    %dma_wait3A_979 = arith.constant 0 : i32
    %dma_wait3A_980 = tpu.memref_slice %arg8[%dma_wait3A_978, %dma_wait3A_979] : memref<6400x16xf32, #tpu.memory_space<vmem>> -> memref<128x16xf32, #tpu.memory_space<vmem>>
    %dma_wait3A_981 = arith.constant 0 : i32
    %dma_wait3A_982 = tpu.memref_slice %arg6[%dma_wait3A_977, %dma_wait3A_981] : memref<50x128xi32, #tpu.memory_space<vmem>> -> memref<1x128xi32, #tpu.memory_space<vmem>>
    %dma_wait3A_983 = tpu.memref_squeeze %dma_wait3A_982 : memref<1x128xi32, #tpu.memory_space<vmem>> -> memref<128xi32, #tpu.memory_space<vmem>>
    %dma_wait3A_984 = arith.constant 0 : i32
    %dma_wait3A_985 = arith.constant 0 : i32
    %dma_wait3A_986 = tpu.memref_slice %arg2[%dma_wait3A_984, %dma_wait3A_985] : memref<100000x16xf32, #tpu.memory_space<hbm>> -> memref<100000x16xf32, #tpu.memory_space<hbm>>
    tpu.wait_indirect_dma semaphore(%arg11 : memref<!tpu.dma_semaphore, #tpu.memory_space<semaphore_mem>>) src(%dma_wait3A_986 : memref<100000x16xf32, #tpu.memory_space<hbm>>) dst(%dma_wait3A_980 : memref<128x16xf32, #tpu.memory_space<vmem>>)
    %dma_wait3A_987 = arith.constant 48 : i32
    %dma_wait3A_988 = arith.constant 6144 : i32
    %dma_wait3A_989 = arith.constant 0 : i32
    %dma_wait3A_990 = tpu.memref_slice %arg8[%dma_wait3A_988, %dma_wait3A_989] : memref<6400x16xf32, #tpu.memory_space<vmem>> -> memref<128x16xf32, #tpu.memory_space<vmem>>
    %dma_wait3A_991 = arith.constant 0 : i32
    %dma_wait3A_992 = tpu.memref_slice %arg6[%dma_wait3A_987, %dma_wait3A_991] : memref<50x128xi32, #tpu.memory_space<vmem>> -> memref<1x128xi32, #tpu.memory_space<vmem>>
    %dma_wait3A_993 = tpu.memref_squeeze %dma_wait3A_992 : memref<1x128xi32, #tpu.memory_space<vmem>> -> memref<128xi32, #tpu.memory_space<vmem>>
    %dma_wait3A_994 = arith.constant 0 : i32
    %dma_wait3A_995 = arith.constant 0 : i32
    %dma_wait3A_996 = tpu.memref_slice %arg2[%dma_wait3A_994, %dma_wait3A_995] : memref<100000x16xf32, #tpu.memory_space<hbm>> -> memref<100000x16xf32, #tpu.memory_space<hbm>>
    tpu.wait_indirect_dma semaphore(%arg11 : memref<!tpu.dma_semaphore, #tpu.memory_space<semaphore_mem>>) src(%dma_wait3A_996 : memref<100000x16xf32, #tpu.memory_space<hbm>>) dst(%dma_wait3A_990 : memref<128x16xf32, #tpu.memory_space<vmem>>)
    %dma_wait3A_997 = arith.constant 49 : i32
    %dma_wait3A_998 = arith.constant 6272 : i32
    %dma_wait3A_999 = arith.constant 0 : i32
    %dma_wait3A_1000 = tpu.memref_slice %arg8[%dma_wait3A_998, %dma_wait3A_999] : memref<6400x16xf32, #tpu.memory_space<vmem>> -> memref<128x16xf32, #tpu.memory_space<vmem>>
    %dma_wait3A_1001 = arith.constant 0 : i32
    %dma_wait3A_1002 = tpu.memref_slice %arg6[%dma_wait3A_997, %dma_wait3A_1001] : memref<50x128xi32, #tpu.memory_space<vmem>> -> memref<1x128xi32, #tpu.memory_space<vmem>>
    %dma_wait3A_1003 = tpu.memref_squeeze %dma_wait3A_1002 : memref<1x128xi32, #tpu.memory_space<vmem>> -> memref<128xi32, #tpu.memory_space<vmem>>
    %dma_wait3A_1004 = arith.constant 0 : i32
    %dma_wait3A_1005 = arith.constant 0 : i32
    %dma_wait3A_1006 = tpu.memref_slice %arg2[%dma_wait3A_1004, %dma_wait3A_1005] : memref<100000x16xf32, #tpu.memory_space<hbm>> -> memref<100000x16xf32, #tpu.memory_space<hbm>>
    tpu.wait_indirect_dma semaphore(%arg11 : memref<!tpu.dma_semaphore, #tpu.memory_space<semaphore_mem>>) src(%dma_wait3A_1006 : memref<100000x16xf32, #tpu.memory_space<hbm>>) dst(%dma_wait3A_1000 : memref<128x16xf32, #tpu.memory_space<vmem>>)
    %scan3A = arith.constant 0 : i32
    %scan3A_1007 = arith.constant 0 : i32
    %scan3A_1008 = arith.constant 128 : i32
    %scan3A_1009 = arith.addi %scan3A_1007, %scan3A_1008 : i32
    %scan3A_1010 = arith.constant 1 : i32
    %scan3A_1011 = scf.for %scan3A_1015 = %scan3A_1007 to %scan3A_1009 step %scan3A_1010 iter_args(%scan3A_1016 = %scan3A) -> (i32)  : i32 {
      %mul3A_1017 = arith.constant 50 : i32
      %mul3A_1018 = arith.muli %scan3A_1015, %mul3A_1017 : i32
      %get3A_1019 = arith.index_cast %mul3A_1018 : i32 to index
      %get3A_1020 = arith.constant 0 : index
      %get3A_1021 = tpu.vector_load %arg8[%get3A_1019, %get3A_1020] {strides = array<i32>} : memref<6400x16xf32, #tpu.memory_space<vmem>>, vector<1x16xf32>,
      %get3A_1022 = vector.shape_cast %get3A_1021 : vector<1x16xf32> to vector<16xf32>
      %mul3A_1023 = arith.constant 50 : i32
      %mul3A_1024 = arith.muli %scan3A_1015, %mul3A_1023 : i32
      %add3A_1025 = arith.constant 1 : i32
      %add3A_1026 = arith.addi %mul3A_1024, %add3A_1025 : i32
      %get3A_1027 = arith.index_cast %add3A_1026 : i32 to index
      %get3A_1028 = arith.constant 0 : index
      %get3A_1029 = tpu.vector_load %arg8[%get3A_1027, %get3A_1028] {strides = array<i32>} : memref<6400x16xf32, #tpu.memory_space<vmem>>, vector<1x16xf32>,
      %get3A_1030 = vector.shape_cast %get3A_1029 : vector<1x16xf32> to vector<16xf32>
      %add3A_1031 = arith.addf %get3A_1022, %get3A_1030 : vector<16xf32>
      %mul3A_1032 = arith.constant 50 : i32
      %mul3A_1033 = arith.muli %scan3A_1015, %mul3A_1032 : i32
      %add3A_1034 = arith.constant 2 : i32
      %add3A_1035 = arith.addi %mul3A_1033, %add3A_1034 : i32
      %get3A_1036 = arith.index_cast %add3A_1035 : i32 to index
      %get3A_1037 = arith.constant 0 : index
      %get3A_1038 = tpu.vector_load %arg8[%get3A_1036, %get3A_1037] {strides = array<i32>} : memref<6400x16xf32, #tpu.memory_space<vmem>>, vector<1x16xf32>,
      %get3A_1039 = vector.shape_cast %get3A_1038 : vector<1x16xf32> to vector<16xf32>
      %add3A_1040 = arith.addf %add3A_1031, %get3A_1039 : vector<16xf32>
      %mul3A_1041 = arith.constant 50 : i32
      %mul3A_1042 = arith.muli %scan3A_1015, %mul3A_1041 : i32
      %add3A_1043 = arith.constant 3 : i32
      %add3A_1044 = arith.addi %mul3A_1042, %add3A_1043 : i32
      %get3A_1045 = arith.index_cast %add3A_1044 : i32 to index
      %get3A_1046 = arith.constant 0 : index
      %get3A_1047 = tpu.vector_load %arg8[%get3A_1045, %get3A_1046] {strides = array<i32>} : memref<6400x16xf32, #tpu.memory_space<vmem>>, vector<1x16xf32>,
      %get3A_1048 = vector.shape_cast %get3A_1047 : vector<1x16xf32> to vector<16xf32>
      %add3A_1049 = arith.addf %add3A_1040, %get3A_1048 : vector<16xf32>
      %mul3A_1050 = arith.constant 50 : i32
      %mul3A_1051 = arith.muli %scan3A_1015, %mul3A_1050 : i32
      %add3A_1052 = arith.constant 4 : i32
      %add3A_1053 = arith.addi %mul3A_1051, %add3A_1052 : i32
      %get3A_1054 = arith.index_cast %add3A_1053 : i32 to index
      %get3A_1055 = arith.constant 0 : index
      %get3A_1056 = tpu.vector_load %arg8[%get3A_1054, %get3A_1055] {strides = array<i32>} : memref<6400x16xf32, #tpu.memory_space<vmem>>, vector<1x16xf32>,
      %get3A_1057 = vector.shape_cast %get3A_1056 : vector<1x16xf32> to vector<16xf32>
      %add3A_1058 = arith.addf %add3A_1049, %get3A_1057 : vector<16xf32>
      %mul3A_1059 = arith.constant 50 : i32
      %mul3A_1060 = arith.muli %scan3A_1015, %mul3A_1059 : i32
      %add3A_1061 = arith.constant 5 : i32
      %add3A_1062 = arith.addi %mul3A_1060, %add3A_1061 : i32
      %get3A_1063 = arith.index_cast %add3A_1062 : i32 to index
      %get3A_1064 = arith.constant 0 : index
      %get3A_1065 = tpu.vector_load %arg8[%get3A_1063, %get3A_1064] {strides = array<i32>} : memref<6400x16xf32, #tpu.memory_space<vmem>>, vector<1x16xf32>,
      %get3A_1066 = vector.shape_cast %get3A_1065 : vector<1x16xf32> to vector<16xf32>
      %add3A_1067 = arith.addf %add3A_1058, %get3A_1066 : vector<16xf32>
      %mul3A_1068 = arith.constant 50 : i32
      %mul3A_1069 = arith.muli %scan3A_1015, %mul3A_1068 : i32
      %add3A_1070 = arith.constant 6 : i32
      %add3A_1071 = arith.addi %mul3A_1069, %add3A_1070 : i32
      %get3A_1072 = arith.index_cast %add3A_1071 : i32 to index
      %get3A_1073 = arith.constant 0 : index
      %get3A_1074 = tpu.vector_load %arg8[%get3A_1072, %get3A_1073] {strides = array<i32>} : memref<6400x16xf32, #tpu.memory_space<vmem>>, vector<1x16xf32>,
      %get3A_1075 = vector.shape_cast %get3A_1074 : vector<1x16xf32> to vector<16xf32>
      %add3A_1076 = arith.addf %add3A_1067, %get3A_1075 : vector<16xf32>
      %mul3A_1077 = arith.constant 50 : i32
      %mul3A_1078 = arith.muli %scan3A_1015, %mul3A_1077 : i32
      %add3A_1079 = arith.constant 7 : i32
      %add3A_1080 = arith.addi %mul3A_1078, %add3A_1079 : i32
      %get3A_1081 = arith.index_cast %add3A_1080 : i32 to index
      %get3A_1082 = arith.constant 0 : index
      %get3A_1083 = tpu.vector_load %arg8[%get3A_1081, %get3A_1082] {strides = array<i32>} : memref<6400x16xf32, #tpu.memory_space<vmem>>, vector<1x16xf32>,
      %get3A_1084 = vector.shape_cast %get3A_1083 : vector<1x16xf32> to vector<16xf32>
      %add3A_1085 = arith.addf %add3A_1076, %get3A_1084 : vector<16xf32>
      %mul3A_1086 = arith.constant 50 : i32
      %mul3A_1087 = arith.muli %scan3A_1015, %mul3A_1086 : i32
      %add3A_1088 = arith.constant 8 : i32
      %add3A_1089 = arith.addi %mul3A_1087, %add3A_1088 : i32
      %get3A_1090 = arith.index_cast %add3A_1089 : i32 to index
      %get3A_1091 = arith.constant 0 : index
      %get3A_1092 = tpu.vector_load %arg8[%get3A_1090, %get3A_1091] {strides = array<i32>} : memref<6400x16xf32, #tpu.memory_space<vmem>>, vector<1x16xf32>,
      %get3A_1093 = vector.shape_cast %get3A_1092 : vector<1x16xf32> to vector<16xf32>
      %add3A_1094 = arith.addf %add3A_1085, %get3A_1093 : vector<16xf32>
      %mul3A_1095 = arith.constant 50 : i32
      %mul3A_1096 = arith.muli %scan3A_1015, %mul3A_1095 : i32
      %add3A_1097 = arith.constant 9 : i32
      %add3A_1098 = arith.addi %mul3A_1096, %add3A_1097 : i32
      %get3A_1099 = arith.index_cast %add3A_1098 : i32 to index
      %get3A_1100 = arith.constant 0 : index
      %get3A_1101 = tpu.vector_load %arg8[%get3A_1099, %get3A_1100] {strides = array<i32>} : memref<6400x16xf32, #tpu.memory_space<vmem>>, vector<1x16xf32>,
      %get3A_1102 = vector.shape_cast %get3A_1101 : vector<1x16xf32> to vector<16xf32>
      %add3A_1103 = arith.addf %add3A_1094, %get3A_1102 : vector<16xf32>
      %mul3A_1104 = arith.constant 50 : i32
      %mul3A_1105 = arith.muli %scan3A_1015, %mul3A_1104 : i32
      %add3A_1106 = arith.constant 10 : i32
      %add3A_1107 = arith.addi %mul3A_1105, %add3A_1106 : i32
      %get3A_1108 = arith.index_cast %add3A_1107 : i32 to index
      %get3A_1109 = arith.constant 0 : index
      %get3A_1110 = tpu.vector_load %arg8[%get3A_1108, %get3A_1109] {strides = array<i32>} : memref<6400x16xf32, #tpu.memory_space<vmem>>, vector<1x16xf32>,
      %get3A_1111 = vector.shape_cast %get3A_1110 : vector<1x16xf32> to vector<16xf32>
      %add3A_1112 = arith.addf %add3A_1103, %get3A_1111 : vector<16xf32>
      %mul3A_1113 = arith.constant 50 : i32
      %mul3A_1114 = arith.muli %scan3A_1015, %mul3A_1113 : i32
      %add3A_1115 = arith.constant 11 : i32
      %add3A_1116 = arith.addi %mul3A_1114, %add3A_1115 : i32
      %get3A_1117 = arith.index_cast %add3A_1116 : i32 to index
      %get3A_1118 = arith.constant 0 : index
      %get3A_1119 = tpu.vector_load %arg8[%get3A_1117, %get3A_1118] {strides = array<i32>} : memref<6400x16xf32, #tpu.memory_space<vmem>>, vector<1x16xf32>,
      %get3A_1120 = vector.shape_cast %get3A_1119 : vector<1x16xf32> to vector<16xf32>
      %add3A_1121 = arith.addf %add3A_1112, %get3A_1120 : vector<16xf32>
      %mul3A_1122 = arith.constant 50 : i32
      %mul3A_1123 = arith.muli %scan3A_1015, %mul3A_1122 : i32
      %add3A_1124 = arith.constant 12 : i32
      %add3A_1125 = arith.addi %mul3A_1123, %add3A_1124 : i32
      %get3A_1126 = arith.index_cast %add3A_1125 : i32 to index
      %get3A_1127 = arith.constant 0 : index
      %get3A_1128 = tpu.vector_load %arg8[%get3A_1126, %get3A_1127] {strides = array<i32>} : memref<6400x16xf32, #tpu.memory_space<vmem>>, vector<1x16xf32>,
      %get3A_1129 = vector.shape_cast %get3A_1128 : vector<1x16xf32> to vector<16xf32>
      %add3A_1130 = arith.addf %add3A_1121, %get3A_1129 : vector<16xf32>
      %mul3A_1131 = arith.constant 50 : i32
      %mul3A_1132 = arith.muli %scan3A_1015, %mul3A_1131 : i32
      %add3A_1133 = arith.constant 13 : i32
      %add3A_1134 = arith.addi %mul3A_1132, %add3A_1133 : i32
      %get3A_1135 = arith.index_cast %add3A_1134 : i32 to index
      %get3A_1136 = arith.constant 0 : index
      %get3A_1137 = tpu.vector_load %arg8[%get3A_1135, %get3A_1136] {strides = array<i32>} : memref<6400x16xf32, #tpu.memory_space<vmem>>, vector<1x16xf32>,
      %get3A_1138 = vector.shape_cast %get3A_1137 : vector<1x16xf32> to vector<16xf32>
      %add3A_1139 = arith.addf %add3A_1130, %get3A_1138 : vector<16xf32>
      %mul3A_1140 = arith.constant 50 : i32
      %mul3A_1141 = arith.muli %scan3A_1015, %mul3A_1140 : i32
      %add3A_1142 = arith.constant 14 : i32
      %add3A_1143 = arith.addi %mul3A_1141, %add3A_1142 : i32
      %get3A_1144 = arith.index_cast %add3A_1143 : i32 to index
      %get3A_1145 = arith.constant 0 : index
      %get3A_1146 = tpu.vector_load %arg8[%get3A_1144, %get3A_1145] {strides = array<i32>} : memref<6400x16xf32, #tpu.memory_space<vmem>>, vector<1x16xf32>,
      %get3A_1147 = vector.shape_cast %get3A_1146 : vector<1x16xf32> to vector<16xf32>
      %add3A_1148 = arith.addf %add3A_1139, %get3A_1147 : vector<16xf32>
      %mul3A_1149 = arith.constant 50 : i32
      %mul3A_1150 = arith.muli %scan3A_1015, %mul3A_1149 : i32
      %add3A_1151 = arith.constant 15 : i32
      %add3A_1152 = arith.addi %mul3A_1150, %add3A_1151 : i32
      %get3A_1153 = arith.index_cast %add3A_1152 : i32 to index
      %get3A_1154 = arith.constant 0 : index
      %get3A_1155 = tpu.vector_load %arg8[%get3A_1153, %get3A_1154] {strides = array<i32>} : memref<6400x16xf32, #tpu.memory_space<vmem>>, vector<1x16xf32>,
      %get3A_1156 = vector.shape_cast %get3A_1155 : vector<1x16xf32> to vector<16xf32>
      %add3A_1157 = arith.addf %add3A_1148, %get3A_1156 : vector<16xf32>
      %mul3A_1158 = arith.constant 50 : i32
      %mul3A_1159 = arith.muli %scan3A_1015, %mul3A_1158 : i32
      %add3A_1160 = arith.constant 16 : i32
      %add3A_1161 = arith.addi %mul3A_1159, %add3A_1160 : i32
      %get3A_1162 = arith.index_cast %add3A_1161 : i32 to index
      %get3A_1163 = arith.constant 0 : index
      %get3A_1164 = tpu.vector_load %arg8[%get3A_1162, %get3A_1163] {strides = array<i32>} : memref<6400x16xf32, #tpu.memory_space<vmem>>, vector<1x16xf32>,
      %get3A_1165 = vector.shape_cast %get3A_1164 : vector<1x16xf32> to vector<16xf32>
      %add3A_1166 = arith.addf %add3A_1157, %get3A_1165 : vector<16xf32>
      %mul3A_1167 = arith.constant 50 : i32
      %mul3A_1168 = arith.muli %scan3A_1015, %mul3A_1167 : i32
      %add3A_1169 = arith.constant 17 : i32
      %add3A_1170 = arith.addi %mul3A_1168, %add3A_1169 : i32
      %get3A_1171 = arith.index_cast %add3A_1170 : i32 to index
      %get3A_1172 = arith.constant 0 : index
      %get3A_1173 = tpu.vector_load %arg8[%get3A_1171, %get3A_1172] {strides = array<i32>} : memref<6400x16xf32, #tpu.memory_space<vmem>>, vector<1x16xf32>,
      %get3A_1174 = vector.shape_cast %get3A_1173 : vector<1x16xf32> to vector<16xf32>
      %add3A_1175 = arith.addf %add3A_1166, %get3A_1174 : vector<16xf32>
      %mul3A_1176 = arith.constant 50 : i32
      %mul3A_1177 = arith.muli %scan3A_1015, %mul3A_1176 : i32
      %add3A_1178 = arith.constant 18 : i32
      %add3A_1179 = arith.addi %mul3A_1177, %add3A_1178 : i32
      %get3A_1180 = arith.index_cast %add3A_1179 : i32 to index
      %get3A_1181 = arith.constant 0 : index
      %get3A_1182 = tpu.vector_load %arg8[%get3A_1180, %get3A_1181] {strides = array<i32>} : memref<6400x16xf32, #tpu.memory_space<vmem>>, vector<1x16xf32>,
      %get3A_1183 = vector.shape_cast %get3A_1182 : vector<1x16xf32> to vector<16xf32>
      %add3A_1184 = arith.addf %add3A_1175, %get3A_1183 : vector<16xf32>
      %mul3A_1185 = arith.constant 50 : i32
      %mul3A_1186 = arith.muli %scan3A_1015, %mul3A_1185 : i32
      %add3A_1187 = arith.constant 19 : i32
      %add3A_1188 = arith.addi %mul3A_1186, %add3A_1187 : i32
      %get3A_1189 = arith.index_cast %add3A_1188 : i32 to index
      %get3A_1190 = arith.constant 0 : index
      %get3A_1191 = tpu.vector_load %arg8[%get3A_1189, %get3A_1190] {strides = array<i32>} : memref<6400x16xf32, #tpu.memory_space<vmem>>, vector<1x16xf32>,
      %get3A_1192 = vector.shape_cast %get3A_1191 : vector<1x16xf32> to vector<16xf32>
      %add3A_1193 = arith.addf %add3A_1184, %get3A_1192 : vector<16xf32>
      %mul3A_1194 = arith.constant 50 : i32
      %mul3A_1195 = arith.muli %scan3A_1015, %mul3A_1194 : i32
      %add3A_1196 = arith.constant 20 : i32
      %add3A_1197 = arith.addi %mul3A_1195, %add3A_1196 : i32
      %get3A_1198 = arith.index_cast %add3A_1197 : i32 to index
      %get3A_1199 = arith.constant 0 : index
      %get3A_1200 = tpu.vector_load %arg8[%get3A_1198, %get3A_1199] {strides = array<i32>} : memref<6400x16xf32, #tpu.memory_space<vmem>>, vector<1x16xf32>,
      %get3A_1201 = vector.shape_cast %get3A_1200 : vector<1x16xf32> to vector<16xf32>
      %add3A_1202 = arith.addf %add3A_1193, %get3A_1201 : vector<16xf32>
      %mul3A_1203 = arith.constant 50 : i32
      %mul3A_1204 = arith.muli %scan3A_1015, %mul3A_1203 : i32
      %add3A_1205 = arith.constant 21 : i32
      %add3A_1206 = arith.addi %mul3A_1204, %add3A_1205 : i32
      %get3A_1207 = arith.index_cast %add3A_1206 : i32 to index
      %get3A_1208 = arith.constant 0 : index
      %get3A_1209 = tpu.vector_load %arg8[%get3A_1207, %get3A_1208] {strides = array<i32>} : memref<6400x16xf32, #tpu.memory_space<vmem>>, vector<1x16xf32>,
      %get3A_1210 = vector.shape_cast %get3A_1209 : vector<1x16xf32> to vector<16xf32>
      %add3A_1211 = arith.addf %add3A_1202, %get3A_1210 : vector<16xf32>
      %mul3A_1212 = arith.constant 50 : i32
      %mul3A_1213 = arith.muli %scan3A_1015, %mul3A_1212 : i32
      %add3A_1214 = arith.constant 22 : i32
      %add3A_1215 = arith.addi %mul3A_1213, %add3A_1214 : i32
      %get3A_1216 = arith.index_cast %add3A_1215 : i32 to index
      %get3A_1217 = arith.constant 0 : index
      %get3A_1218 = tpu.vector_load %arg8[%get3A_1216, %get3A_1217] {strides = array<i32>} : memref<6400x16xf32, #tpu.memory_space<vmem>>, vector<1x16xf32>,
      %get3A_1219 = vector.shape_cast %get3A_1218 : vector<1x16xf32> to vector<16xf32>
      %add3A_1220 = arith.addf %add3A_1211, %get3A_1219 : vector<16xf32>
      %mul3A_1221 = arith.constant 50 : i32
      %mul3A_1222 = arith.muli %scan3A_1015, %mul3A_1221 : i32
      %add3A_1223 = arith.constant 23 : i32
      %add3A_1224 = arith.addi %mul3A_1222, %add3A_1223 : i32
      %get3A_1225 = arith.index_cast %add3A_1224 : i32 to index
      %get3A_1226 = arith.constant 0 : index
      %get3A_1227 = tpu.vector_load %arg8[%get3A_1225, %get3A_1226] {strides = array<i32>} : memref<6400x16xf32, #tpu.memory_space<vmem>>, vector<1x16xf32>,
      %get3A_1228 = vector.shape_cast %get3A_1227 : vector<1x16xf32> to vector<16xf32>
      %add3A_1229 = arith.addf %add3A_1220, %get3A_1228 : vector<16xf32>
      %mul3A_1230 = arith.constant 50 : i32
      %mul3A_1231 = arith.muli %scan3A_1015, %mul3A_1230 : i32
      %add3A_1232 = arith.constant 24 : i32
      %add3A_1233 = arith.addi %mul3A_1231, %add3A_1232 : i32
      %get3A_1234 = arith.index_cast %add3A_1233 : i32 to index
      %get3A_1235 = arith.constant 0 : index
      %get3A_1236 = tpu.vector_load %arg8[%get3A_1234, %get3A_1235] {strides = array<i32>} : memref<6400x16xf32, #tpu.memory_space<vmem>>, vector<1x16xf32>,
      %get3A_1237 = vector.shape_cast %get3A_1236 : vector<1x16xf32> to vector<16xf32>
      %add3A_1238 = arith.addf %add3A_1229, %get3A_1237 : vector<16xf32>
      %mul3A_1239 = arith.constant 50 : i32
      %mul3A_1240 = arith.muli %scan3A_1015, %mul3A_1239 : i32
      %add3A_1241 = arith.constant 25 : i32
      %add3A_1242 = arith.addi %mul3A_1240, %add3A_1241 : i32
      %get3A_1243 = arith.index_cast %add3A_1242 : i32 to index
      %get3A_1244 = arith.constant 0 : index
      %get3A_1245 = tpu.vector_load %arg8[%get3A_1243, %get3A_1244] {strides = array<i32>} : memref<6400x16xf32, #tpu.memory_space<vmem>>, vector<1x16xf32>,
      %get3A_1246 = vector.shape_cast %get3A_1245 : vector<1x16xf32> to vector<16xf32>
      %add3A_1247 = arith.addf %add3A_1238, %get3A_1246 : vector<16xf32>
      %mul3A_1248 = arith.constant 50 : i32
      %mul3A_1249 = arith.muli %scan3A_1015, %mul3A_1248 : i32
      %add3A_1250 = arith.constant 26 : i32
      %add3A_1251 = arith.addi %mul3A_1249, %add3A_1250 : i32
      %get3A_1252 = arith.index_cast %add3A_1251 : i32 to index
      %get3A_1253 = arith.constant 0 : index
      %get3A_1254 = tpu.vector_load %arg8[%get3A_1252, %get3A_1253] {strides = array<i32>} : memref<6400x16xf32, #tpu.memory_space<vmem>>, vector<1x16xf32>,
      %get3A_1255 = vector.shape_cast %get3A_1254 : vector<1x16xf32> to vector<16xf32>
      %add3A_1256 = arith.addf %add3A_1247, %get3A_1255 : vector<16xf32>
      %mul3A_1257 = arith.constant 50 : i32
      %mul3A_1258 = arith.muli %scan3A_1015, %mul3A_1257 : i32
      %add3A_1259 = arith.constant 27 : i32
      %add3A_1260 = arith.addi %mul3A_1258, %add3A_1259 : i32
      %get3A_1261 = arith.index_cast %add3A_1260 : i32 to index
      %get3A_1262 = arith.constant 0 : index
      %get3A_1263 = tpu.vector_load %arg8[%get3A_1261, %get3A_1262] {strides = array<i32>} : memref<6400x16xf32, #tpu.memory_space<vmem>>, vector<1x16xf32>,
      %get3A_1264 = vector.shape_cast %get3A_1263 : vector<1x16xf32> to vector<16xf32>
      %add3A_1265 = arith.addf %add3A_1256, %get3A_1264 : vector<16xf32>
      %mul3A_1266 = arith.constant 50 : i32
      %mul3A_1267 = arith.muli %scan3A_1015, %mul3A_1266 : i32
      %add3A_1268 = arith.constant 28 : i32
      %add3A_1269 = arith.addi %mul3A_1267, %add3A_1268 : i32
      %get3A_1270 = arith.index_cast %add3A_1269 : i32 to index
      %get3A_1271 = arith.constant 0 : index
      %get3A_1272 = tpu.vector_load %arg8[%get3A_1270, %get3A_1271] {strides = array<i32>} : memref<6400x16xf32, #tpu.memory_space<vmem>>, vector<1x16xf32>,
      %get3A_1273 = vector.shape_cast %get3A_1272 : vector<1x16xf32> to vector<16xf32>
      %add3A_1274 = arith.addf %add3A_1265, %get3A_1273 : vector<16xf32>
      %mul3A_1275 = arith.constant 50 : i32
      %mul3A_1276 = arith.muli %scan3A_1015, %mul3A_1275 : i32
      %add3A_1277 = arith.constant 29 : i32
      %add3A_1278 = arith.addi %mul3A_1276, %add3A_1277 : i32
      %get3A_1279 = arith.index_cast %add3A_1278 : i32 to index
      %get3A_1280 = arith.constant 0 : index
      %get3A_1281 = tpu.vector_load %arg8[%get3A_1279, %get3A_1280] {strides = array<i32>} : memref<6400x16xf32, #tpu.memory_space<vmem>>, vector<1x16xf32>,
      %get3A_1282 = vector.shape_cast %get3A_1281 : vector<1x16xf32> to vector<16xf32>
      %add3A_1283 = arith.addf %add3A_1274, %get3A_1282 : vector<16xf32>
      %mul3A_1284 = arith.constant 50 : i32
      %mul3A_1285 = arith.muli %scan3A_1015, %mul3A_1284 : i32
      %add3A_1286 = arith.constant 30 : i32
      %add3A_1287 = arith.addi %mul3A_1285, %add3A_1286 : i32
      %get3A_1288 = arith.index_cast %add3A_1287 : i32 to index
      %get3A_1289 = arith.constant 0 : index
      %get3A_1290 = tpu.vector_load %arg8[%get3A_1288, %get3A_1289] {strides = array<i32>} : memref<6400x16xf32, #tpu.memory_space<vmem>>, vector<1x16xf32>,
      %get3A_1291 = vector.shape_cast %get3A_1290 : vector<1x16xf32> to vector<16xf32>
      %add3A_1292 = arith.addf %add3A_1283, %get3A_1291 : vector<16xf32>
      %mul3A_1293 = arith.constant 50 : i32
      %mul3A_1294 = arith.muli %scan3A_1015, %mul3A_1293 : i32
      %add3A_1295 = arith.constant 31 : i32
      %add3A_1296 = arith.addi %mul3A_1294, %add3A_1295 : i32
      %get3A_1297 = arith.index_cast %add3A_1296 : i32 to index
      %get3A_1298 = arith.constant 0 : index
      %get3A_1299 = tpu.vector_load %arg8[%get3A_1297, %get3A_1298] {strides = array<i32>} : memref<6400x16xf32, #tpu.memory_space<vmem>>, vector<1x16xf32>,
      %get3A_1300 = vector.shape_cast %get3A_1299 : vector<1x16xf32> to vector<16xf32>
      %add3A_1301 = arith.addf %add3A_1292, %get3A_1300 : vector<16xf32>
      %mul3A_1302 = arith.constant 50 : i32
      %mul3A_1303 = arith.muli %scan3A_1015, %mul3A_1302 : i32
      %add3A_1304 = arith.constant 32 : i32
      %add3A_1305 = arith.addi %mul3A_1303, %add3A_1304 : i32
      %get3A_1306 = arith.index_cast %add3A_1305 : i32 to index
      %get3A_1307 = arith.constant 0 : index
      %get3A_1308 = tpu.vector_load %arg8[%get3A_1306, %get3A_1307] {strides = array<i32>} : memref<6400x16xf32, #tpu.memory_space<vmem>>, vector<1x16xf32>,
      %get3A_1309 = vector.shape_cast %get3A_1308 : vector<1x16xf32> to vector<16xf32>
      %add3A_1310 = arith.addf %add3A_1301, %get3A_1309 : vector<16xf32>
      %mul3A_1311 = arith.constant 50 : i32
      %mul3A_1312 = arith.muli %scan3A_1015, %mul3A_1311 : i32
      %add3A_1313 = arith.constant 33 : i32
      %add3A_1314 = arith.addi %mul3A_1312, %add3A_1313 : i32
      %get3A_1315 = arith.index_cast %add3A_1314 : i32 to index
      %get3A_1316 = arith.constant 0 : index
      %get3A_1317 = tpu.vector_load %arg8[%get3A_1315, %get3A_1316] {strides = array<i32>} : memref<6400x16xf32, #tpu.memory_space<vmem>>, vector<1x16xf32>,
      %get3A_1318 = vector.shape_cast %get3A_1317 : vector<1x16xf32> to vector<16xf32>
      %add3A_1319 = arith.addf %add3A_1310, %get3A_1318 : vector<16xf32>
      %mul3A_1320 = arith.constant 50 : i32
      %mul3A_1321 = arith.muli %scan3A_1015, %mul3A_1320 : i32
      %add3A_1322 = arith.constant 34 : i32
      %add3A_1323 = arith.addi %mul3A_1321, %add3A_1322 : i32
      %get3A_1324 = arith.index_cast %add3A_1323 : i32 to index
      %get3A_1325 = arith.constant 0 : index
      %get3A_1326 = tpu.vector_load %arg8[%get3A_1324, %get3A_1325] {strides = array<i32>} : memref<6400x16xf32, #tpu.memory_space<vmem>>, vector<1x16xf32>,
      %get3A_1327 = vector.shape_cast %get3A_1326 : vector<1x16xf32> to vector<16xf32>
      %add3A_1328 = arith.addf %add3A_1319, %get3A_1327 : vector<16xf32>
      %mul3A_1329 = arith.constant 50 : i32
      %mul3A_1330 = arith.muli %scan3A_1015, %mul3A_1329 : i32
      %add3A_1331 = arith.constant 35 : i32
      %add3A_1332 = arith.addi %mul3A_1330, %add3A_1331 : i32
      %get3A_1333 = arith.index_cast %add3A_1332 : i32 to index
      %get3A_1334 = arith.constant 0 : index
      %get3A_1335 = tpu.vector_load %arg8[%get3A_1333, %get3A_1334] {strides = array<i32>} : memref<6400x16xf32, #tpu.memory_space<vmem>>, vector<1x16xf32>,
      %get3A_1336 = vector.shape_cast %get3A_1335 : vector<1x16xf32> to vector<16xf32>
      %add3A_1337 = arith.addf %add3A_1328, %get3A_1336 : vector<16xf32>
      %mul3A_1338 = arith.constant 50 : i32
      %mul3A_1339 = arith.muli %scan3A_1015, %mul3A_1338 : i32
      %add3A_1340 = arith.constant 36 : i32
      %add3A_1341 = arith.addi %mul3A_1339, %add3A_1340 : i32
      %get3A_1342 = arith.index_cast %add3A_1341 : i32 to index
      %get3A_1343 = arith.constant 0 : index
      %get3A_1344 = tpu.vector_load %arg8[%get3A_1342, %get3A_1343] {strides = array<i32>} : memref<6400x16xf32, #tpu.memory_space<vmem>>, vector<1x16xf32>,
      %get3A_1345 = vector.shape_cast %get3A_1344 : vector<1x16xf32> to vector<16xf32>
      %add3A_1346 = arith.addf %add3A_1337, %get3A_1345 : vector<16xf32>
      %mul3A_1347 = arith.constant 50 : i32
      %mul3A_1348 = arith.muli %scan3A_1015, %mul3A_1347 : i32
      %add3A_1349 = arith.constant 37 : i32
      %add3A_1350 = arith.addi %mul3A_1348, %add3A_1349 : i32
      %get3A_1351 = arith.index_cast %add3A_1350 : i32 to index
      %get3A_1352 = arith.constant 0 : index
      %get3A_1353 = tpu.vector_load %arg8[%get3A_1351, %get3A_1352] {strides = array<i32>} : memref<6400x16xf32, #tpu.memory_space<vmem>>, vector<1x16xf32>,
      %get3A_1354 = vector.shape_cast %get3A_1353 : vector<1x16xf32> to vector<16xf32>
      %add3A_1355 = arith.addf %add3A_1346, %get3A_1354 : vector<16xf32>
      %mul3A_1356 = arith.constant 50 : i32
      %mul3A_1357 = arith.muli %scan3A_1015, %mul3A_1356 : i32
      %add3A_1358 = arith.constant 38 : i32
      %add3A_1359 = arith.addi %mul3A_1357, %add3A_1358 : i32
      %get3A_1360 = arith.index_cast %add3A_1359 : i32 to index
      %get3A_1361 = arith.constant 0 : index
      %get3A_1362 = tpu.vector_load %arg8[%get3A_1360, %get3A_1361] {strides = array<i32>} : memref<6400x16xf32, #tpu.memory_space<vmem>>, vector<1x16xf32>,
      %get3A_1363 = vector.shape_cast %get3A_1362 : vector<1x16xf32> to vector<16xf32>
      %add3A_1364 = arith.addf %add3A_1355, %get3A_1363 : vector<16xf32>
      %mul3A_1365 = arith.constant 50 : i32
      %mul3A_1366 = arith.muli %scan3A_1015, %mul3A_1365 : i32
      %add3A_1367 = arith.constant 39 : i32
      %add3A_1368 = arith.addi %mul3A_1366, %add3A_1367 : i32
      %get3A_1369 = arith.index_cast %add3A_1368 : i32 to index
      %get3A_1370 = arith.constant 0 : index
      %get3A_1371 = tpu.vector_load %arg8[%get3A_1369, %get3A_1370] {strides = array<i32>} : memref<6400x16xf32, #tpu.memory_space<vmem>>, vector<1x16xf32>,
      %get3A_1372 = vector.shape_cast %get3A_1371 : vector<1x16xf32> to vector<16xf32>
      %add3A_1373 = arith.addf %add3A_1364, %get3A_1372 : vector<16xf32>
      %mul3A_1374 = arith.constant 50 : i32
      %mul3A_1375 = arith.muli %scan3A_1015, %mul3A_1374 : i32
      %add3A_1376 = arith.constant 40 : i32
      %add3A_1377 = arith.addi %mul3A_1375, %add3A_1376 : i32
      %get3A_1378 = arith.index_cast %add3A_1377 : i32 to index
      %get3A_1379 = arith.constant 0 : index
      %get3A_1380 = tpu.vector_load %arg8[%get3A_1378, %get3A_1379] {strides = array<i32>} : memref<6400x16xf32, #tpu.memory_space<vmem>>, vector<1x16xf32>,
      %get3A_1381 = vector.shape_cast %get3A_1380 : vector<1x16xf32> to vector<16xf32>
      %add3A_1382 = arith.addf %add3A_1373, %get3A_1381 : vector<16xf32>
      %mul3A_1383 = arith.constant 50 : i32
      %mul3A_1384 = arith.muli %scan3A_1015, %mul3A_1383 : i32
      %add3A_1385 = arith.constant 41 : i32
      %add3A_1386 = arith.addi %mul3A_1384, %add3A_1385 : i32
      %get3A_1387 = arith.index_cast %add3A_1386 : i32 to index
      %get3A_1388 = arith.constant 0 : index
      %get3A_1389 = tpu.vector_load %arg8[%get3A_1387, %get3A_1388] {strides = array<i32>} : memref<6400x16xf32, #tpu.memory_space<vmem>>, vector<1x16xf32>,
      %get3A_1390 = vector.shape_cast %get3A_1389 : vector<1x16xf32> to vector<16xf32>
      %add3A_1391 = arith.addf %add3A_1382, %get3A_1390 : vector<16xf32>
      %mul3A_1392 = arith.constant 50 : i32
      %mul3A_1393 = arith.muli %scan3A_1015, %mul3A_1392 : i32
      %add3A_1394 = arith.constant 42 : i32
      %add3A_1395 = arith.addi %mul3A_1393, %add3A_1394 : i32
      %get3A_1396 = arith.index_cast %add3A_1395 : i32 to index
      %get3A_1397 = arith.constant 0 : index
      %get3A_1398 = tpu.vector_load %arg8[%get3A_1396, %get3A_1397] {strides = array<i32>} : memref<6400x16xf32, #tpu.memory_space<vmem>>, vector<1x16xf32>,
      %get3A_1399 = vector.shape_cast %get3A_1398 : vector<1x16xf32> to vector<16xf32>
      %add3A_1400 = arith.addf %add3A_1391, %get3A_1399 : vector<16xf32>
      %mul3A_1401 = arith.constant 50 : i32
      %mul3A_1402 = arith.muli %scan3A_1015, %mul3A_1401 : i32
      %add3A_1403 = arith.constant 43 : i32
      %add3A_1404 = arith.addi %mul3A_1402, %add3A_1403 : i32
      %get3A_1405 = arith.index_cast %add3A_1404 : i32 to index
      %get3A_1406 = arith.constant 0 : index
      %get3A_1407 = tpu.vector_load %arg8[%get3A_1405, %get3A_1406] {strides = array<i32>} : memref<6400x16xf32, #tpu.memory_space<vmem>>, vector<1x16xf32>,
      %get3A_1408 = vector.shape_cast %get3A_1407 : vector<1x16xf32> to vector<16xf32>
      %add3A_1409 = arith.addf %add3A_1400, %get3A_1408 : vector<16xf32>
      %mul3A_1410 = arith.constant 50 : i32
      %mul3A_1411 = arith.muli %scan3A_1015, %mul3A_1410 : i32
      %add3A_1412 = arith.constant 44 : i32
      %add3A_1413 = arith.addi %mul3A_1411, %add3A_1412 : i32
      %get3A_1414 = arith.index_cast %add3A_1413 : i32 to index
      %get3A_1415 = arith.constant 0 : index
      %get3A_1416 = tpu.vector_load %arg8[%get3A_1414, %get3A_1415] {strides = array<i32>} : memref<6400x16xf32, #tpu.memory_space<vmem>>, vector<1x16xf32>,
      %get3A_1417 = vector.shape_cast %get3A_1416 : vector<1x16xf32> to vector<16xf32>
      %add3A_1418 = arith.addf %add3A_1409, %get3A_1417 : vector<16xf32>
      %mul3A_1419 = arith.constant 50 : i32
      %mul3A_1420 = arith.muli %scan3A_1015, %mul3A_1419 : i32
      %add3A_1421 = arith.constant 45 : i32
      %add3A_1422 = arith.addi %mul3A_1420, %add3A_1421 : i32
      %get3A_1423 = arith.index_cast %add3A_1422 : i32 to index
      %get3A_1424 = arith.constant 0 : index
      %get3A_1425 = tpu.vector_load %arg8[%get3A_1423, %get3A_1424] {strides = array<i32>} : memref<6400x16xf32, #tpu.memory_space<vmem>>, vector<1x16xf32>,
      %get3A_1426 = vector.shape_cast %get3A_1425 : vector<1x16xf32> to vector<16xf32>
      %add3A_1427 = arith.addf %add3A_1418, %get3A_1426 : vector<16xf32>
      %mul3A_1428 = arith.constant 50 : i32
      %mul3A_1429 = arith.muli %scan3A_1015, %mul3A_1428 : i32
      %add3A_1430 = arith.constant 46 : i32
      %add3A_1431 = arith.addi %mul3A_1429, %add3A_1430 : i32
      %get3A_1432 = arith.index_cast %add3A_1431 : i32 to index
      %get3A_1433 = arith.constant 0 : index
      %get3A_1434 = tpu.vector_load %arg8[%get3A_1432, %get3A_1433] {strides = array<i32>} : memref<6400x16xf32, #tpu.memory_space<vmem>>, vector<1x16xf32>,
      %get3A_1435 = vector.shape_cast %get3A_1434 : vector<1x16xf32> to vector<16xf32>
      %add3A_1436 = arith.addf %add3A_1427, %get3A_1435 : vector<16xf32>
      %mul3A_1437 = arith.constant 50 : i32
      %mul3A_1438 = arith.muli %scan3A_1015, %mul3A_1437 : i32
      %add3A_1439 = arith.constant 47 : i32
      %add3A_1440 = arith.addi %mul3A_1438, %add3A_1439 : i32
      %get3A_1441 = arith.index_cast %add3A_1440 : i32 to index
      %get3A_1442 = arith.constant 0 : index
      %get3A_1443 = tpu.vector_load %arg8[%get3A_1441, %get3A_1442] {strides = array<i32>} : memref<6400x16xf32, #tpu.memory_space<vmem>>, vector<1x16xf32>,
      %get3A_1444 = vector.shape_cast %get3A_1443 : vector<1x16xf32> to vector<16xf32>
      %add3A_1445 = arith.addf %add3A_1436, %get3A_1444 : vector<16xf32>
      %mul3A_1446 = arith.constant 50 : i32
      %mul3A_1447 = arith.muli %scan3A_1015, %mul3A_1446 : i32
      %add3A_1448 = arith.constant 48 : i32
      %add3A_1449 = arith.addi %mul3A_1447, %add3A_1448 : i32
      %get3A_1450 = arith.index_cast %add3A_1449 : i32 to index
      %get3A_1451 = arith.constant 0 : index
      %get3A_1452 = tpu.vector_load %arg8[%get3A_1450, %get3A_1451] {strides = array<i32>} : memref<6400x16xf32, #tpu.memory_space<vmem>>, vector<1x16xf32>,
      %get3A_1453 = vector.shape_cast %get3A_1452 : vector<1x16xf32> to vector<16xf32>
      %add3A_1454 = arith.addf %add3A_1445, %get3A_1453 : vector<16xf32>
      %mul3A_1455 = arith.constant 50 : i32
      %mul3A_1456 = arith.muli %scan3A_1015, %mul3A_1455 : i32
      %add3A_1457 = arith.constant 49 : i32
      %add3A_1458 = arith.addi %mul3A_1456, %add3A_1457 : i32
      %get3A_1459 = arith.index_cast %add3A_1458 : i32 to index
      %get3A_1460 = arith.constant 0 : index
      %get3A_1461 = tpu.vector_load %arg8[%get3A_1459, %get3A_1460] {strides = array<i32>} : memref<6400x16xf32, #tpu.memory_space<vmem>>, vector<1x16xf32>,
      %get3A_1462 = vector.shape_cast %get3A_1461 : vector<1x16xf32> to vector<16xf32>
      %add3A_1463 = arith.addf %add3A_1454, %get3A_1462 : vector<16xf32>
      %broadcast_in_dim3A = arith.constant 0 : i32
      %broadcast_in_dim3A_1464 = vector.broadcast %broadcast_in_dim3A : i32 to vector<16xi32>
      %jit3A = arith.constant 2 : i32
      %div3A = arith.divsi %scan3A_1015, %jit3A : i32
      %sign3A = arith.constant 0 : i32
      %sign3A_1465 = arith.cmpi sgt, %scan3A_1015, %sign3A : i32
      %sign3A_1466 = arith.extui %sign3A_1465 : i1 to i32
      %sign3A_1467 = arith.constant 0 : i32
      %sign3A_1468 = arith.cmpi slt, %scan3A_1015, %sign3A_1467 : i32
      %sign3A_1469 = arith.extui %sign3A_1468 : i1 to i32
      %sign3A_1470 = arith.subi %sign3A_1466, %sign3A_1469 : i32
      %sign3A_1471 = arith.constant 0 : i32
      %sign3A_1472 = arith.cmpi sgt, %jit3A, %sign3A_1471 : i32
      %sign3A_1473 = arith.extui %sign3A_1472 : i1 to i32
      %sign3A_1474 = arith.constant 0 : i32
      %sign3A_1475 = arith.cmpi slt, %jit3A, %sign3A_1474 : i32
      %sign3A_1476 = arith.extui %sign3A_1475 : i1 to i32
      %sign3A_1477 = arith.subi %sign3A_1473, %sign3A_1476 : i32
      %ne3A = arith.cmpi ne, %sign3A_1470, %sign3A_1477 : i32
      %rem3A = arith.remsi %scan3A_1015, %jit3A : i32
      %ne3A_1478 = arith.constant 0 : i32
      %ne3A_1479 = arith.cmpi ne, %rem3A, %ne3A_1478 : i32
      %and3A = arith.andi %ne3A, %ne3A_1479 : i1
      %sub3A = arith.constant 1 : i32
      %sub3A_1480 = arith.subi %div3A, %sub3A : i32
      %select_n3A = arith.select %and3A, %sub3A_1480, %div3A : i32
      %jit3A_1481 = arith.constant 2 : i32
      %eq3A = arith.constant 0 : i32
      %eq3A_1482 = arith.cmpi eq, %jit3A_1481, %eq3A : i32
      %jit3A_1483 = arith.constant 1 : i32
      %select_n3A_1484 = arith.select %eq3A_1482, %jit3A_1483, %jit3A_1481 : i32
      %rem3A_1485 = arith.remsi %scan3A_1015, %select_n3A_1484 : i32
      %ne3A_1486 = arith.constant 0 : i32
      %ne3A_1487 = arith.cmpi ne, %rem3A_1485, %ne3A_1486 : i32
      %lt3A = arith.constant 0 : i32
      %lt3A_1488 = arith.cmpi slt, %rem3A_1485, %lt3A : i32
      %lt3A_1489 = arith.constant 0 : i32
      %lt3A_1490 = arith.cmpi slt, %select_n3A_1484, %lt3A_1489 : i32
      %ne3A_1491 = arith.xori %lt3A_1488, %lt3A_1490 : i1
      %and3A_1492 = arith.andi %ne3A_1491, %ne3A_1487 : i1
      %add3A_1493 = arith.addi %rem3A_1485, %select_n3A_1484 : i32
      %select_n3A_1494 = arith.select %and3A_1492, %add3A_1493, %rem3A_1485 : i32
      %mul3A_1495 = arith.constant 64 : i32
      %mul3A_1496 = arith.muli %select_n3A_1494, %mul3A_1495 : i32
      %add3A_1497 = arith.constant 0 : i32
      %add3A_1498 = arith.addi %mul3A_1496, %add3A_1497 : i32
      %get3A_1499 = arith.index_cast %select_n3A : i32 to index
      %get3A_1500 = arith.index_cast %add3A_1498 : i32 to index
      %get3A_1501 = tpu.vector_load %arg7[%get3A_1499, %get3A_1500] {strides = array<i32>} : memref<64x128xi32, #tpu.memory_space<vmem>>, vector<1x16xi32>,
      %get3A_1502 = vector.shape_cast %get3A_1501 : vector<1x16xi32> to vector<16xi32>
      %gt3A = arith.constant 0 : i32
      %gt3A_1503 = vector.broadcast %gt3A : i32 to vector<16xi32>
      %gt3A_1504 = arith.cmpi sgt, %get3A_1502, %gt3A_1503 : vector<16xi32>
      %jit3A_1505 = arith.constant 1 : i32
      %jit3A_1506 = arith.constant 0 : i32
      %broadcast_in_dim3A_1507 = vector.broadcast %jit3A_1505 : i32 to vector<16xi32>
      %broadcast_in_dim3A_1508 = vector.broadcast %jit3A_1506 : i32 to vector<16xi32>
      %select_n3A_1509 = arith.select %gt3A_1504, %broadcast_in_dim3A_1507, %broadcast_in_dim3A_1508 : vector<16xi1>, vector<16xi32>
      %add3A_1510 = arith.addi %broadcast_in_dim3A_1464, %select_n3A_1509 : vector<16xi32>
      %jit3A_1511 = arith.constant 2 : i32
      %div3A_1512 = arith.divsi %scan3A_1015, %jit3A_1511 : i32
      %sign3A_1513 = arith.constant 0 : i32
      %sign3A_1514 = arith.cmpi sgt, %scan3A_1015, %sign3A_1513 : i32
      %sign3A_1515 = arith.extui %sign3A_1514 : i1 to i32
      %sign3A_1516 = arith.constant 0 : i32
      %sign3A_1517 = arith.cmpi slt, %scan3A_1015, %sign3A_1516 : i32
      %sign3A_1518 = arith.extui %sign3A_1517 : i1 to i32
      %sign3A_1519 = arith.subi %sign3A_1515, %sign3A_1518 : i32
      %sign3A_1520 = arith.constant 0 : i32
      %sign3A_1521 = arith.cmpi sgt, %jit3A_1511, %sign3A_1520 : i32
      %sign3A_1522 = arith.extui %sign3A_1521 : i1 to i32
      %sign3A_1523 = arith.constant 0 : i32
      %sign3A_1524 = arith.cmpi slt, %jit3A_1511, %sign3A_1523 : i32
      %sign3A_1525 = arith.extui %sign3A_1524 : i1 to i32
      %sign3A_1526 = arith.subi %sign3A_1522, %sign3A_1525 : i32
      %ne3A_1527 = arith.cmpi ne, %sign3A_1519, %sign3A_1526 : i32
      %rem3A_1528 = arith.remsi %scan3A_1015, %jit3A_1511 : i32
      %ne3A_1529 = arith.constant 0 : i32
      %ne3A_1530 = arith.cmpi ne, %rem3A_1528, %ne3A_1529 : i32
      %and3A_1531 = arith.andi %ne3A_1527, %ne3A_1530 : i1
      %sub3A_1532 = arith.constant 1 : i32
      %sub3A_1533 = arith.subi %div3A_1512, %sub3A_1532 : i32
      %select_n3A_1534 = arith.select %and3A_1531, %sub3A_1533, %div3A_1512 : i32
      %jit3A_1535 = arith.constant 2 : i32
      %eq3A_1536 = arith.constant 0 : i32
      %eq3A_1537 = arith.cmpi eq, %jit3A_1535, %eq3A_1536 : i32
      %jit3A_1538 = arith.constant 1 : i32
      %select_n3A_1539 = arith.select %eq3A_1537, %jit3A_1538, %jit3A_1535 : i32
      %rem3A_1540 = arith.remsi %scan3A_1015, %select_n3A_1539 : i32
      %ne3A_1541 = arith.constant 0 : i32
      %ne3A_1542 = arith.cmpi ne, %rem3A_1540, %ne3A_1541 : i32
      %lt3A_1543 = arith.constant 0 : i32
      %lt3A_1544 = arith.cmpi slt, %rem3A_1540, %lt3A_1543 : i32
      %lt3A_1545 = arith.constant 0 : i32
      %lt3A_1546 = arith.cmpi slt, %select_n3A_1539, %lt3A_1545 : i32
      %ne3A_1547 = arith.xori %lt3A_1544, %lt3A_1546 : i1
      %and3A_1548 = arith.andi %ne3A_1547, %ne3A_1542 : i1
      %add3A_1549 = arith.addi %rem3A_1540, %select_n3A_1539 : i32
      %select_n3A_1550 = arith.select %and3A_1548, %add3A_1549, %rem3A_1540 : i32
      %mul3A_1551 = arith.constant 64 : i32
      %mul3A_1552 = arith.muli %select_n3A_1550, %mul3A_1551 : i32
      %add3A_1553 = arith.constant 16 : i32
      %add3A_1554 = arith.addi %mul3A_1552, %add3A_1553 : i32
      %get3A_1555 = arith.index_cast %select_n3A_1534 : i32 to index
      %get3A_1556 = arith.index_cast %add3A_1554 : i32 to index
      %get3A_1557 = tpu.vector_load %arg7[%get3A_1555, %get3A_1556] {strides = array<i32>} : memref<64x128xi32, #tpu.memory_space<vmem>>, vector<1x16xi32>,
      %get3A_1558 = vector.shape_cast %get3A_1557 : vector<1x16xi32> to vector<16xi32>
      %gt3A_1559 = arith.constant 0 : i32
      %gt3A_1560 = vector.broadcast %gt3A_1559 : i32 to vector<16xi32>
      %gt3A_1561 = arith.cmpi sgt, %get3A_1558, %gt3A_1560 : vector<16xi32>
      %jit3A_1562 = arith.constant 1 : i32
      %jit3A_1563 = arith.constant 0 : i32
      %broadcast_in_dim3A_1564 = vector.broadcast %jit3A_1562 : i32 to vector<16xi32>
      %broadcast_in_dim3A_1565 = vector.broadcast %jit3A_1563 : i32 to vector<16xi32>
      %select_n3A_1566 = arith.select %gt3A_1561, %broadcast_in_dim3A_1564, %broadcast_in_dim3A_1565 : vector<16xi1>, vector<16xi32>
      %add3A_1567 = arith.addi %add3A_1510, %select_n3A_1566 : vector<16xi32>
      %jit3A_1568 = arith.constant 2 : i32
      %div3A_1569 = arith.divsi %scan3A_1015, %jit3A_1568 : i32
      %sign3A_1570 = arith.constant 0 : i32
      %sign3A_1571 = arith.cmpi sgt, %scan3A_1015, %sign3A_1570 : i32
      %sign3A_1572 = arith.extui %sign3A_1571 : i1 to i32
      %sign3A_1573 = arith.constant 0 : i32
      %sign3A_1574 = arith.cmpi slt, %scan3A_1015, %sign3A_1573 : i32
      %sign3A_1575 = arith.extui %sign3A_1574 : i1 to i32
      %sign3A_1576 = arith.subi %sign3A_1572, %sign3A_1575 : i32
      %sign3A_1577 = arith.constant 0 : i32
      %sign3A_1578 = arith.cmpi sgt, %jit3A_1568, %sign3A_1577 : i32
      %sign3A_1579 = arith.extui %sign3A_1578 : i1 to i32
      %sign3A_1580 = arith.constant 0 : i32
      %sign3A_1581 = arith.cmpi slt, %jit3A_1568, %sign3A_1580 : i32
      %sign3A_1582 = arith.extui %sign3A_1581 : i1 to i32
      %sign3A_1583 = arith.subi %sign3A_1579, %sign3A_1582 : i32
      %ne3A_1584 = arith.cmpi ne, %sign3A_1576, %sign3A_1583 : i32
      %rem3A_1585 = arith.remsi %scan3A_1015, %jit3A_1568 : i32
      %ne3A_1586 = arith.constant 0 : i32
      %ne3A_1587 = arith.cmpi ne, %rem3A_1585, %ne3A_1586 : i32
      %and3A_1588 = arith.andi %ne3A_1584, %ne3A_1587 : i1
      %sub3A_1589 = arith.constant 1 : i32
      %sub3A_1590 = arith.subi %div3A_1569, %sub3A_1589 : i32
      %select_n3A_1591 = arith.select %and3A_1588, %sub3A_1590, %div3A_1569 : i32
      %jit3A_1592 = arith.constant 2 : i32
      %eq3A_1593 = arith.constant 0 : i32
      %eq3A_1594 = arith.cmpi eq, %jit3A_1592, %eq3A_1593 : i32
      %jit3A_1595 = arith.constant 1 : i32
      %select_n3A_1596 = arith.select %eq3A_1594, %jit3A_1595, %jit3A_1592 : i32
      %rem3A_1597 = arith.remsi %scan3A_1015, %select_n3A_1596 : i32
      %ne3A_1598 = arith.constant 0 : i32
      %ne3A_1599 = arith.cmpi ne, %rem3A_1597, %ne3A_1598 : i32
      %lt3A_1600 = arith.constant 0 : i32
      %lt3A_1601 = arith.cmpi slt, %rem3A_1597, %lt3A_1600 : i32
      %lt3A_1602 = arith.constant 0 : i32
      %lt3A_1603 = arith.cmpi slt, %select_n3A_1596, %lt3A_1602 : i32
      %ne3A_1604 = arith.xori %lt3A_1601, %lt3A_1603 : i1
      %and3A_1605 = arith.andi %ne3A_1604, %ne3A_1599 : i1
      %add3A_1606 = arith.addi %rem3A_1597, %select_n3A_1596 : i32
      %select_n3A_1607 = arith.select %and3A_1605, %add3A_1606, %rem3A_1597 : i32
      %mul3A_1608 = arith.constant 64 : i32
      %mul3A_1609 = arith.muli %select_n3A_1607, %mul3A_1608 : i32
      %add3A_1610 = arith.constant 32 : i32
      %add3A_1611 = arith.addi %mul3A_1609, %add3A_1610 : i32
      %get3A_1612 = arith.index_cast %select_n3A_1591 : i32 to index
      %get3A_1613 = arith.index_cast %add3A_1611 : i32 to index
      %get3A_1614 = tpu.vector_load %arg7[%get3A_1612, %get3A_1613] {strides = array<i32>} : memref<64x128xi32, #tpu.memory_space<vmem>>, vector<1x16xi32>,
      %get3A_1615 = vector.shape_cast %get3A_1614 : vector<1x16xi32> to vector<16xi32>
      %gt3A_1616 = arith.constant 0 : i32
      %gt3A_1617 = vector.broadcast %gt3A_1616 : i32 to vector<16xi32>
      %gt3A_1618 = arith.cmpi sgt, %get3A_1615, %gt3A_1617 : vector<16xi32>
      %jit3A_1619 = arith.constant 1 : i32
      %jit3A_1620 = arith.constant 0 : i32
      %broadcast_in_dim3A_1621 = vector.broadcast %jit3A_1619 : i32 to vector<16xi32>
      %broadcast_in_dim3A_1622 = vector.broadcast %jit3A_1620 : i32 to vector<16xi32>
      %select_n3A_1623 = arith.select %gt3A_1618, %broadcast_in_dim3A_1621, %broadcast_in_dim3A_1622 : vector<16xi1>, vector<16xi32>
      %add3A_1624 = arith.addi %add3A_1567, %select_n3A_1623 : vector<16xi32>
      %jit3A_1625 = arith.constant 2 : i32
      %div3A_1626 = arith.divsi %scan3A_1015, %jit3A_1625 : i32
      %sign3A_1627 = arith.constant 0 : i32
      %sign3A_1628 = arith.cmpi sgt, %scan3A_1015, %sign3A_1627 : i32
      %sign3A_1629 = arith.extui %sign3A_1628 : i1 to i32
      %sign3A_1630 = arith.constant 0 : i32
      %sign3A_1631 = arith.cmpi slt, %scan3A_1015, %sign3A_1630 : i32
      %sign3A_1632 = arith.extui %sign3A_1631 : i1 to i32
      %sign3A_1633 = arith.subi %sign3A_1629, %sign3A_1632 : i32
      %sign3A_1634 = arith.constant 0 : i32
      %sign3A_1635 = arith.cmpi sgt, %jit3A_1625, %sign3A_1634 : i32
      %sign3A_1636 = arith.extui %sign3A_1635 : i1 to i32
      %sign3A_1637 = arith.constant 0 : i32
      %sign3A_1638 = arith.cmpi slt, %jit3A_1625, %sign3A_1637 : i32
      %sign3A_1639 = arith.extui %sign3A_1638 : i1 to i32
      %sign3A_1640 = arith.subi %sign3A_1636, %sign3A_1639 : i32
      %ne3A_1641 = arith.cmpi ne, %sign3A_1633, %sign3A_1640 : i32
      %rem3A_1642 = arith.remsi %scan3A_1015, %jit3A_1625 : i32
      %ne3A_1643 = arith.constant 0 : i32
      %ne3A_1644 = arith.cmpi ne, %rem3A_1642, %ne3A_1643 : i32
      %and3A_1645 = arith.andi %ne3A_1641, %ne3A_1644 : i1
      %sub3A_1646 = arith.constant 1 : i32
      %sub3A_1647 = arith.subi %div3A_1626, %sub3A_1646 : i32
      %select_n3A_1648 = arith.select %and3A_1645, %sub3A_1647, %div3A_1626 : i32
      %jit3A_1649 = arith.constant 2 : i32
      %eq3A_1650 = arith.constant 0 : i32
      %eq3A_1651 = arith.cmpi eq, %jit3A_1649, %eq3A_1650 : i32
      %jit3A_1652 = arith.constant 1 : i32
      %select_n3A_1653 = arith.select %eq3A_1651, %jit3A_1652, %jit3A_1649 : i32
      %rem3A_1654 = arith.remsi %scan3A_1015, %select_n3A_1653 : i32
      %ne3A_1655 = arith.constant 0 : i32
      %ne3A_1656 = arith.cmpi ne, %rem3A_1654, %ne3A_1655 : i32
      %lt3A_1657 = arith.constant 0 : i32
      %lt3A_1658 = arith.cmpi slt, %rem3A_1654, %lt3A_1657 : i32
      %lt3A_1659 = arith.constant 0 : i32
      %lt3A_1660 = arith.cmpi slt, %select_n3A_1653, %lt3A_1659 : i32
      %ne3A_1661 = arith.xori %lt3A_1658, %lt3A_1660 : i1
      %and3A_1662 = arith.andi %ne3A_1661, %ne3A_1656 : i1
      %add3A_1663 = arith.addi %rem3A_1654, %select_n3A_1653 : i32
      %select_n3A_1664 = arith.select %and3A_1662, %add3A_1663, %rem3A_1654 : i32
      %mul3A_1665 = arith.constant 64 : i32
      %mul3A_1666 = arith.muli %select_n3A_1664, %mul3A_1665 : i32
      %add3A_1667 = arith.constant 48 : i32
      %add3A_1668 = arith.addi %mul3A_1666, %add3A_1667 : i32
      %get3A_1669 = arith.index_cast %select_n3A_1648 : i32 to index
      %get3A_1670 = arith.index_cast %add3A_1668 : i32 to index
      %get3A_1671 = tpu.vector_load %arg7[%get3A_1669, %get3A_1670] {strides = array<i32>} : memref<64x128xi32, #tpu.memory_space<vmem>>, vector<1x16xi32>,
      %get3A_1672 = vector.shape_cast %get3A_1671 : vector<1x16xi32> to vector<16xi32>
      %gt3A_1673 = arith.constant 0 : i32
      %gt3A_1674 = vector.broadcast %gt3A_1673 : i32 to vector<16xi32>
      %gt3A_1675 = arith.cmpi sgt, %get3A_1672, %gt3A_1674 : vector<16xi32>
      %jit3A_1676 = arith.constant 1 : i32
      %jit3A_1677 = arith.constant 0 : i32
      %broadcast_in_dim3A_1678 = vector.broadcast %jit3A_1676 : i32 to vector<16xi32>
      %broadcast_in_dim3A_1679 = vector.broadcast %jit3A_1677 : i32 to vector<16xi32>
      %select_n3A_1680 = arith.select %gt3A_1675, %broadcast_in_dim3A_1678, %broadcast_in_dim3A_1679 : vector<16xi1>, vector<16xi32>
      %add3A_1681 = arith.addi %add3A_1624, %select_n3A_1680 : vector<16xi32>
      %slice3A = vector.extract_strided_slice %add3A_1681 {offsets = [0], sizes = [1], strides = [1]} : vector<16xi32> to vector<1xi32>
      %squeeze3A = vector.extract %slice3A[0] : i32 from vector<1xi32>
      %slice3A_1682 = vector.extract_strided_slice %add3A_1681 {offsets = [1], sizes = [1], strides = [1]} : vector<16xi32> to vector<1xi32>
      %squeeze3A_1683 = vector.extract %slice3A_1682[0] : i32 from vector<1xi32>
      %add3A_1684 = arith.addi %squeeze3A, %squeeze3A_1683 : i32
      %slice3A_1685 = vector.extract_strided_slice %add3A_1681 {offsets = [2], sizes = [1], strides = [1]} : vector<16xi32> to vector<1xi32>
      %squeeze3A_1686 = vector.extract %slice3A_1685[0] : i32 from vector<1xi32>
      %add3A_1687 = arith.addi %add3A_1684, %squeeze3A_1686 : i32
      %slice3A_1688 = vector.extract_strided_slice %add3A_1681 {offsets = [3], sizes = [1], strides = [1]} : vector<16xi32> to vector<1xi32>
      %squeeze3A_1689 = vector.extract %slice3A_1688[0] : i32 from vector<1xi32>
      %add3A_1690 = arith.addi %add3A_1687, %squeeze3A_1689 : i32
      %slice3A_1691 = vector.extract_strided_slice %add3A_1681 {offsets = [4], sizes = [1], strides = [1]} : vector<16xi32> to vector<1xi32>
      %squeeze3A_1692 = vector.extract %slice3A_1691[0] : i32 from vector<1xi32>
      %add3A_1693 = arith.addi %add3A_1690, %squeeze3A_1692 : i32
      %slice3A_1694 = vector.extract_strided_slice %add3A_1681 {offsets = [5], sizes = [1], strides = [1]} : vector<16xi32> to vector<1xi32>
      %squeeze3A_1695 = vector.extract %slice3A_1694[0] : i32 from vector<1xi32>
      %add3A_1696 = arith.addi %add3A_1693, %squeeze3A_1695 : i32
      %slice3A_1697 = vector.extract_strided_slice %add3A_1681 {offsets = [6], sizes = [1], strides = [1]} : vector<16xi32> to vector<1xi32>
      %squeeze3A_1698 = vector.extract %slice3A_1697[0] : i32 from vector<1xi32>
      %add3A_1699 = arith.addi %add3A_1696, %squeeze3A_1698 : i32
      %slice3A_1700 = vector.extract_strided_slice %add3A_1681 {offsets = [7], sizes = [1], strides = [1]} : vector<16xi32> to vector<1xi32>
      %squeeze3A_1701 = vector.extract %slice3A_1700[0] : i32 from vector<1xi32>
      %add3A_1702 = arith.addi %add3A_1699, %squeeze3A_1701 : i32
      %slice3A_1703 = vector.extract_strided_slice %add3A_1681 {offsets = [8], sizes = [1], strides = [1]} : vector<16xi32> to vector<1xi32>
      %squeeze3A_1704 = vector.extract %slice3A_1703[0] : i32 from vector<1xi32>
      %add3A_1705 = arith.addi %add3A_1702, %squeeze3A_1704 : i32
      %slice3A_1706 = vector.extract_strided_slice %add3A_1681 {offsets = [9], sizes = [1], strides = [1]} : vector<16xi32> to vector<1xi32>
      %squeeze3A_1707 = vector.extract %slice3A_1706[0] : i32 from vector<1xi32>
      %add3A_1708 = arith.addi %add3A_1705, %squeeze3A_1707 : i32
      %slice3A_1709 = vector.extract_strided_slice %add3A_1681 {offsets = [10], sizes = [1], strides = [1]} : vector<16xi32> to vector<1xi32>
      %squeeze3A_1710 = vector.extract %slice3A_1709[0] : i32 from vector<1xi32>
      %add3A_1711 = arith.addi %add3A_1708, %squeeze3A_1710 : i32
      %slice3A_1712 = vector.extract_strided_slice %add3A_1681 {offsets = [11], sizes = [1], strides = [1]} : vector<16xi32> to vector<1xi32>
      %squeeze3A_1713 = vector.extract %slice3A_1712[0] : i32 from vector<1xi32>
      %add3A_1714 = arith.addi %add3A_1711, %squeeze3A_1713 : i32
      %slice3A_1715 = vector.extract_strided_slice %add3A_1681 {offsets = [12], sizes = [1], strides = [1]} : vector<16xi32> to vector<1xi32>
      %squeeze3A_1716 = vector.extract %slice3A_1715[0] : i32 from vector<1xi32>
      %add3A_1717 = arith.addi %add3A_1714, %squeeze3A_1716 : i32
      %slice3A_1718 = vector.extract_strided_slice %add3A_1681 {offsets = [13], sizes = [1], strides = [1]} : vector<16xi32> to vector<1xi32>
      %squeeze3A_1719 = vector.extract %slice3A_1718[0] : i32 from vector<1xi32>
      %add3A_1720 = arith.addi %add3A_1717, %squeeze3A_1719 : i32
      %slice3A_1721 = vector.extract_strided_slice %add3A_1681 {offsets = [14], sizes = [1], strides = [1]} : vector<16xi32> to vector<1xi32>
      %squeeze3A_1722 = vector.extract %slice3A_1721[0] : i32 from vector<1xi32>
      %add3A_1723 = arith.addi %add3A_1720, %squeeze3A_1722 : i32
      %slice3A_1724 = vector.extract_strided_slice %add3A_1681 {offsets = [15], sizes = [1], strides = [1]} : vector<16xi32> to vector<1xi32>
      %squeeze3A_1725 = vector.extract %slice3A_1724[0] : i32 from vector<1xi32>
      %add3A_1726 = arith.addi %add3A_1723, %squeeze3A_1725 : i32
      %convert_element_type3A = arith.sitofp %add3A_1726 : i32 to f32
      %broadcast_in_dim3A_1727 = vector.broadcast %convert_element_type3A : f32 to vector<16xf32>
      %sub3A_1728 = arith.constant 5.000000e+01 : f32
      %sub3A_1729 = vector.broadcast %sub3A_1728 : f32 to vector<16xf32>
      %sub3A_1730 = arith.subf %sub3A_1729, %broadcast_in_dim3A_1727 : vector<16xf32>
      %mul3A_1731 = arith.mulf %sub3A_1730, %get3A_8 : vector<16xf32>
      %sub3A_1732 = arith.subf %add3A_1463, %mul3A_1731 : vector<16xf32>
      %max3A = arith.constant 1.000000e+00 : f32
      %max3A_1733 = vector.broadcast %max3A : f32 to vector<16xf32>
      %max3A_1734 = arith.maximumf %broadcast_in_dim3A_1727, %max3A_1733 : vector<16xf32>
      %div3A_1735 = arith.divf %sub3A_1732, %max3A_1734 : vector<16xf32>
      %shift_right_arithmetic3A = arith.constant 3 : i32
      %shift_right_arithmetic3A_1736 = arith.shrsi %scan3A_1015, %shift_right_arithmetic3A : i32
      %and3A_1737 = arith.constant 7 : i32
      %and3A_1738 = arith.andi %scan3A_1015, %and3A_1737 : i32
      %shift_left3A = arith.constant 4 : i32
      %shift_left3A_1739 = arith.shli %and3A_1738, %shift_left3A : i32
      %swap3A = arith.index_cast %shift_right_arithmetic3A_1736 : i32 to index
      %swap3A_1740 = arith.index_cast %shift_left3A_1739 : i32 to index
      %swap3A_1741 = tpu.vector_load %arg9[%swap3A, %swap3A_1740] {strides = array<i32>} : memref<16x128xf32, #tpu.memory_space<vmem>>, vector<1x16xf32>,
      %swap3A_1742 = vector.shape_cast %swap3A_1741 : vector<1x16xf32> to vector<16xf32>
      %swap3A_1743 = vector.shape_cast %div3A_1735 : vector<16xf32> to vector<1x16xf32>
      tpu.vector_store %arg9[%swap3A, %swap3A_1740], %swap3A_1743 {strides = array<i32>} : memref<16x128xf32, #tpu.memory_space<vmem>>, vector<1x16xf32>,
      %scan3A_1744 = arith.constant 0 : i32
      scf.yield %scan3A_1744 : i32
    }
    %scan3A_1012 = arith.constant 128 : i32
    %mul3A_1013 = arith.constant 16 : i32
    %mul3A_1014 = arith.muli %add3A, %mul3A_1013 : i32
    "tpu.region"() ({
      %run_scoped3A = tpu.sem_alloc : memref<!tpu.dma_semaphore, #tpu.memory_space<semaphore_mem>>
      %dma_start3A_1015 = arith.constant 0 : i32
      %dma_start3A_1016 = tpu.memref_slice %arg5[%mul3A_1014, %dma_start3A_1015] : memref<512x128xf32, #tpu.memory_space<hbm>> -> memref<16x128xf32, #tpu.memory_space<hbm>>
      %dma_start3A_1017 = arith.constant 0 : i32
      %dma_start3A_1018 = tpu.memref_slice %arg5[%mul3A_1014, %dma_start3A_1017] : memref<512x128xf32, #tpu.memory_space<hbm>> -> memref<16x128xf32, #tpu.memory_space<hbm>>
      tpu.enqueue_dma source(%arg9 : memref<16x128xf32, #tpu.memory_space<vmem>>) target(%dma_start3A_1018 : memref<16x128xf32, #tpu.memory_space<hbm>>) target_semaphore(%run_scoped3A : memref<!tpu.dma_semaphore, #tpu.memory_space<semaphore_mem>>)
      %dma_wait3A_1019 = arith.constant 0 : i32
      %dma_wait3A_1020 = tpu.memref_slice %arg5[%mul3A_1014, %dma_wait3A_1019] : memref<512x128xf32, #tpu.memory_space<hbm>> -> memref<16x128xf32, #tpu.memory_space<hbm>>
      %dma_wait3A_1021 = arith.constant 0 : i32
      %dma_wait3A_1022 = tpu.memref_slice %arg5[%mul3A_1014, %dma_wait3A_1021] : memref<512x128xf32, #tpu.memory_space<hbm>> -> memref<16x128xf32, #tpu.memory_space<hbm>>
      tpu.wait_dma2 semaphore(%run_scoped3A : memref<!tpu.dma_semaphore, #tpu.memory_space<semaphore_mem>>) src(%arg9 : memref<16x128xf32, #tpu.memory_space<vmem>>) dst(%dma_wait3A_1022 : memref<16x128xf32, #tpu.memory_space<hbm>>)
      tpu.yield
    }) : () -> ()
    return
  }
}

</mosaic_0001>

<sc_bundles>
// kernel: kernel.4.cloned.1.call-start
scs
__scs_entry_jumppad:
0x0: {  	(pc) =	sbr.rel $0x88, $3  }
0x1: {  	(tag) =	ssettag $0x0;
	lr =	simm.s32 $0x1  }
0x2: {  	[smem:$0x3F9C] =	sst lr;
	_ =	strace $0xD0000000  }
0x3: {  	_ = 	snop  }
0x4: {  	_ = 	snop  }
0x5: {  	_ = 	snop  }
0x6: {  	_ = 	snop  }
0x7: {  	_ = 	snop  }
__scs_overlays_trampoline_lowered:
0x8: {  	[smem:$0x3FAB] =	sst s0  }
0x9: {  	[smem:$0x3FAC] =	sst s1  }
0xa: {  	[smem:$0x3FAD] =	sst s2  }
0xb: {  	[smem:$0x3FAE] =	sst s3  }
0xc: {  	[smem:$0x3FAF] =	sst s4  }
0xd: {  	[smem:$0x3FB0] =	sst s5  }
0xe: {  	[smem:$0x3FB1] =	sst s6  }
0xf: {  	[smem:$0x3FB2] =	sst s7  }
0x10: {  	[smem:$0x3FB3] =	sst s8  }
0x11: {  	[smem:$0x3FB4] =	sst s9;
	s0 =	simm.s32 @!p0 $0x0  }
0x12: {  	s1 =	sld [smem:$0x3F9A];
	s0 =	simm.s32 @p0 $0x1  }
0x13: {  	[smem:$0x3FB5] =	sst s0;
	s0 =	simm.s32 @!p1 $0x0  }
0x14: {  	s2 =	sld [smem:$0x3F99];
	s0 =	simm.s32 @p1 $0x1  }
0x15: {  	[smem:$0x3FB6] =	sst s0;
	s0 =	simm.s32 @!p2 $0x0  }
0x16: {  	s3 =	sld [smem:$0x3FDB];
	s0 =	simm.s32 @p2 $0x1  }
0x17: {  	s4 =	simm.s32 $0x1BF5;
	[smem:$0x3FB8] =	sst s0  }
0x18: {  	s0 =	sld [smem:$0x3F9B];
	_ =	swait.ge [sflag:s4], $0x0  }
0x19: {  	s7 =	sld [smem:$0x3F9C]  }
0x1a: {  	s8 =	sadd.s32 $0xFFFFE003, lr  }
0x1b: {  	s9 =	sadd.s32 $0xFFFFFEF7, lr;
	s5 =	simm.s32 $0xFFFFFFFF;
	p2 =	slt.u32 s8, $0xFFFFF086  }
0x1c: {  	p1 =	slt.u32 s9, $0xF7A;
	s5 =	simm.s32 @!p2 $0x0  }
0x1d: {  	s5 =	simm.s32 @p1 $0x1;
	p0 =	seq.s32 s7, s2  }
0x1e: {  	s7 =	smul.u32 @!p0 $0xF7A, s2;
	p2 =	seq.s32 @!p0 s5, $0x0  }
0x1f: {  	s9 =	smul.u32 $0xF7A, s1;
	s8 =	simm.s32 @!p0 $0x1BF5;
	p2 =	por !p2, p0  }
0x20: {  	[sflag:s8] =	ssyncset.s32 @!p0 $0xFFFFF086;
	s6 =	sadd.s32 @!p0 s3, s7;
	s7 =	simm.s32 @!p0 $0x108  }
0x21: {  	s3 =	sadd.s32 s3, s9;
	s6 =	sadd.s32 @!p0 $0x88, s6;
	s7 =	simm.s32 @p2 $0x1082  }
0x22: {  	[simem:s7], [sflag:s8] =	dma.local @!p0 [hbm:s6], $0xF7A  }
0x23: {  	s9 =	sor.u32 $0xD0000000, s2;
	s6 =	simm.s32 $0x108;
	_ =	swait.ge @!p0 [sflag:s8], $0x0  }
0x24: {  	s3 =	sadd.s32 $0x88, s3;
	s6 =	simm.s32 @!p1 $0x1082;
	[sflag:s4] =	ssyncset.s32 $0xFFFFF086  }
0x25: {  	[simem:s6], [sflag:s4] =	dma.local [hbm:s3], $0xF7A  }
0x26: {  	[smem:$0x3F9C] =	sst s1;
	(tag) =	ssettag s2;
	_ =	strace s9  }
0x27: {  	s1 =	sld [smem:$0x3FAC]  }
0x28: {  	s2 =	sld [smem:$0x3FAD]  }
0x29: {  	s4 =	sld [smem:$0x3FAF]  }
0x2a: {  	p0 =	seq.s32 s5, $0x0;
	s5 =	sld [smem:$0x3FB0]  }
0x2b: {  	s6 =	sld [smem:$0x3FB1]  }
0x2c: {  	s7 =	sld [smem:$0x3FB2]  }
0x2d: {  	s3 =	simm.s32 $0x108;
	s8 =	sld [smem:$0x3FB3]  }
0x2e: {  	s3 =	simm.s32 @!p0 $0x1082;
	s9 =	sld [smem:$0x3FB4]  }
0x2f: {  	lr =	sadd.s32 s0, s3;
	s0 =	sld [smem:$0x3FAB]  }
0x30: {  	s3 =	sld [smem:$0x3FAE]  }
0x31: {  	[smem:$0x3FB7] =	sst s10  }
0x32: {  	s10 =	sld [smem:$0x3FB5];
	_ =	sdelay $0x3  }
0x33: {  	p0 =	seq.s32 s10, $0x1;
	s10 =	sld [smem:$0x3FB7];
	_ =	sdelay $0x3  }
0x34: {  	[smem:$0x3FB7] =	sst s10  }
0x35: {  	s10 =	sld [smem:$0x3FB6];
	_ =	sdelay $0x3  }
0x36: {  	p1 =	seq.s32 s10, $0x1;
	s10 =	sld [smem:$0x3FB7];
	_ =	sdelay $0x3  }
0x37: {  	[smem:$0x3FB7] =	sst s10  }
0x38: {  	s10 =	sld [smem:$0x3FB8]  }
0x39: {  	_ = 	snop;
	(pc) =	sbr.ind lr, $3  }
0x3a: {  	_ = 	snop  }
0x3b: {  	_ = 	snop  }
0x3c: {  	p2 =	seq.s32 s10, $0x1;
	s10 =	sld [smem:$0x3FB7]  }
0x3d: {  	_ =	shalt  }
0x3e: {  	_ =	shalt  }
0x3f: {  	_ =	shalt  }
0x40: {  	_ =	shalt  }
0x41: {  	_ =	shalt  }
0x42: {  	_ =	shalt  }
0x43: {  	_ =	shalt  }
0x44: {  	_ =	shalt  }
0x45: {  	_ =	shalt  }
0x46: {  	_ =	shalt  }
0x47: {  	_ =	shalt  }
0x48: {  	_ =	shalt  }
0x49: {  	_ =	shalt  }
0x4a: {  	_ =	shalt  }
0x4b: {  	_ =	shalt  }
0x4c: {  	_ =	shalt  }
0x4d: {  	_ =	shalt  }
0x4e: {  	_ =	shalt  }
0x4f: {  	_ =	shalt  }
0x50: {  	_ =	shalt  }
0x51: {  	_ =	shalt  }
0x52: {  	_ =	shalt  }
0x53: {  	_ =	shalt  }
0x54: {  	_ =	shalt  }
0x55: {  	_ =	shalt  }
0x56: {  	_ =	shalt  }
0x57: {  	_ =	shalt  }
0x58: {  	_ =	shalt  }
0x59: {  	_ =	shalt  }
0x5a: {  	_ =	shalt  }
0x5b: {  	_ =	shalt  }
0x5c: {  	_ =	shalt  }
0x5d: {  	_ =	shalt  }
0x5e: {  	_ =	shalt  }
0x5f: {  	_ =	shalt  }
0x60: {  	_ =	shalt  }
0x61: {  	_ =	shalt  }
0x62: {  	_ =	shalt  }
0x63: {  	_ =	shalt  }
0x64: {  	_ =	shalt  }
0x65: {  	_ =	shalt  }
0x66: {  	_ =	shalt  }
0x67: {  	_ =	shalt  }
0x68: {  	_ =	shalt  }
0x69: {  	_ =	shalt  }
0x6a: {  	_ =	shalt  }
0x6b: {  	_ =	shalt  }
0x6c: {  	_ =	shalt  }
0x6d: {  	_ =	shalt  }
0x6e: {  	_ =	shalt  }
0x6f: {  	_ =	shalt  }
0x70: {  	_ =	shalt  }
0x71: {  	_ =	shalt  }
0x72: {  	_ =	shalt  }
0x73: {  	_ =	shalt  }
0x74: {  	_ =	shalt  }
0x75: {  	_ =	shalt  }
0x76: {  	_ =	shalt  }
0x77: {  	_ =	shalt  }
0x78: {  	_ =	shalt  }
0x79: {  	_ =	shalt  }
0x7a: {  	_ =	shalt  }
0x7b: {  	_ =	shalt  }
0x7c: {  	_ =	shalt  }
0x7d: {  	_ =	shalt  }
0x7e: {  	_ =	shalt  }
0x7f: {  	_ =	shalt  }
0x80: {  	_ =	shalt  }
0x81: {  	_ =	shalt  }
0x82: {  	_ =	shalt  }
0x83: {  	_ =	shalt  }
0x84: {  	_ =	shalt  }
0x85: {  	_ =	shalt  }
0x86: {  	_ =	shalt  }
0x87: {  	_ =	shalt  }
.Lfunc_end0:
.L_simem_size_0:
called_computation_lowered:
.L_overlay_start_0:
0x88: {  	s2 =	sld [smem:$0x3FD9]  }
0x89: {  	s3 =	sld [smem:$0x3FFE];
	_ =	sdelay $0x1  }
0x8a: {  	s1 =	srdreg.scid  }
0x8b: {  	s0 =	sand.u32 $0x1, s1  }
0x8c: {  	s17 =	sshll.u32 s0, $0xA;
	s2 =	sadd.s32 s3, s2  }
0x8d: {  	s2 =	sadd.s32 s2, s17  }
0x8e: {  	[smem:$0x3FC3] =	sst s2  }
0x8f: {  	_ = 	snop  }
0x90: {  	(tm) =	ssettm $0x1  }
0x91: {  	s18 =	sld [smem:$0x3FFB];
	_ =	sdelay $0x3  }
0x92: {  	_ =	strace s18  }
0x93: {  	s2 =	sld [smem:$0x3FFC];
	_ =	sdelay $0x3  }
0x94: {  	_ =	strace s2  }
0x95: {  	s2 =	sld [smem:$0x3FFD];
	_ =	sdelay $0x3  }
0x96: {  	_ =	strace s2  }
0x97: {  	_ =	strace $0x8FFFFFFF  }
0x98: {  	s19 =	sld [smem:$0x3FDB];
	_ =	sdelay $0x1  }
0x99: {  	s20 =	simm.s32 $_scs_section_size  }
0x9a: {  	s4 =	simm.s32 $_size__tile_overlayer_lowered;
	s5 =	simm.s32 $_tile_overlayer_lowered  }
0x9b: {  	s6 =	simm.s32 $0x1BFF;
	s21 =	sshll.u32 s5, $0x1;
	s3 =	sadd.s32 s20, s19  }
0x9c: {  	s22 =	simm.s32 $0x0;
	s4 =	sshll.u32 s4, $0x1;
	s5 =	sadd.s32 s21, s3  }
0x9d: {  	[timem:s22], [sflag:s6] =	dma.local [hbm:s5], s4  }
0x9e: {  	_ =	swait.ge [sflag:s6], s4  }
0x9f: {  	s4 =	ssub.s32 $0x0, s4;
	[sflag:s6] =	ssyncset.done $0x0  }
0xa0: {  	[sflag:s6] =	ssyncadd.s32 s4;
	_ =	sdelay $0x1  }
0xa1: {  	s23 =	simm.s32 $0x1B8B  }
0xa2: {  	_ =	swait.ge [sflag:s23], $0x1  }
0xa3: {  	[sflag:s23] =	ssyncset.done $0x0  }
0xa4: {  	[sflag:s23] =	ssyncadd.s32 $0xFFFFFFFF  }
0xa5: {  	s4 =	sld [smem:$0x0]  }
0xa6: {  	s5 =	sand.u32 $0xFFFFFFFE, s1  }
0xa7: {  	p0 =	sne.s32 s1, s5  }
0xa8: {  	s5 =	sshll.u32 @p0 s5, $0xE  }
0xa9: {  	s5 =	sadd.s32 @p0 $0x11B8D, s5;
	s6 =	sshll.u32 @p0 s4, $0x11  }
0xaa: {  	s5 =	sor.u32 @p0 s6, s5  }
0xab: {  	[sflag:s5] =	ssyncadd.remote.s32 @p0 $0x1;
	_ =	sdelay $0x1  }
0xac: {  	s5 =	simm.s32 @p0 $0x1B8D  }
0xad: {  	_ =	swait.eq @p0 [sflag:s5], $0x1  }
0xae: {  	[sflag:s5] =	ssyncadd.s32 @p0 $0xFFFFFFFF  }
0xaf: {  	s6 =	sshll.u32 @!p0 s1, $0xE  }
0xb0: {  	s6 =	sor.u32 @!p0 $0x4000, s6;
	s5 =	simm.s32 @!p0 $0x1B8D  }
0xb1: {  	s4 =	sshll.u32 @!p0 s4, $0x11;
	s6 =	sadd.s32 @!p0 $0x11B8D, s6;
	_ =	swait.eq @!p0 [sflag:s5], $0x1  }
0xb2: {  	s4 =	sor.u32 @!p0 s4, s6;
	[sflag:s5] =	ssyncadd.s32 @!p0 $0xFFFFFFFF  }
0xb3: {  	s25 =	simm.s32 $0x1B8E;
	s24 =	sld [smem:$0x3FFE];
	[sflag:s4] =	ssyncadd.remote.s32 @!p0 $0x1  }
0xb4: {  	s26 =	simm.s32 $execute0_lowered;
	[smem:$0x3FD2] =	sst s25  }
0xb5: {  	s5 =	sshll.u32 s26, $0x1;
	_ =	strace $0x80000049;
	[dreg:$0x1] =	wrdreg $0xFFFFFFFF  }
0xb6: {  	s28 =	simm.s32 $_size_execute0_lowered;
	s3 =	sadd.s32 s3, s5;
	[dreg:$0x0] =	wrdreg $0x0  }
0xb7: {  	s5 =	sshll.u32 s28, $0x1;
	[dreg:$0x2] =	wrdreg s3  }
0xb8: {  	[dreg:$0x3] =	wrdreg s5  }
0xb9: {  	[dreg:$0x4] =	wrdreg $0xC0  }
0xba: {  	_ =	task [dreg:s22], $0x5FFFF  }
0xbb: {  	[dreg:$0x1] =	wrdreg $0xFFFFFFFF  }
0xbc: {  	[dreg:$0x0] =	wrdreg $0x60  }
0xbd: {  	[dreg:$0x2] =	wrdreg s24  }
0xbe: {  	[dreg:$0x3] =	wrdreg $0x9  }
0xbf: {  	_ =	task.clear_ibuf [dreg:s22], $0x4FFFF;
	_ =	strace $0x90000049  }
0xc0: {  	s29 =	simm.s32 $0x9;
	_ =	strace $0x8000004B  }
0xc1: {  	_ =	swait.ge [sflag:s29], $0x1  }
0xc2: {  	[sflag:s29] =	ssyncadd.s32 $0xFFFFFFFF  }
0xc3: {  	_ =	strace $0x9000004B  }
0xc4: {  	_ =	sfence  }
0xc5: {  	s30 =	sld [smem:$0x0];
	_ =	sdelay $0x2  }
0xc6: {  	s31 =	sshll.u32 s1, $0xD;
	s1 =	sshrl.u32 s1, $0x2  }
0xc7: {  	s4 =	sand.u32 $0x4000, s31;
	s1 =	sadd.s32 s1, s30  }
0xc8: {  	s0 =	sor.u32 s4, s0;
	s1 =	sshll.u32 s1, $0x11  }
0xc9: {  	s0 =	sor.u32 s1, s0  }
0xca: {  	s0 =	sadd.s32 $0x8F2B, s0  }
0xcb: {  	[sflag:s0] =	ssyncadd.remote.s32 $0x1  }
0xcc: {  	_ =	sfence.sel $0xFFFF  }
0xcd: {  	[dreg:$0x0] =	wrdreg $0xFFFFFFFF;
	(pc) =	sbr.abs _section_cstart, $3  }
0xce: {  	[dreg:$0x1] =	wrdreg $0xFFFFFFFF  }
0xcf: {  	_ =	task.clear_ibuf [dreg:s22], $0x2FFFF;
	_ =	strace $0x9FFFFFFF  }
0xd0: {  	(tm) =	ssettm $0x7FFFFFFF  }
0xd1: {  	_ =	shalt  }
tec
execute0_lowered:
.L_overlay_start_1:
0x0: {  	(tag) =	ssettag $0x1  }
0x1: {  	s0 =	srdreg.scid  }
0x2: {  	s2 =	stileid.u32;
	s1 =	rddreg [dreg:$0x0]  }
0x3: {  	s8 =	simm.s32 $0x2;
	s11 =	simm.s32 $0x80;
	s28 =	simm.s32 $0x1580  }
0x4: {  	s29 =	simm.s32 $0x19100;
	s30 =	simm.s32 $0x1600;
	s31 =	simm.s32 $0x19900  }
0x5: {  	s9 =	simm.s32 $0x1700;
	s10 =	simm.s32 $0x1A900;
	s12 =	simm.s32 $0x1780  }
0x6: {  	s13 =	simm.s32 $0x1B100;
	s14 =	simm.s32 $0x1800;
	s15 =	simm.s32 $0x1B900  }
0x7: {  	s16 =	simm.s32 $0x1880;
	s17 =	simm.s32 $0x1C100;
	s18 =	simm.s32 $0x1  }
0x8: {  	s19 =	simm.s32 $0x1C900;
	s0 =	sand.u32 $0x1, s0;
	s3 =	sshll.u32 s2, $0x1  }
0x9: {  	s20 =	simm.s32 $0x0;
	s2 =	simm.s32 $0x0;
	s4 =	sor.u32 s0, s3  }
0xa: {  	[smem:$0x7FF] =	sst s2;
	s3 =	sadd.s32 $0x6B1200, s1;
	s0 =	ssub.s32 $0x2, s0  }
0xb: {  	s5 =	smul.u32 $0x320, s4;
	_ =	strace $0x8000004A;
	s6 =	sshll.u32 s4, $0xA  }
0xc: {  	s4 =	sshll.u32 s4, $0x8;
	s7 =	sshrl.u32 s0, $0x1;
	s6 =	sadd.s32 s6, s1  }
0xd: {  	s0 =	ssub.s32 s0, s7;
	s5 =	sadd.s32 s5, s1;
	s1 =	sadd.s32 s4, s1  }
0xe: {  	s7 =	smax.u32 s0, $0x1;
	s4 =	sadd.s32 $0x532800, s5;
	s5 =	sadd.s32 $0x52A800, s6  }
0xf: {  	v0 =	vimm.s32 $0x0;
	s0 =	simm.s32 $0x1A100;
	s6 =	sadd.s32 $0x538C00, s1;
	s1 =	simm.s32 $0x1680  }
.LBB2_1:
0x10: {  	[tilespmem:s2], [sflag:$0x2] =	stream.linear.gather [hbm4b:s4+s2], $0x1900, $0x38;
	[tilespmem:$0x1D110] =	vst v63  }
0x11: {  	_ =	swait.ge [sflag:s8], $0x1900  }
0x12: {  	[sflag:s8] =	ssyncset.done $0x0  }
0x13: {  	s21 =	simm.s32 $0x1900;
	[sflag:s8] =	ssyncadd.s32 $0xFFFFE700  }
0x14: {  	[tilespmem:s21], [sflag:$0x2] =	stream.linear.gather [hbm4b:s5+s2], $0x2000, $0x38;
	[tilespmem:$0x1D110] =	vst v63  }
0x15: {  	_ =	swait.ge [sflag:s8], $0x2000  }
0x16: {  	[sflag:s8] =	ssyncset.done $0x0  }
0x17: {  	s26 =	simm.s32 $0x1D100;
	[sflag:s8] =	ssyncadd.s32 $0xFFFFE000  }
0x18: {  	[tilespmem:s26], [sflag:$0x2] =	stream.linear.gather [hbm4b:s3+s2], $0x10, $0x38;
	[tilespmem:$0x1D110] =	vst v63  }
0x19: {  	_ =	swait.ge [sflag:s8], $0x10  }
0x1a: {  	[sflag:s8] =	ssyncset.done $0x0  }
0x1b: {  	s22 =	simm.s32 $0x3900;
	[sflag:s8] =	ssyncadd.s32 $0xFFFFFFF0  }
0x1c: {  	v1 =	vld [tilespmem:$0x1D100];
	[tilespmem:s22], [sflag:$0x1] =	stream.indirect.gather [hbm4b:s3+s11], $0x10, s2, s11, $0xb8  }
0x1d: {  	s23 =	simm.s32 $0x4100  }
0x1e: {  	[tilespmem:s23], [sflag:$0x1] =	stream.indirect.gather [hbm4b:s3+s11], $0x10, s11, s11, $0xb8;
	[tilespmem:$0x1D110] =	vst v63  }
0x1f: {  	s24 =	simm.s32 $0x100;
	s22 =	simm.s32 $0x4900  }
0x20: {  	[tilespmem:s22], [sflag:$0x1] =	stream.indirect.gather [hbm4b:s3+s11], $0x10, s24, s11, $0xb8;
	[tilespmem:$0x1D110] =	vst v63  }
0x21: {  	s25 =	simm.s32 $0x180;
	s26 =	simm.s32 $0x5100  }
0x22: {  	[tilespmem:s26], [sflag:$0x1] =	stream.indirect.gather [hbm4b:s3+s11], $0x10, s25, s11, $0xb8;
	[tilespmem:$0x1D110] =	vst v63  }
0x23: {  	s23 =	simm.s32 $0x200;
	s24 =	simm.s32 $0x5900  }
0x24: {  	[tilespmem:s24], [sflag:$0x1] =	stream.indirect.gather [hbm4b:s3+s11], $0x10, s23, s11, $0xb8;
	[tilespmem:$0x1D110] =	vst v63  }
0x25: {  	s25 =	simm.s32 $0x280;
	s26 =	simm.s32 $0x6100  }
0x26: {  	[tilespmem:s26], [sflag:$0x1] =	stream.indirect.gather [hbm4b:s3+s11], $0x10, s25, s11, $0xb8;
	[tilespmem:$0x1D110] =	vst v63  }
0x27: {  	s23 =	simm.s32 $0x300;
	s24 =	simm.s32 $0x6900  }
0x28: {  	[tilespmem:s24], [sflag:$0x1] =	stream.indirect.gather [hbm4b:s3+s11], $0x10, s23, s11, $0xb8;
	[tilespmem:$0x1D110] =	vst v63  }
0x29: {  	s25 =	simm.s32 $0x380;
	s26 =	simm.s32 $0x7100  }
0x2a: {  	[tilespmem:s26], [sflag:$0x1] =	stream.indirect.gather [hbm4b:s3+s11], $0x10, s25, s11, $0xb8;
	[tilespmem:$0x1D110] =	vst v63  }
0x2b: {  	s23 =	simm.s32 $0x400;
	s24 =	simm.s32 $0x7900  }
0x2c: {  	[tilespmem:s24], [sflag:$0x1] =	stream.indirect.gather [hbm4b:s3+s11], $0x10, s23, s11, $0xb8;
	[tilespmem:$0x1D110] =	vst v63  }
0x2d: {  	s25 =	simm.s32 $0x480;
	s26 =	simm.s32 $0x8100  }
0x2e: {  	[tilespmem:s26], [sflag:$0x1] =	stream.indirect.gather [hbm4b:s3+s11], $0x10, s25, s11, $0xb8;
	[tilespmem:$0x1D110] =	vst v63  }
0x2f: {  	s23 =	simm.s32 $0x500;
	s24 =	simm.s32 $0x8900  }
0x30: {  	[tilespmem:s24], [sflag:$0x1] =	stream.indirect.gather [hbm4b:s3+s11], $0x10, s23, s11, $0xb8;
	[tilespmem:$0x1D110] =	vst v63  }
0x31: {  	s25 =	simm.s32 $0x580;
	s26 =	simm.s32 $0x9100  }
0x32: {  	[tilespmem:s26], [sflag:$0x1] =	stream.indirect.gather [hbm4b:s3+s11], $0x10, s25, s11, $0xb8;
	[tilespmem:$0x1D110] =	vst v63  }
0x33: {  	s23 =	simm.s32 $0x600;
	s24 =	simm.s32 $0x9900  }
0x34: {  	[tilespmem:s24], [sflag:$0x1] =	stream.indirect.gather [hbm4b:s3+s11], $0x10, s23, s11, $0xb8;
	[tilespmem:$0x1D110] =	vst v63  }
0x35: {  	s25 =	simm.s32 $0x680;
	s26 =	simm.s32 $0xA100  }
0x36: {  	[tilespmem:s26], [sflag:$0x1] =	stream.indirect.gather [hbm4b:s3+s11], $0x10, s25, s11, $0xb8;
	[tilespmem:$0x1D110] =	vst v63  }
0x37: {  	s23 =	simm.s32 $0x700;
	s24 =	simm.s32 $0xA900  }
0x38: {  	[tilespmem:s24], [sflag:$0x1] =	stream.indirect.gather [hbm4b:s3+s11], $0x10, s23, s11, $0xb8;
	[tilespmem:$0x1D110] =	vst v63  }
0x39: {  	s25 =	simm.s32 $0x780;
	s26 =	simm.s32 $0xB100  }
0x3a: {  	[tilespmem:s26], [sflag:$0x1] =	stream.indirect.gather [hbm4b:s3+s11], $0x10, s25, s11, $0xb8;
	[tilespmem:$0x1D110] =	vst v63  }
0x3b: {  	s23 =	simm.s32 $0x800;
	s24 =	simm.s32 $0xB900  }
0x3c: {  	[tilespmem:s24], [sflag:$0x1] =	stream.indirect.gather [hbm4b:s3+s11], $0x10, s23, s11, $0xb8;
	[tilespmem:$0x1D110] =	vst v63  }
0x3d: {  	s25 =	simm.s32 $0x880;
	s26 =	simm.s32 $0xC100  }
0x3e: {  	[tilespmem:s26], [sflag:$0x1] =	stream.indirect.gather [hbm4b:s3+s11], $0x10, s25, s11, $0xb8;
	[tilespmem:$0x1D110] =	vst v63  }
0x3f: {  	s23 =	simm.s32 $0x900;
	s24 =	simm.s32 $0xC900  }
0x40: {  	[tilespmem:s24], [sflag:$0x1] =	stream.indirect.gather [hbm4b:s3+s11], $0x10, s23, s11, $0xb8;
	[tilespmem:$0x1D110] =	vst v63  }
0x41: {  	s25 =	simm.s32 $0x980;
	s26 =	simm.s32 $0xD100  }
0x42: {  	[tilespmem:s26], [sflag:$0x1] =	stream.indirect.gather [hbm4b:s3+s11], $0x10, s25, s11, $0xb8;
	[tilespmem:$0x1D110] =	vst v63  }
0x43: {  	s23 =	simm.s32 $0xA00;
	s24 =	simm.s32 $0xD900  }
0x44: {  	[tilespmem:s24], [sflag:$0x1] =	stream.indirect.gather [hbm4b:s3+s11], $0x10, s23, s11, $0xb8;
	[tilespmem:$0x1D110] =	vst v63  }
0x45: {  	s25 =	simm.s32 $0xA80;
	s26 =	simm.s32 $0xE100  }
0x46: {  	[tilespmem:s26], [sflag:$0x1] =	stream.indirect.gather [hbm4b:s3+s11], $0x10, s25, s11, $0xb8;
	[tilespmem:$0x1D110] =	vst v63  }
0x47: {  	s23 =	simm.s32 $0xB00;
	s24 =	simm.s32 $0xE900  }
0x48: {  	[tilespmem:s24], [sflag:$0x1] =	stream.indirect.gather [hbm4b:s3+s11], $0x10, s23, s11, $0xb8;
	[tilespmem:$0x1D110] =	vst v63  }
0x49: {  	s25 =	simm.s32 $0xB80;
	s26 =	simm.s32 $0xF100  }
0x4a: {  	[tilespmem:s26], [sflag:$0x1] =	stream.indirect.gather [hbm4b:s3+s11], $0x10, s25, s11, $0xb8;
	[tilespmem:$0x1D110] =	vst v63  }
0x4b: {  	s23 =	simm.s32 $0xC00;
	s24 =	simm.s32 $0xF900  }
0x4c: {  	[tilespmem:s24], [sflag:$0x1] =	stream.indirect.gather [hbm4b:s3+s11], $0x10, s23, s11, $0xb8;
	[tilespmem:$0x1D110] =	vst v63  }
0x4d: {  	s25 =	simm.s32 $0xC80;
	s26 =	simm.s32 $0x10100  }
0x4e: {  	[tilespmem:s26], [sflag:$0x1] =	stream.indirect.gather [hbm4b:s3+s11], $0x10, s25, s11, $0xb8;
	[tilespmem:$0x1D110] =	vst v63  }
0x4f: {  	s23 =	simm.s32 $0xD00;
	s24 =	simm.s32 $0x10900  }
0x50: {  	[tilespmem:s24], [sflag:$0x1] =	stream.indirect.gather [hbm4b:s3+s11], $0x10, s23, s11, $0xb8;
	[tilespmem:$0x1D110] =	vst v63  }
0x51: {  	s25 =	simm.s32 $0xD80;
	s26 =	simm.s32 $0x11100  }
0x52: {  	[tilespmem:s26], [sflag:$0x1] =	stream.indirect.gather [hbm4b:s3+s11], $0x10, s25, s11, $0xb8;
	[tilespmem:$0x1D110] =	vst v63  }
0x53: {  	s23 =	simm.s32 $0xE00;
	s24 =	simm.s32 $0x11900  }
0x54: {  	[tilespmem:s24], [sflag:$0x1] =	stream.indirect.gather [hbm4b:s3+s11], $0x10, s23, s11, $0xb8;
	[tilespmem:$0x1D110] =	vst v63  }
0x55: {  	s25 =	simm.s32 $0xE80;
	s26 =	simm.s32 $0x12100  }
0x56: {  	[tilespmem:s26], [sflag:$0x1] =	stream.indirect.gather [hbm4b:s3+s11], $0x10, s25, s11, $0xb8;
	[tilespmem:$0x1D110] =	vst v63  }
0x57: {  	s23 =	simm.s32 $0xF00;
	s24 =	simm.s32 $0x12900  }
0x58: {  	[tilespmem:s24], [sflag:$0x1] =	stream.indirect.gather [hbm4b:s3+s11], $0x10, s23, s11, $0xb8;
	[tilespmem:$0x1D110] =	vst v63  }
0x59: {  	s25 =	simm.s32 $0xF80;
	s26 =	simm.s32 $0x13100  }
0x5a: {  	[tilespmem:s26], [sflag:$0x1] =	stream.indirect.gather [hbm4b:s3+s11], $0x10, s25, s11, $0xb8;
	[tilespmem:$0x1D110] =	vst v63  }
0x5b: {  	s23 =	simm.s32 $0x1000;
	s24 =	simm.s32 $0x13900  }
0x5c: {  	[tilespmem:s24], [sflag:$0x1] =	stream.indirect.gather [hbm4b:s3+s11], $0x10, s23, s11, $0xb8;
	[tilespmem:$0x1D110] =	vst v63  }
0x5d: {  	s25 =	simm.s32 $0x1080;
	s26 =	simm.s32 $0x14100  }
0x5e: {  	[tilespmem:s26], [sflag:$0x1] =	stream.indirect.gather [hbm4b:s3+s11], $0x10, s25, s11, $0xb8;
	[tilespmem:$0x1D110] =	vst v63  }
0x5f: {  	s23 =	simm.s32 $0x1100;
	s24 =	simm.s32 $0x14900  }
0x60: {  	[tilespmem:s24], [sflag:$0x1] =	stream.indirect.gather [hbm4b:s3+s11], $0x10, s23, s11, $0xb8;
	[tilespmem:$0x1D110] =	vst v63  }
0x61: {  	s25 =	simm.s32 $0x1180;
	s26 =	simm.s32 $0x15100  }
0x62: {  	[tilespmem:s26], [sflag:$0x1] =	stream.indirect.gather [hbm4b:s3+s11], $0x10, s25, s11, $0xb8;
	[tilespmem:$0x1D110] =	vst v63  }
0x63: {  	s23 =	simm.s32 $0x1200;
	s24 =	simm.s32 $0x15900  }
0x64: {  	[tilespmem:s24], [sflag:$0x1] =	stream.indirect.gather [hbm4b:s3+s11], $0x10, s23, s11, $0xb8;
	[tilespmem:$0x1D110] =	vst v63  }
0x65: {  	s25 =	simm.s32 $0x1280;
	s26 =	simm.s32 $0x16100  }
0x66: {  	[tilespmem:s26], [sflag:$0x1] =	stream.indirect.gather [hbm4b:s3+s11], $0x10, s25, s11, $0xb8;
	[tilespmem:$0x1D110] =	vst v63  }
0x67: {  	s23 =	simm.s32 $0x1300;
	s24 =	simm.s32 $0x16900  }
0x68: {  	[tilespmem:s24], [sflag:$0x1] =	stream.indirect.gather [hbm4b:s3+s11], $0x10, s23, s11, $0xb8;
	[tilespmem:$0x1D110] =	vst v63  }
0x69: {  	s25 =	simm.s32 $0x1380;
	s26 =	simm.s32 $0x17100  }
0x6a: {  	[tilespmem:s26], [sflag:$0x1] =	stream.indirect.gather [hbm4b:s3+s11], $0x10, s25, s11, $0xb8;
	[tilespmem:$0x1D110] =	vst v63  }
0x6b: {  	s23 =	simm.s32 $0x1400;
	s24 =	simm.s32 $0x17900  }
0x6c: {  	[tilespmem:s24], [sflag:$0x1] =	stream.indirect.gather [hbm4b:s3+s11], $0x10, s23, s11, $0xb8;
	[tilespmem:$0x1D110] =	vst v63  }
0x6d: {  	s25 =	simm.s32 $0x1480;
	s26 =	simm.s32 $0x18100  }
0x6e: {  	[tilespmem:s26], [sflag:$0x1] =	stream.indirect.gather [hbm4b:s3+s11], $0x10, s25, s11, $0xb8;
	[tilespmem:$0x1D110] =	vst v63  }
0x6f: {  	s23 =	simm.s32 $0x1500;
	s24 =	simm.s32 $0x18900  }
0x70: {  	[tilespmem:s24], [sflag:$0x1] =	stream.indirect.gather [hbm4b:s3+s11], $0x10, s23, s11, $0xb8;
	[tilespmem:$0x1D110] =	vst v63  }
0x71: {  	_ = 	snop  }
0x72: {  	[tilespmem:s29], [sflag:$0x1] =	stream.indirect.gather [hbm4b:s3+s11], $0x10, s28, s11, $0xb8;
	[tilespmem:$0x1D110] =	vst v63  }
0x73: {  	_ = 	snop  }
0x74: {  	[tilespmem:s31], [sflag:$0x1] =	stream.indirect.gather [hbm4b:s3+s11], $0x10, s30, s11, $0xb8;
	[tilespmem:$0x1D110] =	vst v63  }
0x75: {  	_ = 	snop  }
0x76: {  	[tilespmem:s0], [sflag:$0x1] =	stream.indirect.gather [hbm4b:s3+s11], $0x10, s1, s11, $0xb8;
	[tilespmem:$0x1D110] =	vst v63  }
0x77: {  	_ = 	snop  }
0x78: {  	[tilespmem:s10], [sflag:$0x1] =	stream.indirect.gather [hbm4b:s3+s11], $0x10, s9, s11, $0xb8;
	[tilespmem:$0x1D110] =	vst v63  }
0x79: {  	_ = 	snop  }
0x7a: {  	[tilespmem:s13], [sflag:$0x1] =	stream.indirect.gather [hbm4b:s3+s11], $0x10, s12, s11, $0xb8;
	[tilespmem:$0x1D110] =	vst v63  }
0x7b: {  	_ = 	snop  }
0x7c: {  	[tilespmem:s15], [sflag:$0x1] =	stream.indirect.gather [hbm4b:s3+s11], $0x10, s14, s11, $0xb8;
	[tilespmem:$0x1D110] =	vst v63  }
0x7d: {  	_ = 	snop  }
0x7e: {  	[tilespmem:s17], [sflag:$0x1] =	stream.indirect.gather [hbm4b:s3+s11], $0x10, s16, s11, $0xb8;
	[tilespmem:$0x1D110] =	vst v63  }
0x7f: {  	_ =	swait.ge [sflag:s18], $0x800  }
0x80: {  	[sflag:s18] =	ssyncset.done $0x0  }
0x81: {  	[sflag:s18] =	ssyncadd.s32 $0xFFFFF800  }
0x82: {  	_ =	swait.ge [sflag:s18], $0x800  }
0x83: {  	[sflag:s18] =	ssyncset.done $0x0  }
0x84: {  	[sflag:s18] =	ssyncadd.s32 $0xFFFFF800  }
0x85: {  	_ =	swait.ge [sflag:s18], $0x800  }
0x86: {  	[sflag:s18] =	ssyncset.done $0x0  }
0x87: {  	[sflag:s18] =	ssyncadd.s32 $0xFFFFF800  }
0x88: {  	_ =	swait.ge [sflag:s18], $0x800  }
0x89: {  	[sflag:s18] =	ssyncset.done $0x0  }
0x8a: {  	[sflag:s18] =	ssyncadd.s32 $0xFFFFF800  }
0x8b: {  	_ =	swait.ge [sflag:s18], $0x800  }
0x8c: {  	[sflag:s18] =	ssyncset.done $0x0  }
0x8d: {  	[sflag:s18] =	ssyncadd.s32 $0xFFFFF800  }
0x8e: {  	_ =	swait.ge [sflag:s18], $0x800  }
0x8f: {  	[sflag:s18] =	ssyncset.done $0x0  }
0x90: {  	[sflag:s18] =	ssyncadd.s32 $0xFFFFF800  }
0x91: {  	_ =	swait.ge [sflag:s18], $0x800  }
0x92: {  	[sflag:s18] =	ssyncset.done $0x0  }
0x93: {  	[sflag:s18] =	ssyncadd.s32 $0xFFFFF800  }
0x94: {  	_ =	swait.ge [sflag:s18], $0x800  }
0x95: {  	[sflag:s18] =	ssyncset.done $0x0  }
0x96: {  	[sflag:s18] =	ssyncadd.s32 $0xFFFFF800  }
0x97: {  	_ =	swait.ge [sflag:s18], $0x800  }
0x98: {  	[sflag:s18] =	ssyncset.done $0x0  }
0x99: {  	[sflag:s18] =	ssyncadd.s32 $0xFFFFF800  }
0x9a: {  	_ =	swait.ge [sflag:s18], $0x800  }
0x9b: {  	[sflag:s18] =	ssyncset.done $0x0  }
0x9c: {  	[sflag:s18] =	ssyncadd.s32 $0xFFFFF800  }
0x9d: {  	_ =	swait.ge [sflag:s18], $0x800  }
0x9e: {  	[sflag:s18] =	ssyncset.done $0x0  }
0x9f: {  	[sflag:s18] =	ssyncadd.s32 $0xFFFFF800  }
0xa0: {  	_ =	swait.ge [sflag:s18], $0x800  }
0xa1: {  	[sflag:s18] =	ssyncset.done $0x0  }
0xa2: {  	[sflag:s18] =	ssyncadd.s32 $0xFFFFF800  }
0xa3: {  	_ =	swait.ge [sflag:s18], $0x800  }
0xa4: {  	[sflag:s18] =	ssyncset.done $0x0  }
0xa5: {  	[sflag:s18] =	ssyncadd.s32 $0xFFFFF800  }
0xa6: {  	_ =	swait.ge [sflag:s18], $0x800  }
0xa7: {  	[sflag:s18] =	ssyncset.done $0x0  }
0xa8: {  	[sflag:s18] =	ssyncadd.s32 $0xFFFFF800  }
0xa9: {  	_ =	swait.ge [sflag:s18], $0x800  }
0xaa: {  	[sflag:s18] =	ssyncset.done $0x0  }
0xab: {  	[sflag:s18] =	ssyncadd.s32 $0xFFFFF800  }
0xac: {  	_ =	swait.ge [sflag:s18], $0x800  }
0xad: {  	[sflag:s18] =	ssyncset.done $0x0  }
0xae: {  	[sflag:s18] =	ssyncadd.s32 $0xFFFFF800  }
0xaf: {  	_ =	swait.ge [sflag:s18], $0x800  }
0xb0: {  	[sflag:s18] =	ssyncset.done $0x0  }
0xb1: {  	[sflag:s18] =	ssyncadd.s32 $0xFFFFF800  }
0xb2: {  	_ =	swait.ge [sflag:s18], $0x800  }
0xb3: {  	[sflag:s18] =	ssyncset.done $0x0  }
0xb4: {  	[sflag:s18] =	ssyncadd.s32 $0xFFFFF800  }
0xb5: {  	_ =	swait.ge [sflag:s18], $0x800  }
0xb6: {  	[sflag:s18] =	ssyncset.done $0x0  }
0xb7: {  	[sflag:s18] =	ssyncadd.s32 $0xFFFFF800  }
0xb8: {  	_ =	swait.ge [sflag:s18], $0x800  }
0xb9: {  	[sflag:s18] =	ssyncset.done $0x0  }
0xba: {  	[sflag:s18] =	ssyncadd.s32 $0xFFFFF800  }
0xbb: {  	_ =	swait.ge [sflag:s18], $0x800  }
0xbc: {  	[sflag:s18] =	ssyncset.done $0x0  }
0xbd: {  	[sflag:s18] =	ssyncadd.s32 $0xFFFFF800  }
0xbe: {  	_ =	swait.ge [sflag:s18], $0x800  }
0xbf: {  	[sflag:s18] =	ssyncset.done $0x0  }
0xc0: {  	[sflag:s18] =	ssyncadd.s32 $0xFFFFF800  }
0xc1: {  	_ =	swait.ge [sflag:s18], $0x800  }
0xc2: {  	[sflag:s18] =	ssyncset.done $0x0  }
0xc3: {  	[sflag:s18] =	ssyncadd.s32 $0xFFFFF800  }
0xc4: {  	_ =	swait.ge [sflag:s18], $0x800  }
0xc5: {  	[sflag:s18] =	ssyncset.done $0x0  }
0xc6: {  	[sflag:s18] =	ssyncadd.s32 $0xFFFFF800  }
0xc7: {  	_ =	swait.ge [sflag:s18], $0x800  }
0xc8: {  	[sflag:s18] =	ssyncset.done $0x0  }
0xc9: {  	[sflag:s18] =	ssyncadd.s32 $0xFFFFF800  }
0xca: {  	_ =	swait.ge [sflag:s18], $0x800  }
0xcb: {  	[sflag:s18] =	ssyncset.done $0x0  }
0xcc: {  	[sflag:s18] =	ssyncadd.s32 $0xFFFFF800  }
0xcd: {  	_ =	swait.ge [sflag:s18], $0x800  }
0xce: {  	[sflag:s18] =	ssyncset.done $0x0  }
0xcf: {  	[sflag:s18] =	ssyncadd.s32 $0xFFFFF800  }
0xd0: {  	_ =	swait.ge [sflag:s18], $0x800  }
0xd1: {  	[sflag:s18] =	ssyncset.done $0x0  }
0xd2: {  	[sflag:s18] =	ssyncadd.s32 $0xFFFFF800  }
0xd3: {  	_ =	swait.ge [sflag:s18], $0x800  }
0xd4: {  	[sflag:s18] =	ssyncset.done $0x0  }
0xd5: {  	[sflag:s18] =	ssyncadd.s32 $0xFFFFF800  }
0xd6: {  	_ =	swait.ge [sflag:s18], $0x800  }
0xd7: {  	[sflag:s18] =	ssyncset.done $0x0  }
0xd8: {  	[sflag:s18] =	ssyncadd.s32 $0xFFFFF800  }
0xd9: {  	_ =	swait.ge [sflag:s18], $0x800  }
0xda: {  	[sflag:s18] =	ssyncset.done $0x0  }
0xdb: {  	[sflag:s18] =	ssyncadd.s32 $0xFFFFF800  }
0xdc: {  	_ =	swait.ge [sflag:s18], $0x800  }
0xdd: {  	[sflag:s18] =	ssyncset.done $0x0  }
0xde: {  	[sflag:s18] =	ssyncadd.s32 $0xFFFFF800  }
0xdf: {  	_ =	swait.ge [sflag:s18], $0x800  }
0xe0: {  	[sflag:s18] =	ssyncset.done $0x0  }
0xe1: {  	[sflag:s18] =	ssyncadd.s32 $0xFFFFF800  }
0xe2: {  	_ =	swait.ge [sflag:s18], $0x800  }
0xe3: {  	[sflag:s18] =	ssyncset.done $0x0  }
0xe4: {  	[sflag:s18] =	ssyncadd.s32 $0xFFFFF800  }
0xe5: {  	_ =	swait.ge [sflag:s18], $0x800  }
0xe6: {  	[sflag:s18] =	ssyncset.done $0x0  }
0xe7: {  	[sflag:s18] =	ssyncadd.s32 $0xFFFFF800  }
0xe8: {  	_ =	swait.ge [sflag:s18], $0x800  }
0xe9: {  	[sflag:s18] =	ssyncset.done $0x0  }
0xea: {  	[sflag:s18] =	ssyncadd.s32 $0xFFFFF800  }
0xeb: {  	_ =	swait.ge [sflag:s18], $0x800  }
0xec: {  	[sflag:s18] =	ssyncset.done $0x0  }
0xed: {  	[sflag:s18] =	ssyncadd.s32 $0xFFFFF800  }
0xee: {  	_ =	swait.ge [sflag:s18], $0x800  }
0xef: {  	[sflag:s18] =	ssyncset.done $0x0  }
0xf0: {  	[sflag:s18] =	ssyncadd.s32 $0xFFFFF800  }
0xf1: {  	_ =	swait.ge [sflag:s18], $0x800  }
0xf2: {  	[sflag:s18] =	ssyncset.done $0x0  }
0xf3: {  	[sflag:s18] =	ssyncadd.s32 $0xFFFFF800  }
0xf4: {  	_ =	swait.ge [sflag:s18], $0x800  }
0xf5: {  	[sflag:s18] =	ssyncset.done $0x0  }
0xf6: {  	[sflag:s18] =	ssyncadd.s32 $0xFFFFF800  }
0xf7: {  	_ =	swait.ge [sflag:s18], $0x800  }
0xf8: {  	[sflag:s18] =	ssyncset.done $0x0  }
0xf9: {  	[sflag:s18] =	ssyncadd.s32 $0xFFFFF800  }
0xfa: {  	_ =	swait.ge [sflag:s18], $0x800  }
0xfb: {  	[sflag:s18] =	ssyncset.done $0x0  }
0xfc: {  	[sflag:s18] =	ssyncadd.s32 $0xFFFFF800  }
0xfd: {  	_ =	swait.ge [sflag:s18], $0x800  }
0xfe: {  	[sflag:s18] =	ssyncset.done $0x0  }
0xff: {  	[sflag:s18] =	ssyncadd.s32 $0xFFFFF800  }
0x100: {  	_ =	swait.ge [sflag:s18], $0x800  }
0x101: {  	[sflag:s18] =	ssyncset.done $0x0  }
0x102: {  	[sflag:s18] =	ssyncadd.s32 $0xFFFFF800  }
0x103: {  	_ =	swait.ge [sflag:s18], $0x800  }
0x104: {  	[sflag:s18] =	ssyncset.done $0x0  }
0x105: {  	[sflag:s18] =	ssyncadd.s32 $0xFFFFF800  }
0x106: {  	_ =	swait.ge [sflag:s18], $0x800  }
0x107: {  	[sflag:s18] =	ssyncset.done $0x0  }
0x108: {  	[sflag:s18] =	ssyncadd.s32 $0xFFFFF800  }
0x109: {  	_ =	swait.ge [sflag:s18], $0x800  }
0x10a: {  	[sflag:s18] =	ssyncset.done $0x0  }
0x10b: {  	[sflag:s18] =	ssyncadd.s32 $0xFFFFF800  }
0x10c: {  	_ =	swait.ge [sflag:s18], $0x800  }
0x10d: {  	[sflag:s18] =	ssyncset.done $0x0  }
0x10e: {  	[sflag:s18] =	ssyncadd.s32 $0xFFFFF800  }
0x10f: {  	_ =	swait.ge [sflag:s18], $0x800  }
0x110: {  	[sflag:s18] =	ssyncset.done $0x0  }
0x111: {  	[sflag:s18] =	ssyncadd.s32 $0xFFFFF800  }
0x112: {  	_ =	swait.ge [sflag:s18], $0x800  }
0x113: {  	[sflag:s18] =	ssyncset.done $0x0  }
0x114: {  	s21 =	simm.s32 $0x3A90;
	[sflag:s18] =	ssyncadd.s32 $0xFFFFF800  }
0x115: {  	v2 =	vld [tilespmem:s21+$0xFFFFFE80]  }
0x116: {  	v3 =	vld [tilespmem:s21+$0xFFFFFE70];
	_ =	sdelay $0x1  }
0x117: {  	v4 =	vld [tilespmem:s21+$0xFFFFFE90];
	_ =	sdelay $0x1  }
0x118: {  	v5 =	vld [tilespmem:s21+$0xFFFFFEA0]  }
0x119: {  	v2 =	vadd.f32 v2, v3  }
0x11a: {  	v3 =	vld [tilespmem:s21+$0xFFFFFEB0]  }
0x11b: {  	v2 =	vadd.f32 v4, v2  }
0x11c: {  	v4 =	vld [tilespmem:s21+$0xFFFFFEC0]  }
0x11d: {  	v2 =	vadd.f32 v5, v2  }
0x11e: {  	v5 =	vld [tilespmem:s21+$0xFFFFFED0]  }
0x11f: {  	v2 =	vadd.f32 v3, v2  }
0x120: {  	v3 =	vld [tilespmem:s21+$0xFFFFFEE0]  }
0x121: {  	v2 =	vadd.f32 v4, v2  }
0x122: {  	v4 =	vld [tilespmem:s21+$0xFFFFFEF0]  }
0x123: {  	v2 =	vadd.f32 v5, v2  }
0x124: {  	v5 =	vld [tilespmem:s21+$0xFFFFFF00]  }
0x125: {  	v2 =	vadd.f32 v3, v2  }
0x126: {  	v3 =	vld [tilespmem:s21+$0xFFFFFF10]  }
0x127: {  	v2 =	vadd.f32 v4, v2  }
0x128: {  	v4 =	vld [tilespmem:s21+$0xFFFFFF20]  }
0x129: {  	v2 =	vadd.f32 v5, v2  }
0x12a: {  	v5 =	vld [tilespmem:s21+$0xFFFFFF30]  }
0x12b: {  	v2 =	vadd.f32 v3, v2  }
0x12c: {  	v3 =	vld [tilespmem:s21+$0xFFFFFF40]  }
0x12d: {  	v2 =	vadd.f32 v4, v2  }
0x12e: {  	v4 =	vld [tilespmem:s21+$0xFFFFFF50]  }
0x12f: {  	v2 =	vadd.f32 v5, v2  }
0x130: {  	v5 =	vld [tilespmem:s21+$0xFFFFFF60]  }
0x131: {  	v2 =	vadd.f32 v3, v2  }
0x132: {  	v3 =	vld [tilespmem:s21+$0xFFFFFF70]  }
0x133: {  	v2 =	vadd.f32 v4, v2  }
0x134: {  	v4 =	vld [tilespmem:s21+$0xFFFFFF80]  }
0x135: {  	v2 =	vadd.f32 v5, v2  }
0x136: {  	v5 =	vld [tilespmem:s21+$0xFFFFFF90]  }
0x137: {  	v2 =	vadd.f32 v3, v2  }
0x138: {  	v3 =	vld [tilespmem:s21+$0xFFFFFFA0]  }
0x139: {  	v2 =	vadd.f32 v4, v2  }
0x13a: {  	v4 =	vld [tilespmem:s21+$0xFFFFFFB0]  }
0x13b: {  	v2 =	vadd.f32 v5, v2  }
0x13c: {  	v5 =	vld [tilespmem:s21+$0xFFFFFFC0]  }
0x13d: {  	v2 =	vadd.f32 v3, v2  }
0x13e: {  	v3 =	vld [tilespmem:s21+$0xFFFFFFD0]  }
0x13f: {  	v2 =	vadd.f32 v4, v2  }
0x140: {  	v4 =	vld [tilespmem:s21+$0xFFFFFFE0]  }
0x141: {  	s25 =	sand.u32 $0x1FC0, s2;
	v6 =	vld [tilespmem:s21+$0xFFFFFFF0];
	v2 =	vadd.f32 v5, v2  }
0x142: {  	v7 =	vld [tilespmem:s25+$0x1910]  }
0x143: {  	v5 =	vld [tilespmem:s21+$0x0];
	v2 =	vadd.f32 v3, v2  }
0x144: {  	v3 =	vld [tilespmem:s25+$0x1920]  }
0x145: {  	v2 =	vadd.f32 v4, v2;
	v4 =	vld [tilespmem:s25+$0x1900]  }
0x146: {  	v8 =	vld [tilespmem:s21+$0x10]  }
0x147: {  	v57 =	vld [tilespmem:s25+$0x1930];
	v2 =	vadd.f32 v6, v2  }
0x148: {  	v9 =	vld [tilespmem:s21+$0x20]  }
0x149: {  	v2 =	vadd.f32 v5, v2  }
0x14a: {  	vm1 =	vgt.s32 v7, $0x0;
	vm2 =	vgt.s32 v3, $0x0;
	v5 =	vld [tilespmem:s21+$0x30];
	vm0 =	vgt.s32 v4, $0x0  }
0x14b: {  	v4 =	vsel vm1, $0x1, v0;
	v2 =	vadd.f32 v8, v2;
	v3 =	vsel vm0, $0x1, v0  }
0x14c: {  	v58 =	vld [tilespmem:s21+$0x40];
	vm15 =	vgt.s32 v57, $0x0;
	v3 =	vadd.s32 v3, v4;
	v4 =	vsel vm2, $0x1, v0  }
0x14d: {  	v2 =	vadd.f32 v9, v2;
	v3 =	vadd.s32 v4, v3;
	v4 =	vsel vm15, $0x1, v0  }
0x14e: {  	v59 =	vld [tilespmem:s21+$0x50];
	v3 =	vadd.s32 v4, v3  }
0x14f: {  	v2 =	vadd.f32 v5, v2;
	(v2sf) =	vpush v3, $0x0  }
0x150: {  	v4 =	vld [tilespmem:s21+$0x60];
	(v2sf) =	vpush v3, $0x1  }
0x151: {  	v2 =	vadd.f32 v58, v2;
	(v2sf) =	vpush v3, $0x2  }
0x152: {  	v5 =	vld [tilespmem:s21+$0x70];
	(v2sf) =	vpush v3, $0x3  }
0x153: {  	v2 =	vadd.f32 v59, v2;
	(v2sf) =	vpush v3, $0x4  }
0x154: {  	v60 =	vld [tilespmem:s21+$0x80];
	(v2sf) =	vpush v3, $0x5  }
0x155: {  	v2 =	vadd.f32 v4, v2;
	(v2sf) =	vpush v3, $0x6  }
0x156: {  	v4 =	vld [tilespmem:s21+$0x90];
	(v2sf) =	vpush v3, $0x7  }
0x157: {  	v2 =	vadd.f32 v5, v2;
	(v2sf) =	vpush v3, $0x8  }
0x158: {  	v5 =	vld [tilespmem:s21+$0xA0];
	(v2sf) =	vpush v3, $0x9  }
0x159: {  	v2 =	vadd.f32 v60, v2;
	(v2sf) =	vpush v3, $0xA  }
0x15a: {  	v61 =	vld [tilespmem:s21+$0xB0];
	(v2sf) =	vpush v3, $0xB  }
0x15b: {  	v2 =	vadd.f32 v4, v2;
	(v2sf) =	vpush v3, $0xC  }
0x15c: {  	v4 =	vld [tilespmem:s21+$0xC0];
	(v2sf) =	vpush v3, $0xD  }
0x15d: {  	v2 =	vadd.f32 v5, v2;
	(v2sf) =	vpush v3, $0xE  }
0x15e: {  	v5 =	vld [tilespmem:s21+$0xD0];
	s26 =	spop (v2sf);
	(v2sf) =	vpush v3, $0xF  }
0x15f: {  	v2 =	vadd.f32 v61, v2;
	s23 =	spop (v2sf)  }
0x160: {  	v3 =	vld [tilespmem:s21+$0xE0];
	s22 =	sadd.s32 s23, s26;
	s24 =	spop (v2sf)  }
0x161: {  	v2 =	vadd.f32 v4, v2;
	s22 =	sadd.s32 s24, s22;
	s25 =	spop (v2sf)  }
0x162: {  	v4 =	vld [tilespmem:s21+$0xF0];
	s22 =	sadd.s32 s25, s22;
	s26 =	spop (v2sf)  }
0x163: {  	v2 =	vadd.f32 v5, v2;
	s22 =	sadd.s32 s26, s22;
	s24 =	spop (v2sf)  }
0x164: {  	v5 =	vld [tilespmem:s21+$0x100];
	s22 =	sadd.s32 s24, s22;
	s25 =	spop (v2sf)  }
0x165: {  	v2 =	vadd.f32 v3, v2;
	s22 =	sadd.s32 s25, s22;
	s26 =	spop (v2sf)  }
0x166: {  	v3 =	vld [tilespmem:s21+$0x110];
	s22 =	sadd.s32 s26, s22;
	s24 =	spop (v2sf)  }
0x167: {  	v2 =	vadd.f32 v4, v2;
	s22 =	sadd.s32 s24, s22;
	s25 =	spop (v2sf)  }
0x168: {  	v4 =	vld [tilespmem:s21+$0x120];
	s22 =	sadd.s32 s25, s22;
	s26 =	spop (v2sf)  }
0x169: {  	v2 =	vadd.f32 v5, v2;
	s22 =	sadd.s32 s26, s22;
	s24 =	spop (v2sf)  }
0x16a: {  	v5 =	vld [tilespmem:s21+$0x130];
	s22 =	sadd.s32 s24, s22;
	s25 =	spop (v2sf)  }
0x16b: {  	v2 =	vadd.f32 v3, v2;
	s22 =	sadd.s32 s25, s22;
	s26 =	spop (v2sf)  }
0x16c: {  	v3 =	vld [tilespmem:s21+$0x140];
	s22 =	sadd.s32 s26, s22;
	s24 =	spop (v2sf)  }
0x16d: {  	v2 =	vadd.f32 v4, v2;
	s22 =	sadd.s32 s24, s22;
	s25 =	spop (v2sf)  }
0x16e: {  	v4 =	vld [tilespmem:s21+$0x150];
	s22 =	sadd.s32 s25, s22  }
0x16f: {  	v2 =	vadd.f32 v5, v2;
	s22 =	scvt.s32.f32 s22  }
0x170: {  	v5 =	vld [tilespmem:s21+$0x160]  }
0x171: {  	v2 =	vadd.f32 v3, v2;
	v3 =	vmov s22  }
0x172: {  	v62 =	vld [tilespmem:s21+$0x170];
	v63 =	vmax.f32 v3, $1.000000000e+00  }
0x173: {  	v2 =	vadd.f32 v4, v2;
	(erf) = vrcp.f32 v63  }
0x174: {  	v4 =	vld [tilespmem:s21+$0x180]  }
0x175: {  	v2 =	vadd.f32 v5, v2  }
0x176: {  	v3 =	vsub.f32 $5.000000000e+01, v3  }
0x177: {  	v2 =	vadd.f32 v62, v2  }
0x178: {  	v3 =	vmul.f32 v3, v1  }
0x179: {  	v2 =	vadd.f32 v4, v2;
	_ =	sdelay $0x1  }
0x17a: {  	v2 =	vsub.f32 v2, v3  }
0x17b: {  	v3 =	vpop (erf)  }
0x17c: {  	v2 =	vmul.f32 v2, v3  }
0x17d: {  	s26 =	sand.u32 $0x7F0, s2  }
0x17e: {  	s22 =	simm.s32 $0x3DB0;
	[tilespmem:s26+$0x1C900] =	vst v2  }
0x17f: {  	v2 =	vld [tilespmem:s22+$0xFFFFFE80]  }
0x180: {  	s23 =	simm.s32 $0x40;
	s24 =	simm.s32 $0x80;
	s21 =	simm.s32 $0x0;
	v3 =	vld [tilespmem:s22+$0xFFFFFE70]  }
.LBB2_2:
0x181: {  	p0 =	sne.s32 s24, $0x1FC0  }
0x182: {  	v4 =	vld [tilespmem:s22+$0xFFFFFE90];
	_ =	sdelay $0x1  }
0x183: {  	v5 =	vld [tilespmem:s22+$0xFFFFFEA0]  }
0x184: {  	v2 =	vadd.f32 v2, v3  }
0x185: {  	v3 =	vld [tilespmem:s22+$0xFFFFFEB0]  }
0x186: {  	v2 =	vadd.f32 v4, v2  }
0x187: {  	v4 =	vld [tilespmem:s22+$0xFFFFFEC0]  }
0x188: {  	v2 =	vadd.f32 v5, v2  }
0x189: {  	v5 =	vld [tilespmem:s22+$0xFFFFFED0]  }
0x18a: {  	v2 =	vadd.f32 v3, v2  }
0x18b: {  	v3 =	vld [tilespmem:s22+$0xFFFFFEE0]  }
0x18c: {  	v2 =	vadd.f32 v4, v2  }
0x18d: {  	v4 =	vld [tilespmem:s22+$0xFFFFFEF0]  }
0x18e: {  	v2 =	vadd.f32 v5, v2  }
0x18f: {  	v5 =	vld [tilespmem:s22+$0xFFFFFF00]  }
0x190: {  	v2 =	vadd.f32 v3, v2  }
0x191: {  	v3 =	vld [tilespmem:s22+$0xFFFFFF10]  }
0x192: {  	v2 =	vadd.f32 v4, v2  }
0x193: {  	v4 =	vld [tilespmem:s22+$0xFFFFFF20]  }
0x194: {  	v2 =	vadd.f32 v5, v2  }
0x195: {  	v5 =	vld [tilespmem:s22+$0xFFFFFF30]  }
0x196: {  	v2 =	vadd.f32 v3, v2  }
0x197: {  	v3 =	vld [tilespmem:s22+$0xFFFFFF40]  }
0x198: {  	v2 =	vadd.f32 v4, v2  }
0x199: {  	v4 =	vld [tilespmem:s22+$0xFFFFFF50]  }
0x19a: {  	v2 =	vadd.f32 v5, v2  }
0x19b: {  	v5 =	vld [tilespmem:s22+$0xFFFFFF60]  }
0x19c: {  	v2 =	vadd.f32 v3, v2  }
0x19d: {  	v3 =	vld [tilespmem:s22+$0xFFFFFF70]  }
0x19e: {  	v2 =	vadd.f32 v4, v2  }
0x19f: {  	v4 =	vld [tilespmem:s22+$0xFFFFFF80]  }
0x1a0: {  	v2 =	vadd.f32 v5, v2  }
0x1a1: {  	v5 =	vld [tilespmem:s22+$0xFFFFFF90]  }
0x1a2: {  	v2 =	vadd.f32 v3, v2  }
0x1a3: {  	v3 =	vld [tilespmem:s22+$0xFFFFFFA0]  }
0x1a4: {  	v2 =	vadd.f32 v4, v2  }
0x1a5: {  	v4 =	vld [tilespmem:s22+$0xFFFFFFB0]  }
0x1a6: {  	v2 =	vadd.f32 v5, v2  }
0x1a7: {  	v5 =	vld [tilespmem:s22+$0xFFFFFFC0]  }
0x1a8: {  	v2 =	vadd.f32 v3, v2  }
0x1a9: {  	v3 =	vld [tilespmem:s22+$0xFFFFFFD0]  }
0x1aa: {  	v2 =	vadd.f32 v4, v2  }
0x1ab: {  	v4 =	vld [tilespmem:s22+$0xFFFFFFE0]  }
0x1ac: {  	v2 =	vadd.f32 v5, v2;
	v5 =	vld [tilespmem:s22+$0x0]  }
0x1ad: {  	s25 =	sand.u32 $0x1FC0, s23;
	s23 =	smov.u32 s24;
	v6 =	vld [tilespmem:s22+$0xFFFFFFF0]  }
0x1ae: {  	v2 =	vadd.f32 v3, v2;
	v3 =	vld [tilespmem:s25+$0x1920]  }
0x1af: {  	v7 =	vld [tilespmem:s25+$0x1910]  }
0x1b0: {  	v2 =	vadd.f32 v4, v2;
	v4 =	vld [tilespmem:s25+$0x1900]  }
0x1b1: {  	v8 =	vld [tilespmem:s22+$0x10]  }
0x1b2: {  	v2 =	vadd.f32 v6, v2;
	v6 =	vld [tilespmem:s25+$0x1930]  }
0x1b3: {  	v9 =	vld [tilespmem:s22+$0x20]  }
0x1b4: {  	v2 =	vadd.f32 v5, v2  }
0x1b5: {  	vm2 =	vgt.s32 v3, $0x0;
	vm1 =	vgt.s32 v7, $0x0;
	v5 =	vld [tilespmem:s22+$0x30];
	vm0 =	vgt.s32 v4, $0x0  }
0x1b6: {  	v4 =	vsel vm1, $0x1, v0;
	v2 =	vadd.f32 v8, v2;
	v3 =	vsel vm0, $0x1, v0  }
0x1b7: {  	v7 =	vld [tilespmem:s22+$0x40];
	v3 =	vadd.s32 v3, v4;
	v4 =	vsel vm2, $0x1, v0;
	vm0 =	vgt.s32 v6, $0x0  }
0x1b8: {  	v2 =	vadd.f32 v9, v2;
	v3 =	vadd.s32 v4, v3;
	v4 =	vsel vm0, $0x1, v0  }
0x1b9: {  	v6 =	vld [tilespmem:s22+$0x50];
	v3 =	vadd.s32 v4, v3  }
0x1ba: {  	v2 =	vadd.f32 v5, v2;
	(v2sf) =	vpush v3, $0x0  }
0x1bb: {  	v4 =	vld [tilespmem:s22+$0x60];
	(v2sf) =	vpush v3, $0x1  }
0x1bc: {  	v2 =	vadd.f32 v7, v2;
	(v2sf) =	vpush v3, $0x2  }
0x1bd: {  	v5 =	vld [tilespmem:s22+$0x70];
	(v2sf) =	vpush v3, $0x3  }
0x1be: {  	v2 =	vadd.f32 v6, v2;
	(v2sf) =	vpush v3, $0x4  }
0x1bf: {  	v6 =	vld [tilespmem:s22+$0x80];
	(v2sf) =	vpush v3, $0x5  }
0x1c0: {  	v2 =	vadd.f32 v4, v2;
	(v2sf) =	vpush v3, $0x6  }
0x1c1: {  	v4 =	vld [tilespmem:s22+$0x90];
	(v2sf) =	vpush v3, $0x7  }
0x1c2: {  	v2 =	vadd.f32 v5, v2;
	(v2sf) =	vpush v3, $0x8  }
0x1c3: {  	v5 =	vld [tilespmem:s22+$0xA0];
	(v2sf) =	vpush v3, $0x9  }
0x1c4: {  	v2 =	vadd.f32 v6, v2;
	(v2sf) =	vpush v3, $0xA  }
0x1c5: {  	v6 =	vld [tilespmem:s22+$0xB0];
	(v2sf) =	vpush v3, $0xB  }
0x1c6: {  	v2 =	vadd.f32 v4, v2;
	(v2sf) =	vpush v3, $0xC  }
0x1c7: {  	v4 =	vld [tilespmem:s22+$0xC0];
	(v2sf) =	vpush v3, $0xD  }
0x1c8: {  	v2 =	vadd.f32 v5, v2;
	(v2sf) =	vpush v3, $0xE  }
0x1c9: {  	v5 =	vld [tilespmem:s22+$0xD0];
	s25 =	spop (v2sf);
	(v2sf) =	vpush v3, $0xF  }
0x1ca: {  	v2 =	vadd.f32 v6, v2;
	s26 =	spop (v2sf)  }
0x1cb: {  	v3 =	vld [tilespmem:s22+$0xE0];
	s25 =	sadd.s32 s26, s25;
	s26 =	spop (v2sf)  }
0x1cc: {  	v2 =	vadd.f32 v4, v2;
	s25 =	sadd.s32 s26, s25;
	s26 =	spop (v2sf)  }
0x1cd: {  	v4 =	vld [tilespmem:s22+$0xF0];
	s25 =	sadd.s32 s26, s25;
	s26 =	spop (v2sf)  }
0x1ce: {  	v2 =	vadd.f32 v5, v2;
	s25 =	sadd.s32 s26, s25;
	s26 =	spop (v2sf)  }
0x1cf: {  	v5 =	vld [tilespmem:s22+$0x100];
	s25 =	sadd.s32 s26, s25;
	s26 =	spop (v2sf)  }
0x1d0: {  	v2 =	vadd.f32 v3, v2;
	s25 =	sadd.s32 s26, s25;
	s26 =	spop (v2sf)  }
0x1d1: {  	v3 =	vld [tilespmem:s22+$0x110];
	s25 =	sadd.s32 s26, s25;
	s26 =	spop (v2sf)  }
0x1d2: {  	v2 =	vadd.f32 v4, v2;
	s25 =	sadd.s32 s26, s25;
	s26 =	spop (v2sf)  }
0x1d3: {  	v4 =	vld [tilespmem:s22+$0x120];
	s25 =	sadd.s32 s26, s25;
	s26 =	spop (v2sf)  }
0x1d4: {  	v2 =	vadd.f32 v5, v2;
	s25 =	sadd.s32 s26, s25;
	s26 =	spop (v2sf)  }
0x1d5: {  	v5 =	vld [tilespmem:s22+$0x130];
	s25 =	sadd.s32 s26, s25;
	s26 =	spop (v2sf)  }
0x1d6: {  	v2 =	vadd.f32 v3, v2;
	s25 =	sadd.s32 s26, s25;
	s26 =	spop (v2sf)  }
0x1d7: {  	v3 =	vld [tilespmem:s22+$0x140];
	s25 =	sadd.s32 s26, s25;
	s26 =	spop (v2sf)  }
0x1d8: {  	v2 =	vadd.f32 v4, v2;
	s25 =	sadd.s32 s26, s25;
	s26 =	spop (v2sf)  }
0x1d9: {  	v4 =	vld [tilespmem:s22+$0x150];
	s25 =	sadd.s32 s26, s25  }
0x1da: {  	v2 =	vadd.f32 v5, v2;
	s25 =	scvt.s32.f32 s25  }
0x1db: {  	v5 =	vld [tilespmem:s22+$0x160]  }
0x1dc: {  	v2 =	vadd.f32 v3, v2;
	v3 =	vmov s25  }
0x1dd: {  	v6 =	vld [tilespmem:s22+$0x170];
	v7 =	vmax.f32 v3, $1.000000000e+00  }
0x1de: {  	v2 =	vadd.f32 v4, v2;
	(erf) = vrcp.f32 v7  }
0x1df: {  	v4 =	vld [tilespmem:s22+$0x180]  }
0x1e0: {  	v2 =	vadd.f32 v5, v2;
	_ =	sdelay $0x1  }
0x1e1: {  	v3 =	vsub.f32 $5.000000000e+01, v3;
	v2 =	vadd.f32 v6, v2;
	_ =	sdelay $0x1  }
0x1e2: {  	v2 =	vadd.f32 v4, v2;
	v4 =	vmul.f32 v3, v1;
	_ =	sdelay $0x1  }
0x1e3: {  	v2 =	vsub.f32 v2, v4  }
0x1e4: {  	v3 =	vpop (erf)  }
.Ltmp0:
0x1e5: {  	s21 =	sadd.s32 $0x10, s21;
	v2 =	vmul.f32 v2, v3;
	(pc) =	sbr.rel @p0 .LBB2_2-.Ltmp0, $4  }
0x1e6: {  	s25 =	sand.u32 $0x7F0, s21  }
0x1e7: {  	s22 =	sadd.s32 $0x320, s22;
	[tilespmem:s25+$0x1C900] =	vst v2  }
0x1e8: {  	v2 =	vld [tilespmem:s22+$0xFFFFFE80]  }
0x1e9: {  	s24 =	sadd.s32 $0x40, s24;
	v3 =	vld [tilespmem:s22+$0xFFFFFE70]  }
0x1ea: {  	_ = 	snop  }
0x1eb: {  	v4 =	vld [tilespmem:s22+$0xFFFFFE90];
	_ =	sdelay $0x1  }
0x1ec: {  	v5 =	vld [tilespmem:s22+$0xFFFFFEA0]  }
0x1ed: {  	v2 =	vadd.f32 v2, v3  }
0x1ee: {  	v3 =	vld [tilespmem:s22+$0xFFFFFEB0]  }
0x1ef: {  	v2 =	vadd.f32 v4, v2  }
0x1f0: {  	v25 =	vld [tilespmem:s22+$0xFFFFFEC0]  }
0x1f1: {  	v2 =	vadd.f32 v5, v2  }
0x1f2: {  	v26 =	vld [tilespmem:s22+$0xFFFFFED0]  }
0x1f3: {  	v2 =	vadd.f32 v3, v2  }
0x1f4: {  	v3 =	vld [tilespmem:s22+$0xFFFFFEE0]  }
0x1f5: {  	v2 =	vadd.f32 v25, v2  }
0x1f6: {  	v27 =	vld [tilespmem:s22+$0xFFFFFEF0]  }
0x1f7: {  	v2 =	vadd.f32 v26, v2  }
0x1f8: {  	v28 =	vld [tilespmem:s22+$0xFFFFFF00]  }
0x1f9: {  	v2 =	vadd.f32 v3, v2  }
0x1fa: {  	v3 =	vld [tilespmem:s22+$0xFFFFFF10]  }
0x1fb: {  	v2 =	vadd.f32 v27, v2  }
0x1fc: {  	v29 =	vld [tilespmem:s22+$0xFFFFFF20]  }
0x1fd: {  	v2 =	vadd.f32 v28, v2  }
0x1fe: {  	v30 =	vld [tilespmem:s22+$0xFFFFFF30]  }
0x1ff: {  	v2 =	vadd.f32 v3, v2  }
0x200: {  	v3 =	vld [tilespmem:s22+$0xFFFFFF40]  }
0x201: {  	v2 =	vadd.f32 v29, v2  }
0x202: {  	v31 =	vld [tilespmem:s22+$0xFFFFFF50]  }
0x203: {  	v2 =	vadd.f32 v30, v2  }
0x204: {  	v32 =	vld [tilespmem:s22+$0xFFFFFF60]  }
0x205: {  	v2 =	vadd.f32 v3, v2  }
0x206: {  	v3 =	vld [tilespmem:s22+$0xFFFFFF70]  }
0x207: {  	v2 =	vadd.f32 v31, v2  }
0x208: {  	v33 =	vld [tilespmem:s22+$0xFFFFFF80]  }
0x209: {  	v2 =	vadd.f32 v32, v2  }
0x20a: {  	v34 =	vld [tilespmem:s22+$0xFFFFFF90]  }
0x20b: {  	v2 =	vadd.f32 v3, v2  }
0x20c: {  	v3 =	vld [tilespmem:s22+$0xFFFFFFA0]  }
0x20d: {  	v2 =	vadd.f32 v33, v2  }
0x20e: {  	v35 =	vld [tilespmem:s22+$0xFFFFFFB0]  }
0x20f: {  	v2 =	vadd.f32 v34, v2  }
0x210: {  	v36 =	vld [tilespmem:s22+$0xFFFFFFC0]  }
0x211: {  	v2 =	vadd.f32 v3, v2  }
0x212: {  	v3 =	vld [tilespmem:s22+$0xFFFFFFD0]  }
0x213: {  	v2 =	vadd.f32 v35, v2  }
0x214: {  	v37 =	vld [tilespmem:s22+$0xFFFFFFE0]  }
0x215: {  	v38 =	vld [tilespmem:s22+$0x0];
	v2 =	vadd.f32 v36, v2  }
0x216: {  	v6 =	vld [tilespmem:s22+$0xFFFFFFF0]  }
0x217: {  	s23 =	sand.u32 $0x1FC0, s23;
	v8 =	vld [tilespmem:s22+$0x10];
	v2 =	vadd.f32 v3, v2  }
0x218: {  	v7 =	vld [tilespmem:s23+$0x1910]  }
0x219: {  	v39 =	vld [tilespmem:s23+$0x1900];
	v2 =	vadd.f32 v37, v2  }
0x21a: {  	v40 =	vld [tilespmem:s23+$0x1930]  }
0x21b: {  	v3 =	vld [tilespmem:s23+$0x1920];
	v2 =	vadd.f32 v6, v2  }
0x21c: {  	v9 =	vld [tilespmem:s22+$0x20]  }
0x21d: {  	v2 =	vadd.f32 v38, v2  }
0x21e: {  	v41 =	vld [tilespmem:s22+$0x30];
	vm0 =	vgt.s32 v39, $0x0  }
0x21f: {  	vm1 =	vgt.s32 v7, $0x0;
	vm15 =	vgt.s32 v40, $0x0;
	v2 =	vadd.f32 v8, v2  }
0x220: {  	v43 =	vld [tilespmem:s22+$0x40];
	v42 =	vsel vm1, $0x1, v0;
	vm2 =	vgt.s32 v3, $0x0;
	v3 =	vsel vm0, $0x1, v0  }
0x221: {  	v3 =	vadd.s32 v3, v42;
	v44 =	vsel vm2, $0x1, v0;
	v2 =	vadd.f32 v9, v2  }
0x222: {  	v46 =	vld [tilespmem:s22+$0x50];
	v45 =	vsel vm15, $0x1, v0;
	v3 =	vadd.s32 v44, v3  }
0x223: {  	v3 =	vadd.s32 v45, v3;
	v2 =	vadd.f32 v41, v2  }
0x224: {  	v47 =	vld [tilespmem:s22+$0x60];
	(v2sf) =	vpush v3, $0x0  }
0x225: {  	(v2sf) =	vpush v3, $0x1;
	v2 =	vadd.f32 v43, v2  }
0x226: {  	v48 =	vld [tilespmem:s22+$0x70];
	(v2sf) =	vpush v3, $0x2  }
0x227: {  	(v2sf) =	vpush v3, $0x3;
	v2 =	vadd.f32 v46, v2  }
0x228: {  	v49 =	vld [tilespmem:s22+$0x80];
	(v2sf) =	vpush v3, $0x4  }
0x229: {  	(v2sf) =	vpush v3, $0x5;
	v2 =	vadd.f32 v47, v2  }
0x22a: {  	v50 =	vld [tilespmem:s22+$0x90];
	(v2sf) =	vpush v3, $0x6  }
0x22b: {  	(v2sf) =	vpush v3, $0x7;
	v2 =	vadd.f32 v48, v2  }
0x22c: {  	v51 =	vld [tilespmem:s22+$0xA0];
	(v2sf) =	vpush v3, $0x8  }
0x22d: {  	(v2sf) =	vpush v3, $0x9;
	v2 =	vadd.f32 v49, v2  }
0x22e: {  	v52 =	vld [tilespmem:s22+$0xB0];
	(v2sf) =	vpush v3, $0xA  }
0x22f: {  	(v2sf) =	vpush v3, $0xB;
	v2 =	vadd.f32 v50, v2  }
0x230: {  	v53 =	vld [tilespmem:s22+$0xC0];
	(v2sf) =	vpush v3, $0xC  }
0x231: {  	(v2sf) =	vpush v3, $0xD;
	v2 =	vadd.f32 v51, v2  }
0x232: {  	v54 =	vld [tilespmem:s22+$0xD0];
	(v2sf) =	vpush v3, $0xE  }
0x233: {  	s26 =	spop (v2sf);
	(v2sf) =	vpush v3, $0xF;
	v2 =	vadd.f32 v52, v2  }
0x234: {  	v3 =	vld [tilespmem:s22+$0xE0];
	s24 =	spop (v2sf)  }
0x235: {  	s23 =	sadd.s32 s24, s26;
	s25 =	spop (v2sf);
	v2 =	vadd.f32 v53, v2  }
0x236: {  	v55 =	vld [tilespmem:s22+$0xF0];
	s23 =	sadd.s32 s25, s23;
	s26 =	spop (v2sf)  }
0x237: {  	s23 =	sadd.s32 s26, s23;
	s25 =	spop (v2sf);
	v2 =	vadd.f32 v54, v2  }
0x238: {  	v56 =	vld [tilespmem:s22+$0x100];
	s23 =	sadd.s32 s25, s23;
	s26 =	spop (v2sf)  }
0x239: {  	s23 =	sadd.s32 s26, s23;
	s25 =	spop (v2sf);
	v2 =	vadd.f32 v3, v2  }
0x23a: {  	s23 =	sadd.s32 s25, s23;
	s26 =	spop (v2sf);
	v3 =	vld [tilespmem:s22+$0x110]  }
0x23b: {  	s23 =	sadd.s32 s26, s23;
	s25 =	spop (v2sf);
	v2 =	vadd.f32 v55, v2  }
0x23c: {  	v57 =	vld [tilespmem:s22+$0x120];
	s23 =	sadd.s32 s25, s23;
	s26 =	spop (v2sf)  }
0x23d: {  	s23 =	sadd.s32 s26, s23;
	s25 =	spop (v2sf);
	v2 =	vadd.f32 v56, v2  }
0x23e: {  	v58 =	vld [tilespmem:s22+$0x130];
	s23 =	sadd.s32 s25, s23;
	s26 =	spop (v2sf)  }
0x23f: {  	s23 =	sadd.s32 s26, s23;
	s25 =	spop (v2sf);
	v2 =	vadd.f32 v3, v2  }
0x240: {  	s23 =	sadd.s32 s25, s23;
	s26 =	spop (v2sf);
	v3 =	vld [tilespmem:s22+$0x140]  }
0x241: {  	s23 =	sadd.s32 s26, s23;
	s25 =	spop (v2sf);
	v2 =	vadd.f32 v57, v2  }
0x242: {  	v59 =	vld [tilespmem:s22+$0x150];
	s23 =	sadd.s32 s25, s23;
	s26 =	spop (v2sf)  }
0x243: {  	s23 =	sadd.s32 s26, s23;
	v2 =	vadd.f32 v58, v2  }
0x244: {  	v60 =	vld [tilespmem:s22+$0x160];
	s23 =	scvt.s32.f32 s23  }
0x245: {  	v2 =	vadd.f32 v3, v2  }
0x246: {  	v61 =	vld [tilespmem:s22+$0x170];
	v3 =	vmov s23  }
0x247: {  	v62 =	vmax.f32 v3, $1.000000000e+00;
	v2 =	vadd.f32 v59, v2  }
0x248: {  	v63 =	vld [tilespmem:s22+$0x180];
	(erf) = vrcp.f32 v62  }
0x249: {  	v2 =	vadd.f32 v60, v2;
	_ =	sdelay $0x1  }
0x24a: {  	v2 =	vadd.f32 v61, v2  }
0x24b: {  	v3 =	vsub.f32 $5.000000000e+01, v3  }
0x24c: {  	v2 =	vadd.f32 v63, v2  }
0x24d: {  	v1 =	vmul.f32 v3, v1;
	_ =	sdelay $0x1  }
0x24e: {  	v1 =	vsub.f32 v2, v1  }
0x24f: {  	v2 =	vpop (erf)  }
0x250: {  	s21 =	sadd.s32 $0x10, s21;
	s20 =	sadd.s32 $0x1, s20;
	v1 =	vmul.f32 v1, v2  }
0x251: {  	s21 =	sand.u32 $0x7F0, s21;
	p0 =	sne.s32 s20, s7  }
.Ltmp1:
0x252: {  	[tilespmem:s21+$0x1C900] =	vst v1;
	(pc) =	sbr.rel @p0 .LBB2_1-.Ltmp1, $4  }
0x253: {  	[hbm4b:s6+s2] =	stream.linear.scatter [tilespmem:s19], [sflag:$0x2], $0x800, $0x38;
	[tilespmem:$0x1D110] =	vst v63  }
0x254: {  	_ =	swait.ge [sflag:s8], $0x800  }
0x255: {  	[sflag:s8] =	ssyncset.done $0x0  }
0x256: {  	[sflag:s8] =	ssyncadd.s32 $0xFFFFF800  }
0x257: {  	_ =	sfence.sel $0x180000  }
0x258: {  	[bflag:$0x0] =	sbarrier.arrive $0xFFFF  }
0x259: {  	_ =	strace $0x9000004A  }
0x25a: {  	s0 =	stileid.u32;
	[bflag:$0x2] =	sbarrier.arrive $0xFFFF  }
0x25b: {  	p0 =	sne.s32 s0, $0x0;
	s0 =	rddreg [dreg:$0x1]  }
0x25c: {  	s0 =	sadd.s32 @!p0 $0x100000, s0  }
0x25d: {  	[sflag:s0] =	ssyncadd.tile.s32 @!p0 $0x1;
	_ =	shalt  }
.Lfunc_end2:
_tile_overlayer_lowered:
.L_overlay_start_2:
0x25e: {  	(tag) =	ssettag $0x2  }
0x25f: {  	s0 =	rddreg [dreg:$0x0];
	s2 =	stileid.u32  }
0x260: {  	s1 =	rddreg [dreg:$0x1];
	p0 =	sne.s32 s2, $0x0  }
0x261: {  	s3 =	rddreg [dreg:$0x2];
	[bflag:$0x3] =	sbarrier.arrive $0xFFFF;
	s2 =	simm.s32 @!p0 $0x1C02  }
0x262: {  	[timem:s3], [sflag:s2] =	dma.local @!p0 [hbm:s0], s1  }
0x263: {  	s0 =	simm.s32 @!p0 $0x2  }
0x264: {  	_ =	swait.ge @!p0 [sflag:s0], s1  }
0x265: {  	s1 =	ssub.s32 @!p0 $0x0, s1;
	[sflag:s0] =	ssyncset.done @!p0 $0x0  }
0x266: {  	[sflag:s0] =	ssyncadd.s32 @!p0 s1  }
0x267: {  	[bflag:$0x3] =	sbarrier.arrive $0xFFFF  }
0x268: {  	_ =	shalt  }

// kernel: kernel.7.cloned.1.call-start
scs
__scs_entry_jumppad:
0x0: {  	(pc) =	sbr.rel $0x88, $3  }
0x1: {  	(tag) =	ssettag $0x0;
	lr =	simm.s32 $0x1  }
0x2: {  	[smem:$0x3F9C] =	sst lr;
	_ =	strace $0xD0000000  }
0x3: {  	_ = 	snop  }
0x4: {  	_ = 	snop  }
0x5: {  	_ = 	snop  }
0x6: {  	_ = 	snop  }
0x7: {  	_ = 	snop  }
__scs_overlays_trampoline_lowered:
0x8: {  	[smem:$0x3FAB] =	sst s0  }
0x9: {  	[smem:$0x3FAC] =	sst s1  }
0xa: {  	[smem:$0x3FAD] =	sst s2  }
0xb: {  	[smem:$0x3FAE] =	sst s3  }
0xc: {  	[smem:$0x3FAF] =	sst s4  }
0xd: {  	[smem:$0x3FB0] =	sst s5  }
0xe: {  	[smem:$0x3FB1] =	sst s6  }
0xf: {  	[smem:$0x3FB2] =	sst s7  }
0x10: {  	[smem:$0x3FB3] =	sst s8  }
0x11: {  	[smem:$0x3FB4] =	sst s9;
	s0 =	simm.s32 @!p0 $0x0  }
0x12: {  	s1 =	sld [smem:$0x3F9A];
	s0 =	simm.s32 @p0 $0x1  }
0x13: {  	[smem:$0x3FB5] =	sst s0;
	s0 =	simm.s32 @!p1 $0x0  }
0x14: {  	s2 =	sld [smem:$0x3F99];
	s0 =	simm.s32 @p1 $0x1  }
0x15: {  	[smem:$0x3FB6] =	sst s0;
	s0 =	simm.s32 @!p2 $0x0  }
0x16: {  	s3 =	sld [smem:$0x3FDB];
	s0 =	simm.s32 @p2 $0x1  }
0x17: {  	s4 =	simm.s32 $0x1BF5;
	[smem:$0x3FB8] =	sst s0  }
0x18: {  	s0 =	sld [smem:$0x3F9B];
	_ =	swait.ge [sflag:s4], $0x0  }
0x19: {  	s7 =	sld [smem:$0x3F9C]  }
0x1a: {  	s8 =	sadd.s32 $0xFFFFE003, lr  }
0x1b: {  	s9 =	sadd.s32 $0xFFFFFEF7, lr;
	s5 =	simm.s32 $0xFFFFFFFF;
	p2 =	slt.u32 s8, $0xFFFFF086  }
0x1c: {  	p1 =	slt.u32 s9, $0xF7A;
	s5 =	simm.s32 @!p2 $0x0  }
0x1d: {  	s5 =	simm.s32 @p1 $0x1;
	p0 =	seq.s32 s7, s2  }
0x1e: {  	s7 =	smul.u32 @!p0 $0xF7A, s2;
	p2 =	seq.s32 @!p0 s5, $0x0  }
0x1f: {  	s9 =	smul.u32 $0xF7A, s1;
	s8 =	simm.s32 @!p0 $0x1BF5;
	p2 =	por !p2, p0  }
0x20: {  	[sflag:s8] =	ssyncset.s32 @!p0 $0xFFFFF086;
	s6 =	sadd.s32 @!p0 s3, s7;
	s7 =	simm.s32 @!p0 $0x108  }
0x21: {  	s3 =	sadd.s32 s3, s9;
	s6 =	sadd.s32 @!p0 $0x88, s6;
	s7 =	simm.s32 @p2 $0x1082  }
0x22: {  	[simem:s7], [sflag:s8] =	dma.local @!p0 [hbm:s6], $0xF7A  }
0x23: {  	s9 =	sor.u32 $0xD0000000, s2;
	s6 =	simm.s32 $0x108;
	_ =	swait.ge @!p0 [sflag:s8], $0x0  }
0x24: {  	s3 =	sadd.s32 $0x88, s3;
	s6 =	simm.s32 @!p1 $0x1082;
	[sflag:s4] =	ssyncset.s32 $0xFFFFF086  }
0x25: {  	[simem:s6], [sflag:s4] =	dma.local [hbm:s3], $0xF7A  }
0x26: {  	[smem:$0x3F9C] =	sst s1;
	(tag) =	ssettag s2;
	_ =	strace s9  }
0x27: {  	s1 =	sld [smem:$0x3FAC]  }
0x28: {  	s2 =	sld [smem:$0x3FAD]  }
0x29: {  	s4 =	sld [smem:$0x3FAF]  }
0x2a: {  	p0 =	seq.s32 s5, $0x0;
	s5 =	sld [smem:$0x3FB0]  }
0x2b: {  	s6 =	sld [smem:$0x3FB1]  }
0x2c: {  	s7 =	sld [smem:$0x3FB2]  }
0x2d: {  	s3 =	simm.s32 $0x108;
	s8 =	sld [smem:$0x3FB3]  }
0x2e: {  	s3 =	simm.s32 @!p0 $0x1082;
	s9 =	sld [smem:$0x3FB4]  }
0x2f: {  	lr =	sadd.s32 s0, s3;
	s0 =	sld [smem:$0x3FAB]  }
0x30: {  	s3 =	sld [smem:$0x3FAE]  }
0x31: {  	[smem:$0x3FB7] =	sst s10  }
0x32: {  	s10 =	sld [smem:$0x3FB5];
	_ =	sdelay $0x3  }
0x33: {  	p0 =	seq.s32 s10, $0x1;
	s10 =	sld [smem:$0x3FB7];
	_ =	sdelay $0x3  }
0x34: {  	[smem:$0x3FB7] =	sst s10  }
0x35: {  	s10 =	sld [smem:$0x3FB6];
	_ =	sdelay $0x3  }
0x36: {  	p1 =	seq.s32 s10, $0x1;
	s10 =	sld [smem:$0x3FB7];
	_ =	sdelay $0x3  }
0x37: {  	[smem:$0x3FB7] =	sst s10  }
0x38: {  	s10 =	sld [smem:$0x3FB8]  }
0x39: {  	_ = 	snop;
	(pc) =	sbr.ind lr, $3  }
0x3a: {  	_ = 	snop  }
0x3b: {  	_ = 	snop  }
0x3c: {  	p2 =	seq.s32 s10, $0x1;
	s10 =	sld [smem:$0x3FB7]  }
0x3d: {  	_ =	shalt  }
0x3e: {  	_ =	shalt  }
0x3f: {  	_ =	shalt  }
0x40: {  	_ =	shalt  }
0x41: {  	_ =	shalt  }
0x42: {  	_ =	shalt  }
0x43: {  	_ =	shalt  }
0x44: {  	_ =	shalt  }
0x45: {  	_ =	shalt  }
0x46: {  	_ =	shalt  }
0x47: {  	_ =	shalt  }
0x48: {  	_ =	shalt  }
0x49: {  	_ =	shalt  }
0x4a: {  	_ =	shalt  }
0x4b: {  	_ =	shalt  }
0x4c: {  	_ =	shalt  }
0x4d: {  	_ =	shalt  }
0x4e: {  	_ =	shalt  }
0x4f: {  	_ =	shalt  }
0x50: {  	_ =	shalt  }
0x51: {  	_ =	shalt  }
0x52: {  	_ =	shalt  }
0x53: {  	_ =	shalt  }
0x54: {  	_ =	shalt  }
0x55: {  	_ =	shalt  }
0x56: {  	_ =	shalt  }
0x57: {  	_ =	shalt  }
0x58: {  	_ =	shalt  }
0x59: {  	_ =	shalt  }
0x5a: {  	_ =	shalt  }
0x5b: {  	_ =	shalt  }
0x5c: {  	_ =	shalt  }
0x5d: {  	_ =	shalt  }
0x5e: {  	_ =	shalt  }
0x5f: {  	_ =	shalt  }
0x60: {  	_ =	shalt  }
0x61: {  	_ =	shalt  }
0x62: {  	_ =	shalt  }
0x63: {  	_ =	shalt  }
0x64: {  	_ =	shalt  }
0x65: {  	_ =	shalt  }
0x66: {  	_ =	shalt  }
0x67: {  	_ =	shalt  }
0x68: {  	_ =	shalt  }
0x69: {  	_ =	shalt  }
0x6a: {  	_ =	shalt  }
0x6b: {  	_ =	shalt  }
0x6c: {  	_ =	shalt  }
0x6d: {  	_ =	shalt  }
0x6e: {  	_ =	shalt  }
0x6f: {  	_ =	shalt  }
0x70: {  	_ =	shalt  }
0x71: {  	_ =	shalt  }
0x72: {  	_ =	shalt  }
0x73: {  	_ =	shalt  }
0x74: {  	_ =	shalt  }
0x75: {  	_ =	shalt  }
0x76: {  	_ =	shalt  }
0x77: {  	_ =	shalt  }
0x78: {  	_ =	shalt  }
0x79: {  	_ =	shalt  }
0x7a: {  	_ =	shalt  }
0x7b: {  	_ =	shalt  }
0x7c: {  	_ =	shalt  }
0x7d: {  	_ =	shalt  }
0x7e: {  	_ =	shalt  }
0x7f: {  	_ =	shalt  }
0x80: {  	_ =	shalt  }
0x81: {  	_ =	shalt  }
0x82: {  	_ =	shalt  }
0x83: {  	_ =	shalt  }
0x84: {  	_ =	shalt  }
0x85: {  	_ =	shalt  }
0x86: {  	_ =	shalt  }
0x87: {  	_ =	shalt  }
.Lfunc_end0:
.L_simem_size_0:
called_computation.1_lowered:
.L_overlay_start_0:
0x88: {  	s2 =	sld [smem:$0x3FD9]  }
0x89: {  	s3 =	sld [smem:$0x3FFE];
	_ =	sdelay $0x1  }
0x8a: {  	s1 =	srdreg.scid  }
0x8b: {  	s0 =	sand.u32 $0x1, s1  }
0x8c: {  	s17 =	sshll.u32 s0, $0xA;
	s2 =	sadd.s32 s3, s2  }
0x8d: {  	s2 =	sadd.s32 s2, s17  }
0x8e: {  	[smem:$0x3FC3] =	sst s2  }
0x8f: {  	_ = 	snop  }
0x90: {  	s2 =	sld [smem:$0x3FD0];
	(tm) =	ssettm $0x1  }
0x91: {  	s18 =	sld [smem:$0x3FFB];
	_ =	sdelay $0x3  }
0x92: {  	_ =	strace s18  }
0x93: {  	s3 =	sld [smem:$0x3FFC];
	_ =	sdelay $0x3  }
0x94: {  	_ =	strace s3  }
0x95: {  	s3 =	sld [smem:$0x3FFD];
	_ =	sdelay $0x3  }
0x96: {  	_ =	strace s3  }
0x97: {  	_ =	strace $0x8FFFFFFF  }
0x98: {  	s19 =	sld [smem:$0x3FDB];
	_ =	sdelay $0x1  }
0x99: {  	s4 =	simm.s32 $_scs_section_size  }
0x9a: {  	s5 =	simm.s32 $_size__tile_overlayer_lowered;
	s6 =	simm.s32 $_tile_overlayer_lowered  }
0x9b: {  	s22 =	simm.s32 $0x1BFF;
	s21 =	sshll.u32 s6, $0x1;
	s3 =	sadd.s32 s4, s19  }
0x9c: {  	s7 =	simm.s32 $0x0;
	s20 =	sshll.u32 s5, $0x1;
	s5 =	sadd.s32 s21, s3  }
0x9d: {  	[timem:s7], [sflag:s22] =	dma.local [hbm:s5], s20  }
0x9e: {  	_ =	swait.ge [sflag:s22], s20  }
0x9f: {  	s4 =	ssub.s32 $0x0, s20;
	[sflag:s22] =	ssyncset.done $0x0  }
0xa0: {  	[sflag:s22] =	ssyncadd.s32 s4;
	_ =	sdelay $0x1  }
0xa1: {  	s23 =	simm.s32 $0x1B8B  }
0xa2: {  	_ =	swait.ge [sflag:s23], $0x1  }
0xa3: {  	[sflag:s23] =	ssyncset.done $0x0  }
0xa4: {  	s25 =	simm.s32 $0x1B8E;
	s24 =	sld [smem:$0x3FFE];
	[sflag:s23] =	ssyncadd.s32 $0xFFFFFFFF  }
0xa5: {  	s26 =	simm.s32 $execute0_lowered;
	[smem:$0x3FD2] =	sst s25  }
0xa6: {  	s5 =	sshll.u32 s26, $0x1;
	_ =	strace $0x80000046;
	[dreg:$0x1] =	wrdreg $0xFFFFFFFF  }
0xa7: {  	s28 =	simm.s32 $_size_execute0_lowered;
	s3 =	sadd.s32 s3, s5;
	[dreg:$0x0] =	wrdreg $0x0  }
0xa8: {  	s5 =	sshll.u32 s28, $0x1;
	[dreg:$0x2] =	wrdreg s3  }
0xa9: {  	[dreg:$0x3] =	wrdreg s5  }
0xaa: {  	[dreg:$0x4] =	wrdreg $0xC0  }
0xab: {  	_ =	task [dreg:s7], $0x5FFFF  }
0xac: {  	[dreg:$0x1] =	wrdreg $0xFFFFFFFF  }
0xad: {  	[dreg:$0x0] =	wrdreg $0x60  }
0xae: {  	[dreg:$0x2] =	wrdreg s24  }
0xaf: {  	[dreg:$0x3] =	wrdreg s2  }
0xb0: {  	[dreg:$0x4] =	wrdreg $0xA  }
0xb1: {  	_ =	task.clear_ibuf [dreg:s7], $0x5FFFF;
	_ =	strace $0x90000046  }
0xb2: {  	s29 =	simm.s32 $0xA;
	_ =	strace $0x80000048  }
0xb3: {  	_ =	swait.ge [sflag:s29], $0x1  }
0xb4: {  	[sflag:s29] =	ssyncadd.s32 $0xFFFFFFFF  }
0xb5: {  	_ =	strace $0x90000048  }
0xb6: {  	_ =	sfence  }
0xb7: {  	s30 =	sld [smem:$0x0];
	_ =	sdelay $0x2  }
0xb8: {  	s31 =	sshll.u32 s1, $0xD;
	s1 =	sshrl.u32 s1, $0x2  }
0xb9: {  	s3 =	sand.u32 $0x4000, s31;
	s1 =	sadd.s32 s1, s30  }
0xba: {  	s0 =	sor.u32 s3, s0;
	s1 =	sshll.u32 s1, $0x11  }
0xbb: {  	s0 =	sor.u32 s1, s0  }
0xbc: {  	s0 =	sadd.s32 $0x8F2B, s0  }
0xbd: {  	[sflag:s0] =	ssyncadd.remote.s32 $0x1  }
0xbe: {  	_ =	sfence.sel $0xFFFF  }
0xbf: {  	[dreg:$0x0] =	wrdreg $0xFFFFFFFF;
	(pc) =	sbr.abs _section_cstart, $3  }
0xc0: {  	[dreg:$0x1] =	wrdreg $0xFFFFFFFF  }
0xc1: {  	_ =	task.clear_ibuf [dreg:s7], $0x2FFFF;
	_ =	strace $0x9FFFFFFF  }
0xc2: {  	(tm) =	ssettm $0x7FFFFFFF  }
0xc3: {  	_ =	shalt  }
tec
execute0_lowered:
.L_overlay_start_1:
0x0: {  	(tag) =	ssettag $0x1  }
0x1: {  	s1 =	srdreg.scid;
	s0 =	stileid.u32  }
0x2: {  	s31 =	sand.u32 $0x1, s1;
	s2 =	sshll.u32 s0, $0x1  }
0x3: {  	s3 =	sor.u32 s31, s2  }
0x4: {  	s4 =	rddreg [dreg:$0x0];
	s5 =	smul.u32 $0xD000, s3  }
0x5: {  	s29 =	rddreg [dreg:$0x1];
	s2 =	simm.s32 $0x0;
	s3 =	smul.u32 $0x1A00, s3  }
0x6: {  	[smem:$0x7FF] =	sst s2  }
0x7: {  	s0 =	sadd.s32 $0x4F6800, s4;
	_ =	strace $0x80000047;
	s22 =	sadd.s32 s29, s3  }
0x8: {  	s30 =	sshrl.u32 s5, $0x3;
	s3 =	sadd.s32 s0, s3;
	[dreg:$0x3] =	wrdreg s22  }
0x9: {  	s9 =	sadd.s32 $0x200, s30;
	[dreg:$0x5] =	wrdreg s3  }
0xa: {  	s11 =	sadd.s32 $0x400, s30;
	s23 =	sadd.s32 s29, s9;
	s24 =	rddreg [dreg:$0x3]  }
0xb: {  	s25 =	sadd.s32 s29, s11;
	[dreg:$0x4] =	wrdreg s23  }
0xc: {  	s3 =	simm.s32 $0x2;
	[dreg:$0x6] =	wrdreg s25  }
0xd: {  	[tilespmem:s2], [sflag:$0x2] =	stream.linear.gather [hbm4b:s24+s2], $0x1000, $0x38;
	[tilespmem:$0x4000] =	vst v63  }
0xe: {  	_ =	swait.ge [sflag:s3], $0x1000  }
0xf: {  	s6 =	simm.s32 $0x2000;
	[sflag:s3] =	ssyncset.done $0x0  }
0x10: {  	s4 =	sadd.s32 $0xE00, s4;
	s5 =	simm.s32 $0x1000;
	[sflag:s3] =	ssyncadd.s32 $0xFFFFF000  }
0x11: {  	[tilespmem:s6], [sflag:$0x1] =	stream.indirect.gather [hbm4b:s4+s5], $0x1, s2, s5, $0xb8;
	[tilespmem:$0x4000] =	vst v63  }
0x12: {  	s7 =	rddreg [dreg:$0x4]  }
0x13: {  	[tilespmem:s5], [sflag:$0x2] =	stream.linear.gather [hbm4b:s7+s2], $0x1000, $0x38;
	[tilespmem:$0x4000] =	vst v63  }
0x14: {  	_ =	swait.ge [sflag:s3], $0x1000  }
0x15: {  	[sflag:s3] =	ssyncset.done $0x0  }
0x16: {  	s8 =	simm.s32 $0x1;
	s7 =	simm.s32 $0x3000;
	[sflag:s3] =	ssyncadd.s32 $0xFFFFF000  }
0x17: {  	[tilespmem:s7], [sflag:$0x1] =	stream.indirect.gather [hbm4b:s4+s5], $0x1, s5, s5, $0xb8;
	[tilespmem:$0x4000] =	vst v63  }
0x18: {  	_ =	swait.ge [sflag:s8], $0x1000  }
0x19: {  	[sflag:s8] =	ssyncset.done $0x0  }
0x1a: {  	s10 =	rddreg [dreg:$0x5];
	[sflag:s8] =	ssyncadd.s32 $0xFFFFF000  }
0x1b: {  	[hbm4b:s10+s2] =	stream.linear.scatter [tilespmem:s6], [sflag:$0x2], $0x1000, $0x38;
	[tilespmem:$0x4000] =	vst v63  }
0x1c: {  	_ =	swait.ge [sflag:s3], $0x1000  }
0x1d: {  	[sflag:s3] =	ssyncset.done $0x0  }
0x1e: {  	s26 =	rddreg [dreg:$0x6];
	[sflag:s3] =	ssyncadd.s32 $0xFFFFF000  }
0x1f: {  	[tilespmem:s2], [sflag:$0x2] =	stream.linear.gather [hbm4b:s26+s2], $0x1000, $0x38;
	[tilespmem:$0x4000] =	vst v63  }
0x20: {  	_ =	swait.ge [sflag:s3], $0x1000  }
0x21: {  	[sflag:s3] =	ssyncset.done $0x0  }
0x22: {  	[sflag:s3] =	ssyncadd.s32 $0xFFFFF000  }
0x23: {  	[tilespmem:s6], [sflag:$0x1] =	stream.indirect.gather [hbm4b:s4+s5], $0x1, s2, s5, $0xb8;
	[tilespmem:$0x4000] =	vst v63  }
0x24: {  	_ =	swait.ge [sflag:s8], $0x1000  }
0x25: {  	[sflag:s8] =	ssyncset.done $0x0  }
0x26: {  	s9 =	sadd.s32 s0, s9;
	[sflag:s8] =	ssyncadd.s32 $0xFFFFF000  }
0x27: {  	[hbm4b:s9+s2] =	stream.linear.scatter [tilespmem:s7], [sflag:$0x2], $0x1000, $0x38;
	[tilespmem:$0x4000] =	vst v63  }
0x28: {  	_ =	swait.ge [sflag:s3], $0x1000  }
0x29: {  	s13 =	sadd.s32 $0x600, s30;
	[sflag:s3] =	ssyncset.done $0x0  }
0x2a: {  	s10 =	sadd.s32 s29, s13;
	[sflag:s3] =	ssyncadd.s32 $0xFFFFF000  }
0x2b: {  	[tilespmem:s5], [sflag:$0x2] =	stream.linear.gather [hbm4b:s10+s2], $0x1000, $0x38;
	[tilespmem:$0x4000] =	vst v63  }
0x2c: {  	_ =	swait.ge [sflag:s3], $0x1000  }
0x2d: {  	[sflag:s3] =	ssyncset.done $0x0  }
0x2e: {  	[sflag:s3] =	ssyncadd.s32 $0xFFFFF000  }
0x2f: {  	[tilespmem:s7], [sflag:$0x1] =	stream.indirect.gather [hbm4b:s4+s5], $0x1, s5, s5, $0xb8;
	[tilespmem:$0x4000] =	vst v63  }
0x30: {  	_ =	swait.ge [sflag:s8], $0x1000  }
0x31: {  	[sflag:s8] =	ssyncset.done $0x0  }
0x32: {  	s11 =	sadd.s32 s0, s11;
	[sflag:s8] =	ssyncadd.s32 $0xFFFFF000  }
0x33: {  	[hbm4b:s11+s2] =	stream.linear.scatter [tilespmem:s6], [sflag:$0x2], $0x1000, $0x38;
	[tilespmem:$0x4000] =	vst v63  }
0x34: {  	_ =	swait.ge [sflag:s3], $0x1000  }
0x35: {  	s15 =	sadd.s32 $0x800, s30;
	[sflag:s3] =	ssyncset.done $0x0  }
0x36: {  	s12 =	sadd.s32 s29, s15;
	[sflag:s3] =	ssyncadd.s32 $0xFFFFF000  }
0x37: {  	[tilespmem:s2], [sflag:$0x2] =	stream.linear.gather [hbm4b:s12+s2], $0x1000, $0x38;
	[tilespmem:$0x4000] =	vst v63  }
0x38: {  	_ =	swait.ge [sflag:s3], $0x1000  }
0x39: {  	[sflag:s3] =	ssyncset.done $0x0  }
0x3a: {  	[sflag:s3] =	ssyncadd.s32 $0xFFFFF000  }
0x3b: {  	[tilespmem:s6], [sflag:$0x1] =	stream.indirect.gather [hbm4b:s4+s5], $0x1, s2, s5, $0xb8;
	[tilespmem:$0x4000] =	vst v63  }
0x3c: {  	_ =	swait.ge [sflag:s8], $0x1000  }
0x3d: {  	[sflag:s8] =	ssyncset.done $0x0  }
0x3e: {  	s13 =	sadd.s32 s0, s13;
	[sflag:s8] =	ssyncadd.s32 $0xFFFFF000  }
0x3f: {  	[hbm4b:s13+s2] =	stream.linear.scatter [tilespmem:s7], [sflag:$0x2], $0x1000, $0x38;
	[tilespmem:$0x4000] =	vst v63  }
0x40: {  	_ =	swait.ge [sflag:s3], $0x1000  }
0x41: {  	s17 =	sadd.s32 $0xA00, s30;
	[sflag:s3] =	ssyncset.done $0x0  }
0x42: {  	s14 =	sadd.s32 s29, s17;
	[sflag:s3] =	ssyncadd.s32 $0xFFFFF000  }
0x43: {  	[tilespmem:s5], [sflag:$0x2] =	stream.linear.gather [hbm4b:s14+s2], $0x1000, $0x38;
	[tilespmem:$0x4000] =	vst v63  }
0x44: {  	_ =	swait.ge [sflag:s3], $0x1000  }
0x45: {  	[sflag:s3] =	ssyncset.done $0x0  }
0x46: {  	[sflag:s3] =	ssyncadd.s32 $0xFFFFF000  }
0x47: {  	[tilespmem:s7], [sflag:$0x1] =	stream.indirect.gather [hbm4b:s4+s5], $0x1, s5, s5, $0xb8;
	[tilespmem:$0x4000] =	vst v63  }
0x48: {  	_ =	swait.ge [sflag:s8], $0x1000  }
0x49: {  	[sflag:s8] =	ssyncset.done $0x0  }
0x4a: {  	s15 =	sadd.s32 s0, s15;
	[sflag:s8] =	ssyncadd.s32 $0xFFFFF000  }
0x4b: {  	[hbm4b:s15+s2] =	stream.linear.scatter [tilespmem:s6], [sflag:$0x2], $0x1000, $0x38;
	[tilespmem:$0x4000] =	vst v63  }
0x4c: {  	_ =	swait.ge [sflag:s3], $0x1000  }
0x4d: {  	s19 =	sadd.s32 $0xC00, s30;
	[sflag:s3] =	ssyncset.done $0x0  }
0x4e: {  	s16 =	sadd.s32 s29, s19;
	[sflag:s3] =	ssyncadd.s32 $0xFFFFF000  }
0x4f: {  	[tilespmem:s2], [sflag:$0x2] =	stream.linear.gather [hbm4b:s16+s2], $0x1000, $0x38;
	[tilespmem:$0x4000] =	vst v63  }
0x50: {  	_ =	swait.ge [sflag:s3], $0x1000  }
0x51: {  	[sflag:s3] =	ssyncset.done $0x0  }
0x52: {  	[sflag:s3] =	ssyncadd.s32 $0xFFFFF000  }
0x53: {  	[tilespmem:s6], [sflag:$0x1] =	stream.indirect.gather [hbm4b:s4+s5], $0x1, s2, s5, $0xb8;
	[tilespmem:$0x4000] =	vst v63  }
0x54: {  	_ =	swait.ge [sflag:s8], $0x1000  }
0x55: {  	[sflag:s8] =	ssyncset.done $0x0  }
0x56: {  	s17 =	sadd.s32 s0, s17;
	[sflag:s8] =	ssyncadd.s32 $0xFFFFF000  }
0x57: {  	[hbm4b:s17+s2] =	stream.linear.scatter [tilespmem:s7], [sflag:$0x2], $0x1000, $0x38;
	[tilespmem:$0x4000] =	vst v63  }
0x58: {  	_ =	swait.ge [sflag:s3], $0x1000  }
0x59: {  	s21 =	sadd.s32 $0xE00, s30;
	[sflag:s3] =	ssyncset.done $0x0  }
0x5a: {  	s18 =	sadd.s32 s29, s21;
	[sflag:s3] =	ssyncadd.s32 $0xFFFFF000  }
0x5b: {  	[tilespmem:s5], [sflag:$0x2] =	stream.linear.gather [hbm4b:s18+s2], $0x1000, $0x38;
	[tilespmem:$0x4000] =	vst v63  }
0x5c: {  	_ =	swait.ge [sflag:s3], $0x1000  }
0x5d: {  	[sflag:s3] =	ssyncset.done $0x0  }
0x5e: {  	[sflag:s3] =	ssyncadd.s32 $0xFFFFF000  }
0x5f: {  	[tilespmem:s7], [sflag:$0x1] =	stream.indirect.gather [hbm4b:s4+s5], $0x1, s5, s5, $0xb8;
	[tilespmem:$0x4000] =	vst v63  }
0x60: {  	_ =	swait.ge [sflag:s8], $0x1000  }
0x61: {  	[sflag:s8] =	ssyncset.done $0x0  }
0x62: {  	s19 =	sadd.s32 s0, s19;
	[sflag:s8] =	ssyncadd.s32 $0xFFFFF000  }
0x63: {  	[hbm4b:s19+s2] =	stream.linear.scatter [tilespmem:s6], [sflag:$0x2], $0x1000, $0x38;
	[tilespmem:$0x4000] =	vst v63  }
0x64: {  	_ =	swait.ge [sflag:s3], $0x1000  }
0x65: {  	s23 =	sadd.s32 $0x1000, s30;
	[sflag:s3] =	ssyncset.done $0x0  }
0x66: {  	s20 =	sadd.s32 s29, s23;
	[sflag:s3] =	ssyncadd.s32 $0xFFFFF000  }
0x67: {  	[tilespmem:s2], [sflag:$0x2] =	stream.linear.gather [hbm4b:s20+s2], $0x1000, $0x38;
	[tilespmem:$0x4000] =	vst v63  }
0x68: {  	_ =	swait.ge [sflag:s3], $0x1000  }
0x69: {  	[sflag:s3] =	ssyncset.done $0x0  }
0x6a: {  	[sflag:s3] =	ssyncadd.s32 $0xFFFFF000  }
0x6b: {  	[tilespmem:s6], [sflag:$0x1] =	stream.indirect.gather [hbm4b:s4+s5], $0x1, s2, s5, $0xb8;
	[tilespmem:$0x4000] =	vst v63  }
0x6c: {  	_ =	swait.ge [sflag:s8], $0x1000  }
0x6d: {  	[sflag:s8] =	ssyncset.done $0x0  }
0x6e: {  	s21 =	sadd.s32 s0, s21;
	[sflag:s8] =	ssyncadd.s32 $0xFFFFF000  }
0x6f: {  	[hbm4b:s21+s2] =	stream.linear.scatter [tilespmem:s7], [sflag:$0x2], $0x1000, $0x38;
	[tilespmem:$0x4000] =	vst v63  }
0x70: {  	_ =	swait.ge [sflag:s3], $0x1000  }
0x71: {  	s25 =	sadd.s32 $0x1200, s30;
	[sflag:s3] =	ssyncset.done $0x0  }
0x72: {  	s22 =	sadd.s32 s29, s25;
	[sflag:s3] =	ssyncadd.s32 $0xFFFFF000  }
0x73: {  	[tilespmem:s5], [sflag:$0x2] =	stream.linear.gather [hbm4b:s22+s2], $0x1000, $0x38;
	[tilespmem:$0x4000] =	vst v63  }
0x74: {  	_ =	swait.ge [sflag:s3], $0x1000  }
0x75: {  	[sflag:s3] =	ssyncset.done $0x0  }
0x76: {  	[sflag:s3] =	ssyncadd.s32 $0xFFFFF000  }
0x77: {  	[tilespmem:s7], [sflag:$0x1] =	stream.indirect.gather [hbm4b:s4+s5], $0x1, s5, s5, $0xb8;
	[tilespmem:$0x4000] =	vst v63  }
0x78: {  	_ =	swait.ge [sflag:s8], $0x1000  }
0x79: {  	[sflag:s8] =	ssyncset.done $0x0  }
0x7a: {  	s23 =	sadd.s32 s0, s23;
	[sflag:s8] =	ssyncadd.s32 $0xFFFFF000  }
0x7b: {  	[hbm4b:s23+s2] =	stream.linear.scatter [tilespmem:s6], [sflag:$0x2], $0x1000, $0x38;
	[tilespmem:$0x4000] =	vst v63  }
0x7c: {  	_ =	swait.ge [sflag:s3], $0x1000  }
0x7d: {  	s28 =	sadd.s32 $0x1400, s30;
	[sflag:s3] =	ssyncset.done $0x0  }
0x7e: {  	s24 =	sadd.s32 s29, s28;
	[sflag:s3] =	ssyncadd.s32 $0xFFFFF000  }
0x7f: {  	[tilespmem:s2], [sflag:$0x2] =	stream.linear.gather [hbm4b:s24+s2], $0x1000, $0x38;
	[tilespmem:$0x4000] =	vst v63  }
0x80: {  	_ =	swait.ge [sflag:s3], $0x1000  }
0x81: {  	[sflag:s3] =	ssyncset.done $0x0  }
0x82: {  	[sflag:s3] =	ssyncadd.s32 $0xFFFFF000  }
0x83: {  	[tilespmem:s6], [sflag:$0x1] =	stream.indirect.gather [hbm4b:s4+s5], $0x1, s2, s5, $0xb8;
	[tilespmem:$0x4000] =	vst v63  }
0x84: {  	_ =	swait.ge [sflag:s8], $0x1000  }
0x85: {  	[sflag:s8] =	ssyncset.done $0x0  }
0x86: {  	s25 =	sadd.s32 s0, s25;
	[sflag:s8] =	ssyncadd.s32 $0xFFFFF000  }
0x87: {  	[hbm4b:s25+s2] =	stream.linear.scatter [tilespmem:s7], [sflag:$0x2], $0x1000, $0x38;
	[tilespmem:$0x4000] =	vst v63  }
0x88: {  	_ =	swait.ge [sflag:s3], $0x1000  }
0x89: {  	s1 =	sadd.s32 $0x1600, s30;
	[sflag:s3] =	ssyncset.done $0x0  }
0x8a: {  	s26 =	sadd.s32 s29, s1;
	[sflag:s3] =	ssyncadd.s32 $0xFFFFF000  }
0x8b: {  	[tilespmem:s5], [sflag:$0x2] =	stream.linear.gather [hbm4b:s26+s2], $0x1000, $0x38;
	[tilespmem:$0x4000] =	vst v63  }
0x8c: {  	_ =	swait.ge [sflag:s3], $0x1000  }
0x8d: {  	[sflag:s3] =	ssyncset.done $0x0  }
0x8e: {  	[sflag:s3] =	ssyncadd.s32 $0xFFFFF000  }
0x8f: {  	[tilespmem:s7], [sflag:$0x1] =	stream.indirect.gather [hbm4b:s4+s5], $0x1, s5, s5, $0xb8;
	[tilespmem:$0x4000] =	vst v63  }
0x90: {  	_ =	swait.ge [sflag:s8], $0x1000  }
0x91: {  	[sflag:s8] =	ssyncset.done $0x0  }
0x92: {  	s28 =	sadd.s32 s0, s28;
	[sflag:s8] =	ssyncadd.s32 $0xFFFFF000  }
0x93: {  	[hbm4b:s28+s2] =	stream.linear.scatter [tilespmem:s6], [sflag:$0x2], $0x1000, $0x38;
	[tilespmem:$0x4000] =	vst v63  }
0x94: {  	_ =	swait.ge [sflag:s3], $0x1000  }
0x95: {  	s30 =	sadd.s32 $0x1800, s30;
	[sflag:s3] =	ssyncset.done $0x0  }
0x96: {  	s29 =	sadd.s32 s29, s30;
	[dreg:$0x7] =	wrdreg s30;
	[sflag:s3] =	ssyncadd.s32 $0xFFFFF000  }
0x97: {  	[tilespmem:s2], [sflag:$0x2] =	stream.linear.gather [hbm4b:s29+s2], $0x1000, $0x38;
	[tilespmem:$0x4000] =	vst v63  }
0x98: {  	_ =	swait.ge [sflag:s3], $0x1000  }
0x99: {  	[sflag:s3] =	ssyncset.done $0x0  }
0x9a: {  	[sflag:s3] =	ssyncadd.s32 $0xFFFFF000  }
0x9b: {  	[tilespmem:s6], [sflag:$0x1] =	stream.indirect.gather [hbm4b:s4+s5], $0x1, s2, s5, $0xb8;
	[tilespmem:$0x4000] =	vst v63  }
0x9c: {  	_ =	swait.ge [sflag:s8], $0x1000  }
0x9d: {  	s30 =	sadd.s32 s0, s1;
	s1 =	ssub.s32 $0x2, s31;
	[sflag:s8] =	ssyncset.done $0x0  }
0x9e: {  	s31 =	sshrl.u32 s1, $0x1;
	[sflag:s8] =	ssyncadd.s32 $0xFFFFF000  }
0x9f: {  	[hbm4b:s30+s2] =	stream.linear.scatter [tilespmem:s7], [sflag:$0x2], $0x1000, $0x38;
	[tilespmem:$0x4000] =	vst v63  }
0xa0: {  	s1 =	ssub.s32 s1, s31;
	_ =	swait.ge [sflag:s3], $0x1000  }
0xa1: {  	s1 =	smax.u32 s1, $0x1;
	[sflag:s3] =	ssyncset.done $0x0  }
0xa2: {  	p0 =	sne.s32 s1, $0x1;
	[sflag:s3] =	ssyncadd.s32 $0xFFFFF000  }
.Ltmp0:
0xa3: {  	_ =	swait.ge [sflag:s8], $0x1000;
	(pc) =	sbr.rel @!p0 .LBB2_2-.Ltmp0, $4  }
0xa4: {  	[sflag:s8] =	ssyncset.done $0x0;
	s31 =	rddreg [dreg:$0x7]  }
0xa5: {  	s31 =	sadd.s32 s0, s31;
	[sflag:s8] =	ssyncadd.s32 $0xFFFFF000  }
0xa6: {  	[hbm4b:s31+s2] =	stream.linear.scatter [tilespmem:s6], [sflag:$0x2], $0x1000, $0x38;
	[tilespmem:$0x4000] =	vst v63  }
0xa7: {  	s1 =	sadd.s32 $0xFFFFFFFF, s1;
	_ =	swait.ge [sflag:s3], $0x1000  }
.LBB2_1:
0xa8: {  	[sflag:s3] =	ssyncset.done $0x0  }
0xa9: {  	s0 =	rddreg [dreg:$0x3];
	[sflag:s3] =	ssyncadd.s32 $0xFFFFF000  }
0xaa: {  	[tilespmem:s2], [sflag:$0x2] =	stream.linear.gather [hbm4b:s0+s2], $0x1000, $0x38;
	[tilespmem:$0x4000] =	vst v63  }
0xab: {  	_ =	swait.ge [sflag:s3], $0x1000  }
0xac: {  	[sflag:s3] =	ssyncset.done $0x0  }
0xad: {  	[sflag:s3] =	ssyncadd.s32 $0xFFFFF000  }
0xae: {  	[tilespmem:s6], [sflag:$0x1] =	stream.indirect.gather [hbm4b:s4+s5], $0x1, s2, s5, $0xb8;
	[tilespmem:$0x4000] =	vst v63  }
0xaf: {  	s0 =	rddreg [dreg:$0x4]  }
0xb0: {  	[tilespmem:s5], [sflag:$0x2] =	stream.linear.gather [hbm4b:s0+s2], $0x1000, $0x38;
	[tilespmem:$0x4000] =	vst v63  }
0xb1: {  	_ =	swait.ge [sflag:s3], $0x1000  }
0xb2: {  	[sflag:s3] =	ssyncset.done $0x0  }
0xb3: {  	[sflag:s3] =	ssyncadd.s32 $0xFFFFF000  }
0xb4: {  	[tilespmem:s7], [sflag:$0x1] =	stream.indirect.gather [hbm4b:s4+s5], $0x1, s5, s5, $0xb8;
	[tilespmem:$0x4000] =	vst v63  }
0xb5: {  	_ =	swait.ge [sflag:s8], $0x1000  }
0xb6: {  	[sflag:s8] =	ssyncset.done $0x0  }
0xb7: {  	s0 =	rddreg [dreg:$0x5];
	[sflag:s8] =	ssyncadd.s32 $0xFFFFF000  }
0xb8: {  	[hbm4b:s0+s2] =	stream.linear.scatter [tilespmem:s6], [sflag:$0x2], $0x1000, $0x38;
	[tilespmem:$0x4000] =	vst v63  }
0xb9: {  	_ =	swait.ge [sflag:s3], $0x1000  }
0xba: {  	[sflag:s3] =	ssyncset.done $0x0  }
0xbb: {  	s0 =	rddreg [dreg:$0x6];
	[sflag:s3] =	ssyncadd.s32 $0xFFFFF000  }
0xbc: {  	[tilespmem:s2], [sflag:$0x2] =	stream.linear.gather [hbm4b:s0+s2], $0x1000, $0x38;
	[tilespmem:$0x4000] =	vst v63  }
0xbd: {  	_ =	swait.ge [sflag:s3], $0x1000  }
0xbe: {  	[sflag:s3] =	ssyncset.done $0x0  }
0xbf: {  	[sflag:s3] =	ssyncadd.s32 $0xFFFFF000  }
0xc0: {  	[tilespmem:s6], [sflag:$0x1] =	stream.indirect.gather [hbm4b:s4+s5], $0x1, s2, s5, $0xb8;
	[tilespmem:$0x4000] =	vst v63  }
0xc1: {  	_ =	swait.ge [sflag:s8], $0x1000  }
0xc2: {  	[sflag:s8] =	ssyncset.done $0x0  }
0xc3: {  	[sflag:s8] =	ssyncadd.s32 $0xFFFFF000  }
0xc4: {  	[hbm4b:s9+s2] =	stream.linear.scatter [tilespmem:s7], [sflag:$0x2], $0x1000, $0x38;
	[tilespmem:$0x4000] =	vst v63  }
0xc5: {  	_ =	swait.ge [sflag:s3], $0x1000  }
0xc6: {  	[sflag:s3] =	ssyncset.done $0x0  }
0xc7: {  	[sflag:s3] =	ssyncadd.s32 $0xFFFFF000  }
0xc8: {  	[tilespmem:s5], [sflag:$0x2] =	stream.linear.gather [hbm4b:s10+s2], $0x1000, $0x38;
	[tilespmem:$0x4000] =	vst v63  }
0xc9: {  	_ =	swait.ge [sflag:s3], $0x1000  }
0xca: {  	[sflag:s3] =	ssyncset.done $0x0  }
0xcb: {  	[sflag:s3] =	ssyncadd.s32 $0xFFFFF000  }
0xcc: {  	[tilespmem:s7], [sflag:$0x1] =	stream.indirect.gather [hbm4b:s4+s5], $0x1, s5, s5, $0xb8;
	[tilespmem:$0x4000] =	vst v63  }
0xcd: {  	_ =	swait.ge [sflag:s8], $0x1000  }
0xce: {  	[sflag:s8] =	ssyncset.done $0x0  }
0xcf: {  	[sflag:s8] =	ssyncadd.s32 $0xFFFFF000  }
0xd0: {  	[hbm4b:s11+s2] =	stream.linear.scatter [tilespmem:s6], [sflag:$0x2], $0x1000, $0x38;
	[tilespmem:$0x4000] =	vst v63  }
0xd1: {  	_ =	swait.ge [sflag:s3], $0x1000  }
0xd2: {  	[sflag:s3] =	ssyncset.done $0x0  }
0xd3: {  	[sflag:s3] =	ssyncadd.s32 $0xFFFFF000  }
0xd4: {  	[tilespmem:s2], [sflag:$0x2] =	stream.linear.gather [hbm4b:s12+s2], $0x1000, $0x38;
	[tilespmem:$0x4000] =	vst v63  }
0xd5: {  	_ =	swait.ge [sflag:s3], $0x1000  }
0xd6: {  	[sflag:s3] =	ssyncset.done $0x0  }
0xd7: {  	[sflag:s3] =	ssyncadd.s32 $0xFFFFF000  }
0xd8: {  	[tilespmem:s6], [sflag:$0x1] =	stream.indirect.gather [hbm4b:s4+s5], $0x1, s2, s5, $0xb8;
	[tilespmem:$0x4000] =	vst v63  }
0xd9: {  	_ =	swait.ge [sflag:s8], $0x1000  }
0xda: {  	[sflag:s8] =	ssyncset.done $0x0  }
0xdb: {  	[sflag:s8] =	ssyncadd.s32 $0xFFFFF000  }
0xdc: {  	[hbm4b:s13+s2] =	stream.linear.scatter [tilespmem:s7], [sflag:$0x2], $0x1000, $0x38;
	[tilespmem:$0x4000] =	vst v63  }
0xdd: {  	_ =	swait.ge [sflag:s3], $0x1000  }
0xde: {  	[sflag:s3] =	ssyncset.done $0x0  }
0xdf: {  	[sflag:s3] =	ssyncadd.s32 $0xFFFFF000  }
0xe0: {  	[tilespmem:s5], [sflag:$0x2] =	stream.linear.gather [hbm4b:s14+s2], $0x1000, $0x38;
	[tilespmem:$0x4000] =	vst v63  }
0xe1: {  	_ =	swait.ge [sflag:s3], $0x1000  }
0xe2: {  	[sflag:s3] =	ssyncset.done $0x0  }
0xe3: {  	[sflag:s3] =	ssyncadd.s32 $0xFFFFF000  }
0xe4: {  	[tilespmem:s7], [sflag:$0x1] =	stream.indirect.gather [hbm4b:s4+s5], $0x1, s5, s5, $0xb8;
	[tilespmem:$0x4000] =	vst v63  }
0xe5: {  	_ =	swait.ge [sflag:s8], $0x1000  }
0xe6: {  	[sflag:s8] =	ssyncset.done $0x0  }
0xe7: {  	[sflag:s8] =	ssyncadd.s32 $0xFFFFF000  }
0xe8: {  	[hbm4b:s15+s2] =	stream.linear.scatter [tilespmem:s6], [sflag:$0x2], $0x1000, $0x38;
	[tilespmem:$0x4000] =	vst v63  }
0xe9: {  	_ =	swait.ge [sflag:s3], $0x1000  }
0xea: {  	[sflag:s3] =	ssyncset.done $0x0  }
0xeb: {  	[sflag:s3] =	ssyncadd.s32 $0xFFFFF000  }
0xec: {  	[tilespmem:s2], [sflag:$0x2] =	stream.linear.gather [hbm4b:s16+s2], $0x1000, $0x38;
	[tilespmem:$0x4000] =	vst v63  }
0xed: {  	_ =	swait.ge [sflag:s3], $0x1000  }
0xee: {  	[sflag:s3] =	ssyncset.done $0x0  }
0xef: {  	[sflag:s3] =	ssyncadd.s32 $0xFFFFF000  }
0xf0: {  	[tilespmem:s6], [sflag:$0x1] =	stream.indirect.gather [hbm4b:s4+s5], $0x1, s2, s5, $0xb8;
	[tilespmem:$0x4000] =	vst v63  }
0xf1: {  	_ =	swait.ge [sflag:s8], $0x1000  }
0xf2: {  	[sflag:s8] =	ssyncset.done $0x0  }
0xf3: {  	[sflag:s8] =	ssyncadd.s32 $0xFFFFF000  }
0xf4: {  	[hbm4b:s17+s2] =	stream.linear.scatter [tilespmem:s7], [sflag:$0x2], $0x1000, $0x38;
	[tilespmem:$0x4000] =	vst v63  }
0xf5: {  	_ =	swait.ge [sflag:s3], $0x1000  }
0xf6: {  	[sflag:s3] =	ssyncset.done $0x0  }
0xf7: {  	[sflag:s3] =	ssyncadd.s32 $0xFFFFF000  }
0xf8: {  	[tilespmem:s5], [sflag:$0x2] =	stream.linear.gather [hbm4b:s18+s2], $0x1000, $0x38;
	[tilespmem:$0x4000] =	vst v63  }
0xf9: {  	_ =	swait.ge [sflag:s3], $0x1000  }
0xfa: {  	[sflag:s3] =	ssyncset.done $0x0  }
0xfb: {  	[sflag:s3] =	ssyncadd.s32 $0xFFFFF000  }
0xfc: {  	[tilespmem:s7], [sflag:$0x1] =	stream.indirect.gather [hbm4b:s4+s5], $0x1, s5, s5, $0xb8;
	[tilespmem:$0x4000] =	vst v63  }
0xfd: {  	_ =	swait.ge [sflag:s8], $0x1000  }
0xfe: {  	[sflag:s8] =	ssyncset.done $0x0  }
0xff: {  	[sflag:s8] =	ssyncadd.s32 $0xFFFFF000  }
0x100: {  	[hbm4b:s19+s2] =	stream.linear.scatter [tilespmem:s6], [sflag:$0x2], $0x1000, $0x38;
	[tilespmem:$0x4000] =	vst v63  }
0x101: {  	_ =	swait.ge [sflag:s3], $0x1000  }
0x102: {  	[sflag:s3] =	ssyncset.done $0x0  }
0x103: {  	[sflag:s3] =	ssyncadd.s32 $0xFFFFF000  }
0x104: {  	[tilespmem:s2], [sflag:$0x2] =	stream.linear.gather [hbm4b:s20+s2], $0x1000, $0x38;
	[tilespmem:$0x4000] =	vst v63  }
0x105: {  	_ =	swait.ge [sflag:s3], $0x1000  }
0x106: {  	[sflag:s3] =	ssyncset.done $0x0  }
0x107: {  	[sflag:s3] =	ssyncadd.s32 $0xFFFFF000  }
0x108: {  	[tilespmem:s6], [sflag:$0x1] =	stream.indirect.gather [hbm4b:s4+s5], $0x1, s2, s5, $0xb8;
	[tilespmem:$0x4000] =	vst v63  }
0x109: {  	_ =	swait.ge [sflag:s8], $0x1000  }
0x10a: {  	[sflag:s8] =	ssyncset.done $0x0  }
0x10b: {  	[sflag:s8] =	ssyncadd.s32 $0xFFFFF000  }
0x10c: {  	[hbm4b:s21+s2] =	stream.linear.scatter [tilespmem:s7], [sflag:$0x2], $0x1000, $0x38;
	[tilespmem:$0x4000] =	vst v63  }
0x10d: {  	_ =	swait.ge [sflag:s3], $0x1000  }
0x10e: {  	[sflag:s3] =	ssyncset.done $0x0  }
0x10f: {  	[sflag:s3] =	ssyncadd.s32 $0xFFFFF000  }
0x110: {  	[tilespmem:s5], [sflag:$0x2] =	stream.linear.gather [hbm4b:s22+s2], $0x1000, $0x38;
	[tilespmem:$0x4000] =	vst v63  }
0x111: {  	_ =	swait.ge [sflag:s3], $0x1000  }
0x112: {  	[sflag:s3] =	ssyncset.done $0x0  }
0x113: {  	[sflag:s3] =	ssyncadd.s32 $0xFFFFF000  }
0x114: {  	[tilespmem:s7], [sflag:$0x1] =	stream.indirect.gather [hbm4b:s4+s5], $0x1, s5, s5, $0xb8;
	[tilespmem:$0x4000] =	vst v63  }
0x115: {  	_ =	swait.ge [sflag:s8], $0x1000  }
0x116: {  	[sflag:s8] =	ssyncset.done $0x0  }
0x117: {  	[sflag:s8] =	ssyncadd.s32 $0xFFFFF000  }
0x118: {  	[hbm4b:s23+s2] =	stream.linear.scatter [tilespmem:s6], [sflag:$0x2], $0x1000, $0x38;
	[tilespmem:$0x4000] =	vst v63  }
0x119: {  	_ =	swait.ge [sflag:s3], $0x1000  }
0x11a: {  	[sflag:s3] =	ssyncset.done $0x0  }
0x11b: {  	[sflag:s3] =	ssyncadd.s32 $0xFFFFF000  }
0x11c: {  	[tilespmem:s2], [sflag:$0x2] =	stream.linear.gather [hbm4b:s24+s2], $0x1000, $0x38;
	[tilespmem:$0x4000] =	vst v63  }
0x11d: {  	_ =	swait.ge [sflag:s3], $0x1000  }
0x11e: {  	[sflag:s3] =	ssyncset.done $0x0  }
0x11f: {  	[sflag:s3] =	ssyncadd.s32 $0xFFFFF000  }
0x120: {  	[tilespmem:s6], [sflag:$0x1] =	stream.indirect.gather [hbm4b:s4+s5], $0x1, s2, s5, $0xb8;
	[tilespmem:$0x4000] =	vst v63  }
0x121: {  	_ =	swait.ge [sflag:s8], $0x1000  }
0x122: {  	[sflag:s8] =	ssyncset.done $0x0  }
0x123: {  	[sflag:s8] =	ssyncadd.s32 $0xFFFFF000  }
0x124: {  	[hbm4b:s25+s2] =	stream.linear.scatter [tilespmem:s7], [sflag:$0x2], $0x1000, $0x38;
	[tilespmem:$0x4000] =	vst v63  }
0x125: {  	_ =	swait.ge [sflag:s3], $0x1000  }
0x126: {  	[sflag:s3] =	ssyncset.done $0x0  }
0x127: {  	[sflag:s3] =	ssyncadd.s32 $0xFFFFF000  }
0x128: {  	[tilespmem:s5], [sflag:$0x2] =	stream.linear.gather [hbm4b:s26+s2], $0x1000, $0x38;
	[tilespmem:$0x4000] =	vst v63  }
0x129: {  	_ =	swait.ge [sflag:s3], $0x1000  }
0x12a: {  	[sflag:s3] =	ssyncset.done $0x0  }
0x12b: {  	[sflag:s3] =	ssyncadd.s32 $0xFFFFF000  }
0x12c: {  	[tilespmem:s7], [sflag:$0x1] =	stream.indirect.gather [hbm4b:s4+s5], $0x1, s5, s5, $0xb8;
	[tilespmem:$0x4000] =	vst v63  }
0x12d: {  	_ =	swait.ge [sflag:s8], $0x1000  }
0x12e: {  	[sflag:s8] =	ssyncset.done $0x0  }
0x12f: {  	[sflag:s8] =	ssyncadd.s32 $0xFFFFF000  }
0x130: {  	[hbm4b:s28+s2] =	stream.linear.scatter [tilespmem:s6], [sflag:$0x2], $0x1000, $0x38;
	[tilespmem:$0x4000] =	vst v63  }
0x131: {  	_ =	swait.ge [sflag:s3], $0x1000  }
0x132: {  	[sflag:s3] =	ssyncset.done $0x0  }
0x133: {  	[sflag:s3] =	ssyncadd.s32 $0xFFFFF000  }
0x134: {  	[tilespmem:s2], [sflag:$0x2] =	stream.linear.gather [hbm4b:s29+s2], $0x1000, $0x38;
	[tilespmem:$0x4000] =	vst v63  }
0x135: {  	_ =	swait.ge [sflag:s3], $0x1000  }
0x136: {  	[sflag:s3] =	ssyncset.done $0x0  }
0x137: {  	[sflag:s3] =	ssyncadd.s32 $0xFFFFF000  }
0x138: {  	[tilespmem:s6], [sflag:$0x1] =	stream.indirect.gather [hbm4b:s4+s5], $0x1, s2, s5, $0xb8;
	[tilespmem:$0x4000] =	vst v63  }
0x139: {  	_ =	swait.ge [sflag:s8], $0x1000  }
0x13a: {  	[sflag:s8] =	ssyncset.done $0x0  }
0x13b: {  	[sflag:s8] =	ssyncadd.s32 $0xFFFFF000  }
0x13c: {  	[hbm4b:s30+s2] =	stream.linear.scatter [tilespmem:s7], [sflag:$0x2], $0x1000, $0x38;
	[tilespmem:$0x4000] =	vst v63  }
0x13d: {  	_ =	swait.ge [sflag:s3], $0x1000  }
0x13e: {  	[sflag:s3] =	ssyncset.done $0x0  }
0x13f: {  	p0 =	sne.s32 s1, $0x1;
	[sflag:s3] =	ssyncadd.s32 $0xFFFFF000  }
.Ltmp1:
0x140: {  	_ =	swait.ge [sflag:s8], $0x1000;
	(pc) =	sbr.rel @p0 .LBB2_1-.Ltmp1, $4  }
0x141: {  	[sflag:s8] =	ssyncset.done $0x0  }
0x142: {  	[sflag:s8] =	ssyncadd.s32 $0xFFFFF000  }
0x143: {  	[hbm4b:s31+s2] =	stream.linear.scatter [tilespmem:s6], [sflag:$0x2], $0x1000, $0x38;
	[tilespmem:$0x4000] =	vst v63  }
0x144: {  	s1 =	sadd.s32 $0xFFFFFFFF, s1;
	_ =	swait.ge [sflag:s3], $0x1000  }
.LBB2_2:
0x145: {  	[sflag:s3] =	ssyncset.done $0x0  }
0x146: {  	[sflag:s3] =	ssyncadd.s32 $0xFFFFF000  }
0x147: {  	_ =	sfence.sel $0x180000  }
0x148: {  	[bflag:$0x0] =	sbarrier.arrive $0xFFFF  }
0x149: {  	_ =	strace $0x90000047  }
0x14a: {  	s0 =	stileid.u32;
	[bflag:$0x2] =	sbarrier.arrive $0xFFFF  }
0x14b: {  	p0 =	sne.s32 s0, $0x0;
	s0 =	rddreg [dreg:$0x2]  }
0x14c: {  	s0 =	sadd.s32 @!p0 $0x100000, s0  }
0x14d: {  	[sflag:s0] =	ssyncadd.tile.s32 @!p0 $0x1;
	_ =	shalt  }
.Lfunc_end2:
_tile_overlayer_lowered:
.L_overlay_start_2:
0x14e: {  	(tag) =	ssettag $0x2  }
0x14f: {  	s0 =	rddreg [dreg:$0x0];
	s2 =	stileid.u32  }
0x150: {  	s1 =	rddreg [dreg:$0x1];
	p0 =	sne.s32 s2, $0x0  }
0x151: {  	s3 =	rddreg [dreg:$0x2];
	[bflag:$0x3] =	sbarrier.arrive $0xFFFF;
	s2 =	simm.s32 @!p0 $0x1C02  }
0x152: {  	[timem:s3], [sflag:s2] =	dma.local @!p0 [hbm:s0], s1  }
0x153: {  	s0 =	simm.s32 @!p0 $0x2  }
0x154: {  	_ =	swait.ge @!p0 [sflag:s0], s1  }
0x155: {  	s1 =	ssub.s32 @!p0 $0x0, s1;
	[sflag:s0] =	ssyncset.done @!p0 $0x0  }
0x156: {  	[sflag:s0] =	ssyncadd.s32 @!p0 s1  }
0x157: {  	[bflag:$0x3] =	sbarrier.arrive $0xFFFF  }
0x158: {  	_ =	shalt  }

</sc_bundles>
